<compile_context>
chip_gen: v7x
topology: tpu7x:2x2x1
jax: 0.10.2.dev20260603
libtpu: 0.0.44.dev20260713+nightly
codegen_flags: <defaults>
</compile_context>

<pallas_src>
import functools

import jax
import jax.numpy as jnp
from jax import lax
from jax.experimental import pallas as pl
from jax.experimental.pallas import tpu as pltpu
from jax.experimental.pallas import tpu_sc as plsc

N_ENTS = 10000
NREL = 24
H = 128
ZD = 64
EG = 64000
EKG = 320000
NG = 2000
ND = 512
DIS = 512
B = 512
TAU = 0.5

NC = 2
NS = 16
NW = NC * NS
EB = 50
NBK = EKG // (NW * EB)
NBG = EG // (NW * EB)
EBD = 100
NBKD = EKG // (NW * EBD)
NBGD = EG // (NW * EBD)

_SC_MESH = plsc.VectorSubcoreMesh(core_axis_name="c", subcore_axis_name="s")


def _rows_copy(src, dst, s, n):
    per = (n // NS) // 8 * 8
    rem = n - per * NS
    pltpu.sync_copy(src.at[pl.ds(s * per, per)], dst.at[pl.ds(s * per, per)])
    if rem:
        @pl.when(s == NS - 1)
        def _():
            pltpu.sync_copy(src.at[pl.ds(per * NS, rem)], dst.at[pl.ds(per * NS, rem)])


def _rgcn_sc_body(kg_src4, kg_dst4, kg_et4, kg_dstd4, gs_dstd4, ent, rel,
                  zero_agg,
                  agg_out, dkg_out, dgg_out, dgs_out,
                  sidxA, sidxB, didxA, didxB, etvA, etvB, ddxA, ddxB,
                  rows0, rows1, rrows0, rrows1, ones128,
                  acc_sh,
                  is0, is1, gs0, gs1, rs0, rs1, ss0, ss1):
    c = lax.axis_index("c")
    s = lax.axis_index("s")
    w = c * NS + s

    _rows_copy(zero_agg, acc_sh, s, N_ENTS)

    def ones_body(i, _):
        r = i // 8
        q = i % 8
        ones128[r, pl.ds(q * 16, 16)] = jnp.full((16,), 1.0, jnp.float32)
        return 0
    lax.fori_loop(0, EBD * 8, ones_body, 0)

    plsc.subcore_barrier()

    sidxs = (sidxA, sidxB)
    didxs = (didxA, didxB)
    etvs = (etvA, etvB)
    isems = (is0, is1)
    rows = (rows0, rows1)
    rrows = (rrows0, rrows1)
    gs = (gs0, gs1)
    rs = (rs0, rs1)

    def afetch(b, p):
        pltpu.async_copy(kg_src4.at[w, b, 0], sidxs[p], isems[p])
        pltpu.async_copy(kg_dst4.at[w, b, 0], didxs[p], isems[p])
        pltpu.async_copy(kg_et4.at[w, b, 0], etvs[p], isems[p])

    def wait_idx(p):
        pltpu.make_async_copy(kg_src4.at[0, 0, 0], sidxs[p], isems[p]).wait()
        pltpu.make_async_copy(kg_src4.at[0, 0, 0], didxs[p], isems[p]).wait()
        pltpu.make_async_copy(kg_src4.at[0, 0, 0], etvs[p], isems[p]).wait()

    def issue_gather(p):
        pltpu.async_copy(ent.at[sidxs[p]], rows[p], gs[p])
        pltpu.async_copy(rel.at[etvs[p]], rrows[p], rs[p])

    def wait_gather(p):
        pltpu.make_async_copy(ent.at[sidxs[p]], rows[p], gs[p]).wait()
        pltpu.make_async_copy(rel.at[etvs[p]], rrows[p], rs[p]).wait()

    def multiply(p):
        rp, rrp = rows[p], rrows[p]

        def edge_body(i, _):
            e = 2 * i
            for d in range(2):
                for j in range(H // 16):
                    sl = pl.ds(16 * j, 16)
                    rp[e + d, sl] = rp[e + d, sl] * rrp[e + d, sl]
            return 0
        lax.fori_loop(0, EB // 2, edge_body, 0)

    ssems = (ss0, ss1)

    def wait_scat(p):
        pltpu.make_async_copy(rows[p], acc_sh.at[didxs[p]], ssems[p]).wait()

    def step(b, p, q):
        wait_gather(p)

        @pl.when(b + 2 < NBK)
        def _():
            afetch(b + 2, p)

        @pl.when(b + 1 < NBK)
        def _():
            wait_idx(q)

            @pl.when(b >= 1)
            def _():
                wait_scat(q)
            issue_gather(q)
        multiply(p)
        pltpu.async_copy(rows[p], acc_sh.at[didxs[p]], ssems[p], add=True)

    afetch(0, 0)
    afetch(1, 1)
    wait_idx(0)
    issue_gather(0)

    def pair_body(j, _):
        step(2 * j, 0, 1)
        step(2 * j + 1, 1, 0)
        return 0
    lax.fori_loop(0, NBK // 2, pair_body, 0)
    wait_scat(0)
    wait_scat(1)

    plsc.subcore_barrier()

    _rows_copy(acc_sh, agg_out.at[c], s, N_ENTS)
    _rows_copy(zero_agg, acc_sh, s, N_ENTS)
    plsc.subcore_barrier()

    ddxs = (ddxA, ddxB)

    def kfetch(b, p):
        pltpu.async_copy(kg_dstd4.at[w, b, 0], ddxs[p], isems[p])

    def wait_didx(p):
        pltpu.make_async_copy(kg_dstd4.at[0, 0, 0], ddxs[p], isems[p]).wait()

    kfetch(0, 0)
    kfetch(1, 1)

    def kdeg_step(b, p):
        wait_didx(p)
        pltpu.sync_copy(ones128, acc_sh.at[ddxs[p]], add=True)

        @pl.when(b + 2 < NBKD)
        def _():
            kfetch(b + 2, p)

    def kdeg_pair(j, _):
        kdeg_step(2 * j, 0)
        kdeg_step(2 * j + 1, 1)
        return 0
    lax.fori_loop(0, NBKD // 2, kdeg_pair, 0)

    plsc.subcore_barrier()
    _rows_copy(acc_sh, dkg_out.at[c], s, N_ENTS)
    _rows_copy(zero_agg, acc_sh, s, 2 * NG)
    plsc.subcore_barrier()

    NBC = 2 * NBGD

    def cfetch(b, p):
        pltpu.async_copy(gs_dstd4.at[w, b, 0], ddxs[p], isems[p])

    cfetch(0, 0)
    cfetch(1, 1)

    def cdeg_step(b, p):
        wait_didx(p)
        pltpu.sync_copy(ones128, acc_sh.at[ddxs[p]], add=True)

        @pl.when(b + 2 < NBC)
        def _():
            cfetch(b + 2, p)

    def cdeg_pair(j, _):
        cdeg_step(2 * j, 0)
        cdeg_step(2 * j + 1, 1)
        return 0
    lax.fori_loop(0, NBC // 2, cdeg_pair, 0)

    plsc.subcore_barrier()
    _rows_copy(acc_sh, dgg_out.at[c], s, NG)

    per = (NG // NS) // 8 * 8
    rem = NG - per * NS
    pltpu.sync_copy(acc_sh.at[pl.ds(NG + s * per, per)],
                    dgs_out.at[c].at[pl.ds(s * per, per)])

    @pl.when(s == NS - 1)
    def _():
        pltpu.sync_copy(acc_sh.at[pl.ds(NG + per * NS, rem)],
                        dgs_out.at[c].at[pl.ds(per * NS, rem)])


def _rgcn_sc(kg_src, kg_dst, kg_et, g_dst, s_dst, ent, rel):
    zero_agg = jnp.zeros((N_ENTS, H), jnp.float32)
    gs_dst = jnp.concatenate([g_dst, s_dst + NG])
    f = pl.kernel(
        _rgcn_sc_body,
        out_type=(
            jax.ShapeDtypeStruct((NC, N_ENTS, H), jnp.float32),
            jax.ShapeDtypeStruct((NC, N_ENTS, H), jnp.float32),
            jax.ShapeDtypeStruct((NC, NG, H), jnp.float32),
            jax.ShapeDtypeStruct((NC, NG, H), jnp.float32),
        ),
        mesh=_SC_MESH,
        scratch_types=[
            pltpu.VMEM((EB,), jnp.int32),
            pltpu.VMEM((EB,), jnp.int32),
            pltpu.VMEM((EB,), jnp.int32),
            pltpu.VMEM((EB,), jnp.int32),
            pltpu.VMEM((EB,), jnp.int32),
            pltpu.VMEM((EB,), jnp.int32),
            pltpu.VMEM((EBD,), jnp.int32),
            pltpu.VMEM((EBD,), jnp.int32),
            pltpu.VMEM((EB, H), jnp.float32),
            pltpu.VMEM((EB, H), jnp.float32),
            pltpu.VMEM((EB, H), jnp.float32),
            pltpu.VMEM((EB, H), jnp.float32),
            pltpu.VMEM((EBD, H), jnp.float32),
            pltpu.VMEM_SHARED((N_ENTS, H), jnp.float32),
            pltpu.SemaphoreType.DMA,
            pltpu.SemaphoreType.DMA,
            pltpu.SemaphoreType.DMA,
            pltpu.SemaphoreType.DMA,
            pltpu.SemaphoreType.DMA,
            pltpu.SemaphoreType.DMA,
            pltpu.SemaphoreType.DMA,
            pltpu.SemaphoreType.DMA,
        ],
    )
    return f(kg_src.reshape(NW, NBK, 1, EB), kg_dst.reshape(NW, NBK, 1, EB),
             kg_et.reshape(NW, NBK, 1, EB), kg_dst.reshape(NW, NBKD, 1, EBD),
             gs_dst.reshape(NW, 2 * NBGD, 1, EBD), ent, rel, zero_agg)


def _gcn_agg_body(zg, zs, g_src4, g_dst4, s_src4, s_dst4, zero_ng,
                  u_out,
                  sidxA, sidxB, didxA, didxB, rows0, rows1,
                  accg_sh, accs_sh, is0, is1, gs0, gs1, ss0, ss1):
    c = lax.axis_index("c")
    s = lax.axis_index("s")
    w = c * NS + s

    _rows_copy(zero_ng, accg_sh, s, NG)
    _rows_copy(zero_ng, accs_sh, s, NG)
    plsc.subcore_barrier()

    sidxs = (sidxA, sidxB)
    didxs = (didxA, didxB)
    isems = (is0, is1)
    rows = (rows0, rows1)
    gs = (gs0, gs1)
    ssems = (ss0, ss1)

    def run_graph(src4, dst4, tab, acc):
        def afetch(b, p):
            pltpu.async_copy(src4.at[w, b, 0], sidxs[p], isems[p])
            pltpu.async_copy(dst4.at[w, b, 0], didxs[p], isems[p])

        def wait_idx(p):
            pltpu.make_async_copy(src4.at[0, 0, 0], sidxs[p], isems[p]).wait()
            pltpu.make_async_copy(src4.at[0, 0, 0], didxs[p], isems[p]).wait()

        def issue_gather(p):
            pltpu.async_copy(tab.at[sidxs[p]], rows[p], gs[p])

        def wait_gather(p):
            pltpu.make_async_copy(tab.at[sidxs[p]], rows[p], gs[p]).wait()

        def wait_scat(p):
            pltpu.make_async_copy(rows[p], acc.at[didxs[p]], ssems[p]).wait()

        def step(b, p, q):
            wait_gather(p)

            @pl.when(b + 2 < NBG)
            def _():
                afetch(b + 2, p)

            @pl.when(b + 1 < NBG)
            def _():
                wait_idx(q)

                @pl.when(b >= 1)
                def _():
                    wait_scat(q)
                issue_gather(q)
            pltpu.async_copy(rows[p], acc.at[didxs[p]], ssems[p], add=True)

        afetch(0, 0)
        afetch(1, 1)
        wait_idx(0)
        issue_gather(0)

        def pair_body(j, _):
            step(2 * j, 0, 1)
            step(2 * j + 1, 1, 0)
            return 0
        lax.fori_loop(0, NBG // 2, pair_body, 0)
        wait_scat(0)
        wait_scat(1)

    run_graph(g_src4, g_dst4, zg, accg_sh)
    run_graph(s_src4, s_dst4, zs, accs_sh)

    plsc.subcore_barrier()

    _rows_copy(accg_sh, u_out.at[c, 0], s, NG)
    _rows_copy(accs_sh, u_out.at[c, 1], s, NG)


def _gcn_agg(zg, zs, g_src, g_dst, s_src, s_dst):
    zero_ng = jnp.zeros((NG, H), jnp.float32)
    f = pl.kernel(
        _gcn_agg_body,
        out_type=jax.ShapeDtypeStruct((NC, 2, NG, H), jnp.float32),
        mesh=_SC_MESH,
        scratch_types=[
            pltpu.VMEM((EB,), jnp.int32),
            pltpu.VMEM((EB,), jnp.int32),
            pltpu.VMEM((EB,), jnp.int32),
            pltpu.VMEM((EB,), jnp.int32),
            pltpu.VMEM((EB, H), jnp.float32),
            pltpu.VMEM((EB, H), jnp.float32),
            pltpu.VMEM_SHARED((NG, H), jnp.float32),
            pltpu.VMEM_SHARED((NG, H), jnp.float32),
            pltpu.SemaphoreType.DMA,
            pltpu.SemaphoreType.DMA,
            pltpu.SemaphoreType.DMA,
            pltpu.SemaphoreType.DMA,
            pltpu.SemaphoreType.DMA,
            pltpu.SemaphoreType.DMA,
        ],
    )
    return f(zg, zs, g_src.reshape(NW, NBG, 1, EB), g_dst.reshape(NW, NBG, 1, EB),
             s_src.reshape(NW, NBG, 1, EB), s_dst.reshape(NW, NBG, 1, EB), zero_ng)


def _rgcn_linear_body(agg_ref, deg_ref, ent_ref, wkg_ref, wself_ref, out_ref):
    deg = jnp.maximum(deg_ref[0, :, 0:1] + deg_ref[1, :, 0:1], 1.0)
    agg = (agg_ref[0] + agg_ref[1]) / deg
    h = jnp.dot(agg, wkg_ref[...], preferred_element_type=jnp.float32)
    h = h + jnp.dot(ent_ref[...], wself_ref[...], preferred_element_type=jnp.float32)
    out_ref[...] = jnp.maximum(h, 0.0)


def _rgcn_linear(agg_part, dkg_part, ent_emb, W_kg, W_self):
    grid = 10
    bm = N_ENTS // grid
    return pl.pallas_call(
        _rgcn_linear_body,
        grid=(grid,),
        in_specs=[
            pl.BlockSpec((NC, bm, H), lambda i: (0, i, 0)),
            pl.BlockSpec((NC, bm, H), lambda i: (0, i, 0)),
            pl.BlockSpec((bm, H), lambda i: (i, 0)),
            pl.BlockSpec((H, H), lambda i: (0, 0)),
            pl.BlockSpec((H, H), lambda i: (0, 0)),
        ],
        out_specs=pl.BlockSpec((bm, H), lambda i: (i, 0)),
        out_shape=jax.ShapeDtypeStruct((N_ENTS, H), jnp.float32),
    )(agg_part, dkg_part, ent_emb, W_kg, W_self)


def _rsq_body(dg_ref, ds_ref, og_ref, os_ref):
    og_ref[...] = jax.lax.rsqrt(jnp.maximum(dg_ref[0, :, 0:1] + dg_ref[1, :, 0:1], 1.0))
    os_ref[...] = jax.lax.rsqrt(jnp.maximum(ds_ref[0, :, 0:1] + ds_ref[1, :, 0:1], 1.0))


def _rsq_degs(dgg_part, dgs_part):
    return pl.pallas_call(
        _rsq_body,
        out_shape=(
            jax.ShapeDtypeStruct((NG, 1), jnp.float32),
            jax.ShapeDtypeStruct((NG, 1), jnp.float32),
        ),
    )(dgg_part, dgs_part)


def _pool_scale_body(y2x_ref, h_ref, rg_ref, rs_ref, out_ref):
    blk = y2x_ref[...]
    y = jnp.dot(blk, h_ref[...], preferred_element_type=jnp.float32)
    rs = jnp.clip(jnp.sum(blk, axis=1, keepdims=True), 1e-8, None)
    g = y / rs
    out_ref[0] = g * rg_ref[...]
    out_ref[1] = g * rs_ref[...]


def _pool_g2o_scaled(g2o, kg_h, rsq_g, rsq_s):
    grid = 10
    bm = NG // grid
    return pl.pallas_call(
        _pool_scale_body,
        grid=(grid,),
        in_specs=[
            pl.BlockSpec((bm, N_ENTS), lambda i: (i, 0)),
            pl.BlockSpec((N_ENTS, H), lambda i: (0, 0)),
            pl.BlockSpec((bm, 1), lambda i: (i, 0)),
            pl.BlockSpec((bm, 1), lambda i: (i, 0)),
        ],
        out_specs=pl.BlockSpec((2, bm, H), lambda i: (0, i, 0)),
        out_shape=jax.ShapeDtypeStruct((2, NG, H), jnp.float32),
    )(g2o, kg_h, rsq_g, rsq_s)


def _gcn_mid_body(u1_ref, rg_ref, rs_ref, w1_ref, out_ref):
    w1 = w1_ref[...]
    rg = rg_ref[...]
    rs = rs_ref[...]
    ug = u1_ref[0, 0] + u1_ref[1, 0]
    us = u1_ref[0, 1] + u1_ref[1, 1]
    hg = jnp.maximum(jnp.dot(ug * rg, w1, preferred_element_type=jnp.float32), 0.0)
    hs = jnp.maximum(jnp.dot(us * rs, w1, preferred_element_type=jnp.float32), 0.0)
    out_ref[0] = hg * rg
    out_ref[1] = hs * rs


def _gcn_mid(u1_part, rsq_g, rsq_s, W1):
    return pl.pallas_call(
        _gcn_mid_body,
        out_shape=jax.ShapeDtypeStruct((2, NG, H), jnp.float32),
    )(u1_part, rsq_g, rsq_s, W1)


def _leaky(x):
    return jnp.where(x >= 0, x, 0.01 * x)


def _l2n(x):
    n = jnp.sqrt(jnp.sum(x * x, axis=1, keepdims=True))
    return x / jnp.maximum(n, 1e-12)


def _nce_loss(x1, x2):
    x1 = _l2n(x1)
    x2 = _l2n(x2)
    sm = jnp.exp(jnp.dot(x1, x2.T, preferred_element_type=jnp.float32) / TAU)
    s = jnp.sum(sm, axis=1)
    n = x1.shape[0]
    eye = (jax.lax.broadcasted_iota(jnp.int32, (n, n), 0)
           == jax.lax.broadcasted_iota(jnp.int32, (n, n), 1))
    pos = jnp.sum(jnp.where(eye, sm, 0.0), axis=1)
    return -jnp.mean(jnp.log(pos / s + 1e-8))


def _final_body(u2_ref, rg_ref, rs_ref, w2_ref, d2g_ref, dh2_ref, wp1_ref,
                bp1_ref, wp2_ref, bp2_ref, idx_ref, st_ref, lam_ref,
                dz_ref, demb_ref, sim_ref, loss_ref):
    w2 = w2_ref[...]
    ug = u2_ref[0, 0] + u2_ref[1, 0]
    us = u2_ref[0, 1] + u2_ref[1, 1]
    g_h1 = jnp.dot(ug * rg_ref[...], w2, preferred_element_type=jnp.float32)
    g_h2 = jnp.dot(us * rs_ref[...], w2, preferred_element_type=jnp.float32)
    g_havg = 0.5 * (g_h1 + g_h2)

    d2g = d2g_ref[...]
    rs = jnp.clip(jnp.sum(d2g, axis=1, keepdims=True), 1e-8, None)
    d_h1 = jnp.dot(d2g, g_havg, preferred_element_type=jnp.float32) / rs
    d_emb = jnp.dot(d_h1, wp1_ref[...], preferred_element_type=jnp.float32) + bp1_ref[...]
    d_z2p = jnp.dot(dh2_ref[...], wp2_ref[...], preferred_element_type=jnp.float32) + bp2_ref[...]

    idx = idx_ref[...]
    col = jax.lax.broadcasted_iota(jnp.int32, (B, ND), 1)
    oh1 = (idx[:, 0:1] == col).astype(jnp.float32)
    oh2 = (idx[:, 1:2] == col).astype(jnp.float32)
    d_z1 = _leaky(jnp.dot(oh1, d_emb, preferred_element_type=jnp.float32))
    d_z2 = _leaky(jnp.dot(oh2, d_z2p, preferred_element_type=jnp.float32))
    d_z = 0.5 * (d_z1 + d_z2)

    sim = _l2n(jnp.dot(d_z, d_z.T, preferred_element_type=jnp.float32))
    logits = sim + 1e-8
    mx = jnp.max(logits, axis=1, keepdims=True)
    lse = mx + jnp.log(jnp.sum(jnp.exp(logits - mx), axis=1, keepdims=True))
    logp = logits - lse
    colb = jax.lax.broadcasted_iota(jnp.int32, (B, B), 1)
    oht = (st_ref[...][:, 0:1] == colb)
    l_p = -jnp.mean(jnp.sum(jnp.where(oht, logp, 0.0), axis=1))

    l_g = _nce_loss(g_h1, g_h2)
    l_d = _nce_loss(d_z1, d_z2)
    lam = lam_ref[...]
    loss = l_p + lam[0, 0] * l_g + lam[0, 1] * l_d

    dz_ref[...] = d_z
    demb_ref[...] = d_emb
    sim_ref[...] = sim
    loss_ref[...] = jnp.reshape(loss, (1, 1))


def _final_block(u2_part, rsq_g, rsq_s, W2, d2g, d_h2, Wp1, bp1, Wp2, bp2,
                 index, similarity_true, lam):
    return pl.pallas_call(
        _final_body,
        out_shape=(
            jax.ShapeDtypeStruct((B, ZD), jnp.float32),
            jax.ShapeDtypeStruct((ND, ZD), jnp.float32),
            jax.ShapeDtypeStruct((B, B), jnp.float32),
            jax.ShapeDtypeStruct((1, 1), jnp.float32),
        ),
    )(u2_part, rsq_g, rsq_s, W2, d2g, d_h2,
      Wp1, bp1.reshape(1, ZD), Wp2, bp2.reshape(1, ZD),
      index, similarity_true.reshape(B, 1), lam)


def kernel(g_edge_index, g_svd_edge_index, kg_edge_index, kg_edge_type, g2o,
           d2g, d_h2, index, similarity_true, lam_1, lam_2, ent_emb, rel_emb,
           W_kg, W_self, W1, W2, Wp1, bp1, Wp2, bp2):
    g_src, g_dst = g_edge_index[0], g_edge_index[1]
    s_src, s_dst = g_svd_edge_index[0], g_svd_edge_index[1]
    agg_part, dkg_part, dgg_part, dgs_part = _rgcn_sc(
        kg_edge_index[0], kg_edge_index[1], kg_edge_type, g_dst, s_dst,
        ent_emb, rel_emb)

    kg_h = _rgcn_linear(agg_part, dkg_part, ent_emb, W_kg, W_self)
    rsq_g, rsq_s = _rsq_degs(dgg_part, dgs_part)

    z0 = _pool_g2o_scaled(g2o, kg_h, rsq_g, rsq_s)
    u1_part = _gcn_agg(z0[0], z0[1], g_src, g_dst, s_src, s_dst)
    z1 = _gcn_mid(u1_part, rsq_g, rsq_s, W1)
    u2_part = _gcn_agg(z1[0], z1[1], g_src, g_dst, s_src, s_dst)

    lam = jnp.stack([jnp.squeeze(lam_1), jnp.squeeze(lam_2)]).reshape(1, 2)
    d_z, d_emb, sim, loss = _final_block(
        u2_part, rsq_g, rsq_s, W2, d2g, d_h2, Wp1, bp1, Wp2, bp2,
        index, similarity_true, lam)
    return (d_z, d_emb, sim, jnp.reshape(loss, ()))

# --- scband reference (transcript-rebuilt; emitter-appended) ---
"""Pipeline reference for scband-modest-31507880083952 (READ-ONLY COPY).

The authoritative reference and input builder live on the scoring server;
editing this copy changes nothing except your own understanding.
"""

import jax, jax.numpy as jnp
import numpy as np

N_ENTS = 10000
NREL = 24
H = 128
ZD = 64
EG = 64000
EKG = 320000
NG = 2000
ND = 512
DIS = 512
B = 512
TAU = 0.5


def setup_inputs(seed: int = 0) -> dict:
    key = jax.random.key(seed)
    ks = jax.random.split(key, 24)
    inp = {}
    inp["g_edge_index"] = jax.random.randint(ks[0], (2, EG), 0, NG)
    inp["g_svd_edge_index"] = jax.random.randint(ks[1], (2, EG), 0, NG)
    inp["kg_edge_index"] = jax.random.randint(ks[2], (2, EKG), 0, N_ENTS)
    inp["kg_edge_type"] = jax.random.randint(ks[3], (EKG,), 0, NREL)
    inp["g2o"] = jax.random.uniform(ks[4], (NG, N_ENTS), dtype=jnp.float32)
    inp["d2g"] = jax.random.uniform(ks[5], (ND, NG), dtype=jnp.float32)
    inp["d_h2"] = jax.random.normal(ks[6], (ND, DIS), dtype=jnp.float32)
    inp["index"] = jax.random.randint(ks[7], (B, 2), 0, ND)
    inp["similarity_true"] = jax.random.randint(ks[8], (B,), 0, B)
    inp["lam_1"] = jnp.ones((1,), jnp.float32)
    inp["lam_2"] = jnp.ones((1,), jnp.float32)
    # learned parameters
    inp["ent_emb"] = jax.random.normal(ks[9], (N_ENTS, H), dtype=jnp.float32) * 0.1
    inp["rel_emb"] = jax.random.normal(ks[10], (NREL, H), dtype=jnp.float32) * 0.1
    inp["W_kg"] = jax.random.normal(ks[11], (H, H), dtype=jnp.float32) * 0.05
    inp["W_self"] = jax.random.normal(ks[12], (H, H), dtype=jnp.float32) * 0.05
    inp["W1"] = jax.random.normal(ks[13], (H, H), dtype=jnp.float32) * 0.05
    inp["W2"] = jax.random.normal(ks[14], (H, H), dtype=jnp.float32) * 0.05
    inp["Wp1"] = jax.random.normal(ks[15], (H, ZD), dtype=jnp.float32) * 0.05
    inp["bp1"] = jnp.zeros((ZD,), jnp.float32)
    inp["Wp2"] = jax.random.normal(ks[16], (DIS, ZD), dtype=jnp.float32) * 0.05
    inp["bp2"] = jnp.zeros((ZD,), jnp.float32)
    return inp


def _gcn_layer(x, ei, W, n):
    src, dst = ei[0], ei[1]
    deg = jnp.maximum(jax.ops.segment_sum(jnp.ones(src.shape[0], jnp.float32), dst, num_segments=n), 1.0)
    norm = jax.lax.rsqrt(deg[src] * deg[dst])
    xw = x @ W
    msg = xw[src] * norm[:, None]
    return jax.ops.segment_sum(msg, dst, num_segments=n)


def _gcn(x, ei, W1, W2):
    n = x.shape[0]
    h = jax.nn.relu(_gcn_layer(x, ei, W1, n))
    return _gcn_layer(h, ei, W2, n)


def _rgcn(ent_emb, ei, etype, rel_emb, W_kg, W_self):
    src, dst = ei[0], ei[1]
    n = ent_emb.shape[0]
    msg = ent_emb[src] * rel_emb[etype]
    deg = jnp.maximum(jax.ops.segment_sum(jnp.ones(src.shape[0], jnp.float32), dst, num_segments=n), 1.0)
    agg = jax.ops.segment_sum(msg, dst, num_segments=n) / deg[:, None]
    return jax.nn.relu(agg @ W_kg + ent_emb @ W_self)


def _pool(h, y2x):
    y = y2x @ h
    rs = jnp.clip(jnp.sum(y2x, axis=1), 1e-8, None).reshape(-1, 1)
    return y / rs


def _l2norm(x):
    return x / jnp.clip(jnp.linalg.norm(x, axis=1, keepdims=True), 1e-12, None)


def _nce(x1, x2, tau):
    x1 = _l2norm(x1)
    x2 = _l2norm(x2)
    sm = jnp.exp((x1 @ x2.T) / tau)
    s = jnp.sum(sm, axis=1)
    pos = jnp.diagonal(sm)
    return -jnp.mean(jnp.log(pos / s + 1e-8))


def reference(g_edge_index, g_svd_edge_index, kg_edge_index, kg_edge_type, g2o, d2g, d_h2, index, similarity_true, lam_1, lam_2, ent_emb, rel_emb, W_kg, W_self, W1, W2, Wp1, bp1, Wp2, bp2):
    kg_h = _rgcn(ent_emb, kg_edge_index, kg_edge_type, rel_emb, W_kg, W_self)
    g_h = _pool(kg_h, g2o)
    g_h1 = _gcn(g_h, g_edge_index, W1, W2)
    g_h2 = _gcn(g_h, g_svd_edge_index, W1, W2)
    g_havg = 0.5 * (g_h1 + g_h2)
    d_h1 = _pool(g_havg, d2g)
    d_embedding = d_h1 @ Wp1 + bp1
    d_z2p = d_h2 @ Wp2 + bp2
    d_z1 = jax.nn.leaky_relu(d_embedding[index[:, 0]])
    d_z2 = jax.nn.leaky_relu(d_z2p[index[:, 1]])
    d_z = 0.5 * (d_z1 + d_z2)
    # equivalent to the original O(B^2) loop of dot products
    similarity = _l2norm(d_z @ d_z.T)
    logits = similarity + 1e-8
    logp = jax.nn.log_softmax(logits, axis=1)
    l_p = -jnp.mean(logp[jnp.arange(logits.shape[0]), similarity_true])
    l_g = _nce(g_h1, g_h2, TAU)
    l_d = _nce(d_z1, d_z2, TAU)
    loss = l_p + jnp.squeeze(lam_1) * l_g + jnp.squeeze(lam_2) * l_d
    return (d_z, d_embedding, similarity, loss)

if __name__ == "__main__":
    import jax
    _d = setup_inputs()
    print(jax.jit(kernel)(*tuple(_d.values())))

</pallas_src>

<mosaic_0001>
#map = affine_map<(d0, d1) -> (0, 0)>
#map1 = affine_map<(d0, d1) -> (0, 0, 0, 0)>
module attributes {stable_mosaic.version = 14 : i64} {
  func.func @_gcn_agg_body(%arg0: i32, %arg1: i32, %arg2: memref<2000x128xf32, #tpu.memory_space<hbm>>, %arg3: memref<2000x128xf32, #tpu.memory_space<hbm>>, %arg4: memref<32x40x1x50xi32, #tpu.memory_space<hbm>>, %arg5: memref<32x40x1x50xi32, #tpu.memory_space<hbm>>, %arg6: memref<32x40x1x50xi32, #tpu.memory_space<hbm>>, %arg7: memref<32x40x1x50xi32, #tpu.memory_space<hbm>>, %arg8: memref<2000x128xf32, #tpu.memory_space<hbm>>, %arg9: memref<2x2x2000x128xf32, #tpu.memory_space<hbm>>, %arg10: memref<50xi32, #tpu.memory_space<vmem>>, %arg11: memref<50xi32, #tpu.memory_space<vmem>>, %arg12: memref<50xi32, #tpu.memory_space<vmem>>, %arg13: memref<50xi32, #tpu.memory_space<vmem>>, %arg14: memref<50x128xf32, #tpu.memory_space<vmem>>, %arg15: memref<50x128xf32, #tpu.memory_space<vmem>>, %arg16: memref<2000x128xf32, #tpu.memory_space<vmem_shared>>, %arg17: memref<2000x128xf32, #tpu.memory_space<vmem_shared>>, %arg18: memref<!tpu.dma_semaphore, #tpu.memory_space<semaphore_mem>>, %arg19: memref<!tpu.dma_semaphore, #tpu.memory_space<semaphore_mem>>, %arg20: memref<!tpu.dma_semaphore, #tpu.memory_space<semaphore_mem>>, %arg21: memref<!tpu.dma_semaphore, #tpu.memory_space<semaphore_mem>>, %arg22: memref<!tpu.dma_semaphore, #tpu.memory_space<semaphore_mem>>, %arg23: memref<!tpu.dma_semaphore, #tpu.memory_space<semaphore_mem>>) attributes {dimension_semantics = [#tpu.dimension_semantics<core_parallel>, #tpu.dimension_semantics<subcore_parallel>], iteration_bounds = array<i64: 2, 16>, scalar_prefetch = 0 : i64, scratch_operands = 14 : i64, tpu.core_type = #tpu.core_type<sc_vector_subcore>, window_params = [{transform_indices = #map}, {transform_indices = #map}, {transform_indices = #map1}, {transform_indices = #map1}, {transform_indices = #map1}, {transform_indices = #map1}, {transform_indices = #map}, {transform_indices = #map1}]} {
    %mul3A = arith.constant 16 : i32
    %mul3A_0 = arith.muli %arg0, %mul3A : i32
    %add3A = arith.addi %mul3A_0, %arg1 : i32
    %mul3A_1 = arith.constant 120 : i32
    %mul3A_2 = arith.muli %arg1, %mul3A_1 : i32
    %mul3A_3 = arith.constant 120 : i32
    %mul3A_4 = arith.muli %arg1, %mul3A_3 : i32
    "tpu.region"() ({
      %run_scoped3A_167 = tpu.sem_alloc : memref<!tpu.dma_semaphore, #tpu.memory_space<semaphore_mem>>
      %dma_start3A_168 = arith.constant 0 : i32
      %dma_start3A_169 = tpu.memref_slice %arg16[%mul3A_4, %dma_start3A_168] : memref<2000x128xf32, #tpu.memory_space<vmem_shared>> -> memref<120x128xf32, #tpu.memory_space<vmem_shared>>
      %dma_start3A_170 = arith.constant 0 : i32
      %dma_start3A_171 = tpu.memref_slice %arg8[%mul3A_2, %dma_start3A_170] : memref<2000x128xf32, #tpu.memory_space<hbm>> -> memref<120x128xf32, #tpu.memory_space<hbm>>
      tpu.enqueue_dma source(%dma_start3A_171 : memref<120x128xf32, #tpu.memory_space<hbm>>) target(%dma_start3A_169 : memref<120x128xf32, #tpu.memory_space<vmem_shared>>) target_semaphore(%run_scoped3A_167 : memref<!tpu.dma_semaphore, #tpu.memory_space<semaphore_mem>>)
      %dma_wait3A_172 = arith.constant 0 : i32
      %dma_wait3A_173 = tpu.memref_slice %arg16[%mul3A_4, %dma_wait3A_172] : memref<2000x128xf32, #tpu.memory_space<vmem_shared>> -> memref<120x128xf32, #tpu.memory_space<vmem_shared>>
      %dma_wait3A_174 = arith.constant 0 : i32
      %dma_wait3A_175 = tpu.memref_slice %arg8[%mul3A_2, %dma_wait3A_174] : memref<2000x128xf32, #tpu.memory_space<hbm>> -> memref<120x128xf32, #tpu.memory_space<hbm>>
      tpu.wait_dma2 semaphore(%run_scoped3A_167 : memref<!tpu.dma_semaphore, #tpu.memory_space<semaphore_mem>>) src(%dma_wait3A_175 : memref<120x128xf32, #tpu.memory_space<hbm>>) dst(%dma_wait3A_173 : memref<120x128xf32, #tpu.memory_space<vmem_shared>>)
      tpu.yield
    }) : () -> ()
    %eq3A = arith.constant 15 : i32
    %eq3A_5 = arith.cmpi eq, %arg1, %eq3A : i32
    %convert_element_type3A = arith.extui %eq3A_5 : i1 to i32
    %cond3A = arith.constant 0 : i32
    %cond3A_6 = arith.cmpi ne, %convert_element_type3A, %cond3A : i32
    scf.if %cond3A_6 {
      "tpu.region"() ({
        %run_scoped3A_167 = tpu.sem_alloc : memref<!tpu.dma_semaphore, #tpu.memory_space<semaphore_mem>>
        %dma_start3A_168 = arith.constant 1920 : i32
        %dma_start3A_169 = arith.constant 0 : i32
        %dma_start3A_170 = tpu.memref_slice %arg16[%dma_start3A_168, %dma_start3A_169] : memref<2000x128xf32, #tpu.memory_space<vmem_shared>> -> memref<80x128xf32, #tpu.memory_space<vmem_shared>>
        %dma_start3A_171 = arith.constant 1920 : i32
        %dma_start3A_172 = arith.constant 0 : i32
        %dma_start3A_173 = tpu.memref_slice %arg8[%dma_start3A_171, %dma_start3A_172] : memref<2000x128xf32, #tpu.memory_space<hbm>> -> memref<80x128xf32, #tpu.memory_space<hbm>>
        tpu.enqueue_dma source(%dma_start3A_173 : memref<80x128xf32, #tpu.memory_space<hbm>>) target(%dma_start3A_170 : memref<80x128xf32, #tpu.memory_space<vmem_shared>>) target_semaphore(%run_scoped3A_167 : memref<!tpu.dma_semaphore, #tpu.memory_space<semaphore_mem>>)
        %dma_wait3A_174 = arith.constant 1920 : i32
        %dma_wait3A_175 = arith.constant 0 : i32
        %dma_wait3A_176 = tpu.memref_slice %arg16[%dma_wait3A_174, %dma_wait3A_175] : memref<2000x128xf32, #tpu.memory_space<vmem_shared>> -> memref<80x128xf32, #tpu.memory_space<vmem_shared>>
        %dma_wait3A_177 = arith.constant 1920 : i32
        %dma_wait3A_178 = arith.constant 0 : i32
        %dma_wait3A_179 = tpu.memref_slice %arg8[%dma_wait3A_177, %dma_wait3A_178] : memref<2000x128xf32, #tpu.memory_space<hbm>> -> memref<80x128xf32, #tpu.memory_space<hbm>>
        tpu.wait_dma2 semaphore(%run_scoped3A_167 : memref<!tpu.dma_semaphore, #tpu.memory_space<semaphore_mem>>) src(%dma_wait3A_179 : memref<80x128xf32, #tpu.memory_space<hbm>>) dst(%dma_wait3A_176 : memref<80x128xf32, #tpu.memory_space<vmem_shared>>)
        tpu.yield
      }) : () -> ()
    } else {
    }
    %mul3A_7 = arith.constant 120 : i32
    %mul3A_8 = arith.muli %arg1, %mul3A_7 : i32
    %mul3A_9 = arith.constant 120 : i32
    %mul3A_10 = arith.muli %arg1, %mul3A_9 : i32
    "tpu.region"() ({
      %run_scoped3A_167 = tpu.sem_alloc : memref<!tpu.dma_semaphore, #tpu.memory_space<semaphore_mem>>
      %dma_start3A_168 = arith.constant 0 : i32
      %dma_start3A_169 = tpu.memref_slice %arg17[%mul3A_10, %dma_start3A_168] : memref<2000x128xf32, #tpu.memory_space<vmem_shared>> -> memref<120x128xf32, #tpu.memory_space<vmem_shared>>
      %dma_start3A_170 = arith.constant 0 : i32
      %dma_start3A_171 = tpu.memref_slice %arg8[%mul3A_8, %dma_start3A_170] : memref<2000x128xf32, #tpu.memory_space<hbm>> -> memref<120x128xf32, #tpu.memory_space<hbm>>
      tpu.enqueue_dma source(%dma_start3A_171 : memref<120x128xf32, #tpu.memory_space<hbm>>) target(%dma_start3A_169 : memref<120x128xf32, #tpu.memory_space<vmem_shared>>) target_semaphore(%run_scoped3A_167 : memref<!tpu.dma_semaphore, #tpu.memory_space<semaphore_mem>>)
      %dma_wait3A_172 = arith.constant 0 : i32
      %dma_wait3A_173 = tpu.memref_slice %arg17[%mul3A_10, %dma_wait3A_172] : memref<2000x128xf32, #tpu.memory_space<vmem_shared>> -> memref<120x128xf32, #tpu.memory_space<vmem_shared>>
      %dma_wait3A_174 = arith.constant 0 : i32
      %dma_wait3A_175 = tpu.memref_slice %arg8[%mul3A_8, %dma_wait3A_174] : memref<2000x128xf32, #tpu.memory_space<hbm>> -> memref<120x128xf32, #tpu.memory_space<hbm>>
      tpu.wait_dma2 semaphore(%run_scoped3A_167 : memref<!tpu.dma_semaphore, #tpu.memory_space<semaphore_mem>>) src(%dma_wait3A_175 : memref<120x128xf32, #tpu.memory_space<hbm>>) dst(%dma_wait3A_173 : memref<120x128xf32, #tpu.memory_space<vmem_shared>>)
      tpu.yield
    }) : () -> ()
    %eq3A_11 = arith.constant 15 : i32
    %eq3A_12 = arith.cmpi eq, %arg1, %eq3A_11 : i32
    %convert_element_type3A_13 = arith.extui %eq3A_12 : i1 to i32
    %cond3A_14 = arith.constant 0 : i32
    %cond3A_15 = arith.cmpi ne, %convert_element_type3A_13, %cond3A_14 : i32
    scf.if %cond3A_15 {
      "tpu.region"() ({
        %run_scoped3A_167 = tpu.sem_alloc : memref<!tpu.dma_semaphore, #tpu.memory_space<semaphore_mem>>
        %dma_start3A_168 = arith.constant 1920 : i32
        %dma_start3A_169 = arith.constant 0 : i32
        %dma_start3A_170 = tpu.memref_slice %arg17[%dma_start3A_168, %dma_start3A_169] : memref<2000x128xf32, #tpu.memory_space<vmem_shared>> -> memref<80x128xf32, #tpu.memory_space<vmem_shared>>
        %dma_start3A_171 = arith.constant 1920 : i32
        %dma_start3A_172 = arith.constant 0 : i32
        %dma_start3A_173 = tpu.memref_slice %arg8[%dma_start3A_171, %dma_start3A_172] : memref<2000x128xf32, #tpu.memory_space<hbm>> -> memref<80x128xf32, #tpu.memory_space<hbm>>
        tpu.enqueue_dma source(%dma_start3A_173 : memref<80x128xf32, #tpu.memory_space<hbm>>) target(%dma_start3A_170 : memref<80x128xf32, #tpu.memory_space<vmem_shared>>) target_semaphore(%run_scoped3A_167 : memref<!tpu.dma_semaphore, #tpu.memory_space<semaphore_mem>>)
        %dma_wait3A_174 = arith.constant 1920 : i32
        %dma_wait3A_175 = arith.constant 0 : i32
        %dma_wait3A_176 = tpu.memref_slice %arg17[%dma_wait3A_174, %dma_wait3A_175] : memref<2000x128xf32, #tpu.memory_space<vmem_shared>> -> memref<80x128xf32, #tpu.memory_space<vmem_shared>>
        %dma_wait3A_177 = arith.constant 1920 : i32
        %dma_wait3A_178 = arith.constant 0 : i32
        %dma_wait3A_179 = tpu.memref_slice %arg8[%dma_wait3A_177, %dma_wait3A_178] : memref<2000x128xf32, #tpu.memory_space<hbm>> -> memref<80x128xf32, #tpu.memory_space<hbm>>
        tpu.wait_dma2 semaphore(%run_scoped3A_167 : memref<!tpu.dma_semaphore, #tpu.memory_space<semaphore_mem>>) src(%dma_wait3A_179 : memref<80x128xf32, #tpu.memory_space<hbm>>) dst(%dma_wait3A_176 : memref<80x128xf32, #tpu.memory_space<vmem_shared>>)
        tpu.yield
      }) : () -> ()
    } else {
    }
    %barrier3A = arith.constant 0 : index
    tpu.barrier barrier_id(%barrier3A)
    %dma_start3A = arith.constant 0 : i32
    %dma_start3A_16 = arith.constant 0 : i32
    %dma_start3A_17 = arith.constant 0 : i32
    %dma_start3A_18 = tpu.memref_slice %arg4[%add3A, %dma_start3A, %dma_start3A_16, %dma_start3A_17] : memref<32x40x1x50xi32, #tpu.memory_space<hbm>> -> memref<1x1x1x50xi32, #tpu.memory_space<hbm>>
    %dma_start3A_19 = tpu.memref_squeeze %dma_start3A_18 : memref<1x1x1x50xi32, #tpu.memory_space<hbm>> -> memref<50xi32, #tpu.memory_space<hbm>>
    %dma_start3A_20 = arith.constant 0 : i32
    %dma_start3A_21 = tpu.memref_slice %arg4[%add3A, %dma_start3A, %dma_start3A_16, %dma_start3A_20] : memref<32x40x1x50xi32, #tpu.memory_space<hbm>> -> memref<1x1x1x50xi32, #tpu.memory_space<hbm>>
    %dma_start3A_22 = tpu.memref_squeeze %dma_start3A_21 : memref<1x1x1x50xi32, #tpu.memory_space<hbm>> -> memref<50xi32, #tpu.memory_space<hbm>>
    tpu.enqueue_dma source(%dma_start3A_22 : memref<50xi32, #tpu.memory_space<hbm>>) target(%arg10 : memref<50xi32, #tpu.memory_space<vmem>>) target_semaphore(%arg18 : memref<!tpu.dma_semaphore, #tpu.memory_space<semaphore_mem>>)
    %dma_start3A_23 = arith.constant 0 : i32
    %dma_start3A_24 = arith.constant 0 : i32
    %dma_start3A_25 = arith.constant 0 : i32
    %dma_start3A_26 = tpu.memref_slice %arg5[%add3A, %dma_start3A_23, %dma_start3A_24, %dma_start3A_25] : memref<32x40x1x50xi32, #tpu.memory_space<hbm>> -> memref<1x1x1x50xi32, #tpu.memory_space<hbm>>
    %dma_start3A_27 = tpu.memref_squeeze %dma_start3A_26 : memref<1x1x1x50xi32, #tpu.memory_space<hbm>> -> memref<50xi32, #tpu.memory_space<hbm>>
    %dma_start3A_28 = arith.constant 0 : i32
    %dma_start3A_29 = tpu.memref_slice %arg5[%add3A, %dma_start3A_23, %dma_start3A_24, %dma_start3A_28] : memref<32x40x1x50xi32, #tpu.memory_space<hbm>> -> memref<1x1x1x50xi32, #tpu.memory_space<hbm>>
    %dma_start3A_30 = tpu.memref_squeeze %dma_start3A_29 : memref<1x1x1x50xi32, #tpu.memory_space<hbm>> -> memref<50xi32, #tpu.memory_space<hbm>>
    tpu.enqueue_dma source(%dma_start3A_30 : memref<50xi32, #tpu.memory_space<hbm>>) target(%arg12 : memref<50xi32, #tpu.memory_space<vmem>>) target_semaphore(%arg18 : memref<!tpu.dma_semaphore, #tpu.memory_space<semaphore_mem>>)
    %dma_start3A_31 = arith.constant 1 : i32
    %dma_start3A_32 = arith.constant 0 : i32
    %dma_start3A_33 = arith.constant 0 : i32
    %dma_start3A_34 = tpu.memref_slice %arg4[%add3A, %dma_start3A_31, %dma_start3A_32, %dma_start3A_33] : memref<32x40x1x50xi32, #tpu.memory_space<hbm>> -> memref<1x1x1x50xi32, #tpu.memory_space<hbm>>
    %dma_start3A_35 = tpu.memref_squeeze %dma_start3A_34 : memref<1x1x1x50xi32, #tpu.memory_space<hbm>> -> memref<50xi32, #tpu.memory_space<hbm>>
    %dma_start3A_36 = arith.constant 0 : i32
    %dma_start3A_37 = tpu.memref_slice %arg4[%add3A, %dma_start3A_31, %dma_start3A_32, %dma_start3A_36] : memref<32x40x1x50xi32, #tpu.memory_space<hbm>> -> memref<1x1x1x50xi32, #tpu.memory_space<hbm>>
    %dma_start3A_38 = tpu.memref_squeeze %dma_start3A_37 : memref<1x1x1x50xi32, #tpu.memory_space<hbm>> -> memref<50xi32, #tpu.memory_space<hbm>>
    tpu.enqueue_dma source(%dma_start3A_38 : memref<50xi32, #tpu.memory_space<hbm>>) target(%arg11 : memref<50xi32, #tpu.memory_space<vmem>>) target_semaphore(%arg19 : memref<!tpu.dma_semaphore, #tpu.memory_space<semaphore_mem>>)
    %dma_start3A_39 = arith.constant 1 : i32
    %dma_start3A_40 = arith.constant 0 : i32
    %dma_start3A_41 = arith.constant 0 : i32
    %dma_start3A_42 = tpu.memref_slice %arg5[%add3A, %dma_start3A_39, %dma_start3A_40, %dma_start3A_41] : memref<32x40x1x50xi32, #tpu.memory_space<hbm>> -> memref<1x1x1x50xi32, #tpu.memory_space<hbm>>
    %dma_start3A_43 = tpu.memref_squeeze %dma_start3A_42 : memref<1x1x1x50xi32, #tpu.memory_space<hbm>> -> memref<50xi32, #tpu.memory_space<hbm>>
    %dma_start3A_44 = arith.constant 0 : i32
    %dma_start3A_45 = tpu.memref_slice %arg5[%add3A, %dma_start3A_39, %dma_start3A_40, %dma_start3A_44] : memref<32x40x1x50xi32, #tpu.memory_space<hbm>> -> memref<1x1x1x50xi32, #tpu.memory_space<hbm>>
    %dma_start3A_46 = tpu.memref_squeeze %dma_start3A_45 : memref<1x1x1x50xi32, #tpu.memory_space<hbm>> -> memref<50xi32, #tpu.memory_space<hbm>>
    tpu.enqueue_dma source(%dma_start3A_46 : memref<50xi32, #tpu.memory_space<hbm>>) target(%arg13 : memref<50xi32, #tpu.memory_space<vmem>>) target_semaphore(%arg19 : memref<!tpu.dma_semaphore, #tpu.memory_space<semaphore_mem>>)
    %dma_wait3A = arith.constant 0 : i32
    %dma_wait3A_47 = arith.constant 0 : i32
    %dma_wait3A_48 = arith.constant 0 : i32
    %dma_wait3A_49 = arith.constant 0 : i32
    %dma_wait3A_50 = tpu.memref_slice %arg4[%dma_wait3A, %dma_wait3A_47, %dma_wait3A_48, %dma_wait3A_49] : memref<32x40x1x50xi32, #tpu.memory_space<hbm>> -> memref<1x1x1x50xi32, #tpu.memory_space<hbm>>
    %dma_wait3A_51 = tpu.memref_squeeze %dma_wait3A_50 : memref<1x1x1x50xi32, #tpu.memory_space<hbm>> -> memref<50xi32, #tpu.memory_space<hbm>>
    %dma_wait3A_52 = arith.constant 0 : i32
    %dma_wait3A_53 = tpu.memref_slice %arg4[%dma_wait3A, %dma_wait3A_47, %dma_wait3A_48, %dma_wait3A_52] : memref<32x40x1x50xi32, #tpu.memory_space<hbm>> -> memref<1x1x1x50xi32, #tpu.memory_space<hbm>>
    %dma_wait3A_54 = tpu.memref_squeeze %dma_wait3A_53 : memref<1x1x1x50xi32, #tpu.memory_space<hbm>> -> memref<50xi32, #tpu.memory_space<hbm>>
    tpu.wait_dma2 semaphore(%arg18 : memref<!tpu.dma_semaphore, #tpu.memory_space<semaphore_mem>>) src(%dma_wait3A_54 : memref<50xi32, #tpu.memory_space<hbm>>) dst(%arg10 : memref<50xi32, #tpu.memory_space<vmem>>)
    %dma_wait3A_55 = arith.constant 0 : i32
    %dma_wait3A_56 = arith.constant 0 : i32
    %dma_wait3A_57 = arith.constant 0 : i32
    %dma_wait3A_58 = arith.constant 0 : i32
    %dma_wait3A_59 = tpu.memref_slice %arg4[%dma_wait3A_55, %dma_wait3A_56, %dma_wait3A_57, %dma_wait3A_58] : memref<32x40x1x50xi32, #tpu.memory_space<hbm>> -> memref<1x1x1x50xi32, #tpu.memory_space<hbm>>
    %dma_wait3A_60 = tpu.memref_squeeze %dma_wait3A_59 : memref<1x1x1x50xi32, #tpu.memory_space<hbm>> -> memref<50xi32, #tpu.memory_space<hbm>>
    %dma_wait3A_61 = arith.constant 0 : i32
    %dma_wait3A_62 = tpu.memref_slice %arg4[%dma_wait3A_55, %dma_wait3A_56, %dma_wait3A_57, %dma_wait3A_61] : memref<32x40x1x50xi32, #tpu.memory_space<hbm>> -> memref<1x1x1x50xi32, #tpu.memory_space<hbm>>
    %dma_wait3A_63 = tpu.memref_squeeze %dma_wait3A_62 : memref<1x1x1x50xi32, #tpu.memory_space<hbm>> -> memref<50xi32, #tpu.memory_space<hbm>>
    tpu.wait_dma2 semaphore(%arg18 : memref<!tpu.dma_semaphore, #tpu.memory_space<semaphore_mem>>) src(%dma_wait3A_63 : memref<50xi32, #tpu.memory_space<hbm>>) dst(%arg12 : memref<50xi32, #tpu.memory_space<vmem>>)
    %dma_start3A_64 = arith.constant 0 : i32
    %dma_start3A_65 = arith.constant 0 : i32
    %dma_start3A_66 = tpu.memref_slice %arg2[%dma_start3A_64, %dma_start3A_65] : memref<2000x128xf32, #tpu.memory_space<hbm>> -> memref<2000x128xf32, #tpu.memory_space<hbm>>
    tpu.enqueue_indirect_dma source(%dma_start3A_66 : memref<2000x128xf32, #tpu.memory_space<hbm>>) target(%arg14 : memref<50x128xf32, #tpu.memory_space<vmem>>) offsets(%arg10 : memref<50xi32, #tpu.memory_space<vmem>>) semaphore(%arg20 : memref<!tpu.dma_semaphore, #tpu.memory_space<semaphore_mem>>)
    %scan3A = arith.constant 0 : i32
    %scan3A_67 = arith.constant 0 : i32
    %scan3A_68 = arith.constant 20 : i32
    %scan3A_69 = arith.addi %scan3A_67, %scan3A_68 : i32
    %scan3A_70 = arith.constant 1 : i32
    %scan3A_71 = scf.for %scan3A_167 = %scan3A_67 to %scan3A_69 step %scan3A_70 iter_args(%scan3A_168 = %scan3A) -> (i32)  : i32 {
      %mul3A_169 = arith.constant 2 : i32
      %mul3A_170 = arith.muli %mul3A_169, %scan3A_167 : i32
      %dma_wait3A_171 = arith.constant 0 : i32
      %dma_wait3A_172 = arith.constant 0 : i32
      %dma_wait3A_173 = tpu.memref_slice %arg2[%dma_wait3A_171, %dma_wait3A_172] : memref<2000x128xf32, #tpu.memory_space<hbm>> -> memref<2000x128xf32, #tpu.memory_space<hbm>>
      tpu.wait_indirect_dma semaphore(%arg20 : memref<!tpu.dma_semaphore, #tpu.memory_space<semaphore_mem>>) src(%dma_wait3A_173 : memref<2000x128xf32, #tpu.memory_space<hbm>>) dst(%arg14 : memref<50x128xf32, #tpu.memory_space<vmem>>)
      %add3A_174 = arith.constant 2 : i32
      %add3A_175 = arith.addi %mul3A_170, %add3A_174 : i32
      %lt3A = arith.constant 40 : i32
      %lt3A_176 = arith.cmpi slt, %add3A_175, %lt3A : i32
      %convert_element_type3A_177 = arith.extui %lt3A_176 : i1 to i32
      %cond3A_178 = arith.constant 0 : i32
      %cond3A_179 = arith.cmpi ne, %convert_element_type3A_177, %cond3A_178 : i32
      scf.if %cond3A_179 {
        %add3A_215 = arith.constant 2 : i32
        %add3A_216 = arith.addi %mul3A_170, %add3A_215 : i32
        %dma_start3A_217 = arith.constant 0 : i32
        %dma_start3A_218 = arith.constant 0 : i32
        %dma_start3A_219 = tpu.memref_slice %arg4[%add3A, %add3A_216, %dma_start3A_217, %dma_start3A_218] : memref<32x40x1x50xi32, #tpu.memory_space<hbm>> -> memref<1x1x1x50xi32, #tpu.memory_space<hbm>>
        %dma_start3A_220 = tpu.memref_squeeze %dma_start3A_219 : memref<1x1x1x50xi32, #tpu.memory_space<hbm>> -> memref<50xi32, #tpu.memory_space<hbm>>
        %dma_start3A_221 = arith.constant 0 : i32
        %dma_start3A_222 = tpu.memref_slice %arg4[%add3A, %add3A_216, %dma_start3A_217, %dma_start3A_221] : memref<32x40x1x50xi32, #tpu.memory_space<hbm>> -> memref<1x1x1x50xi32, #tpu.memory_space<hbm>>
        %dma_start3A_223 = tpu.memref_squeeze %dma_start3A_222 : memref<1x1x1x50xi32, #tpu.memory_space<hbm>> -> memref<50xi32, #tpu.memory_space<hbm>>
        tpu.enqueue_dma source(%dma_start3A_223 : memref<50xi32, #tpu.memory_space<hbm>>) target(%arg10 : memref<50xi32, #tpu.memory_space<vmem>>) target_semaphore(%arg18 : memref<!tpu.dma_semaphore, #tpu.memory_space<semaphore_mem>>)
        %dma_start3A_224 = arith.constant 0 : i32
        %dma_start3A_225 = arith.constant 0 : i32
        %dma_start3A_226 = tpu.memref_slice %arg5[%add3A, %add3A_216, %dma_start3A_224, %dma_start3A_225] : memref<32x40x1x50xi32, #tpu.memory_space<hbm>> -> memref<1x1x1x50xi32, #tpu.memory_space<hbm>>
        %dma_start3A_227 = tpu.memref_squeeze %dma_start3A_226 : memref<1x1x1x50xi32, #tpu.memory_space<hbm>> -> memref<50xi32, #tpu.memory_space<hbm>>
        %dma_start3A_228 = arith.constant 0 : i32
        %dma_start3A_229 = tpu.memref_slice %arg5[%add3A, %add3A_216, %dma_start3A_224, %dma_start3A_228] : memref<32x40x1x50xi32, #tpu.memory_space<hbm>> -> memref<1x1x1x50xi32, #tpu.memory_space<hbm>>
        %dma_start3A_230 = tpu.memref_squeeze %dma_start3A_229 : memref<1x1x1x50xi32, #tpu.memory_space<hbm>> -> memref<50xi32, #tpu.memory_space<hbm>>
        tpu.enqueue_dma source(%dma_start3A_230 : memref<50xi32, #tpu.memory_space<hbm>>) target(%arg12 : memref<50xi32, #tpu.memory_space<vmem>>) target_semaphore(%arg18 : memref<!tpu.dma_semaphore, #tpu.memory_space<semaphore_mem>>)
      } else {
      }
      %add3A_180 = arith.constant 1 : i32
      %add3A_181 = arith.addi %mul3A_170, %add3A_180 : i32
      %lt3A_182 = arith.constant 40 : i32
      %lt3A_183 = arith.cmpi slt, %add3A_181, %lt3A_182 : i32
      %convert_element_type3A_184 = arith.extui %lt3A_183 : i1 to i32
      %cond3A_185 = arith.constant 0 : i32
      %cond3A_186 = arith.cmpi ne, %convert_element_type3A_184, %cond3A_185 : i32
      scf.if %cond3A_186 {
        %dma_wait3A_215 = arith.constant 0 : i32
        %dma_wait3A_216 = arith.constant 0 : i32
        %dma_wait3A_217 = arith.constant 0 : i32
        %dma_wait3A_218 = arith.constant 0 : i32
        %dma_wait3A_219 = tpu.memref_slice %arg4[%dma_wait3A_215, %dma_wait3A_216, %dma_wait3A_217, %dma_wait3A_218] : memref<32x40x1x50xi32, #tpu.memory_space<hbm>> -> memref<1x1x1x50xi32, #tpu.memory_space<hbm>>
        %dma_wait3A_220 = tpu.memref_squeeze %dma_wait3A_219 : memref<1x1x1x50xi32, #tpu.memory_space<hbm>> -> memref<50xi32, #tpu.memory_space<hbm>>
        %dma_wait3A_221 = arith.constant 0 : i32
        %dma_wait3A_222 = tpu.memref_slice %arg4[%dma_wait3A_215, %dma_wait3A_216, %dma_wait3A_217, %dma_wait3A_221] : memref<32x40x1x50xi32, #tpu.memory_space<hbm>> -> memref<1x1x1x50xi32, #tpu.memory_space<hbm>>
        %dma_wait3A_223 = tpu.memref_squeeze %dma_wait3A_222 : memref<1x1x1x50xi32, #tpu.memory_space<hbm>> -> memref<50xi32, #tpu.memory_space<hbm>>
        tpu.wait_dma2 semaphore(%arg19 : memref<!tpu.dma_semaphore, #tpu.memory_space<semaphore_mem>>) src(%dma_wait3A_223 : memref<50xi32, #tpu.memory_space<hbm>>) dst(%arg11 : memref<50xi32, #tpu.memory_space<vmem>>)
        %dma_wait3A_224 = arith.constant 0 : i32
        %dma_wait3A_225 = arith.constant 0 : i32
        %dma_wait3A_226 = arith.constant 0 : i32
        %dma_wait3A_227 = arith.constant 0 : i32
        %dma_wait3A_228 = tpu.memref_slice %arg4[%dma_wait3A_224, %dma_wait3A_225, %dma_wait3A_226, %dma_wait3A_227] : memref<32x40x1x50xi32, #tpu.memory_space<hbm>> -> memref<1x1x1x50xi32, #tpu.memory_space<hbm>>
        %dma_wait3A_229 = tpu.memref_squeeze %dma_wait3A_228 : memref<1x1x1x50xi32, #tpu.memory_space<hbm>> -> memref<50xi32, #tpu.memory_space<hbm>>
        %dma_wait3A_230 = arith.constant 0 : i32
        %dma_wait3A_231 = tpu.memref_slice %arg4[%dma_wait3A_224, %dma_wait3A_225, %dma_wait3A_226, %dma_wait3A_230] : memref<32x40x1x50xi32, #tpu.memory_space<hbm>> -> memref<1x1x1x50xi32, #tpu.memory_space<hbm>>
        %dma_wait3A_232 = tpu.memref_squeeze %dma_wait3A_231 : memref<1x1x1x50xi32, #tpu.memory_space<hbm>> -> memref<50xi32, #tpu.memory_space<hbm>>
        tpu.wait_dma2 semaphore(%arg19 : memref<!tpu.dma_semaphore, #tpu.memory_space<semaphore_mem>>) src(%dma_wait3A_232 : memref<50xi32, #tpu.memory_space<hbm>>) dst(%arg13 : memref<50xi32, #tpu.memory_space<vmem>>)
        %ge3A = arith.constant 1 : i32
        %ge3A_233 = arith.cmpi sge, %mul3A_170, %ge3A : i32
        %convert_element_type3A_234 = arith.extui %ge3A_233 : i1 to i32
        %cond3A_235 = arith.constant 0 : i32
        %cond3A_236 = arith.cmpi ne, %convert_element_type3A_234, %cond3A_235 : i32
        scf.if %cond3A_236 {
          %dma_wait3A_240 = arith.constant 0 : i32
          %dma_wait3A_241 = arith.constant 0 : i32
          %dma_wait3A_242 = tpu.memref_slice %arg16[%dma_wait3A_240, %dma_wait3A_241] : memref<2000x128xf32, #tpu.memory_space<vmem_shared>> -> memref<2000x128xf32, #tpu.memory_space<vmem_shared>>
          tpu.wait_indirect_dma semaphore(%arg23 : memref<!tpu.dma_semaphore, #tpu.memory_space<semaphore_mem>>) src(%arg15 : memref<50x128xf32, #tpu.memory_space<vmem>>) dst(%dma_wait3A_242 : memref<2000x128xf32, #tpu.memory_space<vmem_shared>>)
        } else {
        }
        %dma_start3A_237 = arith.constant 0 : i32
        %dma_start3A_238 = arith.constant 0 : i32
        %dma_start3A_239 = tpu.memref_slice %arg2[%dma_start3A_237, %dma_start3A_238] : memref<2000x128xf32, #tpu.memory_space<hbm>> -> memref<2000x128xf32, #tpu.memory_space<hbm>>
        tpu.enqueue_indirect_dma source(%dma_start3A_239 : memref<2000x128xf32, #tpu.memory_space<hbm>>) target(%arg15 : memref<50x128xf32, #tpu.memory_space<vmem>>) offsets(%arg11 : memref<50xi32, #tpu.memory_space<vmem>>) semaphore(%arg21 : memref<!tpu.dma_semaphore, #tpu.memory_space<semaphore_mem>>)
      } else {
      }
      %dma_start3A_187 = arith.constant 0 : i32
      %dma_start3A_188 = arith.constant 0 : i32
      %dma_start3A_189 = tpu.memref_slice %arg16[%dma_start3A_187, %dma_start3A_188] : memref<2000x128xf32, #tpu.memory_space<vmem_shared>> -> memref<2000x128xf32, #tpu.memory_space<vmem_shared>>
      tpu.enqueue_indirect_dma source(%arg14 : memref<50x128xf32, #tpu.memory_space<vmem>>) target(%dma_start3A_189 : memref<2000x128xf32, #tpu.memory_space<vmem_shared>>) offsets(%arg12 : memref<50xi32, #tpu.memory_space<vmem>>) semaphore(%arg22 : memref<!tpu.dma_semaphore, #tpu.memory_space<semaphore_mem>>) {add = true}
      %mul3A_190 = arith.constant 2 : i32
      %mul3A_191 = arith.muli %mul3A_190, %scan3A_167 : i32
      %add3A_192 = arith.constant 1 : i32
      %add3A_193 = arith.addi %mul3A_191, %add3A_192 : i32
      %dma_wait3A_194 = arith.constant 0 : i32
      %dma_wait3A_195 = arith.constant 0 : i32
      %dma_wait3A_196 = tpu.memref_slice %arg2[%dma_wait3A_194, %dma_wait3A_195] : memref<2000x128xf32, #tpu.memory_space<hbm>> -> memref<2000x128xf32, #tpu.memory_space<hbm>>
      tpu.wait_indirect_dma semaphore(%arg21 : memref<!tpu.dma_semaphore, #tpu.memory_space<semaphore_mem>>) src(%dma_wait3A_196 : memref<2000x128xf32, #tpu.memory_space<hbm>>) dst(%arg15 : memref<50x128xf32, #tpu.memory_space<vmem>>)
      %add3A_197 = arith.constant 2 : i32
      %add3A_198 = arith.addi %add3A_193, %add3A_197 : i32
      %lt3A_199 = arith.constant 40 : i32
      %lt3A_200 = arith.cmpi slt, %add3A_198, %lt3A_199 : i32
      %convert_element_type3A_201 = arith.extui %lt3A_200 : i1 to i32
      %cond3A_202 = arith.constant 0 : i32
      %cond3A_203 = arith.cmpi ne, %convert_element_type3A_201, %cond3A_202 : i32
      scf.if %cond3A_203 {
        %add3A_215 = arith.constant 2 : i32
        %add3A_216 = arith.addi %add3A_193, %add3A_215 : i32
        %dma_start3A_217 = arith.constant 0 : i32
        %dma_start3A_218 = arith.constant 0 : i32
        %dma_start3A_219 = tpu.memref_slice %arg4[%add3A, %add3A_216, %dma_start3A_217, %dma_start3A_218] : memref<32x40x1x50xi32, #tpu.memory_space<hbm>> -> memref<1x1x1x50xi32, #tpu.memory_space<hbm>>
        %dma_start3A_220 = tpu.memref_squeeze %dma_start3A_219 : memref<1x1x1x50xi32, #tpu.memory_space<hbm>> -> memref<50xi32, #tpu.memory_space<hbm>>
        %dma_start3A_221 = arith.constant 0 : i32
        %dma_start3A_222 = tpu.memref_slice %arg4[%add3A, %add3A_216, %dma_start3A_217, %dma_start3A_221] : memref<32x40x1x50xi32, #tpu.memory_space<hbm>> -> memref<1x1x1x50xi32, #tpu.memory_space<hbm>>
        %dma_start3A_223 = tpu.memref_squeeze %dma_start3A_222 : memref<1x1x1x50xi32, #tpu.memory_space<hbm>> -> memref<50xi32, #tpu.memory_space<hbm>>
        tpu.enqueue_dma source(%dma_start3A_223 : memref<50xi32, #tpu.memory_space<hbm>>) target(%arg11 : memref<50xi32, #tpu.memory_space<vmem>>) target_semaphore(%arg19 : memref<!tpu.dma_semaphore, #tpu.memory_space<semaphore_mem>>)
        %dma_start3A_224 = arith.constant 0 : i32
        %dma_start3A_225 = arith.constant 0 : i32
        %dma_start3A_226 = tpu.memref_slice %arg5[%add3A, %add3A_216, %dma_start3A_224, %dma_start3A_225] : memref<32x40x1x50xi32, #tpu.memory_space<hbm>> -> memref<1x1x1x50xi32, #tpu.memory_space<hbm>>
        %dma_start3A_227 = tpu.memref_squeeze %dma_start3A_226 : memref<1x1x1x50xi32, #tpu.memory_space<hbm>> -> memref<50xi32, #tpu.memory_space<hbm>>
        %dma_start3A_228 = arith.constant 0 : i32
        %dma_start3A_229 = tpu.memref_slice %arg5[%add3A, %add3A_216, %dma_start3A_224, %dma_start3A_228] : memref<32x40x1x50xi32, #tpu.memory_space<hbm>> -> memref<1x1x1x50xi32, #tpu.memory_space<hbm>>
        %dma_start3A_230 = tpu.memref_squeeze %dma_start3A_229 : memref<1x1x1x50xi32, #tpu.memory_space<hbm>> -> memref<50xi32, #tpu.memory_space<hbm>>
        tpu.enqueue_dma source(%dma_start3A_230 : memref<50xi32, #tpu.memory_space<hbm>>) target(%arg13 : memref<50xi32, #tpu.memory_space<vmem>>) target_semaphore(%arg19 : memref<!tpu.dma_semaphore, #tpu.memory_space<semaphore_mem>>)
      } else {
      }
      %add3A_204 = arith.constant 1 : i32
      %add3A_205 = arith.addi %add3A_193, %add3A_204 : i32
      %lt3A_206 = arith.constant 40 : i32
      %lt3A_207 = arith.cmpi slt, %add3A_205, %lt3A_206 : i32
      %convert_element_type3A_208 = arith.extui %lt3A_207 : i1 to i32
      %cond3A_209 = arith.constant 0 : i32
      %cond3A_210 = arith.cmpi ne, %convert_element_type3A_208, %cond3A_209 : i32
      scf.if %cond3A_210 {
        %dma_wait3A_215 = arith.constant 0 : i32
        %dma_wait3A_216 = arith.constant 0 : i32
        %dma_wait3A_217 = arith.constant 0 : i32
        %dma_wait3A_218 = arith.constant 0 : i32
        %dma_wait3A_219 = tpu.memref_slice %arg4[%dma_wait3A_215, %dma_wait3A_216, %dma_wait3A_217, %dma_wait3A_218] : memref<32x40x1x50xi32, #tpu.memory_space<hbm>> -> memref<1x1x1x50xi32, #tpu.memory_space<hbm>>
        %dma_wait3A_220 = tpu.memref_squeeze %dma_wait3A_219 : memref<1x1x1x50xi32, #tpu.memory_space<hbm>> -> memref<50xi32, #tpu.memory_space<hbm>>
        %dma_wait3A_221 = arith.constant 0 : i32
        %dma_wait3A_222 = tpu.memref_slice %arg4[%dma_wait3A_215, %dma_wait3A_216, %dma_wait3A_217, %dma_wait3A_221] : memref<32x40x1x50xi32, #tpu.memory_space<hbm>> -> memref<1x1x1x50xi32, #tpu.memory_space<hbm>>
        %dma_wait3A_223 = tpu.memref_squeeze %dma_wait3A_222 : memref<1x1x1x50xi32, #tpu.memory_space<hbm>> -> memref<50xi32, #tpu.memory_space<hbm>>
        tpu.wait_dma2 semaphore(%arg18 : memref<!tpu.dma_semaphore, #tpu.memory_space<semaphore_mem>>) src(%dma_wait3A_223 : memref<50xi32, #tpu.memory_space<hbm>>) dst(%arg10 : memref<50xi32, #tpu.memory_space<vmem>>)
        %dma_wait3A_224 = arith.constant 0 : i32
        %dma_wait3A_225 = arith.constant 0 : i32
        %dma_wait3A_226 = arith.constant 0 : i32
        %dma_wait3A_227 = arith.constant 0 : i32
        %dma_wait3A_228 = tpu.memref_slice %arg4[%dma_wait3A_224, %dma_wait3A_225, %dma_wait3A_226, %dma_wait3A_227] : memref<32x40x1x50xi32, #tpu.memory_space<hbm>> -> memref<1x1x1x50xi32, #tpu.memory_space<hbm>>
        %dma_wait3A_229 = tpu.memref_squeeze %dma_wait3A_228 : memref<1x1x1x50xi32, #tpu.memory_space<hbm>> -> memref<50xi32, #tpu.memory_space<hbm>>
        %dma_wait3A_230 = arith.constant 0 : i32
        %dma_wait3A_231 = tpu.memref_slice %arg4[%dma_wait3A_224, %dma_wait3A_225, %dma_wait3A_226, %dma_wait3A_230] : memref<32x40x1x50xi32, #tpu.memory_space<hbm>> -> memref<1x1x1x50xi32, #tpu.memory_space<hbm>>
        %dma_wait3A_232 = tpu.memref_squeeze %dma_wait3A_231 : memref<1x1x1x50xi32, #tpu.memory_space<hbm>> -> memref<50xi32, #tpu.memory_space<hbm>>
        tpu.wait_dma2 semaphore(%arg18 : memref<!tpu.dma_semaphore, #tpu.memory_space<semaphore_mem>>) src(%dma_wait3A_232 : memref<50xi32, #tpu.memory_space<hbm>>) dst(%arg12 : memref<50xi32, #tpu.memory_space<vmem>>)
        %ge3A = arith.constant 1 : i32
        %ge3A_233 = arith.cmpi sge, %add3A_193, %ge3A : i32
        %convert_element_type3A_234 = arith.extui %ge3A_233 : i1 to i32
        %cond3A_235 = arith.constant 0 : i32
        %cond3A_236 = arith.cmpi ne, %convert_element_type3A_234, %cond3A_235 : i32
        scf.if %cond3A_236 {
          %dma_wait3A_240 = arith.constant 0 : i32
          %dma_wait3A_241 = arith.constant 0 : i32
          %dma_wait3A_242 = tpu.memref_slice %arg16[%dma_wait3A_240, %dma_wait3A_241] : memref<2000x128xf32, #tpu.memory_space<vmem_shared>> -> memref<2000x128xf32, #tpu.memory_space<vmem_shared>>
          tpu.wait_indirect_dma semaphore(%arg22 : memref<!tpu.dma_semaphore, #tpu.memory_space<semaphore_mem>>) src(%arg14 : memref<50x128xf32, #tpu.memory_space<vmem>>) dst(%dma_wait3A_242 : memref<2000x128xf32, #tpu.memory_space<vmem_shared>>)
        } else {
        }
        %dma_start3A_237 = arith.constant 0 : i32
        %dma_start3A_238 = arith.constant 0 : i32
        %dma_start3A_239 = tpu.memref_slice %arg2[%dma_start3A_237, %dma_start3A_238] : memref<2000x128xf32, #tpu.memory_space<hbm>> -> memref<2000x128xf32, #tpu.memory_space<hbm>>
        tpu.enqueue_indirect_dma source(%dma_start3A_239 : memref<2000x128xf32, #tpu.memory_space<hbm>>) target(%arg14 : memref<50x128xf32, #tpu.memory_space<vmem>>) offsets(%arg10 : memref<50xi32, #tpu.memory_space<vmem>>) semaphore(%arg20 : memref<!tpu.dma_semaphore, #tpu.memory_space<semaphore_mem>>)
      } else {
      }
      %dma_start3A_211 = arith.constant 0 : i32
      %dma_start3A_212 = arith.constant 0 : i32
      %dma_start3A_213 = tpu.memref_slice %arg16[%dma_start3A_211, %dma_start3A_212] : memref<2000x128xf32, #tpu.memory_space<vmem_shared>> -> memref<2000x128xf32, #tpu.memory_space<vmem_shared>>
      tpu.enqueue_indirect_dma source(%arg15 : memref<50x128xf32, #tpu.memory_space<vmem>>) target(%dma_start3A_213 : memref<2000x128xf32, #tpu.memory_space<vmem_shared>>) offsets(%arg13 : memref<50xi32, #tpu.memory_space<vmem>>) semaphore(%arg23 : memref<!tpu.dma_semaphore, #tpu.memory_space<semaphore_mem>>) {add = true}
      %scan3A_214 = arith.constant 0 : i32
      scf.yield %scan3A_214 : i32
    }
    %scan3A_72 = arith.constant 20 : i32
    %dma_wait3A_73 = arith.constant 0 : i32
    %dma_wait3A_74 = arith.constant 0 : i32
    %dma_wait3A_75 = tpu.memref_slice %arg16[%dma_wait3A_73, %dma_wait3A_74] : memref<2000x128xf32, #tpu.memory_space<vmem_shared>> -> memref<2000x128xf32, #tpu.memory_space<vmem_shared>>
    tpu.wait_indirect_dma semaphore(%arg22 : memref<!tpu.dma_semaphore, #tpu.memory_space<semaphore_mem>>) src(%arg14 : memref<50x128xf32, #tpu.memory_space<vmem>>) dst(%dma_wait3A_75 : memref<2000x128xf32, #tpu.memory_space<vmem_shared>>)
    %dma_wait3A_76 = arith.constant 0 : i32
    %dma_wait3A_77 = arith.constant 0 : i32
    %dma_wait3A_78 = tpu.memref_slice %arg16[%dma_wait3A_76, %dma_wait3A_77] : memref<2000x128xf32, #tpu.memory_space<vmem_shared>> -> memref<2000x128xf32, #tpu.memory_space<vmem_shared>>
    tpu.wait_indirect_dma semaphore(%arg23 : memref<!tpu.dma_semaphore, #tpu.memory_space<semaphore_mem>>) src(%arg15 : memref<50x128xf32, #tpu.memory_space<vmem>>) dst(%dma_wait3A_78 : memref<2000x128xf32, #tpu.memory_space<vmem_shared>>)
    %dma_start3A_79 = arith.constant 0 : i32
    %dma_start3A_80 = arith.constant 0 : i32
    %dma_start3A_81 = arith.constant 0 : i32
    %dma_start3A_82 = tpu.memref_slice %arg6[%add3A, %dma_start3A_79, %dma_start3A_80, %dma_start3A_81] : memref<32x40x1x50xi32, #tpu.memory_space<hbm>> -> memref<1x1x1x50xi32, #tpu.memory_space<hbm>>
    %dma_start3A_83 = tpu.memref_squeeze %dma_start3A_82 : memref<1x1x1x50xi32, #tpu.memory_space<hbm>> -> memref<50xi32, #tpu.memory_space<hbm>>
    %dma_start3A_84 = arith.constant 0 : i32
    %dma_start3A_85 = tpu.memref_slice %arg6[%add3A, %dma_start3A_79, %dma_start3A_80, %dma_start3A_84] : memref<32x40x1x50xi32, #tpu.memory_space<hbm>> -> memref<1x1x1x50xi32, #tpu.memory_space<hbm>>
    %dma_start3A_86 = tpu.memref_squeeze %dma_start3A_85 : memref<1x1x1x50xi32, #tpu.memory_space<hbm>> -> memref<50xi32, #tpu.memory_space<hbm>>
    tpu.enqueue_dma source(%dma_start3A_86 : memref<50xi32, #tpu.memory_space<hbm>>) target(%arg10 : memref<50xi32, #tpu.memory_space<vmem>>) target_semaphore(%arg18 : memref<!tpu.dma_semaphore, #tpu.memory_space<semaphore_mem>>)
    %dma_start3A_87 = arith.constant 0 : i32
    %dma_start3A_88 = arith.constant 0 : i32
    %dma_start3A_89 = arith.constant 0 : i32
    %dma_start3A_90 = tpu.memref_slice %arg7[%add3A, %dma_start3A_87, %dma_start3A_88, %dma_start3A_89] : memref<32x40x1x50xi32, #tpu.memory_space<hbm>> -> memref<1x1x1x50xi32, #tpu.memory_space<hbm>>
    %dma_start3A_91 = tpu.memref_squeeze %dma_start3A_90 : memref<1x1x1x50xi32, #tpu.memory_space<hbm>> -> memref<50xi32, #tpu.memory_space<hbm>>
    %dma_start3A_92 = arith.constant 0 : i32
    %dma_start3A_93 = tpu.memref_slice %arg7[%add3A, %dma_start3A_87, %dma_start3A_88, %dma_start3A_92] : memref<32x40x1x50xi32, #tpu.memory_space<hbm>> -> memref<1x1x1x50xi32, #tpu.memory_space<hbm>>
    %dma_start3A_94 = tpu.memref_squeeze %dma_start3A_93 : memref<1x1x1x50xi32, #tpu.memory_space<hbm>> -> memref<50xi32, #tpu.memory_space<hbm>>
    tpu.enqueue_dma source(%dma_start3A_94 : memref<50xi32, #tpu.memory_space<hbm>>) target(%arg12 : memref<50xi32, #tpu.memory_space<vmem>>) target_semaphore(%arg18 : memref<!tpu.dma_semaphore, #tpu.memory_space<semaphore_mem>>)
    %dma_start3A_95 = arith.constant 1 : i32
    %dma_start3A_96 = arith.constant 0 : i32
    %dma_start3A_97 = arith.constant 0 : i32
    %dma_start3A_98 = tpu.memref_slice %arg6[%add3A, %dma_start3A_95, %dma_start3A_96, %dma_start3A_97] : memref<32x40x1x50xi32, #tpu.memory_space<hbm>> -> memref<1x1x1x50xi32, #tpu.memory_space<hbm>>
    %dma_start3A_99 = tpu.memref_squeeze %dma_start3A_98 : memref<1x1x1x50xi32, #tpu.memory_space<hbm>> -> memref<50xi32, #tpu.memory_space<hbm>>
    %dma_start3A_100 = arith.constant 0 : i32
    %dma_start3A_101 = tpu.memref_slice %arg6[%add3A, %dma_start3A_95, %dma_start3A_96, %dma_start3A_100] : memref<32x40x1x50xi32, #tpu.memory_space<hbm>> -> memref<1x1x1x50xi32, #tpu.memory_space<hbm>>
    %dma_start3A_102 = tpu.memref_squeeze %dma_start3A_101 : memref<1x1x1x50xi32, #tpu.memory_space<hbm>> -> memref<50xi32, #tpu.memory_space<hbm>>
    tpu.enqueue_dma source(%dma_start3A_102 : memref<50xi32, #tpu.memory_space<hbm>>) target(%arg11 : memref<50xi32, #tpu.memory_space<vmem>>) target_semaphore(%arg19 : memref<!tpu.dma_semaphore, #tpu.memory_space<semaphore_mem>>)
    %dma_start3A_103 = arith.constant 1 : i32
    %dma_start3A_104 = arith.constant 0 : i32
    %dma_start3A_105 = arith.constant 0 : i32
    %dma_start3A_106 = tpu.memref_slice %arg7[%add3A, %dma_start3A_103, %dma_start3A_104, %dma_start3A_105] : memref<32x40x1x50xi32, #tpu.memory_space<hbm>> -> memref<1x1x1x50xi32, #tpu.memory_space<hbm>>
    %dma_start3A_107 = tpu.memref_squeeze %dma_start3A_106 : memref<1x1x1x50xi32, #tpu.memory_space<hbm>> -> memref<50xi32, #tpu.memory_space<hbm>>
    %dma_start3A_108 = arith.constant 0 : i32
    %dma_start3A_109 = tpu.memref_slice %arg7[%add3A, %dma_start3A_103, %dma_start3A_104, %dma_start3A_108] : memref<32x40x1x50xi32, #tpu.memory_space<hbm>> -> memref<1x1x1x50xi32, #tpu.memory_space<hbm>>
    %dma_start3A_110 = tpu.memref_squeeze %dma_start3A_109 : memref<1x1x1x50xi32, #tpu.memory_space<hbm>> -> memref<50xi32, #tpu.memory_space<hbm>>
    tpu.enqueue_dma source(%dma_start3A_110 : memref<50xi32, #tpu.memory_space<hbm>>) target(%arg13 : memref<50xi32, #tpu.memory_space<vmem>>) target_semaphore(%arg19 : memref<!tpu.dma_semaphore, #tpu.memory_space<semaphore_mem>>)
    %dma_wait3A_111 = arith.constant 0 : i32
    %dma_wait3A_112 = arith.constant 0 : i32
    %dma_wait3A_113 = arith.constant 0 : i32
    %dma_wait3A_114 = arith.constant 0 : i32
    %dma_wait3A_115 = tpu.memref_slice %arg6[%dma_wait3A_111, %dma_wait3A_112, %dma_wait3A_113, %dma_wait3A_114] : memref<32x40x1x50xi32, #tpu.memory_space<hbm>> -> memref<1x1x1x50xi32, #tpu.memory_space<hbm>>
    %dma_wait3A_116 = tpu.memref_squeeze %dma_wait3A_115 : memref<1x1x1x50xi32, #tpu.memory_space<hbm>> -> memref<50xi32, #tpu.memory_space<hbm>>
    %dma_wait3A_117 = arith.constant 0 : i32
    %dma_wait3A_118 = tpu.memref_slice %arg6[%dma_wait3A_111, %dma_wait3A_112, %dma_wait3A_113, %dma_wait3A_117] : memref<32x40x1x50xi32, #tpu.memory_space<hbm>> -> memref<1x1x1x50xi32, #tpu.memory_space<hbm>>
    %dma_wait3A_119 = tpu.memref_squeeze %dma_wait3A_118 : memref<1x1x1x50xi32, #tpu.memory_space<hbm>> -> memref<50xi32, #tpu.memory_space<hbm>>
    tpu.wait_dma2 semaphore(%arg18 : memref<!tpu.dma_semaphore, #tpu.memory_space<semaphore_mem>>) src(%dma_wait3A_119 : memref<50xi32, #tpu.memory_space<hbm>>) dst(%arg10 : memref<50xi32, #tpu.memory_space<vmem>>)
    %dma_wait3A_120 = arith.constant 0 : i32
    %dma_wait3A_121 = arith.constant 0 : i32
    %dma_wait3A_122 = arith.constant 0 : i32
    %dma_wait3A_123 = arith.constant 0 : i32
    %dma_wait3A_124 = tpu.memref_slice %arg6[%dma_wait3A_120, %dma_wait3A_121, %dma_wait3A_122, %dma_wait3A_123] : memref<32x40x1x50xi32, #tpu.memory_space<hbm>> -> memref<1x1x1x50xi32, #tpu.memory_space<hbm>>
    %dma_wait3A_125 = tpu.memref_squeeze %dma_wait3A_124 : memref<1x1x1x50xi32, #tpu.memory_space<hbm>> -> memref<50xi32, #tpu.memory_space<hbm>>
    %dma_wait3A_126 = arith.constant 0 : i32
    %dma_wait3A_127 = tpu.memref_slice %arg6[%dma_wait3A_120, %dma_wait3A_121, %dma_wait3A_122, %dma_wait3A_126] : memref<32x40x1x50xi32, #tpu.memory_space<hbm>> -> memref<1x1x1x50xi32, #tpu.memory_space<hbm>>
    %dma_wait3A_128 = tpu.memref_squeeze %dma_wait3A_127 : memref<1x1x1x50xi32, #tpu.memory_space<hbm>> -> memref<50xi32, #tpu.memory_space<hbm>>
    tpu.wait_dma2 semaphore(%arg18 : memref<!tpu.dma_semaphore, #tpu.memory_space<semaphore_mem>>) src(%dma_wait3A_128 : memref<50xi32, #tpu.memory_space<hbm>>) dst(%arg12 : memref<50xi32, #tpu.memory_space<vmem>>)
    %dma_start3A_129 = arith.constant 0 : i32
    %dma_start3A_130 = arith.constant 0 : i32
    %dma_start3A_131 = tpu.memref_slice %arg3[%dma_start3A_129, %dma_start3A_130] : memref<2000x128xf32, #tpu.memory_space<hbm>> -> memref<2000x128xf32, #tpu.memory_space<hbm>>
    tpu.enqueue_indirect_dma source(%dma_start3A_131 : memref<2000x128xf32, #tpu.memory_space<hbm>>) target(%arg14 : memref<50x128xf32, #tpu.memory_space<vmem>>) offsets(%arg10 : memref<50xi32, #tpu.memory_space<vmem>>) semaphore(%arg20 : memref<!tpu.dma_semaphore, #tpu.memory_space<semaphore_mem>>)
    %scan3A_132 = arith.constant 0 : i32
    %scan3A_133 = arith.constant 0 : i32
    %scan3A_134 = arith.constant 20 : i32
    %scan3A_135 = arith.addi %scan3A_133, %scan3A_134 : i32
    %scan3A_136 = arith.constant 1 : i32
    %scan3A_137 = scf.for %scan3A_167 = %scan3A_133 to %scan3A_135 step %scan3A_136 iter_args(%scan3A_168 = %scan3A_132) -> (i32)  : i32 {
      %mul3A_169 = arith.constant 2 : i32
      %mul3A_170 = arith.muli %mul3A_169, %scan3A_167 : i32
      %dma_wait3A_171 = arith.constant 0 : i32
      %dma_wait3A_172 = arith.constant 0 : i32
      %dma_wait3A_173 = tpu.memref_slice %arg3[%dma_wait3A_171, %dma_wait3A_172] : memref<2000x128xf32, #tpu.memory_space<hbm>> -> memref<2000x128xf32, #tpu.memory_space<hbm>>
      tpu.wait_indirect_dma semaphore(%arg20 : memref<!tpu.dma_semaphore, #tpu.memory_space<semaphore_mem>>) src(%dma_wait3A_173 : memref<2000x128xf32, #tpu.memory_space<hbm>>) dst(%arg14 : memref<50x128xf32, #tpu.memory_space<vmem>>)
      %add3A_174 = arith.constant 2 : i32
      %add3A_175 = arith.addi %mul3A_170, %add3A_174 : i32
      %lt3A = arith.constant 40 : i32
      %lt3A_176 = arith.cmpi slt, %add3A_175, %lt3A : i32
      %convert_element_type3A_177 = arith.extui %lt3A_176 : i1 to i32
      %cond3A_178 = arith.constant 0 : i32
      %cond3A_179 = arith.cmpi ne, %convert_element_type3A_177, %cond3A_178 : i32
      scf.if %cond3A_179 {
        %add3A_215 = arith.constant 2 : i32
        %add3A_216 = arith.addi %mul3A_170, %add3A_215 : i32
        %dma_start3A_217 = arith.constant 0 : i32
        %dma_start3A_218 = arith.constant 0 : i32
        %dma_start3A_219 = tpu.memref_slice %arg6[%add3A, %add3A_216, %dma_start3A_217, %dma_start3A_218] : memref<32x40x1x50xi32, #tpu.memory_space<hbm>> -> memref<1x1x1x50xi32, #tpu.memory_space<hbm>>
        %dma_start3A_220 = tpu.memref_squeeze %dma_start3A_219 : memref<1x1x1x50xi32, #tpu.memory_space<hbm>> -> memref<50xi32, #tpu.memory_space<hbm>>
        %dma_start3A_221 = arith.constant 0 : i32
        %dma_start3A_222 = tpu.memref_slice %arg6[%add3A, %add3A_216, %dma_start3A_217, %dma_start3A_221] : memref<32x40x1x50xi32, #tpu.memory_space<hbm>> -> memref<1x1x1x50xi32, #tpu.memory_space<hbm>>
        %dma_start3A_223 = tpu.memref_squeeze %dma_start3A_222 : memref<1x1x1x50xi32, #tpu.memory_space<hbm>> -> memref<50xi32, #tpu.memory_space<hbm>>
        tpu.enqueue_dma source(%dma_start3A_223 : memref<50xi32, #tpu.memory_space<hbm>>) target(%arg10 : memref<50xi32, #tpu.memory_space<vmem>>) target_semaphore(%arg18 : memref<!tpu.dma_semaphore, #tpu.memory_space<semaphore_mem>>)
        %dma_start3A_224 = arith.constant 0 : i32
        %dma_start3A_225 = arith.constant 0 : i32
        %dma_start3A_226 = tpu.memref_slice %arg7[%add3A, %add3A_216, %dma_start3A_224, %dma_start3A_225] : memref<32x40x1x50xi32, #tpu.memory_space<hbm>> -> memref<1x1x1x50xi32, #tpu.memory_space<hbm>>
        %dma_start3A_227 = tpu.memref_squeeze %dma_start3A_226 : memref<1x1x1x50xi32, #tpu.memory_space<hbm>> -> memref<50xi32, #tpu.memory_space<hbm>>
        %dma_start3A_228 = arith.constant 0 : i32
        %dma_start3A_229 = tpu.memref_slice %arg7[%add3A, %add3A_216, %dma_start3A_224, %dma_start3A_228] : memref<32x40x1x50xi32, #tpu.memory_space<hbm>> -> memref<1x1x1x50xi32, #tpu.memory_space<hbm>>
        %dma_start3A_230 = tpu.memref_squeeze %dma_start3A_229 : memref<1x1x1x50xi32, #tpu.memory_space<hbm>> -> memref<50xi32, #tpu.memory_space<hbm>>
        tpu.enqueue_dma source(%dma_start3A_230 : memref<50xi32, #tpu.memory_space<hbm>>) target(%arg12 : memref<50xi32, #tpu.memory_space<vmem>>) target_semaphore(%arg18 : memref<!tpu.dma_semaphore, #tpu.memory_space<semaphore_mem>>)
      } else {
      }
      %add3A_180 = arith.constant 1 : i32
      %add3A_181 = arith.addi %mul3A_170, %add3A_180 : i32
      %lt3A_182 = arith.constant 40 : i32
      %lt3A_183 = arith.cmpi slt, %add3A_181, %lt3A_182 : i32
      %convert_element_type3A_184 = arith.extui %lt3A_183 : i1 to i32
      %cond3A_185 = arith.constant 0 : i32
      %cond3A_186 = arith.cmpi ne, %convert_element_type3A_184, %cond3A_185 : i32
      scf.if %cond3A_186 {
        %dma_wait3A_215 = arith.constant 0 : i32
        %dma_wait3A_216 = arith.constant 0 : i32
        %dma_wait3A_217 = arith.constant 0 : i32
        %dma_wait3A_218 = arith.constant 0 : i32
        %dma_wait3A_219 = tpu.memref_slice %arg6[%dma_wait3A_215, %dma_wait3A_216, %dma_wait3A_217, %dma_wait3A_218] : memref<32x40x1x50xi32, #tpu.memory_space<hbm>> -> memref<1x1x1x50xi32, #tpu.memory_space<hbm>>
        %dma_wait3A_220 = tpu.memref_squeeze %dma_wait3A_219 : memref<1x1x1x50xi32, #tpu.memory_space<hbm>> -> memref<50xi32, #tpu.memory_space<hbm>>
        %dma_wait3A_221 = arith.constant 0 : i32
        %dma_wait3A_222 = tpu.memref_slice %arg6[%dma_wait3A_215, %dma_wait3A_216, %dma_wait3A_217, %dma_wait3A_221] : memref<32x40x1x50xi32, #tpu.memory_space<hbm>> -> memref<1x1x1x50xi32, #tpu.memory_space<hbm>>
        %dma_wait3A_223 = tpu.memref_squeeze %dma_wait3A_222 : memref<1x1x1x50xi32, #tpu.memory_space<hbm>> -> memref<50xi32, #tpu.memory_space<hbm>>
        tpu.wait_dma2 semaphore(%arg19 : memref<!tpu.dma_semaphore, #tpu.memory_space<semaphore_mem>>) src(%dma_wait3A_223 : memref<50xi32, #tpu.memory_space<hbm>>) dst(%arg11 : memref<50xi32, #tpu.memory_space<vmem>>)
        %dma_wait3A_224 = arith.constant 0 : i32
        %dma_wait3A_225 = arith.constant 0 : i32
        %dma_wait3A_226 = arith.constant 0 : i32
        %dma_wait3A_227 = arith.constant 0 : i32
        %dma_wait3A_228 = tpu.memref_slice %arg6[%dma_wait3A_224, %dma_wait3A_225, %dma_wait3A_226, %dma_wait3A_227] : memref<32x40x1x50xi32, #tpu.memory_space<hbm>> -> memref<1x1x1x50xi32, #tpu.memory_space<hbm>>
        %dma_wait3A_229 = tpu.memref_squeeze %dma_wait3A_228 : memref<1x1x1x50xi32, #tpu.memory_space<hbm>> -> memref<50xi32, #tpu.memory_space<hbm>>
        %dma_wait3A_230 = arith.constant 0 : i32
        %dma_wait3A_231 = tpu.memref_slice %arg6[%dma_wait3A_224, %dma_wait3A_225, %dma_wait3A_226, %dma_wait3A_230] : memref<32x40x1x50xi32, #tpu.memory_space<hbm>> -> memref<1x1x1x50xi32, #tpu.memory_space<hbm>>
        %dma_wait3A_232 = tpu.memref_squeeze %dma_wait3A_231 : memref<1x1x1x50xi32, #tpu.memory_space<hbm>> -> memref<50xi32, #tpu.memory_space<hbm>>
        tpu.wait_dma2 semaphore(%arg19 : memref<!tpu.dma_semaphore, #tpu.memory_space<semaphore_mem>>) src(%dma_wait3A_232 : memref<50xi32, #tpu.memory_space<hbm>>) dst(%arg13 : memref<50xi32, #tpu.memory_space<vmem>>)
        %ge3A = arith.constant 1 : i32
        %ge3A_233 = arith.cmpi sge, %mul3A_170, %ge3A : i32
        %convert_element_type3A_234 = arith.extui %ge3A_233 : i1 to i32
        %cond3A_235 = arith.constant 0 : i32
        %cond3A_236 = arith.cmpi ne, %convert_element_type3A_234, %cond3A_235 : i32
        scf.if %cond3A_236 {
          %dma_wait3A_240 = arith.constant 0 : i32
          %dma_wait3A_241 = arith.constant 0 : i32
          %dma_wait3A_242 = tpu.memref_slice %arg17[%dma_wait3A_240, %dma_wait3A_241] : memref<2000x128xf32, #tpu.memory_space<vmem_shared>> -> memref<2000x128xf32, #tpu.memory_space<vmem_shared>>
          tpu.wait_indirect_dma semaphore(%arg23 : memref<!tpu.dma_semaphore, #tpu.memory_space<semaphore_mem>>) src(%arg15 : memref<50x128xf32, #tpu.memory_space<vmem>>) dst(%dma_wait3A_242 : memref<2000x128xf32, #tpu.memory_space<vmem_shared>>)
        } else {
        }
        %dma_start3A_237 = arith.constant 0 : i32
        %dma_start3A_238 = arith.constant 0 : i32
        %dma_start3A_239 = tpu.memref_slice %arg3[%dma_start3A_237, %dma_start3A_238] : memref<2000x128xf32, #tpu.memory_space<hbm>> -> memref<2000x128xf32, #tpu.memory_space<hbm>>
        tpu.enqueue_indirect_dma source(%dma_start3A_239 : memref<2000x128xf32, #tpu.memory_space<hbm>>) target(%arg15 : memref<50x128xf32, #tpu.memory_space<vmem>>) offsets(%arg11 : memref<50xi32, #tpu.memory_space<vmem>>) semaphore(%arg21 : memref<!tpu.dma_semaphore, #tpu.memory_space<semaphore_mem>>)
      } else {
      }
      %dma_start3A_187 = arith.constant 0 : i32
      %dma_start3A_188 = arith.constant 0 : i32
      %dma_start3A_189 = tpu.memref_slice %arg17[%dma_start3A_187, %dma_start3A_188] : memref<2000x128xf32, #tpu.memory_space<vmem_shared>> -> memref<2000x128xf32, #tpu.memory_space<vmem_shared>>
      tpu.enqueue_indirect_dma source(%arg14 : memref<50x128xf32, #tpu.memory_space<vmem>>) target(%dma_start3A_189 : memref<2000x128xf32, #tpu.memory_space<vmem_shared>>) offsets(%arg12 : memref<50xi32, #tpu.memory_space<vmem>>) semaphore(%arg22 : memref<!tpu.dma_semaphore, #tpu.memory_space<semaphore_mem>>) {add = true}
      %mul3A_190 = arith.constant 2 : i32
      %mul3A_191 = arith.muli %mul3A_190, %scan3A_167 : i32
      %add3A_192 = arith.constant 1 : i32
      %add3A_193 = arith.addi %mul3A_191, %add3A_192 : i32
      %dma_wait3A_194 = arith.constant 0 : i32
      %dma_wait3A_195 = arith.constant 0 : i32
      %dma_wait3A_196 = tpu.memref_slice %arg3[%dma_wait3A_194, %dma_wait3A_195] : memref<2000x128xf32, #tpu.memory_space<hbm>> -> memref<2000x128xf32, #tpu.memory_space<hbm>>
      tpu.wait_indirect_dma semaphore(%arg21 : memref<!tpu.dma_semaphore, #tpu.memory_space<semaphore_mem>>) src(%dma_wait3A_196 : memref<2000x128xf32, #tpu.memory_space<hbm>>) dst(%arg15 : memref<50x128xf32, #tpu.memory_space<vmem>>)
      %add3A_197 = arith.constant 2 : i32
      %add3A_198 = arith.addi %add3A_193, %add3A_197 : i32
      %lt3A_199 = arith.constant 40 : i32
      %lt3A_200 = arith.cmpi slt, %add3A_198, %lt3A_199 : i32
      %convert_element_type3A_201 = arith.extui %lt3A_200 : i1 to i32
      %cond3A_202 = arith.constant 0 : i32
      %cond3A_203 = arith.cmpi ne, %convert_element_type3A_201, %cond3A_202 : i32
      scf.if %cond3A_203 {
        %add3A_215 = arith.constant 2 : i32
        %add3A_216 = arith.addi %add3A_193, %add3A_215 : i32
        %dma_start3A_217 = arith.constant 0 : i32
        %dma_start3A_218 = arith.constant 0 : i32
        %dma_start3A_219 = tpu.memref_slice %arg6[%add3A, %add3A_216, %dma_start3A_217, %dma_start3A_218] : memref<32x40x1x50xi32, #tpu.memory_space<hbm>> -> memref<1x1x1x50xi32, #tpu.memory_space<hbm>>
        %dma_start3A_220 = tpu.memref_squeeze %dma_start3A_219 : memref<1x1x1x50xi32, #tpu.memory_space<hbm>> -> memref<50xi32, #tpu.memory_space<hbm>>
        %dma_start3A_221 = arith.constant 0 : i32
        %dma_start3A_222 = tpu.memref_slice %arg6[%add3A, %add3A_216, %dma_start3A_217, %dma_start3A_221] : memref<32x40x1x50xi32, #tpu.memory_space<hbm>> -> memref<1x1x1x50xi32, #tpu.memory_space<hbm>>
        %dma_start3A_223 = tpu.memref_squeeze %dma_start3A_222 : memref<1x1x1x50xi32, #tpu.memory_space<hbm>> -> memref<50xi32, #tpu.memory_space<hbm>>
        tpu.enqueue_dma source(%dma_start3A_223 : memref<50xi32, #tpu.memory_space<hbm>>) target(%arg11 : memref<50xi32, #tpu.memory_space<vmem>>) target_semaphore(%arg19 : memref<!tpu.dma_semaphore, #tpu.memory_space<semaphore_mem>>)
        %dma_start3A_224 = arith.constant 0 : i32
        %dma_start3A_225 = arith.constant 0 : i32
        %dma_start3A_226 = tpu.memref_slice %arg7[%add3A, %add3A_216, %dma_start3A_224, %dma_start3A_225] : memref<32x40x1x50xi32, #tpu.memory_space<hbm>> -> memref<1x1x1x50xi32, #tpu.memory_space<hbm>>
        %dma_start3A_227 = tpu.memref_squeeze %dma_start3A_226 : memref<1x1x1x50xi32, #tpu.memory_space<hbm>> -> memref<50xi32, #tpu.memory_space<hbm>>
        %dma_start3A_228 = arith.constant 0 : i32
        %dma_start3A_229 = tpu.memref_slice %arg7[%add3A, %add3A_216, %dma_start3A_224, %dma_start3A_228] : memref<32x40x1x50xi32, #tpu.memory_space<hbm>> -> memref<1x1x1x50xi32, #tpu.memory_space<hbm>>
        %dma_start3A_230 = tpu.memref_squeeze %dma_start3A_229 : memref<1x1x1x50xi32, #tpu.memory_space<hbm>> -> memref<50xi32, #tpu.memory_space<hbm>>
        tpu.enqueue_dma source(%dma_start3A_230 : memref<50xi32, #tpu.memory_space<hbm>>) target(%arg13 : memref<50xi32, #tpu.memory_space<vmem>>) target_semaphore(%arg19 : memref<!tpu.dma_semaphore, #tpu.memory_space<semaphore_mem>>)
      } else {
      }
      %add3A_204 = arith.constant 1 : i32
      %add3A_205 = arith.addi %add3A_193, %add3A_204 : i32
      %lt3A_206 = arith.constant 40 : i32
      %lt3A_207 = arith.cmpi slt, %add3A_205, %lt3A_206 : i32
      %convert_element_type3A_208 = arith.extui %lt3A_207 : i1 to i32
      %cond3A_209 = arith.constant 0 : i32
      %cond3A_210 = arith.cmpi ne, %convert_element_type3A_208, %cond3A_209 : i32
      scf.if %cond3A_210 {
        %dma_wait3A_215 = arith.constant 0 : i32
        %dma_wait3A_216 = arith.constant 0 : i32
        %dma_wait3A_217 = arith.constant 0 : i32
        %dma_wait3A_218 = arith.constant 0 : i32
        %dma_wait3A_219 = tpu.memref_slice %arg6[%dma_wait3A_215, %dma_wait3A_216, %dma_wait3A_217, %dma_wait3A_218] : memref<32x40x1x50xi32, #tpu.memory_space<hbm>> -> memref<1x1x1x50xi32, #tpu.memory_space<hbm>>
        %dma_wait3A_220 = tpu.memref_squeeze %dma_wait3A_219 : memref<1x1x1x50xi32, #tpu.memory_space<hbm>> -> memref<50xi32, #tpu.memory_space<hbm>>
        %dma_wait3A_221 = arith.constant 0 : i32
        %dma_wait3A_222 = tpu.memref_slice %arg6[%dma_wait3A_215, %dma_wait3A_216, %dma_wait3A_217, %dma_wait3A_221] : memref<32x40x1x50xi32, #tpu.memory_space<hbm>> -> memref<1x1x1x50xi32, #tpu.memory_space<hbm>>
        %dma_wait3A_223 = tpu.memref_squeeze %dma_wait3A_222 : memref<1x1x1x50xi32, #tpu.memory_space<hbm>> -> memref<50xi32, #tpu.memory_space<hbm>>
        tpu.wait_dma2 semaphore(%arg18 : memref<!tpu.dma_semaphore, #tpu.memory_space<semaphore_mem>>) src(%dma_wait3A_223 : memref<50xi32, #tpu.memory_space<hbm>>) dst(%arg10 : memref<50xi32, #tpu.memory_space<vmem>>)
        %dma_wait3A_224 = arith.constant 0 : i32
        %dma_wait3A_225 = arith.constant 0 : i32
        %dma_wait3A_226 = arith.constant 0 : i32
        %dma_wait3A_227 = arith.constant 0 : i32
        %dma_wait3A_228 = tpu.memref_slice %arg6[%dma_wait3A_224, %dma_wait3A_225, %dma_wait3A_226, %dma_wait3A_227] : memref<32x40x1x50xi32, #tpu.memory_space<hbm>> -> memref<1x1x1x50xi32, #tpu.memory_space<hbm>>
        %dma_wait3A_229 = tpu.memref_squeeze %dma_wait3A_228 : memref<1x1x1x50xi32, #tpu.memory_space<hbm>> -> memref<50xi32, #tpu.memory_space<hbm>>
        %dma_wait3A_230 = arith.constant 0 : i32
        %dma_wait3A_231 = tpu.memref_slice %arg6[%dma_wait3A_224, %dma_wait3A_225, %dma_wait3A_226, %dma_wait3A_230] : memref<32x40x1x50xi32, #tpu.memory_space<hbm>> -> memref<1x1x1x50xi32, #tpu.memory_space<hbm>>
        %dma_wait3A_232 = tpu.memref_squeeze %dma_wait3A_231 : memref<1x1x1x50xi32, #tpu.memory_space<hbm>> -> memref<50xi32, #tpu.memory_space<hbm>>
        tpu.wait_dma2 semaphore(%arg18 : memref<!tpu.dma_semaphore, #tpu.memory_space<semaphore_mem>>) src(%dma_wait3A_232 : memref<50xi32, #tpu.memory_space<hbm>>) dst(%arg12 : memref<50xi32, #tpu.memory_space<vmem>>)
        %ge3A = arith.constant 1 : i32
        %ge3A_233 = arith.cmpi sge, %add3A_193, %ge3A : i32
        %convert_element_type3A_234 = arith.extui %ge3A_233 : i1 to i32
        %cond3A_235 = arith.constant 0 : i32
        %cond3A_236 = arith.cmpi ne, %convert_element_type3A_234, %cond3A_235 : i32
        scf.if %cond3A_236 {
          %dma_wait3A_240 = arith.constant 0 : i32
          %dma_wait3A_241 = arith.constant 0 : i32
          %dma_wait3A_242 = tpu.memref_slice %arg17[%dma_wait3A_240, %dma_wait3A_241] : memref<2000x128xf32, #tpu.memory_space<vmem_shared>> -> memref<2000x128xf32, #tpu.memory_space<vmem_shared>>
          tpu.wait_indirect_dma semaphore(%arg22 : memref<!tpu.dma_semaphore, #tpu.memory_space<semaphore_mem>>) src(%arg14 : memref<50x128xf32, #tpu.memory_space<vmem>>) dst(%dma_wait3A_242 : memref<2000x128xf32, #tpu.memory_space<vmem_shared>>)
        } else {
        }
        %dma_start3A_237 = arith.constant 0 : i32
        %dma_start3A_238 = arith.constant 0 : i32
        %dma_start3A_239 = tpu.memref_slice %arg3[%dma_start3A_237, %dma_start3A_238] : memref<2000x128xf32, #tpu.memory_space<hbm>> -> memref<2000x128xf32, #tpu.memory_space<hbm>>
        tpu.enqueue_indirect_dma source(%dma_start3A_239 : memref<2000x128xf32, #tpu.memory_space<hbm>>) target(%arg14 : memref<50x128xf32, #tpu.memory_space<vmem>>) offsets(%arg10 : memref<50xi32, #tpu.memory_space<vmem>>) semaphore(%arg20 : memref<!tpu.dma_semaphore, #tpu.memory_space<semaphore_mem>>)
      } else {
      }
      %dma_start3A_211 = arith.constant 0 : i32
      %dma_start3A_212 = arith.constant 0 : i32
      %dma_start3A_213 = tpu.memref_slice %arg17[%dma_start3A_211, %dma_start3A_212] : memref<2000x128xf32, #tpu.memory_space<vmem_shared>> -> memref<2000x128xf32, #tpu.memory_space<vmem_shared>>
      tpu.enqueue_indirect_dma source(%arg15 : memref<50x128xf32, #tpu.memory_space<vmem>>) target(%dma_start3A_213 : memref<2000x128xf32, #tpu.memory_space<vmem_shared>>) offsets(%arg13 : memref<50xi32, #tpu.memory_space<vmem>>) semaphore(%arg23 : memref<!tpu.dma_semaphore, #tpu.memory_space<semaphore_mem>>) {add = true}
      %scan3A_214 = arith.constant 0 : i32
      scf.yield %scan3A_214 : i32
    }
    %scan3A_138 = arith.constant 20 : i32
    %dma_wait3A_139 = arith.constant 0 : i32
    %dma_wait3A_140 = arith.constant 0 : i32
    %dma_wait3A_141 = tpu.memref_slice %arg17[%dma_wait3A_139, %dma_wait3A_140] : memref<2000x128xf32, #tpu.memory_space<vmem_shared>> -> memref<2000x128xf32, #tpu.memory_space<vmem_shared>>
    tpu.wait_indirect_dma semaphore(%arg22 : memref<!tpu.dma_semaphore, #tpu.memory_space<semaphore_mem>>) src(%arg14 : memref<50x128xf32, #tpu.memory_space<vmem>>) dst(%dma_wait3A_141 : memref<2000x128xf32, #tpu.memory_space<vmem_shared>>)
    %dma_wait3A_142 = arith.constant 0 : i32
    %dma_wait3A_143 = arith.constant 0 : i32
    %dma_wait3A_144 = tpu.memref_slice %arg17[%dma_wait3A_142, %dma_wait3A_143] : memref<2000x128xf32, #tpu.memory_space<vmem_shared>> -> memref<2000x128xf32, #tpu.memory_space<vmem_shared>>
    tpu.wait_indirect_dma semaphore(%arg23 : memref<!tpu.dma_semaphore, #tpu.memory_space<semaphore_mem>>) src(%arg15 : memref<50x128xf32, #tpu.memory_space<vmem>>) dst(%dma_wait3A_144 : memref<2000x128xf32, #tpu.memory_space<vmem_shared>>)
    %barrier3A_145 = arith.constant 0 : index
    tpu.barrier barrier_id(%barrier3A_145)
    %mul3A_146 = arith.constant 120 : i32
    %mul3A_147 = arith.muli %arg1, %mul3A_146 : i32
    %mul3A_148 = arith.constant 120 : i32
    %mul3A_149 = arith.muli %arg1, %mul3A_148 : i32
    %run_scoped3A = arith.constant 0 : i32
    "tpu.region"() ({
      %run_scoped3A_167 = tpu.sem_alloc : memref<!tpu.dma_semaphore, #tpu.memory_space<semaphore_mem>>
      %dma_start3A_168 = arith.constant 0 : i32
      %dma_start3A_169 = arith.constant 0 : i32
      %dma_start3A_170 = tpu.memref_slice %arg9[%arg0, %run_scoped3A, %dma_start3A_168, %dma_start3A_169] : memref<2x2x2000x128xf32, #tpu.memory_space<hbm>> -> memref<1x1x2000x128xf32, #tpu.memory_space<hbm>>
      %dma_start3A_171 = tpu.memref_squeeze %dma_start3A_170 : memref<1x1x2000x128xf32, #tpu.memory_space<hbm>> -> memref<2000x128xf32, #tpu.memory_space<hbm>>
      %dma_start3A_172 = arith.constant 0 : i32
      %dma_start3A_173 = tpu.memref_slice %dma_start3A_171[%mul3A_149, %dma_start3A_172] : memref<2000x128xf32, #tpu.memory_space<hbm>> -> memref<120x128xf32, #tpu.memory_space<hbm>>
      %dma_start3A_174 = arith.constant 0 : i32
      %dma_start3A_175 = tpu.memref_slice %arg16[%mul3A_147, %dma_start3A_174] : memref<2000x128xf32, #tpu.memory_space<vmem_shared>> -> memref<120x128xf32, #tpu.memory_space<vmem_shared>>
      tpu.enqueue_dma source(%dma_start3A_175 : memref<120x128xf32, #tpu.memory_space<vmem_shared>>) target(%dma_start3A_173 : memref<120x128xf32, #tpu.memory_space<hbm>>) target_semaphore(%run_scoped3A_167 : memref<!tpu.dma_semaphore, #tpu.memory_space<semaphore_mem>>)
      %dma_wait3A_176 = arith.constant 0 : i32
      %dma_wait3A_177 = arith.constant 0 : i32
      %dma_wait3A_178 = tpu.memref_slice %arg9[%arg0, %run_scoped3A, %dma_wait3A_176, %dma_wait3A_177] : memref<2x2x2000x128xf32, #tpu.memory_space<hbm>> -> memref<1x1x2000x128xf32, #tpu.memory_space<hbm>>
      %dma_wait3A_179 = tpu.memref_squeeze %dma_wait3A_178 : memref<1x1x2000x128xf32, #tpu.memory_space<hbm>> -> memref<2000x128xf32, #tpu.memory_space<hbm>>
      %dma_wait3A_180 = arith.constant 0 : i32
      %dma_wait3A_181 = tpu.memref_slice %dma_wait3A_179[%mul3A_149, %dma_wait3A_180] : memref<2000x128xf32, #tpu.memory_space<hbm>> -> memref<120x128xf32, #tpu.memory_space<hbm>>
      %dma_wait3A_182 = arith.constant 0 : i32
      %dma_wait3A_183 = tpu.memref_slice %arg16[%mul3A_147, %dma_wait3A_182] : memref<2000x128xf32, #tpu.memory_space<vmem_shared>> -> memref<120x128xf32, #tpu.memory_space<vmem_shared>>
      tpu.wait_dma2 semaphore(%run_scoped3A_167 : memref<!tpu.dma_semaphore, #tpu.memory_space<semaphore_mem>>) src(%dma_wait3A_183 : memref<120x128xf32, #tpu.memory_space<vmem_shared>>) dst(%dma_wait3A_181 : memref<120x128xf32, #tpu.memory_space<hbm>>)
      tpu.yield
    }) : () -> ()
    %eq3A_150 = arith.constant 15 : i32
    %eq3A_151 = arith.cmpi eq, %arg1, %eq3A_150 : i32
    %convert_element_type3A_152 = arith.extui %eq3A_151 : i1 to i32
    %cond3A_153 = arith.constant 0 : i32
    %cond3A_154 = arith.constant 0 : i32
    %cond3A_155 = arith.cmpi ne, %convert_element_type3A_152, %cond3A_154 : i32
    scf.if %cond3A_155 {
      "tpu.region"() ({
        %run_scoped3A_167 = tpu.sem_alloc : memref<!tpu.dma_semaphore, #tpu.memory_space<semaphore_mem>>
        %dma_start3A_168 = arith.constant 0 : i32
        %dma_start3A_169 = arith.constant 0 : i32
        %dma_start3A_170 = tpu.memref_slice %arg9[%arg0, %cond3A_153, %dma_start3A_168, %dma_start3A_169] : memref<2x2x2000x128xf32, #tpu.memory_space<hbm>> -> memref<1x1x2000x128xf32, #tpu.memory_space<hbm>>
        %dma_start3A_171 = tpu.memref_squeeze %dma_start3A_170 : memref<1x1x2000x128xf32, #tpu.memory_space<hbm>> -> memref<2000x128xf32, #tpu.memory_space<hbm>>
        %dma_start3A_172 = arith.constant 1920 : i32
        %dma_start3A_173 = arith.constant 0 : i32
        %dma_start3A_174 = tpu.memref_slice %dma_start3A_171[%dma_start3A_172, %dma_start3A_173] : memref<2000x128xf32, #tpu.memory_space<hbm>> -> memref<80x128xf32, #tpu.memory_space<hbm>>
        %dma_start3A_175 = arith.constant 1920 : i32
        %dma_start3A_176 = arith.constant 0 : i32
        %dma_start3A_177 = tpu.memref_slice %arg16[%dma_start3A_175, %dma_start3A_176] : memref<2000x128xf32, #tpu.memory_space<vmem_shared>> -> memref<80x128xf32, #tpu.memory_space<vmem_shared>>
        tpu.enqueue_dma source(%dma_start3A_177 : memref<80x128xf32, #tpu.memory_space<vmem_shared>>) target(%dma_start3A_174 : memref<80x128xf32, #tpu.memory_space<hbm>>) target_semaphore(%run_scoped3A_167 : memref<!tpu.dma_semaphore, #tpu.memory_space<semaphore_mem>>)
        %dma_wait3A_178 = arith.constant 0 : i32
        %dma_wait3A_179 = arith.constant 0 : i32
        %dma_wait3A_180 = tpu.memref_slice %arg9[%arg0, %cond3A_153, %dma_wait3A_178, %dma_wait3A_179] : memref<2x2x2000x128xf32, #tpu.memory_space<hbm>> -> memref<1x1x2000x128xf32, #tpu.memory_space<hbm>>
        %dma_wait3A_181 = tpu.memref_squeeze %dma_wait3A_180 : memref<1x1x2000x128xf32, #tpu.memory_space<hbm>> -> memref<2000x128xf32, #tpu.memory_space<hbm>>
        %dma_wait3A_182 = arith.constant 1920 : i32
        %dma_wait3A_183 = arith.constant 0 : i32
        %dma_wait3A_184 = tpu.memref_slice %dma_wait3A_181[%dma_wait3A_182, %dma_wait3A_183] : memref<2000x128xf32, #tpu.memory_space<hbm>> -> memref<80x128xf32, #tpu.memory_space<hbm>>
        %dma_wait3A_185 = arith.constant 1920 : i32
        %dma_wait3A_186 = arith.constant 0 : i32
        %dma_wait3A_187 = tpu.memref_slice %arg16[%dma_wait3A_185, %dma_wait3A_186] : memref<2000x128xf32, #tpu.memory_space<vmem_shared>> -> memref<80x128xf32, #tpu.memory_space<vmem_shared>>
        tpu.wait_dma2 semaphore(%run_scoped3A_167 : memref<!tpu.dma_semaphore, #tpu.memory_space<semaphore_mem>>) src(%dma_wait3A_187 : memref<80x128xf32, #tpu.memory_space<vmem_shared>>) dst(%dma_wait3A_184 : memref<80x128xf32, #tpu.memory_space<hbm>>)
        tpu.yield
      }) : () -> ()
    } else {
    }
    %mul3A_156 = arith.constant 120 : i32
    %mul3A_157 = arith.muli %arg1, %mul3A_156 : i32
    %mul3A_158 = arith.constant 120 : i32
    %mul3A_159 = arith.muli %arg1, %mul3A_158 : i32
    %run_scoped3A_160 = arith.constant 1 : i32
    "tpu.region"() ({
      %run_scoped3A_167 = tpu.sem_alloc : memref<!tpu.dma_semaphore, #tpu.memory_space<semaphore_mem>>
      %dma_start3A_168 = arith.constant 0 : i32
      %dma_start3A_169 = arith.constant 0 : i32
      %dma_start3A_170 = tpu.memref_slice %arg9[%arg0, %run_scoped3A_160, %dma_start3A_168, %dma_start3A_169] : memref<2x2x2000x128xf32, #tpu.memory_space<hbm>> -> memref<1x1x2000x128xf32, #tpu.memory_space<hbm>>
      %dma_start3A_171 = tpu.memref_squeeze %dma_start3A_170 : memref<1x1x2000x128xf32, #tpu.memory_space<hbm>> -> memref<2000x128xf32, #tpu.memory_space<hbm>>
      %dma_start3A_172 = arith.constant 0 : i32
      %dma_start3A_173 = tpu.memref_slice %dma_start3A_171[%mul3A_159, %dma_start3A_172] : memref<2000x128xf32, #tpu.memory_space<hbm>> -> memref<120x128xf32, #tpu.memory_space<hbm>>
      %dma_start3A_174 = arith.constant 0 : i32
      %dma_start3A_175 = tpu.memref_slice %arg17[%mul3A_157, %dma_start3A_174] : memref<2000x128xf32, #tpu.memory_space<vmem_shared>> -> memref<120x128xf32, #tpu.memory_space<vmem_shared>>
      tpu.enqueue_dma source(%dma_start3A_175 : memref<120x128xf32, #tpu.memory_space<vmem_shared>>) target(%dma_start3A_173 : memref<120x128xf32, #tpu.memory_space<hbm>>) target_semaphore(%run_scoped3A_167 : memref<!tpu.dma_semaphore, #tpu.memory_space<semaphore_mem>>)
      %dma_wait3A_176 = arith.constant 0 : i32
      %dma_wait3A_177 = arith.constant 0 : i32
      %dma_wait3A_178 = tpu.memref_slice %arg9[%arg0, %run_scoped3A_160, %dma_wait3A_176, %dma_wait3A_177] : memref<2x2x2000x128xf32, #tpu.memory_space<hbm>> -> memref<1x1x2000x128xf32, #tpu.memory_space<hbm>>
      %dma_wait3A_179 = tpu.memref_squeeze %dma_wait3A_178 : memref<1x1x2000x128xf32, #tpu.memory_space<hbm>> -> memref<2000x128xf32, #tpu.memory_space<hbm>>
      %dma_wait3A_180 = arith.constant 0 : i32
      %dma_wait3A_181 = tpu.memref_slice %dma_wait3A_179[%mul3A_159, %dma_wait3A_180] : memref<2000x128xf32, #tpu.memory_space<hbm>> -> memref<120x128xf32, #tpu.memory_space<hbm>>
      %dma_wait3A_182 = arith.constant 0 : i32
      %dma_wait3A_183 = tpu.memref_slice %arg17[%mul3A_157, %dma_wait3A_182] : memref<2000x128xf32, #tpu.memory_space<vmem_shared>> -> memref<120x128xf32, #tpu.memory_space<vmem_shared>>
      tpu.wait_dma2 semaphore(%run_scoped3A_167 : memref<!tpu.dma_semaphore, #tpu.memory_space<semaphore_mem>>) src(%dma_wait3A_183 : memref<120x128xf32, #tpu.memory_space<vmem_shared>>) dst(%dma_wait3A_181 : memref<120x128xf32, #tpu.memory_space<hbm>>)
      tpu.yield
    }) : () -> ()
    %eq3A_161 = arith.constant 15 : i32
    %eq3A_162 = arith.cmpi eq, %arg1, %eq3A_161 : i32
    %convert_element_type3A_163 = arith.extui %eq3A_162 : i1 to i32
    %cond3A_164 = arith.constant 1 : i32
    %cond3A_165 = arith.constant 0 : i32
    %cond3A_166 = arith.cmpi ne, %convert_element_type3A_163, %cond3A_165 : i32
    scf.if %cond3A_166 {
      "tpu.region"() ({
        %run_scoped3A_167 = tpu.sem_alloc : memref<!tpu.dma_semaphore, #tpu.memory_space<semaphore_mem>>
        %dma_start3A_168 = arith.constant 0 : i32
        %dma_start3A_169 = arith.constant 0 : i32
        %dma_start3A_170 = tpu.memref_slice %arg9[%arg0, %cond3A_164, %dma_start3A_168, %dma_start3A_169] : memref<2x2x2000x128xf32, #tpu.memory_space<hbm>> -> memref<1x1x2000x128xf32, #tpu.memory_space<hbm>>
        %dma_start3A_171 = tpu.memref_squeeze %dma_start3A_170 : memref<1x1x2000x128xf32, #tpu.memory_space<hbm>> -> memref<2000x128xf32, #tpu.memory_space<hbm>>
        %dma_start3A_172 = arith.constant 1920 : i32
        %dma_start3A_173 = arith.constant 0 : i32
        %dma_start3A_174 = tpu.memref_slice %dma_start3A_171[%dma_start3A_172, %dma_start3A_173] : memref<2000x128xf32, #tpu.memory_space<hbm>> -> memref<80x128xf32, #tpu.memory_space<hbm>>
        %dma_start3A_175 = arith.constant 1920 : i32
        %dma_start3A_176 = arith.constant 0 : i32
        %dma_start3A_177 = tpu.memref_slice %arg17[%dma_start3A_175, %dma_start3A_176] : memref<2000x128xf32, #tpu.memory_space<vmem_shared>> -> memref<80x128xf32, #tpu.memory_space<vmem_shared>>
        tpu.enqueue_dma source(%dma_start3A_177 : memref<80x128xf32, #tpu.memory_space<vmem_shared>>) target(%dma_start3A_174 : memref<80x128xf32, #tpu.memory_space<hbm>>) target_semaphore(%run_scoped3A_167 : memref<!tpu.dma_semaphore, #tpu.memory_space<semaphore_mem>>)
        %dma_wait3A_178 = arith.constant 0 : i32
        %dma_wait3A_179 = arith.constant 0 : i32
        %dma_wait3A_180 = tpu.memref_slice %arg9[%arg0, %cond3A_164, %dma_wait3A_178, %dma_wait3A_179] : memref<2x2x2000x128xf32, #tpu.memory_space<hbm>> -> memref<1x1x2000x128xf32, #tpu.memory_space<hbm>>
        %dma_wait3A_181 = tpu.memref_squeeze %dma_wait3A_180 : memref<1x1x2000x128xf32, #tpu.memory_space<hbm>> -> memref<2000x128xf32, #tpu.memory_space<hbm>>
        %dma_wait3A_182 = arith.constant 1920 : i32
        %dma_wait3A_183 = arith.constant 0 : i32
        %dma_wait3A_184 = tpu.memref_slice %dma_wait3A_181[%dma_wait3A_182, %dma_wait3A_183] : memref<2000x128xf32, #tpu.memory_space<hbm>> -> memref<80x128xf32, #tpu.memory_space<hbm>>
        %dma_wait3A_185 = arith.constant 1920 : i32
        %dma_wait3A_186 = arith.constant 0 : i32
        %dma_wait3A_187 = tpu.memref_slice %arg17[%dma_wait3A_185, %dma_wait3A_186] : memref<2000x128xf32, #tpu.memory_space<vmem_shared>> -> memref<80x128xf32, #tpu.memory_space<vmem_shared>>
        tpu.wait_dma2 semaphore(%run_scoped3A_167 : memref<!tpu.dma_semaphore, #tpu.memory_space<semaphore_mem>>) src(%dma_wait3A_187 : memref<80x128xf32, #tpu.memory_space<vmem_shared>>) dst(%dma_wait3A_184 : memref<80x128xf32, #tpu.memory_space<hbm>>)
        tpu.yield
      }) : () -> ()
    } else {
    }
    return
  }
}

#map = affine_map<(d0, d1) -> (0, 0, 0, 0)>
#map1 = affine_map<(d0, d1) -> (0, 0)>
#map2 = affine_map<(d0, d1) -> (0, 0, 0)>
module attributes {stable_mosaic.version = 14 : i64} {
  func.func @_rgcn_sc_body(%arg0: i32, %arg1: i32, %arg2: memref<32x200x1x50xi32, #tpu.memory_space<hbm>>, %arg3: memref<32x200x1x50xi32, #tpu.memory_space<hbm>>, %arg4: memref<32x200x1x50xi32, #tpu.memory_space<hbm>>, %arg5: memref<32x100x1x100xi32, #tpu.memory_space<hbm>>, %arg6: memref<32x40x1x100xi32, #tpu.memory_space<hbm>>, %arg7: memref<10000x128xf32, #tpu.memory_space<hbm>>, %arg8: memref<24x128xf32, #tpu.memory_space<hbm>>, %arg9: memref<10000x128xf32, #tpu.memory_space<hbm>>, %arg10: memref<2x10000x128xf32, #tpu.memory_space<hbm>>, %arg11: memref<2x10000x128xf32, #tpu.memory_space<hbm>>, %arg12: memref<2x2000x128xf32, #tpu.memory_space<hbm>>, %arg13: memref<2x2000x128xf32, #tpu.memory_space<hbm>>, %arg14: memref<50xi32, #tpu.memory_space<vmem>>, %arg15: memref<50xi32, #tpu.memory_space<vmem>>, %arg16: memref<50xi32, #tpu.memory_space<vmem>>, %arg17: memref<50xi32, #tpu.memory_space<vmem>>, %arg18: memref<50xi32, #tpu.memory_space<vmem>>, %arg19: memref<50xi32, #tpu.memory_space<vmem>>, %arg20: memref<100xi32, #tpu.memory_space<vmem>>, %arg21: memref<100xi32, #tpu.memory_space<vmem>>, %arg22: memref<50x128xf32, #tpu.memory_space<vmem>>, %arg23: memref<50x128xf32, #tpu.memory_space<vmem>>, %arg24: memref<50x128xf32, #tpu.memory_space<vmem>>, %arg25: memref<50x128xf32, #tpu.memory_space<vmem>>, %arg26: memref<100x128xf32, #tpu.memory_space<vmem>>, %arg27: memref<10000x128xf32, #tpu.memory_space<vmem_shared>>, %arg28: memref<!tpu.dma_semaphore, #tpu.memory_space<semaphore_mem>>, %arg29: memref<!tpu.dma_semaphore, #tpu.memory_space<semaphore_mem>>, %arg30: memref<!tpu.dma_semaphore, #tpu.memory_space<semaphore_mem>>, %arg31: memref<!tpu.dma_semaphore, #tpu.memory_space<semaphore_mem>>, %arg32: memref<!tpu.dma_semaphore, #tpu.memory_space<semaphore_mem>>, %arg33: memref<!tpu.dma_semaphore, #tpu.memory_space<semaphore_mem>>, %arg34: memref<!tpu.dma_semaphore, #tpu.memory_space<semaphore_mem>>, %arg35: memref<!tpu.dma_semaphore, #tpu.memory_space<semaphore_mem>>) attributes {dimension_semantics = [#tpu.dimension_semantics<core_parallel>, #tpu.dimension_semantics<subcore_parallel>], iteration_bounds = array<i64: 2, 16>, scalar_prefetch = 0 : i64, scratch_operands = 22 : i64, tpu.core_type = #tpu.core_type<sc_vector_subcore>, window_params = [{transform_indices = #map}, {transform_indices = #map}, {transform_indices = #map}, {transform_indices = #map}, {transform_indices = #map}, {transform_indices = #map1}, {transform_indices = #map1}, {transform_indices = #map1}, {transform_indices = #map2}, {transform_indices = #map2}, {transform_indices = #map2}, {transform_indices = #map2}]} {
    %mul3A = arith.constant 16 : i32
    %mul3A_0 = arith.muli %arg0, %mul3A : i32
    %add3A = arith.addi %mul3A_0, %arg1 : i32
    %mul3A_1 = arith.constant 624 : i32
    %mul3A_2 = arith.muli %arg1, %mul3A_1 : i32
    %mul3A_3 = arith.constant 624 : i32
    %mul3A_4 = arith.muli %arg1, %mul3A_3 : i32
    "tpu.region"() ({
      %run_scoped3A = tpu.sem_alloc : memref<!tpu.dma_semaphore, #tpu.memory_space<semaphore_mem>>
      %dma_start3A_212 = arith.constant 0 : i32
      %dma_start3A_213 = tpu.memref_slice %arg27[%mul3A_4, %dma_start3A_212] : memref<10000x128xf32, #tpu.memory_space<vmem_shared>> -> memref<624x128xf32, #tpu.memory_space<vmem_shared>>
      %dma_start3A_214 = arith.constant 0 : i32
      %dma_start3A_215 = tpu.memref_slice %arg9[%mul3A_2, %dma_start3A_214] : memref<10000x128xf32, #tpu.memory_space<hbm>> -> memref<624x128xf32, #tpu.memory_space<hbm>>
      tpu.enqueue_dma source(%dma_start3A_215 : memref<624x128xf32, #tpu.memory_space<hbm>>) target(%dma_start3A_213 : memref<624x128xf32, #tpu.memory_space<vmem_shared>>) target_semaphore(%run_scoped3A : memref<!tpu.dma_semaphore, #tpu.memory_space<semaphore_mem>>)
      %dma_wait3A_216 = arith.constant 0 : i32
      %dma_wait3A_217 = tpu.memref_slice %arg27[%mul3A_4, %dma_wait3A_216] : memref<10000x128xf32, #tpu.memory_space<vmem_shared>> -> memref<624x128xf32, #tpu.memory_space<vmem_shared>>
      %dma_wait3A_218 = arith.constant 0 : i32
      %dma_wait3A_219 = tpu.memref_slice %arg9[%mul3A_2, %dma_wait3A_218] : memref<10000x128xf32, #tpu.memory_space<hbm>> -> memref<624x128xf32, #tpu.memory_space<hbm>>
      tpu.wait_dma2 semaphore(%run_scoped3A : memref<!tpu.dma_semaphore, #tpu.memory_space<semaphore_mem>>) src(%dma_wait3A_219 : memref<624x128xf32, #tpu.memory_space<hbm>>) dst(%dma_wait3A_217 : memref<624x128xf32, #tpu.memory_space<vmem_shared>>)
      tpu.yield
    }) : () -> ()
    %eq3A = arith.constant 15 : i32
    %eq3A_5 = arith.cmpi eq, %arg1, %eq3A : i32
    %convert_element_type3A = arith.extui %eq3A_5 : i1 to i32
    %cond3A = arith.constant 0 : i32
    %cond3A_6 = arith.cmpi ne, %convert_element_type3A, %cond3A : i32
    scf.if %cond3A_6 {
      "tpu.region"() ({
        %run_scoped3A = tpu.sem_alloc : memref<!tpu.dma_semaphore, #tpu.memory_space<semaphore_mem>>
        %dma_start3A_212 = arith.constant 9984 : i32
        %dma_start3A_213 = arith.constant 0 : i32
        %dma_start3A_214 = tpu.memref_slice %arg27[%dma_start3A_212, %dma_start3A_213] : memref<10000x128xf32, #tpu.memory_space<vmem_shared>> -> memref<16x128xf32, #tpu.memory_space<vmem_shared>>
        %dma_start3A_215 = arith.constant 9984 : i32
        %dma_start3A_216 = arith.constant 0 : i32
        %dma_start3A_217 = tpu.memref_slice %arg9[%dma_start3A_215, %dma_start3A_216] : memref<10000x128xf32, #tpu.memory_space<hbm>> -> memref<16x128xf32, #tpu.memory_space<hbm>>
        tpu.enqueue_dma source(%dma_start3A_217 : memref<16x128xf32, #tpu.memory_space<hbm>>) target(%dma_start3A_214 : memref<16x128xf32, #tpu.memory_space<vmem_shared>>) target_semaphore(%run_scoped3A : memref<!tpu.dma_semaphore, #tpu.memory_space<semaphore_mem>>)
        %dma_wait3A_218 = arith.constant 9984 : i32
        %dma_wait3A_219 = arith.constant 0 : i32
        %dma_wait3A_220 = tpu.memref_slice %arg27[%dma_wait3A_218, %dma_wait3A_219] : memref<10000x128xf32, #tpu.memory_space<vmem_shared>> -> memref<16x128xf32, #tpu.memory_space<vmem_shared>>
        %dma_wait3A_221 = arith.constant 9984 : i32
        %dma_wait3A_222 = arith.constant 0 : i32
        %dma_wait3A_223 = tpu.memref_slice %arg9[%dma_wait3A_221, %dma_wait3A_222] : memref<10000x128xf32, #tpu.memory_space<hbm>> -> memref<16x128xf32, #tpu.memory_space<hbm>>
        tpu.wait_dma2 semaphore(%run_scoped3A : memref<!tpu.dma_semaphore, #tpu.memory_space<semaphore_mem>>) src(%dma_wait3A_223 : memref<16x128xf32, #tpu.memory_space<hbm>>) dst(%dma_wait3A_220 : memref<16x128xf32, #tpu.memory_space<vmem_shared>>)
        tpu.yield
      }) : () -> ()
    } else {
    }
    %scan3A = arith.constant 0 : i32
    %scan3A_7 = arith.constant 0 : i32
    %scan3A_8 = arith.constant 800 : i32
    %scan3A_9 = arith.addi %scan3A_7, %scan3A_8 : i32
    %scan3A_10 = arith.constant 1 : i32
    %scan3A_11 = scf.for %scan3A_212 = %scan3A_7 to %scan3A_9 step %scan3A_10 iter_args(%scan3A_213 = %scan3A) -> (i32)  : i32 {
      %jit3A = arith.constant 8 : i32
      %div3A = arith.divsi %scan3A_212, %jit3A : i32
      %sign3A = arith.constant 0 : i32
      %sign3A_214 = arith.cmpi sgt, %scan3A_212, %sign3A : i32
      %sign3A_215 = arith.extui %sign3A_214 : i1 to i32
      %sign3A_216 = arith.constant 0 : i32
      %sign3A_217 = arith.cmpi slt, %scan3A_212, %sign3A_216 : i32
      %sign3A_218 = arith.extui %sign3A_217 : i1 to i32
      %sign3A_219 = arith.subi %sign3A_215, %sign3A_218 : i32
      %sign3A_220 = arith.constant 0 : i32
      %sign3A_221 = arith.cmpi sgt, %jit3A, %sign3A_220 : i32
      %sign3A_222 = arith.extui %sign3A_221 : i1 to i32
      %sign3A_223 = arith.constant 0 : i32
      %sign3A_224 = arith.cmpi slt, %jit3A, %sign3A_223 : i32
      %sign3A_225 = arith.extui %sign3A_224 : i1 to i32
      %sign3A_226 = arith.subi %sign3A_222, %sign3A_225 : i32
      %ne3A = arith.cmpi ne, %sign3A_219, %sign3A_226 : i32
      %rem3A = arith.remsi %scan3A_212, %jit3A : i32
      %ne3A_227 = arith.constant 0 : i32
      %ne3A_228 = arith.cmpi ne, %rem3A, %ne3A_227 : i32
      %and3A = arith.andi %ne3A, %ne3A_228 : i1
      %sub3A = arith.constant 1 : i32
      %sub3A_229 = arith.subi %div3A, %sub3A : i32
      %select_n3A = arith.select %and3A, %sub3A_229, %div3A : i32
      %jit3A_230 = arith.constant 8 : i32
      %eq3A_231 = arith.constant 0 : i32
      %eq3A_232 = arith.cmpi eq, %jit3A_230, %eq3A_231 : i32
      %jit3A_233 = arith.constant 1 : i32
      %select_n3A_234 = arith.select %eq3A_232, %jit3A_233, %jit3A_230 : i32
      %rem3A_235 = arith.remsi %scan3A_212, %select_n3A_234 : i32
      %ne3A_236 = arith.constant 0 : i32
      %ne3A_237 = arith.cmpi ne, %rem3A_235, %ne3A_236 : i32
      %lt3A = arith.constant 0 : i32
      %lt3A_238 = arith.cmpi slt, %rem3A_235, %lt3A : i32
      %lt3A_239 = arith.constant 0 : i32
      %lt3A_240 = arith.cmpi slt, %select_n3A_234, %lt3A_239 : i32
      %ne3A_241 = arith.xori %lt3A_238, %lt3A_240 : i1
      %and3A_242 = arith.andi %ne3A_241, %ne3A_237 : i1
      %add3A_243 = arith.addi %rem3A_235, %select_n3A_234 : i32
      %select_n3A_244 = arith.select %and3A_242, %add3A_243, %rem3A_235 : i32
      %broadcast_in_dim3A = arith.constant 1.000000e+00 : f32
      %broadcast_in_dim3A_245 = vector.broadcast %broadcast_in_dim3A : f32 to vector<16xf32>
      %mul3A_246 = arith.constant 16 : i32
      %mul3A_247 = arith.muli %select_n3A_244, %mul3A_246 : i32
      %swap3A = arith.index_cast %select_n3A : i32 to index
      %swap3A_248 = arith.index_cast %mul3A_247 : i32 to index
      %swap3A_249 = tpu.vector_load %arg26[%swap3A, %swap3A_248] {strides = array<i32>} : memref<100x128xf32, #tpu.memory_space<vmem>>, vector<1x16xf32>,
      %swap3A_250 = vector.shape_cast %swap3A_249 : vector<1x16xf32> to vector<16xf32>
      %swap3A_251 = vector.shape_cast %broadcast_in_dim3A_245 : vector<16xf32> to vector<1x16xf32>
      tpu.vector_store %arg26[%swap3A, %swap3A_248], %swap3A_251 {strides = array<i32>} : memref<100x128xf32, #tpu.memory_space<vmem>>, vector<1x16xf32>,
      %scan3A_252 = arith.constant 0 : i32
      scf.yield %scan3A_252 : i32
    }
    %scan3A_12 = arith.constant 800 : i32
    %barrier3A = arith.constant 0 : index
    tpu.barrier barrier_id(%barrier3A)
    %dma_start3A = arith.constant 0 : i32
    %dma_start3A_13 = arith.constant 0 : i32
    %dma_start3A_14 = arith.constant 0 : i32
    %dma_start3A_15 = tpu.memref_slice %arg2[%add3A, %dma_start3A, %dma_start3A_13, %dma_start3A_14] : memref<32x200x1x50xi32, #tpu.memory_space<hbm>> -> memref<1x1x1x50xi32, #tpu.memory_space<hbm>>
    %dma_start3A_16 = tpu.memref_squeeze %dma_start3A_15 : memref<1x1x1x50xi32, #tpu.memory_space<hbm>> -> memref<50xi32, #tpu.memory_space<hbm>>
    %dma_start3A_17 = arith.constant 0 : i32
    %dma_start3A_18 = tpu.memref_slice %arg2[%add3A, %dma_start3A, %dma_start3A_13, %dma_start3A_17] : memref<32x200x1x50xi32, #tpu.memory_space<hbm>> -> memref<1x1x1x50xi32, #tpu.memory_space<hbm>>
    %dma_start3A_19 = tpu.memref_squeeze %dma_start3A_18 : memref<1x1x1x50xi32, #tpu.memory_space<hbm>> -> memref<50xi32, #tpu.memory_space<hbm>>
    tpu.enqueue_dma source(%dma_start3A_19 : memref<50xi32, #tpu.memory_space<hbm>>) target(%arg14 : memref<50xi32, #tpu.memory_space<vmem>>) target_semaphore(%arg28 : memref<!tpu.dma_semaphore, #tpu.memory_space<semaphore_mem>>)
    %dma_start3A_20 = arith.constant 0 : i32
    %dma_start3A_21 = arith.constant 0 : i32
    %dma_start3A_22 = arith.constant 0 : i32
    %dma_start3A_23 = tpu.memref_slice %arg3[%add3A, %dma_start3A_20, %dma_start3A_21, %dma_start3A_22] : memref<32x200x1x50xi32, #tpu.memory_space<hbm>> -> memref<1x1x1x50xi32, #tpu.memory_space<hbm>>
    %dma_start3A_24 = tpu.memref_squeeze %dma_start3A_23 : memref<1x1x1x50xi32, #tpu.memory_space<hbm>> -> memref<50xi32, #tpu.memory_space<hbm>>
    %dma_start3A_25 = arith.constant 0 : i32
    %dma_start3A_26 = tpu.memref_slice %arg3[%add3A, %dma_start3A_20, %dma_start3A_21, %dma_start3A_25] : memref<32x200x1x50xi32, #tpu.memory_space<hbm>> -> memref<1x1x1x50xi32, #tpu.memory_space<hbm>>
    %dma_start3A_27 = tpu.memref_squeeze %dma_start3A_26 : memref<1x1x1x50xi32, #tpu.memory_space<hbm>> -> memref<50xi32, #tpu.memory_space<hbm>>
    tpu.enqueue_dma source(%dma_start3A_27 : memref<50xi32, #tpu.memory_space<hbm>>) target(%arg16 : memref<50xi32, #tpu.memory_space<vmem>>) target_semaphore(%arg28 : memref<!tpu.dma_semaphore, #tpu.memory_space<semaphore_mem>>)
    %dma_start3A_28 = arith.constant 0 : i32
    %dma_start3A_29 = arith.constant 0 : i32
    %dma_start3A_30 = arith.constant 0 : i32
    %dma_start3A_31 = tpu.memref_slice %arg4[%add3A, %dma_start3A_28, %dma_start3A_29, %dma_start3A_30] : memref<32x200x1x50xi32, #tpu.memory_space<hbm>> -> memref<1x1x1x50xi32, #tpu.memory_space<hbm>>
    %dma_start3A_32 = tpu.memref_squeeze %dma_start3A_31 : memref<1x1x1x50xi32, #tpu.memory_space<hbm>> -> memref<50xi32, #tpu.memory_space<hbm>>
    %dma_start3A_33 = arith.constant 0 : i32
    %dma_start3A_34 = tpu.memref_slice %arg4[%add3A, %dma_start3A_28, %dma_start3A_29, %dma_start3A_33] : memref<32x200x1x50xi32, #tpu.memory_space<hbm>> -> memref<1x1x1x50xi32, #tpu.memory_space<hbm>>
    %dma_start3A_35 = tpu.memref_squeeze %dma_start3A_34 : memref<1x1x1x50xi32, #tpu.memory_space<hbm>> -> memref<50xi32, #tpu.memory_space<hbm>>
    tpu.enqueue_dma source(%dma_start3A_35 : memref<50xi32, #tpu.memory_space<hbm>>) target(%arg18 : memref<50xi32, #tpu.memory_space<vmem>>) target_semaphore(%arg28 : memref<!tpu.dma_semaphore, #tpu.memory_space<semaphore_mem>>)
    %dma_start3A_36 = arith.constant 1 : i32
    %dma_start3A_37 = arith.constant 0 : i32
    %dma_start3A_38 = arith.constant 0 : i32
    %dma_start3A_39 = tpu.memref_slice %arg2[%add3A, %dma_start3A_36, %dma_start3A_37, %dma_start3A_38] : memref<32x200x1x50xi32, #tpu.memory_space<hbm>> -> memref<1x1x1x50xi32, #tpu.memory_space<hbm>>
    %dma_start3A_40 = tpu.memref_squeeze %dma_start3A_39 : memref<1x1x1x50xi32, #tpu.memory_space<hbm>> -> memref<50xi32, #tpu.memory_space<hbm>>
    %dma_start3A_41 = arith.constant 0 : i32
    %dma_start3A_42 = tpu.memref_slice %arg2[%add3A, %dma_start3A_36, %dma_start3A_37, %dma_start3A_41] : memref<32x200x1x50xi32, #tpu.memory_space<hbm>> -> memref<1x1x1x50xi32, #tpu.memory_space<hbm>>
    %dma_start3A_43 = tpu.memref_squeeze %dma_start3A_42 : memref<1x1x1x50xi32, #tpu.memory_space<hbm>> -> memref<50xi32, #tpu.memory_space<hbm>>
    tpu.enqueue_dma source(%dma_start3A_43 : memref<50xi32, #tpu.memory_space<hbm>>) target(%arg15 : memref<50xi32, #tpu.memory_space<vmem>>) target_semaphore(%arg29 : memref<!tpu.dma_semaphore, #tpu.memory_space<semaphore_mem>>)
    %dma_start3A_44 = arith.constant 1 : i32
    %dma_start3A_45 = arith.constant 0 : i32
    %dma_start3A_46 = arith.constant 0 : i32
    %dma_start3A_47 = tpu.memref_slice %arg3[%add3A, %dma_start3A_44, %dma_start3A_45, %dma_start3A_46] : memref<32x200x1x50xi32, #tpu.memory_space<hbm>> -> memref<1x1x1x50xi32, #tpu.memory_space<hbm>>
    %dma_start3A_48 = tpu.memref_squeeze %dma_start3A_47 : memref<1x1x1x50xi32, #tpu.memory_space<hbm>> -> memref<50xi32, #tpu.memory_space<hbm>>
    %dma_start3A_49 = arith.constant 0 : i32
    %dma_start3A_50 = tpu.memref_slice %arg3[%add3A, %dma_start3A_44, %dma_start3A_45, %dma_start3A_49] : memref<32x200x1x50xi32, #tpu.memory_space<hbm>> -> memref<1x1x1x50xi32, #tpu.memory_space<hbm>>
    %dma_start3A_51 = tpu.memref_squeeze %dma_start3A_50 : memref<1x1x1x50xi32, #tpu.memory_space<hbm>> -> memref<50xi32, #tpu.memory_space<hbm>>
    tpu.enqueue_dma source(%dma_start3A_51 : memref<50xi32, #tpu.memory_space<hbm>>) target(%arg17 : memref<50xi32, #tpu.memory_space<vmem>>) target_semaphore(%arg29 : memref<!tpu.dma_semaphore, #tpu.memory_space<semaphore_mem>>)
    %dma_start3A_52 = arith.constant 1 : i32
    %dma_start3A_53 = arith.constant 0 : i32
    %dma_start3A_54 = arith.constant 0 : i32
    %dma_start3A_55 = tpu.memref_slice %arg4[%add3A, %dma_start3A_52, %dma_start3A_53, %dma_start3A_54] : memref<32x200x1x50xi32, #tpu.memory_space<hbm>> -> memref<1x1x1x50xi32, #tpu.memory_space<hbm>>
    %dma_start3A_56 = tpu.memref_squeeze %dma_start3A_55 : memref<1x1x1x50xi32, #tpu.memory_space<hbm>> -> memref<50xi32, #tpu.memory_space<hbm>>
    %dma_start3A_57 = arith.constant 0 : i32
    %dma_start3A_58 = tpu.memref_slice %arg4[%add3A, %dma_start3A_52, %dma_start3A_53, %dma_start3A_57] : memref<32x200x1x50xi32, #tpu.memory_space<hbm>> -> memref<1x1x1x50xi32, #tpu.memory_space<hbm>>
    %dma_start3A_59 = tpu.memref_squeeze %dma_start3A_58 : memref<1x1x1x50xi32, #tpu.memory_space<hbm>> -> memref<50xi32, #tpu.memory_space<hbm>>
    tpu.enqueue_dma source(%dma_start3A_59 : memref<50xi32, #tpu.memory_space<hbm>>) target(%arg19 : memref<50xi32, #tpu.memory_space<vmem>>) target_semaphore(%arg29 : memref<!tpu.dma_semaphore, #tpu.memory_space<semaphore_mem>>)
    %dma_wait3A = arith.constant 0 : i32
    %dma_wait3A_60 = arith.constant 0 : i32
    %dma_wait3A_61 = arith.constant 0 : i32
    %dma_wait3A_62 = arith.constant 0 : i32
    %dma_wait3A_63 = tpu.memref_slice %arg2[%dma_wait3A, %dma_wait3A_60, %dma_wait3A_61, %dma_wait3A_62] : memref<32x200x1x50xi32, #tpu.memory_space<hbm>> -> memref<1x1x1x50xi32, #tpu.memory_space<hbm>>
    %dma_wait3A_64 = tpu.memref_squeeze %dma_wait3A_63 : memref<1x1x1x50xi32, #tpu.memory_space<hbm>> -> memref<50xi32, #tpu.memory_space<hbm>>
    %dma_wait3A_65 = arith.constant 0 : i32
    %dma_wait3A_66 = tpu.memref_slice %arg2[%dma_wait3A, %dma_wait3A_60, %dma_wait3A_61, %dma_wait3A_65] : memref<32x200x1x50xi32, #tpu.memory_space<hbm>> -> memref<1x1x1x50xi32, #tpu.memory_space<hbm>>
    %dma_wait3A_67 = tpu.memref_squeeze %dma_wait3A_66 : memref<1x1x1x50xi32, #tpu.memory_space<hbm>> -> memref<50xi32, #tpu.memory_space<hbm>>
    tpu.wait_dma2 semaphore(%arg28 : memref<!tpu.dma_semaphore, #tpu.memory_space<semaphore_mem>>) src(%dma_wait3A_67 : memref<50xi32, #tpu.memory_space<hbm>>) dst(%arg14 : memref<50xi32, #tpu.memory_space<vmem>>)
    %dma_wait3A_68 = arith.constant 0 : i32
    %dma_wait3A_69 = arith.constant 0 : i32
    %dma_wait3A_70 = arith.constant 0 : i32
    %dma_wait3A_71 = arith.constant 0 : i32
    %dma_wait3A_72 = tpu.memref_slice %arg2[%dma_wait3A_68, %dma_wait3A_69, %dma_wait3A_70, %dma_wait3A_71] : memref<32x200x1x50xi32, #tpu.memory_space<hbm>> -> memref<1x1x1x50xi32, #tpu.memory_space<hbm>>
    %dma_wait3A_73 = tpu.memref_squeeze %dma_wait3A_72 : memref<1x1x1x50xi32, #tpu.memory_space<hbm>> -> memref<50xi32, #tpu.memory_space<hbm>>
    %dma_wait3A_74 = arith.constant 0 : i32
    %dma_wait3A_75 = tpu.memref_slice %arg2[%dma_wait3A_68, %dma_wait3A_69, %dma_wait3A_70, %dma_wait3A_74] : memref<32x200x1x50xi32, #tpu.memory_space<hbm>> -> memref<1x1x1x50xi32, #tpu.memory_space<hbm>>
    %dma_wait3A_76 = tpu.memref_squeeze %dma_wait3A_75 : memref<1x1x1x50xi32, #tpu.memory_space<hbm>> -> memref<50xi32, #tpu.memory_space<hbm>>
    tpu.wait_dma2 semaphore(%arg28 : memref<!tpu.dma_semaphore, #tpu.memory_space<semaphore_mem>>) src(%dma_wait3A_76 : memref<50xi32, #tpu.memory_space<hbm>>) dst(%arg16 : memref<50xi32, #tpu.memory_space<vmem>>)
    %dma_wait3A_77 = arith.constant 0 : i32
    %dma_wait3A_78 = arith.constant 0 : i32
    %dma_wait3A_79 = arith.constant 0 : i32
    %dma_wait3A_80 = arith.constant 0 : i32
    %dma_wait3A_81 = tpu.memref_slice %arg2[%dma_wait3A_77, %dma_wait3A_78, %dma_wait3A_79, %dma_wait3A_80] : memref<32x200x1x50xi32, #tpu.memory_space<hbm>> -> memref<1x1x1x50xi32, #tpu.memory_space<hbm>>
    %dma_wait3A_82 = tpu.memref_squeeze %dma_wait3A_81 : memref<1x1x1x50xi32, #tpu.memory_space<hbm>> -> memref<50xi32, #tpu.memory_space<hbm>>
    %dma_wait3A_83 = arith.constant 0 : i32
    %dma_wait3A_84 = tpu.memref_slice %arg2[%dma_wait3A_77, %dma_wait3A_78, %dma_wait3A_79, %dma_wait3A_83] : memref<32x200x1x50xi32, #tpu.memory_space<hbm>> -> memref<1x1x1x50xi32, #tpu.memory_space<hbm>>
    %dma_wait3A_85 = tpu.memref_squeeze %dma_wait3A_84 : memref<1x1x1x50xi32, #tpu.memory_space<hbm>> -> memref<50xi32, #tpu.memory_space<hbm>>
    tpu.wait_dma2 semaphore(%arg28 : memref<!tpu.dma_semaphore, #tpu.memory_space<semaphore_mem>>) src(%dma_wait3A_85 : memref<50xi32, #tpu.memory_space<hbm>>) dst(%arg18 : memref<50xi32, #tpu.memory_space<vmem>>)
    %dma_start3A_86 = arith.constant 0 : i32
    %dma_start3A_87 = arith.constant 0 : i32
    %dma_start3A_88 = tpu.memref_slice %arg7[%dma_start3A_86, %dma_start3A_87] : memref<10000x128xf32, #tpu.memory_space<hbm>> -> memref<10000x128xf32, #tpu.memory_space<hbm>>
    tpu.enqueue_indirect_dma source(%dma_start3A_88 : memref<10000x128xf32, #tpu.memory_space<hbm>>) target(%arg22 : memref<50x128xf32, #tpu.memory_space<vmem>>) offsets(%arg14 : memref<50xi32, #tpu.memory_space<vmem>>) semaphore(%arg30 : memref<!tpu.dma_semaphore, #tpu.memory_space<semaphore_mem>>)
    %dma_start3A_89 = arith.constant 0 : i32
    %dma_start3A_90 = arith.constant 0 : i32
    %dma_start3A_91 = tpu.memref_slice %arg8[%dma_start3A_89, %dma_start3A_90] : memref<24x128xf32, #tpu.memory_space<hbm>> -> memref<24x128xf32, #tpu.memory_space<hbm>>
    tpu.enqueue_indirect_dma source(%dma_start3A_91 : memref<24x128xf32, #tpu.memory_space<hbm>>) target(%arg24 : memref<50x128xf32, #tpu.memory_space<vmem>>) offsets(%arg18 : memref<50xi32, #tpu.memory_space<vmem>>) semaphore(%arg32 : memref<!tpu.dma_semaphore, #tpu.memory_space<semaphore_mem>>)
    %scan3A_92 = arith.constant 0 : i32
    %scan3A_93 = arith.constant 0 : i32
    %scan3A_94 = arith.constant 100 : i32
    %scan3A_95 = arith.addi %scan3A_93, %scan3A_94 : i32
    %scan3A_96 = arith.constant 1 : i32
    %scan3A_97 = scf.for %scan3A_212 = %scan3A_93 to %scan3A_95 step %scan3A_96 iter_args(%scan3A_213 = %scan3A_92) -> (i32)  : i32 {
      %mul3A_214 = arith.constant 2 : i32
      %mul3A_215 = arith.muli %mul3A_214, %scan3A_212 : i32
      %dma_wait3A_216 = arith.constant 0 : i32
      %dma_wait3A_217 = arith.constant 0 : i32
      %dma_wait3A_218 = tpu.memref_slice %arg7[%dma_wait3A_216, %dma_wait3A_217] : memref<10000x128xf32, #tpu.memory_space<hbm>> -> memref<10000x128xf32, #tpu.memory_space<hbm>>
      tpu.wait_indirect_dma semaphore(%arg30 : memref<!tpu.dma_semaphore, #tpu.memory_space<semaphore_mem>>) src(%dma_wait3A_218 : memref<10000x128xf32, #tpu.memory_space<hbm>>) dst(%arg22 : memref<50x128xf32, #tpu.memory_space<vmem>>)
      %dma_wait3A_219 = arith.constant 0 : i32
      %dma_wait3A_220 = arith.constant 0 : i32
      %dma_wait3A_221 = tpu.memref_slice %arg8[%dma_wait3A_219, %dma_wait3A_220] : memref<24x128xf32, #tpu.memory_space<hbm>> -> memref<24x128xf32, #tpu.memory_space<hbm>>
      tpu.wait_indirect_dma semaphore(%arg32 : memref<!tpu.dma_semaphore, #tpu.memory_space<semaphore_mem>>) src(%dma_wait3A_221 : memref<24x128xf32, #tpu.memory_space<hbm>>) dst(%arg24 : memref<50x128xf32, #tpu.memory_space<vmem>>)
      %add3A_222 = arith.constant 2 : i32
      %add3A_223 = arith.addi %mul3A_215, %add3A_222 : i32
      %lt3A = arith.constant 200 : i32
      %lt3A_224 = arith.cmpi slt, %add3A_223, %lt3A : i32
      %convert_element_type3A_225 = arith.extui %lt3A_224 : i1 to i32
      %cond3A_226 = arith.constant 0 : i32
      %cond3A_227 = arith.cmpi ne, %convert_element_type3A_225, %cond3A_226 : i32
      scf.if %cond3A_227 {
        %add3A_280 = arith.constant 2 : i32
        %add3A_281 = arith.addi %mul3A_215, %add3A_280 : i32
        %dma_start3A_282 = arith.constant 0 : i32
        %dma_start3A_283 = arith.constant 0 : i32
        %dma_start3A_284 = tpu.memref_slice %arg2[%add3A, %add3A_281, %dma_start3A_282, %dma_start3A_283] : memref<32x200x1x50xi32, #tpu.memory_space<hbm>> -> memref<1x1x1x50xi32, #tpu.memory_space<hbm>>
        %dma_start3A_285 = tpu.memref_squeeze %dma_start3A_284 : memref<1x1x1x50xi32, #tpu.memory_space<hbm>> -> memref<50xi32, #tpu.memory_space<hbm>>
        %dma_start3A_286 = arith.constant 0 : i32
        %dma_start3A_287 = tpu.memref_slice %arg2[%add3A, %add3A_281, %dma_start3A_282, %dma_start3A_286] : memref<32x200x1x50xi32, #tpu.memory_space<hbm>> -> memref<1x1x1x50xi32, #tpu.memory_space<hbm>>
        %dma_start3A_288 = tpu.memref_squeeze %dma_start3A_287 : memref<1x1x1x50xi32, #tpu.memory_space<hbm>> -> memref<50xi32, #tpu.memory_space<hbm>>
        tpu.enqueue_dma source(%dma_start3A_288 : memref<50xi32, #tpu.memory_space<hbm>>) target(%arg14 : memref<50xi32, #tpu.memory_space<vmem>>) target_semaphore(%arg28 : memref<!tpu.dma_semaphore, #tpu.memory_space<semaphore_mem>>)
        %dma_start3A_289 = arith.constant 0 : i32
        %dma_start3A_290 = arith.constant 0 : i32
        %dma_start3A_291 = tpu.memref_slice %arg3[%add3A, %add3A_281, %dma_start3A_289, %dma_start3A_290] : memref<32x200x1x50xi32, #tpu.memory_space<hbm>> -> memref<1x1x1x50xi32, #tpu.memory_space<hbm>>
        %dma_start3A_292 = tpu.memref_squeeze %dma_start3A_291 : memref<1x1x1x50xi32, #tpu.memory_space<hbm>> -> memref<50xi32, #tpu.memory_space<hbm>>
        %dma_start3A_293 = arith.constant 0 : i32
        %dma_start3A_294 = tpu.memref_slice %arg3[%add3A, %add3A_281, %dma_start3A_289, %dma_start3A_293] : memref<32x200x1x50xi32, #tpu.memory_space<hbm>> -> memref<1x1x1x50xi32, #tpu.memory_space<hbm>>
        %dma_start3A_295 = tpu.memref_squeeze %dma_start3A_294 : memref<1x1x1x50xi32, #tpu.memory_space<hbm>> -> memref<50xi32, #tpu.memory_space<hbm>>
        tpu.enqueue_dma source(%dma_start3A_295 : memref<50xi32, #tpu.memory_space<hbm>>) target(%arg16 : memref<50xi32, #tpu.memory_space<vmem>>) target_semaphore(%arg28 : memref<!tpu.dma_semaphore, #tpu.memory_space<semaphore_mem>>)
        %dma_start3A_296 = arith.constant 0 : i32
        %dma_start3A_297 = arith.constant 0 : i32
        %dma_start3A_298 = tpu.memref_slice %arg4[%add3A, %add3A_281, %dma_start3A_296, %dma_start3A_297] : memref<32x200x1x50xi32, #tpu.memory_space<hbm>> -> memref<1x1x1x50xi32, #tpu.memory_space<hbm>>
        %dma_start3A_299 = tpu.memref_squeeze %dma_start3A_298 : memref<1x1x1x50xi32, #tpu.memory_space<hbm>> -> memref<50xi32, #tpu.memory_space<hbm>>
        %dma_start3A_300 = arith.constant 0 : i32
        %dma_start3A_301 = tpu.memref_slice %arg4[%add3A, %add3A_281, %dma_start3A_296, %dma_start3A_300] : memref<32x200x1x50xi32, #tpu.memory_space<hbm>> -> memref<1x1x1x50xi32, #tpu.memory_space<hbm>>
        %dma_start3A_302 = tpu.memref_squeeze %dma_start3A_301 : memref<1x1x1x50xi32, #tpu.memory_space<hbm>> -> memref<50xi32, #tpu.memory_space<hbm>>
        tpu.enqueue_dma source(%dma_start3A_302 : memref<50xi32, #tpu.memory_space<hbm>>) target(%arg18 : memref<50xi32, #tpu.memory_space<vmem>>) target_semaphore(%arg28 : memref<!tpu.dma_semaphore, #tpu.memory_space<semaphore_mem>>)
      } else {
      }
      %add3A_228 = arith.constant 1 : i32
      %add3A_229 = arith.addi %mul3A_215, %add3A_228 : i32
      %lt3A_230 = arith.constant 200 : i32
      %lt3A_231 = arith.cmpi slt, %add3A_229, %lt3A_230 : i32
      %convert_element_type3A_232 = arith.extui %lt3A_231 : i1 to i32
      %cond3A_233 = arith.constant 0 : i32
      %cond3A_234 = arith.cmpi ne, %convert_element_type3A_232, %cond3A_233 : i32
      scf.if %cond3A_234 {
        %dma_wait3A_280 = arith.constant 0 : i32
        %dma_wait3A_281 = arith.constant 0 : i32
        %dma_wait3A_282 = arith.constant 0 : i32
        %dma_wait3A_283 = arith.constant 0 : i32
        %dma_wait3A_284 = tpu.memref_slice %arg2[%dma_wait3A_280, %dma_wait3A_281, %dma_wait3A_282, %dma_wait3A_283] : memref<32x200x1x50xi32, #tpu.memory_space<hbm>> -> memref<1x1x1x50xi32, #tpu.memory_space<hbm>>
        %dma_wait3A_285 = tpu.memref_squeeze %dma_wait3A_284 : memref<1x1x1x50xi32, #tpu.memory_space<hbm>> -> memref<50xi32, #tpu.memory_space<hbm>>
        %dma_wait3A_286 = arith.constant 0 : i32
        %dma_wait3A_287 = tpu.memref_slice %arg2[%dma_wait3A_280, %dma_wait3A_281, %dma_wait3A_282, %dma_wait3A_286] : memref<32x200x1x50xi32, #tpu.memory_space<hbm>> -> memref<1x1x1x50xi32, #tpu.memory_space<hbm>>
        %dma_wait3A_288 = tpu.memref_squeeze %dma_wait3A_287 : memref<1x1x1x50xi32, #tpu.memory_space<hbm>> -> memref<50xi32, #tpu.memory_space<hbm>>
        tpu.wait_dma2 semaphore(%arg29 : memref<!tpu.dma_semaphore, #tpu.memory_space<semaphore_mem>>) src(%dma_wait3A_288 : memref<50xi32, #tpu.memory_space<hbm>>) dst(%arg15 : memref<50xi32, #tpu.memory_space<vmem>>)
        %dma_wait3A_289 = arith.constant 0 : i32
        %dma_wait3A_290 = arith.constant 0 : i32
        %dma_wait3A_291 = arith.constant 0 : i32
        %dma_wait3A_292 = arith.constant 0 : i32
        %dma_wait3A_293 = tpu.memref_slice %arg2[%dma_wait3A_289, %dma_wait3A_290, %dma_wait3A_291, %dma_wait3A_292] : memref<32x200x1x50xi32, #tpu.memory_space<hbm>> -> memref<1x1x1x50xi32, #tpu.memory_space<hbm>>
        %dma_wait3A_294 = tpu.memref_squeeze %dma_wait3A_293 : memref<1x1x1x50xi32, #tpu.memory_space<hbm>> -> memref<50xi32, #tpu.memory_space<hbm>>
        %dma_wait3A_295 = arith.constant 0 : i32
        %dma_wait3A_296 = tpu.memref_slice %arg2[%dma_wait3A_289, %dma_wait3A_290, %dma_wait3A_291, %dma_wait3A_295] : memref<32x200x1x50xi32, #tpu.memory_space<hbm>> -> memref<1x1x1x50xi32, #tpu.memory_space<hbm>>
        %dma_wait3A_297 = tpu.memref_squeeze %dma_wait3A_296 : memref<1x1x1x50xi32, #tpu.memory_space<hbm>> -> memref<50xi32, #tpu.memory_space<hbm>>
        tpu.wait_dma2 semaphore(%arg29 : memref<!tpu.dma_semaphore, #tpu.memory_space<semaphore_mem>>) src(%dma_wait3A_297 : memref<50xi32, #tpu.memory_space<hbm>>) dst(%arg17 : memref<50xi32, #tpu.memory_space<vmem>>)
        %dma_wait3A_298 = arith.constant 0 : i32
        %dma_wait3A_299 = arith.constant 0 : i32
        %dma_wait3A_300 = arith.constant 0 : i32
        %dma_wait3A_301 = arith.constant 0 : i32
        %dma_wait3A_302 = tpu.memref_slice %arg2[%dma_wait3A_298, %dma_wait3A_299, %dma_wait3A_300, %dma_wait3A_301] : memref<32x200x1x50xi32, #tpu.memory_space<hbm>> -> memref<1x1x1x50xi32, #tpu.memory_space<hbm>>
        %dma_wait3A_303 = tpu.memref_squeeze %dma_wait3A_302 : memref<1x1x1x50xi32, #tpu.memory_space<hbm>> -> memref<50xi32, #tpu.memory_space<hbm>>
        %dma_wait3A_304 = arith.constant 0 : i32
        %dma_wait3A_305 = tpu.memref_slice %arg2[%dma_wait3A_298, %dma_wait3A_299, %dma_wait3A_300, %dma_wait3A_304] : memref<32x200x1x50xi32, #tpu.memory_space<hbm>> -> memref<1x1x1x50xi32, #tpu.memory_space<hbm>>
        %dma_wait3A_306 = tpu.memref_squeeze %dma_wait3A_305 : memref<1x1x1x50xi32, #tpu.memory_space<hbm>> -> memref<50xi32, #tpu.memory_space<hbm>>
        tpu.wait_dma2 semaphore(%arg29 : memref<!tpu.dma_semaphore, #tpu.memory_space<semaphore_mem>>) src(%dma_wait3A_306 : memref<50xi32, #tpu.memory_space<hbm>>) dst(%arg19 : memref<50xi32, #tpu.memory_space<vmem>>)
        %ge3A = arith.constant 1 : i32
        %ge3A_307 = arith.cmpi sge, %mul3A_215, %ge3A : i32
        %convert_element_type3A_308 = arith.extui %ge3A_307 : i1 to i32
        %cond3A_309 = arith.constant 0 : i32
        %cond3A_310 = arith.cmpi ne, %convert_element_type3A_308, %cond3A_309 : i32
        scf.if %cond3A_310 {
          %dma_wait3A_317 = arith.constant 0 : i32
          %dma_wait3A_318 = arith.constant 0 : i32
          %dma_wait3A_319 = tpu.memref_slice %arg27[%dma_wait3A_317, %dma_wait3A_318] : memref<10000x128xf32, #tpu.memory_space<vmem_shared>> -> memref<10000x128xf32, #tpu.memory_space<vmem_shared>>
          tpu.wait_indirect_dma semaphore(%arg35 : memref<!tpu.dma_semaphore, #tpu.memory_space<semaphore_mem>>) src(%arg23 : memref<50x128xf32, #tpu.memory_space<vmem>>) dst(%dma_wait3A_319 : memref<10000x128xf32, #tpu.memory_space<vmem_shared>>)
        } else {
        }
        %dma_start3A_311 = arith.constant 0 : i32
        %dma_start3A_312 = arith.constant 0 : i32
        %dma_start3A_313 = tpu.memref_slice %arg7[%dma_start3A_311, %dma_start3A_312] : memref<10000x128xf32, #tpu.memory_space<hbm>> -> memref<10000x128xf32, #tpu.memory_space<hbm>>
        tpu.enqueue_indirect_dma source(%dma_start3A_313 : memref<10000x128xf32, #tpu.memory_space<hbm>>) target(%arg23 : memref<50x128xf32, #tpu.memory_space<vmem>>) offsets(%arg15 : memref<50xi32, #tpu.memory_space<vmem>>) semaphore(%arg31 : memref<!tpu.dma_semaphore, #tpu.memory_space<semaphore_mem>>)
        %dma_start3A_314 = arith.constant 0 : i32
        %dma_start3A_315 = arith.constant 0 : i32
        %dma_start3A_316 = tpu.memref_slice %arg8[%dma_start3A_314, %dma_start3A_315] : memref<24x128xf32, #tpu.memory_space<hbm>> -> memref<24x128xf32, #tpu.memory_space<hbm>>
        tpu.enqueue_indirect_dma source(%dma_start3A_316 : memref<24x128xf32, #tpu.memory_space<hbm>>) target(%arg25 : memref<50x128xf32, #tpu.memory_space<vmem>>) offsets(%arg19 : memref<50xi32, #tpu.memory_space<vmem>>) semaphore(%arg33 : memref<!tpu.dma_semaphore, #tpu.memory_space<semaphore_mem>>)
      } else {
      }
      %scan3A_235 = arith.constant 0 : i32
      %scan3A_236 = arith.constant 0 : i32
      %scan3A_237 = arith.constant 25 : i32
      %scan3A_238 = arith.addi %scan3A_236, %scan3A_237 : i32
      %scan3A_239 = arith.constant 1 : i32
      %scan3A_240 = scf.for %scan3A_280 = %scan3A_236 to %scan3A_238 step %scan3A_239 iter_args(%scan3A_281 = %scan3A_235) -> (i32)  : i32 {
        %mul3A_282 = arith.constant 2 : i32
        %mul3A_283 = arith.muli %mul3A_282, %scan3A_280 : i32
        %add3A_284 = arith.constant 0 : i32
        %add3A_285 = arith.addi %mul3A_283, %add3A_284 : i32
        %get3A = arith.index_cast %add3A_285 : i32 to index
        %get3A_286 = arith.constant 0 : index
        %get3A_287 = tpu.vector_load %arg22[%get3A, %get3A_286] {strides = array<i32>} : memref<50x128xf32, #tpu.memory_space<vmem>>, vector<1x16xf32>,
        %get3A_288 = vector.shape_cast %get3A_287 : vector<1x16xf32> to vector<16xf32>
        %add3A_289 = arith.constant 0 : i32
        %add3A_290 = arith.addi %mul3A_283, %add3A_289 : i32
        %get3A_291 = arith.index_cast %add3A_290 : i32 to index
        %get3A_292 = arith.constant 0 : index
        %get3A_293 = tpu.vector_load %arg24[%get3A_291, %get3A_292] {strides = array<i32>} : memref<50x128xf32, #tpu.memory_space<vmem>>, vector<1x16xf32>,
        %get3A_294 = vector.shape_cast %get3A_293 : vector<1x16xf32> to vector<16xf32>
        %mul3A_295 = arith.mulf %get3A_288, %get3A_294 : vector<16xf32>
        %add3A_296 = arith.constant 0 : i32
        %add3A_297 = arith.addi %mul3A_283, %add3A_296 : i32
        %swap3A = arith.index_cast %add3A_297 : i32 to index
        %swap3A_298 = arith.constant 0 : index
        %swap3A_299 = tpu.vector_load %arg22[%swap3A, %swap3A_298] {strides = array<i32>} : memref<50x128xf32, #tpu.memory_space<vmem>>, vector<1x16xf32>,
        %swap3A_300 = vector.shape_cast %swap3A_299 : vector<1x16xf32> to vector<16xf32>
        %swap3A_301 = vector.shape_cast %mul3A_295 : vector<16xf32> to vector<1x16xf32>
        tpu.vector_store %arg22[%swap3A, %swap3A_298], %swap3A_301 {strides = array<i32>} : memref<50x128xf32, #tpu.memory_space<vmem>>, vector<1x16xf32>,
        %add3A_302 = arith.constant 0 : i32
        %add3A_303 = arith.addi %mul3A_283, %add3A_302 : i32
        %get3A_304 = arith.index_cast %add3A_303 : i32 to index
        %get3A_305 = arith.constant 16 : index
        %get3A_306 = tpu.vector_load %arg22[%get3A_304, %get3A_305] {strides = array<i32>} : memref<50x128xf32, #tpu.memory_space<vmem>>, vector<1x16xf32>,
        %get3A_307 = vector.shape_cast %get3A_306 : vector<1x16xf32> to vector<16xf32>
        %add3A_308 = arith.constant 0 : i32
        %add3A_309 = arith.addi %mul3A_283, %add3A_308 : i32
        %get3A_310 = arith.index_cast %add3A_309 : i32 to index
        %get3A_311 = arith.constant 16 : index
        %get3A_312 = tpu.vector_load %arg24[%get3A_310, %get3A_311] {strides = array<i32>} : memref<50x128xf32, #tpu.memory_space<vmem>>, vector<1x16xf32>,
        %get3A_313 = vector.shape_cast %get3A_312 : vector<1x16xf32> to vector<16xf32>
        %mul3A_314 = arith.mulf %get3A_307, %get3A_313 : vector<16xf32>
        %add3A_315 = arith.constant 0 : i32
        %add3A_316 = arith.addi %mul3A_283, %add3A_315 : i32
        %swap3A_317 = arith.index_cast %add3A_316 : i32 to index
        %swap3A_318 = arith.constant 16 : index
        %swap3A_319 = tpu.vector_load %arg22[%swap3A_317, %swap3A_318] {strides = array<i32>} : memref<50x128xf32, #tpu.memory_space<vmem>>, vector<1x16xf32>,
        %swap3A_320 = vector.shape_cast %swap3A_319 : vector<1x16xf32> to vector<16xf32>
        %swap3A_321 = vector.shape_cast %mul3A_314 : vector<16xf32> to vector<1x16xf32>
        tpu.vector_store %arg22[%swap3A_317, %swap3A_318], %swap3A_321 {strides = array<i32>} : memref<50x128xf32, #tpu.memory_space<vmem>>, vector<1x16xf32>,
        %add3A_322 = arith.constant 0 : i32
        %add3A_323 = arith.addi %mul3A_283, %add3A_322 : i32
        %get3A_324 = arith.index_cast %add3A_323 : i32 to index
        %get3A_325 = arith.constant 32 : index
        %get3A_326 = tpu.vector_load %arg22[%get3A_324, %get3A_325] {strides = array<i32>} : memref<50x128xf32, #tpu.memory_space<vmem>>, vector<1x16xf32>,
        %get3A_327 = vector.shape_cast %get3A_326 : vector<1x16xf32> to vector<16xf32>
        %add3A_328 = arith.constant 0 : i32
        %add3A_329 = arith.addi %mul3A_283, %add3A_328 : i32
        %get3A_330 = arith.index_cast %add3A_329 : i32 to index
        %get3A_331 = arith.constant 32 : index
        %get3A_332 = tpu.vector_load %arg24[%get3A_330, %get3A_331] {strides = array<i32>} : memref<50x128xf32, #tpu.memory_space<vmem>>, vector<1x16xf32>,
        %get3A_333 = vector.shape_cast %get3A_332 : vector<1x16xf32> to vector<16xf32>
        %mul3A_334 = arith.mulf %get3A_327, %get3A_333 : vector<16xf32>
        %add3A_335 = arith.constant 0 : i32
        %add3A_336 = arith.addi %mul3A_283, %add3A_335 : i32
        %swap3A_337 = arith.index_cast %add3A_336 : i32 to index
        %swap3A_338 = arith.constant 32 : index
        %swap3A_339 = tpu.vector_load %arg22[%swap3A_337, %swap3A_338] {strides = array<i32>} : memref<50x128xf32, #tpu.memory_space<vmem>>, vector<1x16xf32>,
        %swap3A_340 = vector.shape_cast %swap3A_339 : vector<1x16xf32> to vector<16xf32>
        %swap3A_341 = vector.shape_cast %mul3A_334 : vector<16xf32> to vector<1x16xf32>
        tpu.vector_store %arg22[%swap3A_337, %swap3A_338], %swap3A_341 {strides = array<i32>} : memref<50x128xf32, #tpu.memory_space<vmem>>, vector<1x16xf32>,
        %add3A_342 = arith.constant 0 : i32
        %add3A_343 = arith.addi %mul3A_283, %add3A_342 : i32
        %get3A_344 = arith.index_cast %add3A_343 : i32 to index
        %get3A_345 = arith.constant 48 : index
        %get3A_346 = tpu.vector_load %arg22[%get3A_344, %get3A_345] {strides = array<i32>} : memref<50x128xf32, #tpu.memory_space<vmem>>, vector<1x16xf32>,
        %get3A_347 = vector.shape_cast %get3A_346 : vector<1x16xf32> to vector<16xf32>
        %add3A_348 = arith.constant 0 : i32
        %add3A_349 = arith.addi %mul3A_283, %add3A_348 : i32
        %get3A_350 = arith.index_cast %add3A_349 : i32 to index
        %get3A_351 = arith.constant 48 : index
        %get3A_352 = tpu.vector_load %arg24[%get3A_350, %get3A_351] {strides = array<i32>} : memref<50x128xf32, #tpu.memory_space<vmem>>, vector<1x16xf32>,
        %get3A_353 = vector.shape_cast %get3A_352 : vector<1x16xf32> to vector<16xf32>
        %mul3A_354 = arith.mulf %get3A_347, %get3A_353 : vector<16xf32>
        %add3A_355 = arith.constant 0 : i32
        %add3A_356 = arith.addi %mul3A_283, %add3A_355 : i32
        %swap3A_357 = arith.index_cast %add3A_356 : i32 to index
        %swap3A_358 = arith.constant 48 : index
        %swap3A_359 = tpu.vector_load %arg22[%swap3A_357, %swap3A_358] {strides = array<i32>} : memref<50x128xf32, #tpu.memory_space<vmem>>, vector<1x16xf32>,
        %swap3A_360 = vector.shape_cast %swap3A_359 : vector<1x16xf32> to vector<16xf32>
        %swap3A_361 = vector.shape_cast %mul3A_354 : vector<16xf32> to vector<1x16xf32>
        tpu.vector_store %arg22[%swap3A_357, %swap3A_358], %swap3A_361 {strides = array<i32>} : memref<50x128xf32, #tpu.memory_space<vmem>>, vector<1x16xf32>,
        %add3A_362 = arith.constant 0 : i32
        %add3A_363 = arith.addi %mul3A_283, %add3A_362 : i32
        %get3A_364 = arith.index_cast %add3A_363 : i32 to index
        %get3A_365 = arith.constant 64 : index
        %get3A_366 = tpu.vector_load %arg22[%get3A_364, %get3A_365] {strides = array<i32>} : memref<50x128xf32, #tpu.memory_space<vmem>>, vector<1x16xf32>,
        %get3A_367 = vector.shape_cast %get3A_366 : vector<1x16xf32> to vector<16xf32>
        %add3A_368 = arith.constant 0 : i32
        %add3A_369 = arith.addi %mul3A_283, %add3A_368 : i32
        %get3A_370 = arith.index_cast %add3A_369 : i32 to index
        %get3A_371 = arith.constant 64 : index
        %get3A_372 = tpu.vector_load %arg24[%get3A_370, %get3A_371] {strides = array<i32>} : memref<50x128xf32, #tpu.memory_space<vmem>>, vector<1x16xf32>,
        %get3A_373 = vector.shape_cast %get3A_372 : vector<1x16xf32> to vector<16xf32>
        %mul3A_374 = arith.mulf %get3A_367, %get3A_373 : vector<16xf32>
        %add3A_375 = arith.constant 0 : i32
        %add3A_376 = arith.addi %mul3A_283, %add3A_375 : i32
        %swap3A_377 = arith.index_cast %add3A_376 : i32 to index
        %swap3A_378 = arith.constant 64 : index
        %swap3A_379 = tpu.vector_load %arg22[%swap3A_377, %swap3A_378] {strides = array<i32>} : memref<50x128xf32, #tpu.memory_space<vmem>>, vector<1x16xf32>,
        %swap3A_380 = vector.shape_cast %swap3A_379 : vector<1x16xf32> to vector<16xf32>
        %swap3A_381 = vector.shape_cast %mul3A_374 : vector<16xf32> to vector<1x16xf32>
        tpu.vector_store %arg22[%swap3A_377, %swap3A_378], %swap3A_381 {strides = array<i32>} : memref<50x128xf32, #tpu.memory_space<vmem>>, vector<1x16xf32>,
        %add3A_382 = arith.constant 0 : i32
        %add3A_383 = arith.addi %mul3A_283, %add3A_382 : i32
        %get3A_384 = arith.index_cast %add3A_383 : i32 to index
        %get3A_385 = arith.constant 80 : index
        %get3A_386 = tpu.vector_load %arg22[%get3A_384, %get3A_385] {strides = array<i32>} : memref<50x128xf32, #tpu.memory_space<vmem>>, vector<1x16xf32>,
        %get3A_387 = vector.shape_cast %get3A_386 : vector<1x16xf32> to vector<16xf32>
        %add3A_388 = arith.constant 0 : i32
        %add3A_389 = arith.addi %mul3A_283, %add3A_388 : i32
        %get3A_390 = arith.index_cast %add3A_389 : i32 to index
        %get3A_391 = arith.constant 80 : index
        %get3A_392 = tpu.vector_load %arg24[%get3A_390, %get3A_391] {strides = array<i32>} : memref<50x128xf32, #tpu.memory_space<vmem>>, vector<1x16xf32>,
        %get3A_393 = vector.shape_cast %get3A_392 : vector<1x16xf32> to vector<16xf32>
        %mul3A_394 = arith.mulf %get3A_387, %get3A_393 : vector<16xf32>
        %add3A_395 = arith.constant 0 : i32
        %add3A_396 = arith.addi %mul3A_283, %add3A_395 : i32
        %swap3A_397 = arith.index_cast %add3A_396 : i32 to index
        %swap3A_398 = arith.constant 80 : index
        %swap3A_399 = tpu.vector_load %arg22[%swap3A_397, %swap3A_398] {strides = array<i32>} : memref<50x128xf32, #tpu.memory_space<vmem>>, vector<1x16xf32>,
        %swap3A_400 = vector.shape_cast %swap3A_399 : vector<1x16xf32> to vector<16xf32>
        %swap3A_401 = vector.shape_cast %mul3A_394 : vector<16xf32> to vector<1x16xf32>
        tpu.vector_store %arg22[%swap3A_397, %swap3A_398], %swap3A_401 {strides = array<i32>} : memref<50x128xf32, #tpu.memory_space<vmem>>, vector<1x16xf32>,
        %add3A_402 = arith.constant 0 : i32
        %add3A_403 = arith.addi %mul3A_283, %add3A_402 : i32
        %get3A_404 = arith.index_cast %add3A_403 : i32 to index
        %get3A_405 = arith.constant 96 : index
        %get3A_406 = tpu.vector_load %arg22[%get3A_404, %get3A_405] {strides = array<i32>} : memref<50x128xf32, #tpu.memory_space<vmem>>, vector<1x16xf32>,
        %get3A_407 = vector.shape_cast %get3A_406 : vector<1x16xf32> to vector<16xf32>
        %add3A_408 = arith.constant 0 : i32
        %add3A_409 = arith.addi %mul3A_283, %add3A_408 : i32
        %get3A_410 = arith.index_cast %add3A_409 : i32 to index
        %get3A_411 = arith.constant 96 : index
        %get3A_412 = tpu.vector_load %arg24[%get3A_410, %get3A_411] {strides = array<i32>} : memref<50x128xf32, #tpu.memory_space<vmem>>, vector<1x16xf32>,
        %get3A_413 = vector.shape_cast %get3A_412 : vector<1x16xf32> to vector<16xf32>
        %mul3A_414 = arith.mulf %get3A_407, %get3A_413 : vector<16xf32>
        %add3A_415 = arith.constant 0 : i32
        %add3A_416 = arith.addi %mul3A_283, %add3A_415 : i32
        %swap3A_417 = arith.index_cast %add3A_416 : i32 to index
        %swap3A_418 = arith.constant 96 : index
        %swap3A_419 = tpu.vector_load %arg22[%swap3A_417, %swap3A_418] {strides = array<i32>} : memref<50x128xf32, #tpu.memory_space<vmem>>, vector<1x16xf32>,
        %swap3A_420 = vector.shape_cast %swap3A_419 : vector<1x16xf32> to vector<16xf32>
        %swap3A_421 = vector.shape_cast %mul3A_414 : vector<16xf32> to vector<1x16xf32>
        tpu.vector_store %arg22[%swap3A_417, %swap3A_418], %swap3A_421 {strides = array<i32>} : memref<50x128xf32, #tpu.memory_space<vmem>>, vector<1x16xf32>,
        %add3A_422 = arith.constant 0 : i32
        %add3A_423 = arith.addi %mul3A_283, %add3A_422 : i32
        %get3A_424 = arith.index_cast %add3A_423 : i32 to index
        %get3A_425 = arith.constant 112 : index
        %get3A_426 = tpu.vector_load %arg22[%get3A_424, %get3A_425] {strides = array<i32>} : memref<50x128xf32, #tpu.memory_space<vmem>>, vector<1x16xf32>,
        %get3A_427 = vector.shape_cast %get3A_426 : vector<1x16xf32> to vector<16xf32>
        %add3A_428 = arith.constant 0 : i32
        %add3A_429 = arith.addi %mul3A_283, %add3A_428 : i32
        %get3A_430 = arith.index_cast %add3A_429 : i32 to index
        %get3A_431 = arith.constant 112 : index
        %get3A_432 = tpu.vector_load %arg24[%get3A_430, %get3A_431] {strides = array<i32>} : memref<50x128xf32, #tpu.memory_space<vmem>>, vector<1x16xf32>,
        %get3A_433 = vector.shape_cast %get3A_432 : vector<1x16xf32> to vector<16xf32>
        %mul3A_434 = arith.mulf %get3A_427, %get3A_433 : vector<16xf32>
        %add3A_435 = arith.constant 0 : i32
        %add3A_436 = arith.addi %mul3A_283, %add3A_435 : i32
        %swap3A_437 = arith.index_cast %add3A_436 : i32 to index
        %swap3A_438 = arith.constant 112 : index
        %swap3A_439 = tpu.vector_load %arg22[%swap3A_437, %swap3A_438] {strides = array<i32>} : memref<50x128xf32, #tpu.memory_space<vmem>>, vector<1x16xf32>,
        %swap3A_440 = vector.shape_cast %swap3A_439 : vector<1x16xf32> to vector<16xf32>
        %swap3A_441 = vector.shape_cast %mul3A_434 : vector<16xf32> to vector<1x16xf32>
        tpu.vector_store %arg22[%swap3A_437, %swap3A_438], %swap3A_441 {strides = array<i32>} : memref<50x128xf32, #tpu.memory_space<vmem>>, vector<1x16xf32>,
        %add3A_442 = arith.constant 1 : i32
        %add3A_443 = arith.addi %mul3A_283, %add3A_442 : i32
        %get3A_444 = arith.index_cast %add3A_443 : i32 to index
        %get3A_445 = arith.constant 0 : index
        %get3A_446 = tpu.vector_load %arg22[%get3A_444, %get3A_445] {strides = array<i32>} : memref<50x128xf32, #tpu.memory_space<vmem>>, vector<1x16xf32>,
        %get3A_447 = vector.shape_cast %get3A_446 : vector<1x16xf32> to vector<16xf32>
        %add3A_448 = arith.constant 1 : i32
        %add3A_449 = arith.addi %mul3A_283, %add3A_448 : i32
        %get3A_450 = arith.index_cast %add3A_449 : i32 to index
        %get3A_451 = arith.constant 0 : index
        %get3A_452 = tpu.vector_load %arg24[%get3A_450, %get3A_451] {strides = array<i32>} : memref<50x128xf32, #tpu.memory_space<vmem>>, vector<1x16xf32>,
        %get3A_453 = vector.shape_cast %get3A_452 : vector<1x16xf32> to vector<16xf32>
        %mul3A_454 = arith.mulf %get3A_447, %get3A_453 : vector<16xf32>
        %add3A_455 = arith.constant 1 : i32
        %add3A_456 = arith.addi %mul3A_283, %add3A_455 : i32
        %swap3A_457 = arith.index_cast %add3A_456 : i32 to index
        %swap3A_458 = arith.constant 0 : index
        %swap3A_459 = tpu.vector_load %arg22[%swap3A_457, %swap3A_458] {strides = array<i32>} : memref<50x128xf32, #tpu.memory_space<vmem>>, vector<1x16xf32>,
        %swap3A_460 = vector.shape_cast %swap3A_459 : vector<1x16xf32> to vector<16xf32>
        %swap3A_461 = vector.shape_cast %mul3A_454 : vector<16xf32> to vector<1x16xf32>
        tpu.vector_store %arg22[%swap3A_457, %swap3A_458], %swap3A_461 {strides = array<i32>} : memref<50x128xf32, #tpu.memory_space<vmem>>, vector<1x16xf32>,
        %add3A_462 = arith.constant 1 : i32
        %add3A_463 = arith.addi %mul3A_283, %add3A_462 : i32
        %get3A_464 = arith.index_cast %add3A_463 : i32 to index
        %get3A_465 = arith.constant 16 : index
        %get3A_466 = tpu.vector_load %arg22[%get3A_464, %get3A_465] {strides = array<i32>} : memref<50x128xf32, #tpu.memory_space<vmem>>, vector<1x16xf32>,
        %get3A_467 = vector.shape_cast %get3A_466 : vector<1x16xf32> to vector<16xf32>
        %add3A_468 = arith.constant 1 : i32
        %add3A_469 = arith.addi %mul3A_283, %add3A_468 : i32
        %get3A_470 = arith.index_cast %add3A_469 : i32 to index
        %get3A_471 = arith.constant 16 : index
        %get3A_472 = tpu.vector_load %arg24[%get3A_470, %get3A_471] {strides = array<i32>} : memref<50x128xf32, #tpu.memory_space<vmem>>, vector<1x16xf32>,
        %get3A_473 = vector.shape_cast %get3A_472 : vector<1x16xf32> to vector<16xf32>
        %mul3A_474 = arith.mulf %get3A_467, %get3A_473 : vector<16xf32>
        %add3A_475 = arith.constant 1 : i32
        %add3A_476 = arith.addi %mul3A_283, %add3A_475 : i32
        %swap3A_477 = arith.index_cast %add3A_476 : i32 to index
        %swap3A_478 = arith.constant 16 : index
        %swap3A_479 = tpu.vector_load %arg22[%swap3A_477, %swap3A_478] {strides = array<i32>} : memref<50x128xf32, #tpu.memory_space<vmem>>, vector<1x16xf32>,
        %swap3A_480 = vector.shape_cast %swap3A_479 : vector<1x16xf32> to vector<16xf32>
        %swap3A_481 = vector.shape_cast %mul3A_474 : vector<16xf32> to vector<1x16xf32>
        tpu.vector_store %arg22[%swap3A_477, %swap3A_478], %swap3A_481 {strides = array<i32>} : memref<50x128xf32, #tpu.memory_space<vmem>>, vector<1x16xf32>,
        %add3A_482 = arith.constant 1 : i32
        %add3A_483 = arith.addi %mul3A_283, %add3A_482 : i32
        %get3A_484 = arith.index_cast %add3A_483 : i32 to index
        %get3A_485 = arith.constant 32 : index
        %get3A_486 = tpu.vector_load %arg22[%get3A_484, %get3A_485] {strides = array<i32>} : memref<50x128xf32, #tpu.memory_space<vmem>>, vector<1x16xf32>,
        %get3A_487 = vector.shape_cast %get3A_486 : vector<1x16xf32> to vector<16xf32>
        %add3A_488 = arith.constant 1 : i32
        %add3A_489 = arith.addi %mul3A_283, %add3A_488 : i32
        %get3A_490 = arith.index_cast %add3A_489 : i32 to index
        %get3A_491 = arith.constant 32 : index
        %get3A_492 = tpu.vector_load %arg24[%get3A_490, %get3A_491] {strides = array<i32>} : memref<50x128xf32, #tpu.memory_space<vmem>>, vector<1x16xf32>,
        %get3A_493 = vector.shape_cast %get3A_492 : vector<1x16xf32> to vector<16xf32>
        %mul3A_494 = arith.mulf %get3A_487, %get3A_493 : vector<16xf32>
        %add3A_495 = arith.constant 1 : i32
        %add3A_496 = arith.addi %mul3A_283, %add3A_495 : i32
        %swap3A_497 = arith.index_cast %add3A_496 : i32 to index
        %swap3A_498 = arith.constant 32 : index
        %swap3A_499 = tpu.vector_load %arg22[%swap3A_497, %swap3A_498] {strides = array<i32>} : memref<50x128xf32, #tpu.memory_space<vmem>>, vector<1x16xf32>,
        %swap3A_500 = vector.shape_cast %swap3A_499 : vector<1x16xf32> to vector<16xf32>
        %swap3A_501 = vector.shape_cast %mul3A_494 : vector<16xf32> to vector<1x16xf32>
        tpu.vector_store %arg22[%swap3A_497, %swap3A_498], %swap3A_501 {strides = array<i32>} : memref<50x128xf32, #tpu.memory_space<vmem>>, vector<1x16xf32>,
        %add3A_502 = arith.constant 1 : i32
        %add3A_503 = arith.addi %mul3A_283, %add3A_502 : i32
        %get3A_504 = arith.index_cast %add3A_503 : i32 to index
        %get3A_505 = arith.constant 48 : index
        %get3A_506 = tpu.vector_load %arg22[%get3A_504, %get3A_505] {strides = array<i32>} : memref<50x128xf32, #tpu.memory_space<vmem>>, vector<1x16xf32>,
        %get3A_507 = vector.shape_cast %get3A_506 : vector<1x16xf32> to vector<16xf32>
        %add3A_508 = arith.constant 1 : i32
        %add3A_509 = arith.addi %mul3A_283, %add3A_508 : i32
        %get3A_510 = arith.index_cast %add3A_509 : i32 to index
        %get3A_511 = arith.constant 48 : index
        %get3A_512 = tpu.vector_load %arg24[%get3A_510, %get3A_511] {strides = array<i32>} : memref<50x128xf32, #tpu.memory_space<vmem>>, vector<1x16xf32>,
        %get3A_513 = vector.shape_cast %get3A_512 : vector<1x16xf32> to vector<16xf32>
        %mul3A_514 = arith.mulf %get3A_507, %get3A_513 : vector<16xf32>
        %add3A_515 = arith.constant 1 : i32
        %add3A_516 = arith.addi %mul3A_283, %add3A_515 : i32
        %swap3A_517 = arith.index_cast %add3A_516 : i32 to index
        %swap3A_518 = arith.constant 48 : index
        %swap3A_519 = tpu.vector_load %arg22[%swap3A_517, %swap3A_518] {strides = array<i32>} : memref<50x128xf32, #tpu.memory_space<vmem>>, vector<1x16xf32>,
        %swap3A_520 = vector.shape_cast %swap3A_519 : vector<1x16xf32> to vector<16xf32>
        %swap3A_521 = vector.shape_cast %mul3A_514 : vector<16xf32> to vector<1x16xf32>
        tpu.vector_store %arg22[%swap3A_517, %swap3A_518], %swap3A_521 {strides = array<i32>} : memref<50x128xf32, #tpu.memory_space<vmem>>, vector<1x16xf32>,
        %add3A_522 = arith.constant 1 : i32
        %add3A_523 = arith.addi %mul3A_283, %add3A_522 : i32
        %get3A_524 = arith.index_cast %add3A_523 : i32 to index
        %get3A_525 = arith.constant 64 : index
        %get3A_526 = tpu.vector_load %arg22[%get3A_524, %get3A_525] {strides = array<i32>} : memref<50x128xf32, #tpu.memory_space<vmem>>, vector<1x16xf32>,
        %get3A_527 = vector.shape_cast %get3A_526 : vector<1x16xf32> to vector<16xf32>
        %add3A_528 = arith.constant 1 : i32
        %add3A_529 = arith.addi %mul3A_283, %add3A_528 : i32
        %get3A_530 = arith.index_cast %add3A_529 : i32 to index
        %get3A_531 = arith.constant 64 : index
        %get3A_532 = tpu.vector_load %arg24[%get3A_530, %get3A_531] {strides = array<i32>} : memref<50x128xf32, #tpu.memory_space<vmem>>, vector<1x16xf32>,
        %get3A_533 = vector.shape_cast %get3A_532 : vector<1x16xf32> to vector<16xf32>
        %mul3A_534 = arith.mulf %get3A_527, %get3A_533 : vector<16xf32>
        %add3A_535 = arith.constant 1 : i32
        %add3A_536 = arith.addi %mul3A_283, %add3A_535 : i32
        %swap3A_537 = arith.index_cast %add3A_536 : i32 to index
        %swap3A_538 = arith.constant 64 : index
        %swap3A_539 = tpu.vector_load %arg22[%swap3A_537, %swap3A_538] {strides = array<i32>} : memref<50x128xf32, #tpu.memory_space<vmem>>, vector<1x16xf32>,
        %swap3A_540 = vector.shape_cast %swap3A_539 : vector<1x16xf32> to vector<16xf32>
        %swap3A_541 = vector.shape_cast %mul3A_534 : vector<16xf32> to vector<1x16xf32>
        tpu.vector_store %arg22[%swap3A_537, %swap3A_538], %swap3A_541 {strides = array<i32>} : memref<50x128xf32, #tpu.memory_space<vmem>>, vector<1x16xf32>,
        %add3A_542 = arith.constant 1 : i32
        %add3A_543 = arith.addi %mul3A_283, %add3A_542 : i32
        %get3A_544 = arith.index_cast %add3A_543 : i32 to index
        %get3A_545 = arith.constant 80 : index
        %get3A_546 = tpu.vector_load %arg22[%get3A_544, %get3A_545] {strides = array<i32>} : memref<50x128xf32, #tpu.memory_space<vmem>>, vector<1x16xf32>,
        %get3A_547 = vector.shape_cast %get3A_546 : vector<1x16xf32> to vector<16xf32>
        %add3A_548 = arith.constant 1 : i32
        %add3A_549 = arith.addi %mul3A_283, %add3A_548 : i32
        %get3A_550 = arith.index_cast %add3A_549 : i32 to index
        %get3A_551 = arith.constant 80 : index
        %get3A_552 = tpu.vector_load %arg24[%get3A_550, %get3A_551] {strides = array<i32>} : memref<50x128xf32, #tpu.memory_space<vmem>>, vector<1x16xf32>,
        %get3A_553 = vector.shape_cast %get3A_552 : vector<1x16xf32> to vector<16xf32>
        %mul3A_554 = arith.mulf %get3A_547, %get3A_553 : vector<16xf32>
        %add3A_555 = arith.constant 1 : i32
        %add3A_556 = arith.addi %mul3A_283, %add3A_555 : i32
        %swap3A_557 = arith.index_cast %add3A_556 : i32 to index
        %swap3A_558 = arith.constant 80 : index
        %swap3A_559 = tpu.vector_load %arg22[%swap3A_557, %swap3A_558] {strides = array<i32>} : memref<50x128xf32, #tpu.memory_space<vmem>>, vector<1x16xf32>,
        %swap3A_560 = vector.shape_cast %swap3A_559 : vector<1x16xf32> to vector<16xf32>
        %swap3A_561 = vector.shape_cast %mul3A_554 : vector<16xf32> to vector<1x16xf32>
        tpu.vector_store %arg22[%swap3A_557, %swap3A_558], %swap3A_561 {strides = array<i32>} : memref<50x128xf32, #tpu.memory_space<vmem>>, vector<1x16xf32>,
        %add3A_562 = arith.constant 1 : i32
        %add3A_563 = arith.addi %mul3A_283, %add3A_562 : i32
        %get3A_564 = arith.index_cast %add3A_563 : i32 to index
        %get3A_565 = arith.constant 96 : index
        %get3A_566 = tpu.vector_load %arg22[%get3A_564, %get3A_565] {strides = array<i32>} : memref<50x128xf32, #tpu.memory_space<vmem>>, vector<1x16xf32>,
        %get3A_567 = vector.shape_cast %get3A_566 : vector<1x16xf32> to vector<16xf32>
        %add3A_568 = arith.constant 1 : i32
        %add3A_569 = arith.addi %mul3A_283, %add3A_568 : i32
        %get3A_570 = arith.index_cast %add3A_569 : i32 to index
        %get3A_571 = arith.constant 96 : index
        %get3A_572 = tpu.vector_load %arg24[%get3A_570, %get3A_571] {strides = array<i32>} : memref<50x128xf32, #tpu.memory_space<vmem>>, vector<1x16xf32>,
        %get3A_573 = vector.shape_cast %get3A_572 : vector<1x16xf32> to vector<16xf32>
        %mul3A_574 = arith.mulf %get3A_567, %get3A_573 : vector<16xf32>
        %add3A_575 = arith.constant 1 : i32
        %add3A_576 = arith.addi %mul3A_283, %add3A_575 : i32
        %swap3A_577 = arith.index_cast %add3A_576 : i32 to index
        %swap3A_578 = arith.constant 96 : index
        %swap3A_579 = tpu.vector_load %arg22[%swap3A_577, %swap3A_578] {strides = array<i32>} : memref<50x128xf32, #tpu.memory_space<vmem>>, vector<1x16xf32>,
        %swap3A_580 = vector.shape_cast %swap3A_579 : vector<1x16xf32> to vector<16xf32>
        %swap3A_581 = vector.shape_cast %mul3A_574 : vector<16xf32> to vector<1x16xf32>
        tpu.vector_store %arg22[%swap3A_577, %swap3A_578], %swap3A_581 {strides = array<i32>} : memref<50x128xf32, #tpu.memory_space<vmem>>, vector<1x16xf32>,
        %add3A_582 = arith.constant 1 : i32
        %add3A_583 = arith.addi %mul3A_283, %add3A_582 : i32
        %get3A_584 = arith.index_cast %add3A_583 : i32 to index
        %get3A_585 = arith.constant 112 : index
        %get3A_586 = tpu.vector_load %arg22[%get3A_584, %get3A_585] {strides = array<i32>} : memref<50x128xf32, #tpu.memory_space<vmem>>, vector<1x16xf32>,
        %get3A_587 = vector.shape_cast %get3A_586 : vector<1x16xf32> to vector<16xf32>
        %add3A_588 = arith.constant 1 : i32
        %add3A_589 = arith.addi %mul3A_283, %add3A_588 : i32
        %get3A_590 = arith.index_cast %add3A_589 : i32 to index
        %get3A_591 = arith.constant 112 : index
        %get3A_592 = tpu.vector_load %arg24[%get3A_590, %get3A_591] {strides = array<i32>} : memref<50x128xf32, #tpu.memory_space<vmem>>, vector<1x16xf32>,
        %get3A_593 = vector.shape_cast %get3A_592 : vector<1x16xf32> to vector<16xf32>
        %mul3A_594 = arith.mulf %get3A_587, %get3A_593 : vector<16xf32>
        %add3A_595 = arith.constant 1 : i32
        %add3A_596 = arith.addi %mul3A_283, %add3A_595 : i32
        %swap3A_597 = arith.index_cast %add3A_596 : i32 to index
        %swap3A_598 = arith.constant 112 : index
        %swap3A_599 = tpu.vector_load %arg22[%swap3A_597, %swap3A_598] {strides = array<i32>} : memref<50x128xf32, #tpu.memory_space<vmem>>, vector<1x16xf32>,
        %swap3A_600 = vector.shape_cast %swap3A_599 : vector<1x16xf32> to vector<16xf32>
        %swap3A_601 = vector.shape_cast %mul3A_594 : vector<16xf32> to vector<1x16xf32>
        tpu.vector_store %arg22[%swap3A_597, %swap3A_598], %swap3A_601 {strides = array<i32>} : memref<50x128xf32, #tpu.memory_space<vmem>>, vector<1x16xf32>,
        %scan3A_602 = arith.constant 0 : i32
        scf.yield %scan3A_602 : i32
      }
      %scan3A_241 = arith.constant 25 : i32
      %dma_start3A_242 = arith.constant 0 : i32
      %dma_start3A_243 = arith.constant 0 : i32
      %dma_start3A_244 = tpu.memref_slice %arg27[%dma_start3A_242, %dma_start3A_243] : memref<10000x128xf32, #tpu.memory_space<vmem_shared>> -> memref<10000x128xf32, #tpu.memory_space<vmem_shared>>
      tpu.enqueue_indirect_dma source(%arg22 : memref<50x128xf32, #tpu.memory_space<vmem>>) target(%dma_start3A_244 : memref<10000x128xf32, #tpu.memory_space<vmem_shared>>) offsets(%arg16 : memref<50xi32, #tpu.memory_space<vmem>>) semaphore(%arg34 : memref<!tpu.dma_semaphore, #tpu.memory_space<semaphore_mem>>) {add = true}
      %mul3A_245 = arith.constant 2 : i32
      %mul3A_246 = arith.muli %mul3A_245, %scan3A_212 : i32
      %add3A_247 = arith.constant 1 : i32
      %add3A_248 = arith.addi %mul3A_246, %add3A_247 : i32
      %dma_wait3A_249 = arith.constant 0 : i32
      %dma_wait3A_250 = arith.constant 0 : i32
      %dma_wait3A_251 = tpu.memref_slice %arg7[%dma_wait3A_249, %dma_wait3A_250] : memref<10000x128xf32, #tpu.memory_space<hbm>> -> memref<10000x128xf32, #tpu.memory_space<hbm>>
      tpu.wait_indirect_dma semaphore(%arg31 : memref<!tpu.dma_semaphore, #tpu.memory_space<semaphore_mem>>) src(%dma_wait3A_251 : memref<10000x128xf32, #tpu.memory_space<hbm>>) dst(%arg23 : memref<50x128xf32, #tpu.memory_space<vmem>>)
      %dma_wait3A_252 = arith.constant 0 : i32
      %dma_wait3A_253 = arith.constant 0 : i32
      %dma_wait3A_254 = tpu.memref_slice %arg8[%dma_wait3A_252, %dma_wait3A_253] : memref<24x128xf32, #tpu.memory_space<hbm>> -> memref<24x128xf32, #tpu.memory_space<hbm>>
      tpu.wait_indirect_dma semaphore(%arg33 : memref<!tpu.dma_semaphore, #tpu.memory_space<semaphore_mem>>) src(%dma_wait3A_254 : memref<24x128xf32, #tpu.memory_space<hbm>>) dst(%arg25 : memref<50x128xf32, #tpu.memory_space<vmem>>)
      %add3A_255 = arith.constant 2 : i32
      %add3A_256 = arith.addi %add3A_248, %add3A_255 : i32
      %lt3A_257 = arith.constant 200 : i32
      %lt3A_258 = arith.cmpi slt, %add3A_256, %lt3A_257 : i32
      %convert_element_type3A_259 = arith.extui %lt3A_258 : i1 to i32
      %cond3A_260 = arith.constant 0 : i32
      %cond3A_261 = arith.cmpi ne, %convert_element_type3A_259, %cond3A_260 : i32
      scf.if %cond3A_261 {
        %add3A_280 = arith.constant 2 : i32
        %add3A_281 = arith.addi %add3A_248, %add3A_280 : i32
        %dma_start3A_282 = arith.constant 0 : i32
        %dma_start3A_283 = arith.constant 0 : i32
        %dma_start3A_284 = tpu.memref_slice %arg2[%add3A, %add3A_281, %dma_start3A_282, %dma_start3A_283] : memref<32x200x1x50xi32, #tpu.memory_space<hbm>> -> memref<1x1x1x50xi32, #tpu.memory_space<hbm>>
        %dma_start3A_285 = tpu.memref_squeeze %dma_start3A_284 : memref<1x1x1x50xi32, #tpu.memory_space<hbm>> -> memref<50xi32, #tpu.memory_space<hbm>>
        %dma_start3A_286 = arith.constant 0 : i32
        %dma_start3A_287 = tpu.memref_slice %arg2[%add3A, %add3A_281, %dma_start3A_282, %dma_start3A_286] : memref<32x200x1x50xi32, #tpu.memory_space<hbm>> -> memref<1x1x1x50xi32, #tpu.memory_space<hbm>>
        %dma_start3A_288 = tpu.memref_squeeze %dma_start3A_287 : memref<1x1x1x50xi32, #tpu.memory_space<hbm>> -> memref<50xi32, #tpu.memory_space<hbm>>
        tpu.enqueue_dma source(%dma_start3A_288 : memref<50xi32, #tpu.memory_space<hbm>>) target(%arg15 : memref<50xi32, #tpu.memory_space<vmem>>) target_semaphore(%arg29 : memref<!tpu.dma_semaphore, #tpu.memory_space<semaphore_mem>>)
        %dma_start3A_289 = arith.constant 0 : i32
        %dma_start3A_290 = arith.constant 0 : i32
        %dma_start3A_291 = tpu.memref_slice %arg3[%add3A, %add3A_281, %dma_start3A_289, %dma_start3A_290] : memref<32x200x1x50xi32, #tpu.memory_space<hbm>> -> memref<1x1x1x50xi32, #tpu.memory_space<hbm>>
        %dma_start3A_292 = tpu.memref_squeeze %dma_start3A_291 : memref<1x1x1x50xi32, #tpu.memory_space<hbm>> -> memref<50xi32, #tpu.memory_space<hbm>>
        %dma_start3A_293 = arith.constant 0 : i32
        %dma_start3A_294 = tpu.memref_slice %arg3[%add3A, %add3A_281, %dma_start3A_289, %dma_start3A_293] : memref<32x200x1x50xi32, #tpu.memory_space<hbm>> -> memref<1x1x1x50xi32, #tpu.memory_space<hbm>>
        %dma_start3A_295 = tpu.memref_squeeze %dma_start3A_294 : memref<1x1x1x50xi32, #tpu.memory_space<hbm>> -> memref<50xi32, #tpu.memory_space<hbm>>
        tpu.enqueue_dma source(%dma_start3A_295 : memref<50xi32, #tpu.memory_space<hbm>>) target(%arg17 : memref<50xi32, #tpu.memory_space<vmem>>) target_semaphore(%arg29 : memref<!tpu.dma_semaphore, #tpu.memory_space<semaphore_mem>>)
        %dma_start3A_296 = arith.constant 0 : i32
        %dma_start3A_297 = arith.constant 0 : i32
        %dma_start3A_298 = tpu.memref_slice %arg4[%add3A, %add3A_281, %dma_start3A_296, %dma_start3A_297] : memref<32x200x1x50xi32, #tpu.memory_space<hbm>> -> memref<1x1x1x50xi32, #tpu.memory_space<hbm>>
        %dma_start3A_299 = tpu.memref_squeeze %dma_start3A_298 : memref<1x1x1x50xi32, #tpu.memory_space<hbm>> -> memref<50xi32, #tpu.memory_space<hbm>>
        %dma_start3A_300 = arith.constant 0 : i32
        %dma_start3A_301 = tpu.memref_slice %arg4[%add3A, %add3A_281, %dma_start3A_296, %dma_start3A_300] : memref<32x200x1x50xi32, #tpu.memory_space<hbm>> -> memref<1x1x1x50xi32, #tpu.memory_space<hbm>>
        %dma_start3A_302 = tpu.memref_squeeze %dma_start3A_301 : memref<1x1x1x50xi32, #tpu.memory_space<hbm>> -> memref<50xi32, #tpu.memory_space<hbm>>
        tpu.enqueue_dma source(%dma_start3A_302 : memref<50xi32, #tpu.memory_space<hbm>>) target(%arg19 : memref<50xi32, #tpu.memory_space<vmem>>) target_semaphore(%arg29 : memref<!tpu.dma_semaphore, #tpu.memory_space<semaphore_mem>>)
      } else {
      }
      %add3A_262 = arith.constant 1 : i32
      %add3A_263 = arith.addi %add3A_248, %add3A_262 : i32
      %lt3A_264 = arith.constant 200 : i32
      %lt3A_265 = arith.cmpi slt, %add3A_263, %lt3A_264 : i32
      %convert_element_type3A_266 = arith.extui %lt3A_265 : i1 to i32
      %cond3A_267 = arith.constant 0 : i32
      %cond3A_268 = arith.cmpi ne, %convert_element_type3A_266, %cond3A_267 : i32
      scf.if %cond3A_268 {
        %dma_wait3A_280 = arith.constant 0 : i32
        %dma_wait3A_281 = arith.constant 0 : i32
        %dma_wait3A_282 = arith.constant 0 : i32
        %dma_wait3A_283 = arith.constant 0 : i32
        %dma_wait3A_284 = tpu.memref_slice %arg2[%dma_wait3A_280, %dma_wait3A_281, %dma_wait3A_282, %dma_wait3A_283] : memref<32x200x1x50xi32, #tpu.memory_space<hbm>> -> memref<1x1x1x50xi32, #tpu.memory_space<hbm>>
        %dma_wait3A_285 = tpu.memref_squeeze %dma_wait3A_284 : memref<1x1x1x50xi32, #tpu.memory_space<hbm>> -> memref<50xi32, #tpu.memory_space<hbm>>
        %dma_wait3A_286 = arith.constant 0 : i32
        %dma_wait3A_287 = tpu.memref_slice %arg2[%dma_wait3A_280, %dma_wait3A_281, %dma_wait3A_282, %dma_wait3A_286] : memref<32x200x1x50xi32, #tpu.memory_space<hbm>> -> memref<1x1x1x50xi32, #tpu.memory_space<hbm>>
        %dma_wait3A_288 = tpu.memref_squeeze %dma_wait3A_287 : memref<1x1x1x50xi32, #tpu.memory_space<hbm>> -> memref<50xi32, #tpu.memory_space<hbm>>
        tpu.wait_dma2 semaphore(%arg28 : memref<!tpu.dma_semaphore, #tpu.memory_space<semaphore_mem>>) src(%dma_wait3A_288 : memref<50xi32, #tpu.memory_space<hbm>>) dst(%arg14 : memref<50xi32, #tpu.memory_space<vmem>>)
        %dma_wait3A_289 = arith.constant 0 : i32
        %dma_wait3A_290 = arith.constant 0 : i32
        %dma_wait3A_291 = arith.constant 0 : i32
        %dma_wait3A_292 = arith.constant 0 : i32
        %dma_wait3A_293 = tpu.memref_slice %arg2[%dma_wait3A_289, %dma_wait3A_290, %dma_wait3A_291, %dma_wait3A_292] : memref<32x200x1x50xi32, #tpu.memory_space<hbm>> -> memref<1x1x1x50xi32, #tpu.memory_space<hbm>>
        %dma_wait3A_294 = tpu.memref_squeeze %dma_wait3A_293 : memref<1x1x1x50xi32, #tpu.memory_space<hbm>> -> memref<50xi32, #tpu.memory_space<hbm>>
        %dma_wait3A_295 = arith.constant 0 : i32
        %dma_wait3A_296 = tpu.memref_slice %arg2[%dma_wait3A_289, %dma_wait3A_290, %dma_wait3A_291, %dma_wait3A_295] : memref<32x200x1x50xi32, #tpu.memory_space<hbm>> -> memref<1x1x1x50xi32, #tpu.memory_space<hbm>>
        %dma_wait3A_297 = tpu.memref_squeeze %dma_wait3A_296 : memref<1x1x1x50xi32, #tpu.memory_space<hbm>> -> memref<50xi32, #tpu.memory_space<hbm>>
        tpu.wait_dma2 semaphore(%arg28 : memref<!tpu.dma_semaphore, #tpu.memory_space<semaphore_mem>>) src(%dma_wait3A_297 : memref<50xi32, #tpu.memory_space<hbm>>) dst(%arg16 : memref<50xi32, #tpu.memory_space<vmem>>)
        %dma_wait3A_298 = arith.constant 0 : i32
        %dma_wait3A_299 = arith.constant 0 : i32
        %dma_wait3A_300 = arith.constant 0 : i32
        %dma_wait3A_301 = arith.constant 0 : i32
        %dma_wait3A_302 = tpu.memref_slice %arg2[%dma_wait3A_298, %dma_wait3A_299, %dma_wait3A_300, %dma_wait3A_301] : memref<32x200x1x50xi32, #tpu.memory_space<hbm>> -> memref<1x1x1x50xi32, #tpu.memory_space<hbm>>
        %dma_wait3A_303 = tpu.memref_squeeze %dma_wait3A_302 : memref<1x1x1x50xi32, #tpu.memory_space<hbm>> -> memref<50xi32, #tpu.memory_space<hbm>>
        %dma_wait3A_304 = arith.constant 0 : i32
        %dma_wait3A_305 = tpu.memref_slice %arg2[%dma_wait3A_298, %dma_wait3A_299, %dma_wait3A_300, %dma_wait3A_304] : memref<32x200x1x50xi32, #tpu.memory_space<hbm>> -> memref<1x1x1x50xi32, #tpu.memory_space<hbm>>
        %dma_wait3A_306 = tpu.memref_squeeze %dma_wait3A_305 : memref<1x1x1x50xi32, #tpu.memory_space<hbm>> -> memref<50xi32, #tpu.memory_space<hbm>>
        tpu.wait_dma2 semaphore(%arg28 : memref<!tpu.dma_semaphore, #tpu.memory_space<semaphore_mem>>) src(%dma_wait3A_306 : memref<50xi32, #tpu.memory_space<hbm>>) dst(%arg18 : memref<50xi32, #tpu.memory_space<vmem>>)
        %ge3A = arith.constant 1 : i32
        %ge3A_307 = arith.cmpi sge, %add3A_248, %ge3A : i32
        %convert_element_type3A_308 = arith.extui %ge3A_307 : i1 to i32
        %cond3A_309 = arith.constant 0 : i32
        %cond3A_310 = arith.cmpi ne, %convert_element_type3A_308, %cond3A_309 : i32
        scf.if %cond3A_310 {
          %dma_wait3A_317 = arith.constant 0 : i32
          %dma_wait3A_318 = arith.constant 0 : i32
          %dma_wait3A_319 = tpu.memref_slice %arg27[%dma_wait3A_317, %dma_wait3A_318] : memref<10000x128xf32, #tpu.memory_space<vmem_shared>> -> memref<10000x128xf32, #tpu.memory_space<vmem_shared>>
          tpu.wait_indirect_dma semaphore(%arg34 : memref<!tpu.dma_semaphore, #tpu.memory_space<semaphore_mem>>) src(%arg22 : memref<50x128xf32, #tpu.memory_space<vmem>>) dst(%dma_wait3A_319 : memref<10000x128xf32, #tpu.memory_space<vmem_shared>>)
        } else {
        }
        %dma_start3A_311 = arith.constant 0 : i32
        %dma_start3A_312 = arith.constant 0 : i32
        %dma_start3A_313 = tpu.memref_slice %arg7[%dma_start3A_311, %dma_start3A_312] : memref<10000x128xf32, #tpu.memory_space<hbm>> -> memref<10000x128xf32, #tpu.memory_space<hbm>>
        tpu.enqueue_indirect_dma source(%dma_start3A_313 : memref<10000x128xf32, #tpu.memory_space<hbm>>) target(%arg22 : memref<50x128xf32, #tpu.memory_space<vmem>>) offsets(%arg14 : memref<50xi32, #tpu.memory_space<vmem>>) semaphore(%arg30 : memref<!tpu.dma_semaphore, #tpu.memory_space<semaphore_mem>>)
        %dma_start3A_314 = arith.constant 0 : i32
        %dma_start3A_315 = arith.constant 0 : i32
        %dma_start3A_316 = tpu.memref_slice %arg8[%dma_start3A_314, %dma_start3A_315] : memref<24x128xf32, #tpu.memory_space<hbm>> -> memref<24x128xf32, #tpu.memory_space<hbm>>
        tpu.enqueue_indirect_dma source(%dma_start3A_316 : memref<24x128xf32, #tpu.memory_space<hbm>>) target(%arg24 : memref<50x128xf32, #tpu.memory_space<vmem>>) offsets(%arg18 : memref<50xi32, #tpu.memory_space<vmem>>) semaphore(%arg32 : memref<!tpu.dma_semaphore, #tpu.memory_space<semaphore_mem>>)
      } else {
      }
      %scan3A_269 = arith.constant 0 : i32
      %scan3A_270 = arith.constant 0 : i32
      %scan3A_271 = arith.constant 25 : i32
      %scan3A_272 = arith.addi %scan3A_270, %scan3A_271 : i32
      %scan3A_273 = arith.constant 1 : i32
      %scan3A_274 = scf.for %scan3A_280 = %scan3A_270 to %scan3A_272 step %scan3A_273 iter_args(%scan3A_281 = %scan3A_269) -> (i32)  : i32 {
        %mul3A_282 = arith.constant 2 : i32
        %mul3A_283 = arith.muli %mul3A_282, %scan3A_280 : i32
        %add3A_284 = arith.constant 0 : i32
        %add3A_285 = arith.addi %mul3A_283, %add3A_284 : i32
        %get3A = arith.index_cast %add3A_285 : i32 to index
        %get3A_286 = arith.constant 0 : index
        %get3A_287 = tpu.vector_load %arg23[%get3A, %get3A_286] {strides = array<i32>} : memref<50x128xf32, #tpu.memory_space<vmem>>, vector<1x16xf32>,
        %get3A_288 = vector.shape_cast %get3A_287 : vector<1x16xf32> to vector<16xf32>
        %add3A_289 = arith.constant 0 : i32
        %add3A_290 = arith.addi %mul3A_283, %add3A_289 : i32
        %get3A_291 = arith.index_cast %add3A_290 : i32 to index
        %get3A_292 = arith.constant 0 : index
        %get3A_293 = tpu.vector_load %arg25[%get3A_291, %get3A_292] {strides = array<i32>} : memref<50x128xf32, #tpu.memory_space<vmem>>, vector<1x16xf32>,
        %get3A_294 = vector.shape_cast %get3A_293 : vector<1x16xf32> to vector<16xf32>
        %mul3A_295 = arith.mulf %get3A_288, %get3A_294 : vector<16xf32>
        %add3A_296 = arith.constant 0 : i32
        %add3A_297 = arith.addi %mul3A_283, %add3A_296 : i32
        %swap3A = arith.index_cast %add3A_297 : i32 to index
        %swap3A_298 = arith.constant 0 : index
        %swap3A_299 = tpu.vector_load %arg23[%swap3A, %swap3A_298] {strides = array<i32>} : memref<50x128xf32, #tpu.memory_space<vmem>>, vector<1x16xf32>,
        %swap3A_300 = vector.shape_cast %swap3A_299 : vector<1x16xf32> to vector<16xf32>
        %swap3A_301 = vector.shape_cast %mul3A_295 : vector<16xf32> to vector<1x16xf32>
        tpu.vector_store %arg23[%swap3A, %swap3A_298], %swap3A_301 {strides = array<i32>} : memref<50x128xf32, #tpu.memory_space<vmem>>, vector<1x16xf32>,
        %add3A_302 = arith.constant 0 : i32
        %add3A_303 = arith.addi %mul3A_283, %add3A_302 : i32
        %get3A_304 = arith.index_cast %add3A_303 : i32 to index
        %get3A_305 = arith.constant 16 : index
        %get3A_306 = tpu.vector_load %arg23[%get3A_304, %get3A_305] {strides = array<i32>} : memref<50x128xf32, #tpu.memory_space<vmem>>, vector<1x16xf32>,
        %get3A_307 = vector.shape_cast %get3A_306 : vector<1x16xf32> to vector<16xf32>
        %add3A_308 = arith.constant 0 : i32
        %add3A_309 = arith.addi %mul3A_283, %add3A_308 : i32
        %get3A_310 = arith.index_cast %add3A_309 : i32 to index
        %get3A_311 = arith.constant 16 : index
        %get3A_312 = tpu.vector_load %arg25[%get3A_310, %get3A_311] {strides = array<i32>} : memref<50x128xf32, #tpu.memory_space<vmem>>, vector<1x16xf32>,
        %get3A_313 = vector.shape_cast %get3A_312 : vector<1x16xf32> to vector<16xf32>
        %mul3A_314 = arith.mulf %get3A_307, %get3A_313 : vector<16xf32>
        %add3A_315 = arith.constant 0 : i32
        %add3A_316 = arith.addi %mul3A_283, %add3A_315 : i32
        %swap3A_317 = arith.index_cast %add3A_316 : i32 to index
        %swap3A_318 = arith.constant 16 : index
        %swap3A_319 = tpu.vector_load %arg23[%swap3A_317, %swap3A_318] {strides = array<i32>} : memref<50x128xf32, #tpu.memory_space<vmem>>, vector<1x16xf32>,
        %swap3A_320 = vector.shape_cast %swap3A_319 : vector<1x16xf32> to vector<16xf32>
        %swap3A_321 = vector.shape_cast %mul3A_314 : vector<16xf32> to vector<1x16xf32>
        tpu.vector_store %arg23[%swap3A_317, %swap3A_318], %swap3A_321 {strides = array<i32>} : memref<50x128xf32, #tpu.memory_space<vmem>>, vector<1x16xf32>,
        %add3A_322 = arith.constant 0 : i32
        %add3A_323 = arith.addi %mul3A_283, %add3A_322 : i32
        %get3A_324 = arith.index_cast %add3A_323 : i32 to index
        %get3A_325 = arith.constant 32 : index
        %get3A_326 = tpu.vector_load %arg23[%get3A_324, %get3A_325] {strides = array<i32>} : memref<50x128xf32, #tpu.memory_space<vmem>>, vector<1x16xf32>,
        %get3A_327 = vector.shape_cast %get3A_326 : vector<1x16xf32> to vector<16xf32>
        %add3A_328 = arith.constant 0 : i32
        %add3A_329 = arith.addi %mul3A_283, %add3A_328 : i32
        %get3A_330 = arith.index_cast %add3A_329 : i32 to index
        %get3A_331 = arith.constant 32 : index
        %get3A_332 = tpu.vector_load %arg25[%get3A_330, %get3A_331] {strides = array<i32>} : memref<50x128xf32, #tpu.memory_space<vmem>>, vector<1x16xf32>,
        %get3A_333 = vector.shape_cast %get3A_332 : vector<1x16xf32> to vector<16xf32>
        %mul3A_334 = arith.mulf %get3A_327, %get3A_333 : vector<16xf32>
        %add3A_335 = arith.constant 0 : i32
        %add3A_336 = arith.addi %mul3A_283, %add3A_335 : i32
        %swap3A_337 = arith.index_cast %add3A_336 : i32 to index
        %swap3A_338 = arith.constant 32 : index
        %swap3A_339 = tpu.vector_load %arg23[%swap3A_337, %swap3A_338] {strides = array<i32>} : memref<50x128xf32, #tpu.memory_space<vmem>>, vector<1x16xf32>,
        %swap3A_340 = vector.shape_cast %swap3A_339 : vector<1x16xf32> to vector<16xf32>
        %swap3A_341 = vector.shape_cast %mul3A_334 : vector<16xf32> to vector<1x16xf32>
        tpu.vector_store %arg23[%swap3A_337, %swap3A_338], %swap3A_341 {strides = array<i32>} : memref<50x128xf32, #tpu.memory_space<vmem>>, vector<1x16xf32>,
        %add3A_342 = arith.constant 0 : i32
        %add3A_343 = arith.addi %mul3A_283, %add3A_342 : i32
        %get3A_344 = arith.index_cast %add3A_343 : i32 to index
        %get3A_345 = arith.constant 48 : index
        %get3A_346 = tpu.vector_load %arg23[%get3A_344, %get3A_345] {strides = array<i32>} : memref<50x128xf32, #tpu.memory_space<vmem>>, vector<1x16xf32>,
        %get3A_347 = vector.shape_cast %get3A_346 : vector<1x16xf32> to vector<16xf32>
        %add3A_348 = arith.constant 0 : i32
        %add3A_349 = arith.addi %mul3A_283, %add3A_348 : i32
        %get3A_350 = arith.index_cast %add3A_349 : i32 to index
        %get3A_351 = arith.constant 48 : index
        %get3A_352 = tpu.vector_load %arg25[%get3A_350, %get3A_351] {strides = array<i32>} : memref<50x128xf32, #tpu.memory_space<vmem>>, vector<1x16xf32>,
        %get3A_353 = vector.shape_cast %get3A_352 : vector<1x16xf32> to vector<16xf32>
        %mul3A_354 = arith.mulf %get3A_347, %get3A_353 : vector<16xf32>
        %add3A_355 = arith.constant 0 : i32
        %add3A_356 = arith.addi %mul3A_283, %add3A_355 : i32
        %swap3A_357 = arith.index_cast %add3A_356 : i32 to index
        %swap3A_358 = arith.constant 48 : index
        %swap3A_359 = tpu.vector_load %arg23[%swap3A_357, %swap3A_358] {strides = array<i32>} : memref<50x128xf32, #tpu.memory_space<vmem>>, vector<1x16xf32>,
        %swap3A_360 = vector.shape_cast %swap3A_359 : vector<1x16xf32> to vector<16xf32>
        %swap3A_361 = vector.shape_cast %mul3A_354 : vector<16xf32> to vector<1x16xf32>
        tpu.vector_store %arg23[%swap3A_357, %swap3A_358], %swap3A_361 {strides = array<i32>} : memref<50x128xf32, #tpu.memory_space<vmem>>, vector<1x16xf32>,
        %add3A_362 = arith.constant 0 : i32
        %add3A_363 = arith.addi %mul3A_283, %add3A_362 : i32
        %get3A_364 = arith.index_cast %add3A_363 : i32 to index
        %get3A_365 = arith.constant 64 : index
        %get3A_366 = tpu.vector_load %arg23[%get3A_364, %get3A_365] {strides = array<i32>} : memref<50x128xf32, #tpu.memory_space<vmem>>, vector<1x16xf32>,
        %get3A_367 = vector.shape_cast %get3A_366 : vector<1x16xf32> to vector<16xf32>
        %add3A_368 = arith.constant 0 : i32
        %add3A_369 = arith.addi %mul3A_283, %add3A_368 : i32
        %get3A_370 = arith.index_cast %add3A_369 : i32 to index
        %get3A_371 = arith.constant 64 : index
        %get3A_372 = tpu.vector_load %arg25[%get3A_370, %get3A_371] {strides = array<i32>} : memref<50x128xf32, #tpu.memory_space<vmem>>, vector<1x16xf32>,
        %get3A_373 = vector.shape_cast %get3A_372 : vector<1x16xf32> to vector<16xf32>
        %mul3A_374 = arith.mulf %get3A_367, %get3A_373 : vector<16xf32>
        %add3A_375 = arith.constant 0 : i32
        %add3A_376 = arith.addi %mul3A_283, %add3A_375 : i32
        %swap3A_377 = arith.index_cast %add3A_376 : i32 to index
        %swap3A_378 = arith.constant 64 : index
        %swap3A_379 = tpu.vector_load %arg23[%swap3A_377, %swap3A_378] {strides = array<i32>} : memref<50x128xf32, #tpu.memory_space<vmem>>, vector<1x16xf32>,
        %swap3A_380 = vector.shape_cast %swap3A_379 : vector<1x16xf32> to vector<16xf32>
        %swap3A_381 = vector.shape_cast %mul3A_374 : vector<16xf32> to vector<1x16xf32>
        tpu.vector_store %arg23[%swap3A_377, %swap3A_378], %swap3A_381 {strides = array<i32>} : memref<50x128xf32, #tpu.memory_space<vmem>>, vector<1x16xf32>,
        %add3A_382 = arith.constant 0 : i32
        %add3A_383 = arith.addi %mul3A_283, %add3A_382 : i32
        %get3A_384 = arith.index_cast %add3A_383 : i32 to index
        %get3A_385 = arith.constant 80 : index
        %get3A_386 = tpu.vector_load %arg23[%get3A_384, %get3A_385] {strides = array<i32>} : memref<50x128xf32, #tpu.memory_space<vmem>>, vector<1x16xf32>,
        %get3A_387 = vector.shape_cast %get3A_386 : vector<1x16xf32> to vector<16xf32>
        %add3A_388 = arith.constant 0 : i32
        %add3A_389 = arith.addi %mul3A_283, %add3A_388 : i32
        %get3A_390 = arith.index_cast %add3A_389 : i32 to index
        %get3A_391 = arith.constant 80 : index
        %get3A_392 = tpu.vector_load %arg25[%get3A_390, %get3A_391] {strides = array<i32>} : memref<50x128xf32, #tpu.memory_space<vmem>>, vector<1x16xf32>,
        %get3A_393 = vector.shape_cast %get3A_392 : vector<1x16xf32> to vector<16xf32>
        %mul3A_394 = arith.mulf %get3A_387, %get3A_393 : vector<16xf32>
        %add3A_395 = arith.constant 0 : i32
        %add3A_396 = arith.addi %mul3A_283, %add3A_395 : i32
        %swap3A_397 = arith.index_cast %add3A_396 : i32 to index
        %swap3A_398 = arith.constant 80 : index
        %swap3A_399 = tpu.vector_load %arg23[%swap3A_397, %swap3A_398] {strides = array<i32>} : memref<50x128xf32, #tpu.memory_space<vmem>>, vector<1x16xf32>,
        %swap3A_400 = vector.shape_cast %swap3A_399 : vector<1x16xf32> to vector<16xf32>
        %swap3A_401 = vector.shape_cast %mul3A_394 : vector<16xf32> to vector<1x16xf32>
        tpu.vector_store %arg23[%swap3A_397, %swap3A_398], %swap3A_401 {strides = array<i32>} : memref<50x128xf32, #tpu.memory_space<vmem>>, vector<1x16xf32>,
        %add3A_402 = arith.constant 0 : i32
        %add3A_403 = arith.addi %mul3A_283, %add3A_402 : i32
        %get3A_404 = arith.index_cast %add3A_403 : i32 to index
        %get3A_405 = arith.constant 96 : index
        %get3A_406 = tpu.vector_load %arg23[%get3A_404, %get3A_405] {strides = array<i32>} : memref<50x128xf32, #tpu.memory_space<vmem>>, vector<1x16xf32>,
        %get3A_407 = vector.shape_cast %get3A_406 : vector<1x16xf32> to vector<16xf32>
        %add3A_408 = arith.constant 0 : i32
        %add3A_409 = arith.addi %mul3A_283, %add3A_408 : i32
        %get3A_410 = arith.index_cast %add3A_409 : i32 to index
        %get3A_411 = arith.constant 96 : index
        %get3A_412 = tpu.vector_load %arg25[%get3A_410, %get3A_411] {strides = array<i32>} : memref<50x128xf32, #tpu.memory_space<vmem>>, vector<1x16xf32>,
        %get3A_413 = vector.shape_cast %get3A_412 : vector<1x16xf32> to vector<16xf32>
        %mul3A_414 = arith.mulf %get3A_407, %get3A_413 : vector<16xf32>
        %add3A_415 = arith.constant 0 : i32
        %add3A_416 = arith.addi %mul3A_283, %add3A_415 : i32
        %swap3A_417 = arith.index_cast %add3A_416 : i32 to index
        %swap3A_418 = arith.constant 96 : index
        %swap3A_419 = tpu.vector_load %arg23[%swap3A_417, %swap3A_418] {strides = array<i32>} : memref<50x128xf32, #tpu.memory_space<vmem>>, vector<1x16xf32>,
        %swap3A_420 = vector.shape_cast %swap3A_419 : vector<1x16xf32> to vector<16xf32>
        %swap3A_421 = vector.shape_cast %mul3A_414 : vector<16xf32> to vector<1x16xf32>
        tpu.vector_store %arg23[%swap3A_417, %swap3A_418], %swap3A_421 {strides = array<i32>} : memref<50x128xf32, #tpu.memory_space<vmem>>, vector<1x16xf32>,
        %add3A_422 = arith.constant 0 : i32
        %add3A_423 = arith.addi %mul3A_283, %add3A_422 : i32
        %get3A_424 = arith.index_cast %add3A_423 : i32 to index
        %get3A_425 = arith.constant 112 : index
        %get3A_426 = tpu.vector_load %arg23[%get3A_424, %get3A_425] {strides = array<i32>} : memref<50x128xf32, #tpu.memory_space<vmem>>, vector<1x16xf32>,
        %get3A_427 = vector.shape_cast %get3A_426 : vector<1x16xf32> to vector<16xf32>
        %add3A_428 = arith.constant 0 : i32
        %add3A_429 = arith.addi %mul3A_283, %add3A_428 : i32
        %get3A_430 = arith.index_cast %add3A_429 : i32 to index
        %get3A_431 = arith.constant 112 : index
        %get3A_432 = tpu.vector_load %arg25[%get3A_430, %get3A_431] {strides = array<i32>} : memref<50x128xf32, #tpu.memory_space<vmem>>, vector<1x16xf32>,
        %get3A_433 = vector.shape_cast %get3A_432 : vector<1x16xf32> to vector<16xf32>
        %mul3A_434 = arith.mulf %get3A_427, %get3A_433 : vector<16xf32>
        %add3A_435 = arith.constant 0 : i32
        %add3A_436 = arith.addi %mul3A_283, %add3A_435 : i32
        %swap3A_437 = arith.index_cast %add3A_436 : i32 to index
        %swap3A_438 = arith.constant 112 : index
        %swap3A_439 = tpu.vector_load %arg23[%swap3A_437, %swap3A_438] {strides = array<i32>} : memref<50x128xf32, #tpu.memory_space<vmem>>, vector<1x16xf32>,
        %swap3A_440 = vector.shape_cast %swap3A_439 : vector<1x16xf32> to vector<16xf32>
        %swap3A_441 = vector.shape_cast %mul3A_434 : vector<16xf32> to vector<1x16xf32>
        tpu.vector_store %arg23[%swap3A_437, %swap3A_438], %swap3A_441 {strides = array<i32>} : memref<50x128xf32, #tpu.memory_space<vmem>>, vector<1x16xf32>,
        %add3A_442 = arith.constant 1 : i32
        %add3A_443 = arith.addi %mul3A_283, %add3A_442 : i32
        %get3A_444 = arith.index_cast %add3A_443 : i32 to index
        %get3A_445 = arith.constant 0 : index
        %get3A_446 = tpu.vector_load %arg23[%get3A_444, %get3A_445] {strides = array<i32>} : memref<50x128xf32, #tpu.memory_space<vmem>>, vector<1x16xf32>,
        %get3A_447 = vector.shape_cast %get3A_446 : vector<1x16xf32> to vector<16xf32>
        %add3A_448 = arith.constant 1 : i32
        %add3A_449 = arith.addi %mul3A_283, %add3A_448 : i32
        %get3A_450 = arith.index_cast %add3A_449 : i32 to index
        %get3A_451 = arith.constant 0 : index
        %get3A_452 = tpu.vector_load %arg25[%get3A_450, %get3A_451] {strides = array<i32>} : memref<50x128xf32, #tpu.memory_space<vmem>>, vector<1x16xf32>,
        %get3A_453 = vector.shape_cast %get3A_452 : vector<1x16xf32> to vector<16xf32>
        %mul3A_454 = arith.mulf %get3A_447, %get3A_453 : vector<16xf32>
        %add3A_455 = arith.constant 1 : i32
        %add3A_456 = arith.addi %mul3A_283, %add3A_455 : i32
        %swap3A_457 = arith.index_cast %add3A_456 : i32 to index
        %swap3A_458 = arith.constant 0 : index
        %swap3A_459 = tpu.vector_load %arg23[%swap3A_457, %swap3A_458] {strides = array<i32>} : memref<50x128xf32, #tpu.memory_space<vmem>>, vector<1x16xf32>,
        %swap3A_460 = vector.shape_cast %swap3A_459 : vector<1x16xf32> to vector<16xf32>
        %swap3A_461 = vector.shape_cast %mul3A_454 : vector<16xf32> to vector<1x16xf32>
        tpu.vector_store %arg23[%swap3A_457, %swap3A_458], %swap3A_461 {strides = array<i32>} : memref<50x128xf32, #tpu.memory_space<vmem>>, vector<1x16xf32>,
        %add3A_462 = arith.constant 1 : i32
        %add3A_463 = arith.addi %mul3A_283, %add3A_462 : i32
        %get3A_464 = arith.index_cast %add3A_463 : i32 to index
        %get3A_465 = arith.constant 16 : index
        %get3A_466 = tpu.vector_load %arg23[%get3A_464, %get3A_465] {strides = array<i32>} : memref<50x128xf32, #tpu.memory_space<vmem>>, vector<1x16xf32>,
        %get3A_467 = vector.shape_cast %get3A_466 : vector<1x16xf32> to vector<16xf32>
        %add3A_468 = arith.constant 1 : i32
        %add3A_469 = arith.addi %mul3A_283, %add3A_468 : i32
        %get3A_470 = arith.index_cast %add3A_469 : i32 to index
        %get3A_471 = arith.constant 16 : index
        %get3A_472 = tpu.vector_load %arg25[%get3A_470, %get3A_471] {strides = array<i32>} : memref<50x128xf32, #tpu.memory_space<vmem>>, vector<1x16xf32>,
        %get3A_473 = vector.shape_cast %get3A_472 : vector<1x16xf32> to vector<16xf32>
        %mul3A_474 = arith.mulf %get3A_467, %get3A_473 : vector<16xf32>
        %add3A_475 = arith.constant 1 : i32
        %add3A_476 = arith.addi %mul3A_283, %add3A_475 : i32
        %swap3A_477 = arith.index_cast %add3A_476 : i32 to index
        %swap3A_478 = arith.constant 16 : index
        %swap3A_479 = tpu.vector_load %arg23[%swap3A_477, %swap3A_478] {strides = array<i32>} : memref<50x128xf32, #tpu.memory_space<vmem>>, vector<1x16xf32>,
        %swap3A_480 = vector.shape_cast %swap3A_479 : vector<1x16xf32> to vector<16xf32>
        %swap3A_481 = vector.shape_cast %mul3A_474 : vector<16xf32> to vector<1x16xf32>
        tpu.vector_store %arg23[%swap3A_477, %swap3A_478], %swap3A_481 {strides = array<i32>} : memref<50x128xf32, #tpu.memory_space<vmem>>, vector<1x16xf32>,
        %add3A_482 = arith.constant 1 : i32
        %add3A_483 = arith.addi %mul3A_283, %add3A_482 : i32
        %get3A_484 = arith.index_cast %add3A_483 : i32 to index
        %get3A_485 = arith.constant 32 : index
        %get3A_486 = tpu.vector_load %arg23[%get3A_484, %get3A_485] {strides = array<i32>} : memref<50x128xf32, #tpu.memory_space<vmem>>, vector<1x16xf32>,
        %get3A_487 = vector.shape_cast %get3A_486 : vector<1x16xf32> to vector<16xf32>
        %add3A_488 = arith.constant 1 : i32
        %add3A_489 = arith.addi %mul3A_283, %add3A_488 : i32
        %get3A_490 = arith.index_cast %add3A_489 : i32 to index
        %get3A_491 = arith.constant 32 : index
        %get3A_492 = tpu.vector_load %arg25[%get3A_490, %get3A_491] {strides = array<i32>} : memref<50x128xf32, #tpu.memory_space<vmem>>, vector<1x16xf32>,
        %get3A_493 = vector.shape_cast %get3A_492 : vector<1x16xf32> to vector<16xf32>
        %mul3A_494 = arith.mulf %get3A_487, %get3A_493 : vector<16xf32>
        %add3A_495 = arith.constant 1 : i32
        %add3A_496 = arith.addi %mul3A_283, %add3A_495 : i32
        %swap3A_497 = arith.index_cast %add3A_496 : i32 to index
        %swap3A_498 = arith.constant 32 : index
        %swap3A_499 = tpu.vector_load %arg23[%swap3A_497, %swap3A_498] {strides = array<i32>} : memref<50x128xf32, #tpu.memory_space<vmem>>, vector<1x16xf32>,
        %swap3A_500 = vector.shape_cast %swap3A_499 : vector<1x16xf32> to vector<16xf32>
        %swap3A_501 = vector.shape_cast %mul3A_494 : vector<16xf32> to vector<1x16xf32>
        tpu.vector_store %arg23[%swap3A_497, %swap3A_498], %swap3A_501 {strides = array<i32>} : memref<50x128xf32, #tpu.memory_space<vmem>>, vector<1x16xf32>,
        %add3A_502 = arith.constant 1 : i32
        %add3A_503 = arith.addi %mul3A_283, %add3A_502 : i32
        %get3A_504 = arith.index_cast %add3A_503 : i32 to index
        %get3A_505 = arith.constant 48 : index
        %get3A_506 = tpu.vector_load %arg23[%get3A_504, %get3A_505] {strides = array<i32>} : memref<50x128xf32, #tpu.memory_space<vmem>>, vector<1x16xf32>,
        %get3A_507 = vector.shape_cast %get3A_506 : vector<1x16xf32> to vector<16xf32>
        %add3A_508 = arith.constant 1 : i32
        %add3A_509 = arith.addi %mul3A_283, %add3A_508 : i32
        %get3A_510 = arith.index_cast %add3A_509 : i32 to index
        %get3A_511 = arith.constant 48 : index
        %get3A_512 = tpu.vector_load %arg25[%get3A_510, %get3A_511] {strides = array<i32>} : memref<50x128xf32, #tpu.memory_space<vmem>>, vector<1x16xf32>,
        %get3A_513 = vector.shape_cast %get3A_512 : vector<1x16xf32> to vector<16xf32>
        %mul3A_514 = arith.mulf %get3A_507, %get3A_513 : vector<16xf32>
        %add3A_515 = arith.constant 1 : i32
        %add3A_516 = arith.addi %mul3A_283, %add3A_515 : i32
        %swap3A_517 = arith.index_cast %add3A_516 : i32 to index
        %swap3A_518 = arith.constant 48 : index
        %swap3A_519 = tpu.vector_load %arg23[%swap3A_517, %swap3A_518] {strides = array<i32>} : memref<50x128xf32, #tpu.memory_space<vmem>>, vector<1x16xf32>,
        %swap3A_520 = vector.shape_cast %swap3A_519 : vector<1x16xf32> to vector<16xf32>
        %swap3A_521 = vector.shape_cast %mul3A_514 : vector<16xf32> to vector<1x16xf32>
        tpu.vector_store %arg23[%swap3A_517, %swap3A_518], %swap3A_521 {strides = array<i32>} : memref<50x128xf32, #tpu.memory_space<vmem>>, vector<1x16xf32>,
        %add3A_522 = arith.constant 1 : i32
        %add3A_523 = arith.addi %mul3A_283, %add3A_522 : i32
        %get3A_524 = arith.index_cast %add3A_523 : i32 to index
        %get3A_525 = arith.constant 64 : index
        %get3A_526 = tpu.vector_load %arg23[%get3A_524, %get3A_525] {strides = array<i32>} : memref<50x128xf32, #tpu.memory_space<vmem>>, vector<1x16xf32>,
        %get3A_527 = vector.shape_cast %get3A_526 : vector<1x16xf32> to vector<16xf32>
        %add3A_528 = arith.constant 1 : i32
        %add3A_529 = arith.addi %mul3A_283, %add3A_528 : i32
        %get3A_530 = arith.index_cast %add3A_529 : i32 to index
        %get3A_531 = arith.constant 64 : index
        %get3A_532 = tpu.vector_load %arg25[%get3A_530, %get3A_531] {strides = array<i32>} : memref<50x128xf32, #tpu.memory_space<vmem>>, vector<1x16xf32>,
        %get3A_533 = vector.shape_cast %get3A_532 : vector<1x16xf32> to vector<16xf32>
        %mul3A_534 = arith.mulf %get3A_527, %get3A_533 : vector<16xf32>
        %add3A_535 = arith.constant 1 : i32
        %add3A_536 = arith.addi %mul3A_283, %add3A_535 : i32
        %swap3A_537 = arith.index_cast %add3A_536 : i32 to index
        %swap3A_538 = arith.constant 64 : index
        %swap3A_539 = tpu.vector_load %arg23[%swap3A_537, %swap3A_538] {strides = array<i32>} : memref<50x128xf32, #tpu.memory_space<vmem>>, vector<1x16xf32>,
        %swap3A_540 = vector.shape_cast %swap3A_539 : vector<1x16xf32> to vector<16xf32>
        %swap3A_541 = vector.shape_cast %mul3A_534 : vector<16xf32> to vector<1x16xf32>
        tpu.vector_store %arg23[%swap3A_537, %swap3A_538], %swap3A_541 {strides = array<i32>} : memref<50x128xf32, #tpu.memory_space<vmem>>, vector<1x16xf32>,
        %add3A_542 = arith.constant 1 : i32
        %add3A_543 = arith.addi %mul3A_283, %add3A_542 : i32
        %get3A_544 = arith.index_cast %add3A_543 : i32 to index
        %get3A_545 = arith.constant 80 : index
        %get3A_546 = tpu.vector_load %arg23[%get3A_544, %get3A_545] {strides = array<i32>} : memref<50x128xf32, #tpu.memory_space<vmem>>, vector<1x16xf32>,
        %get3A_547 = vector.shape_cast %get3A_546 : vector<1x16xf32> to vector<16xf32>
        %add3A_548 = arith.constant 1 : i32
        %add3A_549 = arith.addi %mul3A_283, %add3A_548 : i32
        %get3A_550 = arith.index_cast %add3A_549 : i32 to index
        %get3A_551 = arith.constant 80 : index
        %get3A_552 = tpu.vector_load %arg25[%get3A_550, %get3A_551] {strides = array<i32>} : memref<50x128xf32, #tpu.memory_space<vmem>>, vector<1x16xf32>,
        %get3A_553 = vector.shape_cast %get3A_552 : vector<1x16xf32> to vector<16xf32>
        %mul3A_554 = arith.mulf %get3A_547, %get3A_553 : vector<16xf32>
        %add3A_555 = arith.constant 1 : i32
        %add3A_556 = arith.addi %mul3A_283, %add3A_555 : i32
        %swap3A_557 = arith.index_cast %add3A_556 : i32 to index
        %swap3A_558 = arith.constant 80 : index
        %swap3A_559 = tpu.vector_load %arg23[%swap3A_557, %swap3A_558] {strides = array<i32>} : memref<50x128xf32, #tpu.memory_space<vmem>>, vector<1x16xf32>,
        %swap3A_560 = vector.shape_cast %swap3A_559 : vector<1x16xf32> to vector<16xf32>
        %swap3A_561 = vector.shape_cast %mul3A_554 : vector<16xf32> to vector<1x16xf32>
        tpu.vector_store %arg23[%swap3A_557, %swap3A_558], %swap3A_561 {strides = array<i32>} : memref<50x128xf32, #tpu.memory_space<vmem>>, vector<1x16xf32>,
        %add3A_562 = arith.constant 1 : i32
        %add3A_563 = arith.addi %mul3A_283, %add3A_562 : i32
        %get3A_564 = arith.index_cast %add3A_563 : i32 to index
        %get3A_565 = arith.constant 96 : index
        %get3A_566 = tpu.vector_load %arg23[%get3A_564, %get3A_565] {strides = array<i32>} : memref<50x128xf32, #tpu.memory_space<vmem>>, vector<1x16xf32>,
        %get3A_567 = vector.shape_cast %get3A_566 : vector<1x16xf32> to vector<16xf32>
        %add3A_568 = arith.constant 1 : i32
        %add3A_569 = arith.addi %mul3A_283, %add3A_568 : i32
        %get3A_570 = arith.index_cast %add3A_569 : i32 to index
        %get3A_571 = arith.constant 96 : index
        %get3A_572 = tpu.vector_load %arg25[%get3A_570, %get3A_571] {strides = array<i32>} : memref<50x128xf32, #tpu.memory_space<vmem>>, vector<1x16xf32>,
        %get3A_573 = vector.shape_cast %get3A_572 : vector<1x16xf32> to vector<16xf32>
        %mul3A_574 = arith.mulf %get3A_567, %get3A_573 : vector<16xf32>
        %add3A_575 = arith.constant 1 : i32
        %add3A_576 = arith.addi %mul3A_283, %add3A_575 : i32
        %swap3A_577 = arith.index_cast %add3A_576 : i32 to index
        %swap3A_578 = arith.constant 96 : index
        %swap3A_579 = tpu.vector_load %arg23[%swap3A_577, %swap3A_578] {strides = array<i32>} : memref<50x128xf32, #tpu.memory_space<vmem>>, vector<1x16xf32>,
        %swap3A_580 = vector.shape_cast %swap3A_579 : vector<1x16xf32> to vector<16xf32>
        %swap3A_581 = vector.shape_cast %mul3A_574 : vector<16xf32> to vector<1x16xf32>
        tpu.vector_store %arg23[%swap3A_577, %swap3A_578], %swap3A_581 {strides = array<i32>} : memref<50x128xf32, #tpu.memory_space<vmem>>, vector<1x16xf32>,
        %add3A_582 = arith.constant 1 : i32
        %add3A_583 = arith.addi %mul3A_283, %add3A_582 : i32
        %get3A_584 = arith.index_cast %add3A_583 : i32 to index
        %get3A_585 = arith.constant 112 : index
        %get3A_586 = tpu.vector_load %arg23[%get3A_584, %get3A_585] {strides = array<i32>} : memref<50x128xf32, #tpu.memory_space<vmem>>, vector<1x16xf32>,
        %get3A_587 = vector.shape_cast %get3A_586 : vector<1x16xf32> to vector<16xf32>
        %add3A_588 = arith.constant 1 : i32
        %add3A_589 = arith.addi %mul3A_283, %add3A_588 : i32
        %get3A_590 = arith.index_cast %add3A_589 : i32 to index
        %get3A_591 = arith.constant 112 : index
        %get3A_592 = tpu.vector_load %arg25[%get3A_590, %get3A_591] {strides = array<i32>} : memref<50x128xf32, #tpu.memory_space<vmem>>, vector<1x16xf32>,
        %get3A_593 = vector.shape_cast %get3A_592 : vector<1x16xf32> to vector<16xf32>
        %mul3A_594 = arith.mulf %get3A_587, %get3A_593 : vector<16xf32>
        %add3A_595 = arith.constant 1 : i32
        %add3A_596 = arith.addi %mul3A_283, %add3A_595 : i32
        %swap3A_597 = arith.index_cast %add3A_596 : i32 to index
        %swap3A_598 = arith.constant 112 : index
        %swap3A_599 = tpu.vector_load %arg23[%swap3A_597, %swap3A_598] {strides = array<i32>} : memref<50x128xf32, #tpu.memory_space<vmem>>, vector<1x16xf32>,
        %swap3A_600 = vector.shape_cast %swap3A_599 : vector<1x16xf32> to vector<16xf32>
        %swap3A_601 = vector.shape_cast %mul3A_594 : vector<16xf32> to vector<1x16xf32>
        tpu.vector_store %arg23[%swap3A_597, %swap3A_598], %swap3A_601 {strides = array<i32>} : memref<50x128xf32, #tpu.memory_space<vmem>>, vector<1x16xf32>,
        %scan3A_602 = arith.constant 0 : i32
        scf.yield %scan3A_602 : i32
      }
      %scan3A_275 = arith.constant 25 : i32
      %dma_start3A_276 = arith.constant 0 : i32
      %dma_start3A_277 = arith.constant 0 : i32
      %dma_start3A_278 = tpu.memref_slice %arg27[%dma_start3A_276, %dma_start3A_277] : memref<10000x128xf32, #tpu.memory_space<vmem_shared>> -> memref<10000x128xf32, #tpu.memory_space<vmem_shared>>
      tpu.enqueue_indirect_dma source(%arg23 : memref<50x128xf32, #tpu.memory_space<vmem>>) target(%dma_start3A_278 : memref<10000x128xf32, #tpu.memory_space<vmem_shared>>) offsets(%arg17 : memref<50xi32, #tpu.memory_space<vmem>>) semaphore(%arg35 : memref<!tpu.dma_semaphore, #tpu.memory_space<semaphore_mem>>) {add = true}
      %scan3A_279 = arith.constant 0 : i32
      scf.yield %scan3A_279 : i32
    }
    %scan3A_98 = arith.constant 100 : i32
    %dma_wait3A_99 = arith.constant 0 : i32
    %dma_wait3A_100 = arith.constant 0 : i32
    %dma_wait3A_101 = tpu.memref_slice %arg27[%dma_wait3A_99, %dma_wait3A_100] : memref<10000x128xf32, #tpu.memory_space<vmem_shared>> -> memref<10000x128xf32, #tpu.memory_space<vmem_shared>>
    tpu.wait_indirect_dma semaphore(%arg34 : memref<!tpu.dma_semaphore, #tpu.memory_space<semaphore_mem>>) src(%arg22 : memref<50x128xf32, #tpu.memory_space<vmem>>) dst(%dma_wait3A_101 : memref<10000x128xf32, #tpu.memory_space<vmem_shared>>)
    %dma_wait3A_102 = arith.constant 0 : i32
    %dma_wait3A_103 = arith.constant 0 : i32
    %dma_wait3A_104 = tpu.memref_slice %arg27[%dma_wait3A_102, %dma_wait3A_103] : memref<10000x128xf32, #tpu.memory_space<vmem_shared>> -> memref<10000x128xf32, #tpu.memory_space<vmem_shared>>
    tpu.wait_indirect_dma semaphore(%arg35 : memref<!tpu.dma_semaphore, #tpu.memory_space<semaphore_mem>>) src(%arg23 : memref<50x128xf32, #tpu.memory_space<vmem>>) dst(%dma_wait3A_104 : memref<10000x128xf32, #tpu.memory_space<vmem_shared>>)
    %barrier3A_105 = arith.constant 0 : index
    tpu.barrier barrier_id(%barrier3A_105)
    %mul3A_106 = arith.constant 624 : i32
    %mul3A_107 = arith.muli %arg1, %mul3A_106 : i32
    %mul3A_108 = arith.constant 624 : i32
    %mul3A_109 = arith.muli %arg1, %mul3A_108 : i32
    "tpu.region"() ({
      %run_scoped3A = tpu.sem_alloc : memref<!tpu.dma_semaphore, #tpu.memory_space<semaphore_mem>>
      %dma_start3A_212 = arith.constant 0 : i32
      %dma_start3A_213 = arith.constant 0 : i32
      %dma_start3A_214 = tpu.memref_slice %arg10[%arg0, %dma_start3A_212, %dma_start3A_213] : memref<2x10000x128xf32, #tpu.memory_space<hbm>> -> memref<1x10000x128xf32, #tpu.memory_space<hbm>>
      %dma_start3A_215 = tpu.memref_squeeze %dma_start3A_214 : memref<1x10000x128xf32, #tpu.memory_space<hbm>> -> memref<10000x128xf32, #tpu.memory_space<hbm>>
      %dma_start3A_216 = arith.constant 0 : i32
      %dma_start3A_217 = tpu.memref_slice %dma_start3A_215[%mul3A_109, %dma_start3A_216] : memref<10000x128xf32, #tpu.memory_space<hbm>> -> memref<624x128xf32, #tpu.memory_space<hbm>>
      %dma_start3A_218 = arith.constant 0 : i32
      %dma_start3A_219 = tpu.memref_slice %arg27[%mul3A_107, %dma_start3A_218] : memref<10000x128xf32, #tpu.memory_space<vmem_shared>> -> memref<624x128xf32, #tpu.memory_space<vmem_shared>>
      tpu.enqueue_dma source(%dma_start3A_219 : memref<624x128xf32, #tpu.memory_space<vmem_shared>>) target(%dma_start3A_217 : memref<624x128xf32, #tpu.memory_space<hbm>>) target_semaphore(%run_scoped3A : memref<!tpu.dma_semaphore, #tpu.memory_space<semaphore_mem>>)
      %dma_wait3A_220 = arith.constant 0 : i32
      %dma_wait3A_221 = arith.constant 0 : i32
      %dma_wait3A_222 = tpu.memref_slice %arg10[%arg0, %dma_wait3A_220, %dma_wait3A_221] : memref<2x10000x128xf32, #tpu.memory_space<hbm>> -> memref<1x10000x128xf32, #tpu.memory_space<hbm>>
      %dma_wait3A_223 = tpu.memref_squeeze %dma_wait3A_222 : memref<1x10000x128xf32, #tpu.memory_space<hbm>> -> memref<10000x128xf32, #tpu.memory_space<hbm>>
      %dma_wait3A_224 = arith.constant 0 : i32
      %dma_wait3A_225 = tpu.memref_slice %dma_wait3A_223[%mul3A_109, %dma_wait3A_224] : memref<10000x128xf32, #tpu.memory_space<hbm>> -> memref<624x128xf32, #tpu.memory_space<hbm>>
      %dma_wait3A_226 = arith.constant 0 : i32
      %dma_wait3A_227 = tpu.memref_slice %arg27[%mul3A_107, %dma_wait3A_226] : memref<10000x128xf32, #tpu.memory_space<vmem_shared>> -> memref<624x128xf32, #tpu.memory_space<vmem_shared>>
      tpu.wait_dma2 semaphore(%run_scoped3A : memref<!tpu.dma_semaphore, #tpu.memory_space<semaphore_mem>>) src(%dma_wait3A_227 : memref<624x128xf32, #tpu.memory_space<vmem_shared>>) dst(%dma_wait3A_225 : memref<624x128xf32, #tpu.memory_space<hbm>>)
      tpu.yield
    }) : () -> ()
    %eq3A_110 = arith.constant 15 : i32
    %eq3A_111 = arith.cmpi eq, %arg1, %eq3A_110 : i32
    %convert_element_type3A_112 = arith.extui %eq3A_111 : i1 to i32
    %cond3A_113 = arith.constant 0 : i32
    %cond3A_114 = arith.cmpi ne, %convert_element_type3A_112, %cond3A_113 : i32
    scf.if %cond3A_114 {
      "tpu.region"() ({
        %run_scoped3A = tpu.sem_alloc : memref<!tpu.dma_semaphore, #tpu.memory_space<semaphore_mem>>
        %dma_start3A_212 = arith.constant 0 : i32
        %dma_start3A_213 = arith.constant 0 : i32
        %dma_start3A_214 = tpu.memref_slice %arg10[%arg0, %dma_start3A_212, %dma_start3A_213] : memref<2x10000x128xf32, #tpu.memory_space<hbm>> -> memref<1x10000x128xf32, #tpu.memory_space<hbm>>
        %dma_start3A_215 = tpu.memref_squeeze %dma_start3A_214 : memref<1x10000x128xf32, #tpu.memory_space<hbm>> -> memref<10000x128xf32, #tpu.memory_space<hbm>>
        %dma_start3A_216 = arith.constant 9984 : i32
        %dma_start3A_217 = arith.constant 0 : i32
        %dma_start3A_218 = tpu.memref_slice %dma_start3A_215[%dma_start3A_216, %dma_start3A_217] : memref<10000x128xf32, #tpu.memory_space<hbm>> -> memref<16x128xf32, #tpu.memory_space<hbm>>
        %dma_start3A_219 = arith.constant 9984 : i32
        %dma_start3A_220 = arith.constant 0 : i32
        %dma_start3A_221 = tpu.memref_slice %arg27[%dma_start3A_219, %dma_start3A_220] : memref<10000x128xf32, #tpu.memory_space<vmem_shared>> -> memref<16x128xf32, #tpu.memory_space<vmem_shared>>
        tpu.enqueue_dma source(%dma_start3A_221 : memref<16x128xf32, #tpu.memory_space<vmem_shared>>) target(%dma_start3A_218 : memref<16x128xf32, #tpu.memory_space<hbm>>) target_semaphore(%run_scoped3A : memref<!tpu.dma_semaphore, #tpu.memory_space<semaphore_mem>>)
        %dma_wait3A_222 = arith.constant 0 : i32
        %dma_wait3A_223 = arith.constant 0 : i32
        %dma_wait3A_224 = tpu.memref_slice %arg10[%arg0, %dma_wait3A_222, %dma_wait3A_223] : memref<2x10000x128xf32, #tpu.memory_space<hbm>> -> memref<1x10000x128xf32, #tpu.memory_space<hbm>>
        %dma_wait3A_225 = tpu.memref_squeeze %dma_wait3A_224 : memref<1x10000x128xf32, #tpu.memory_space<hbm>> -> memref<10000x128xf32, #tpu.memory_space<hbm>>
        %dma_wait3A_226 = arith.constant 9984 : i32
        %dma_wait3A_227 = arith.constant 0 : i32
        %dma_wait3A_228 = tpu.memref_slice %dma_wait3A_225[%dma_wait3A_226, %dma_wait3A_227] : memref<10000x128xf32, #tpu.memory_space<hbm>> -> memref<16x128xf32, #tpu.memory_space<hbm>>
        %dma_wait3A_229 = arith.constant 9984 : i32
        %dma_wait3A_230 = arith.constant 0 : i32
        %dma_wait3A_231 = tpu.memref_slice %arg27[%dma_wait3A_229, %dma_wait3A_230] : memref<10000x128xf32, #tpu.memory_space<vmem_shared>> -> memref<16x128xf32, #tpu.memory_space<vmem_shared>>
        tpu.wait_dma2 semaphore(%run_scoped3A : memref<!tpu.dma_semaphore, #tpu.memory_space<semaphore_mem>>) src(%dma_wait3A_231 : memref<16x128xf32, #tpu.memory_space<vmem_shared>>) dst(%dma_wait3A_228 : memref<16x128xf32, #tpu.memory_space<hbm>>)
        tpu.yield
      }) : () -> ()
    } else {
    }
    %mul3A_115 = arith.constant 624 : i32
    %mul3A_116 = arith.muli %arg1, %mul3A_115 : i32
    %mul3A_117 = arith.constant 624 : i32
    %mul3A_118 = arith.muli %arg1, %mul3A_117 : i32
    "tpu.region"() ({
      %run_scoped3A = tpu.sem_alloc : memref<!tpu.dma_semaphore, #tpu.memory_space<semaphore_mem>>
      %dma_start3A_212 = arith.constant 0 : i32
      %dma_start3A_213 = tpu.memref_slice %arg27[%mul3A_118, %dma_start3A_212] : memref<10000x128xf32, #tpu.memory_space<vmem_shared>> -> memref<624x128xf32, #tpu.memory_space<vmem_shared>>
      %dma_start3A_214 = arith.constant 0 : i32
      %dma_start3A_215 = tpu.memref_slice %arg9[%mul3A_116, %dma_start3A_214] : memref<10000x128xf32, #tpu.memory_space<hbm>> -> memref<624x128xf32, #tpu.memory_space<hbm>>
      tpu.enqueue_dma source(%dma_start3A_215 : memref<624x128xf32, #tpu.memory_space<hbm>>) target(%dma_start3A_213 : memref<624x128xf32, #tpu.memory_space<vmem_shared>>) target_semaphore(%run_scoped3A : memref<!tpu.dma_semaphore, #tpu.memory_space<semaphore_mem>>)
      %dma_wait3A_216 = arith.constant 0 : i32
      %dma_wait3A_217 = tpu.memref_slice %arg27[%mul3A_118, %dma_wait3A_216] : memref<10000x128xf32, #tpu.memory_space<vmem_shared>> -> memref<624x128xf32, #tpu.memory_space<vmem_shared>>
      %dma_wait3A_218 = arith.constant 0 : i32
      %dma_wait3A_219 = tpu.memref_slice %arg9[%mul3A_116, %dma_wait3A_218] : memref<10000x128xf32, #tpu.memory_space<hbm>> -> memref<624x128xf32, #tpu.memory_space<hbm>>
      tpu.wait_dma2 semaphore(%run_scoped3A : memref<!tpu.dma_semaphore, #tpu.memory_space<semaphore_mem>>) src(%dma_wait3A_219 : memref<624x128xf32, #tpu.memory_space<hbm>>) dst(%dma_wait3A_217 : memref<624x128xf32, #tpu.memory_space<vmem_shared>>)
      tpu.yield
    }) : () -> ()
    %eq3A_119 = arith.constant 15 : i32
    %eq3A_120 = arith.cmpi eq, %arg1, %eq3A_119 : i32
    %convert_element_type3A_121 = arith.extui %eq3A_120 : i1 to i32
    %cond3A_122 = arith.constant 0 : i32
    %cond3A_123 = arith.cmpi ne, %convert_element_type3A_121, %cond3A_122 : i32
    scf.if %cond3A_123 {
      "tpu.region"() ({
        %run_scoped3A = tpu.sem_alloc : memref<!tpu.dma_semaphore, #tpu.memory_space<semaphore_mem>>
        %dma_start3A_212 = arith.constant 9984 : i32
        %dma_start3A_213 = arith.constant 0 : i32
        %dma_start3A_214 = tpu.memref_slice %arg27[%dma_start3A_212, %dma_start3A_213] : memref<10000x128xf32, #tpu.memory_space<vmem_shared>> -> memref<16x128xf32, #tpu.memory_space<vmem_shared>>
        %dma_start3A_215 = arith.constant 9984 : i32
        %dma_start3A_216 = arith.constant 0 : i32
        %dma_start3A_217 = tpu.memref_slice %arg9[%dma_start3A_215, %dma_start3A_216] : memref<10000x128xf32, #tpu.memory_space<hbm>> -> memref<16x128xf32, #tpu.memory_space<hbm>>
        tpu.enqueue_dma source(%dma_start3A_217 : memref<16x128xf32, #tpu.memory_space<hbm>>) target(%dma_start3A_214 : memref<16x128xf32, #tpu.memory_space<vmem_shared>>) target_semaphore(%run_scoped3A : memref<!tpu.dma_semaphore, #tpu.memory_space<semaphore_mem>>)
        %dma_wait3A_218 = arith.constant 9984 : i32
        %dma_wait3A_219 = arith.constant 0 : i32
        %dma_wait3A_220 = tpu.memref_slice %arg27[%dma_wait3A_218, %dma_wait3A_219] : memref<10000x128xf32, #tpu.memory_space<vmem_shared>> -> memref<16x128xf32, #tpu.memory_space<vmem_shared>>
        %dma_wait3A_221 = arith.constant 9984 : i32
        %dma_wait3A_222 = arith.constant 0 : i32
        %dma_wait3A_223 = tpu.memref_slice %arg9[%dma_wait3A_221, %dma_wait3A_222] : memref<10000x128xf32, #tpu.memory_space<hbm>> -> memref<16x128xf32, #tpu.memory_space<hbm>>
        tpu.wait_dma2 semaphore(%run_scoped3A : memref<!tpu.dma_semaphore, #tpu.memory_space<semaphore_mem>>) src(%dma_wait3A_223 : memref<16x128xf32, #tpu.memory_space<hbm>>) dst(%dma_wait3A_220 : memref<16x128xf32, #tpu.memory_space<vmem_shared>>)
        tpu.yield
      }) : () -> ()
    } else {
    }
    %barrier3A_124 = arith.constant 0 : index
    tpu.barrier barrier_id(%barrier3A_124)
    %dma_start3A_125 = arith.constant 0 : i32
    %dma_start3A_126 = arith.constant 0 : i32
    %dma_start3A_127 = arith.constant 0 : i32
    %dma_start3A_128 = tpu.memref_slice %arg5[%add3A, %dma_start3A_125, %dma_start3A_126, %dma_start3A_127] : memref<32x100x1x100xi32, #tpu.memory_space<hbm>> -> memref<1x1x1x100xi32, #tpu.memory_space<hbm>>
    %dma_start3A_129 = tpu.memref_squeeze %dma_start3A_128 : memref<1x1x1x100xi32, #tpu.memory_space<hbm>> -> memref<100xi32, #tpu.memory_space<hbm>>
    %dma_start3A_130 = arith.constant 0 : i32
    %dma_start3A_131 = tpu.memref_slice %arg5[%add3A, %dma_start3A_125, %dma_start3A_126, %dma_start3A_130] : memref<32x100x1x100xi32, #tpu.memory_space<hbm>> -> memref<1x1x1x100xi32, #tpu.memory_space<hbm>>
    %dma_start3A_132 = tpu.memref_squeeze %dma_start3A_131 : memref<1x1x1x100xi32, #tpu.memory_space<hbm>> -> memref<100xi32, #tpu.memory_space<hbm>>
    tpu.enqueue_dma source(%dma_start3A_132 : memref<100xi32, #tpu.memory_space<hbm>>) target(%arg20 : memref<100xi32, #tpu.memory_space<vmem>>) target_semaphore(%arg28 : memref<!tpu.dma_semaphore, #tpu.memory_space<semaphore_mem>>)
    %dma_start3A_133 = arith.constant 1 : i32
    %dma_start3A_134 = arith.constant 0 : i32
    %dma_start3A_135 = arith.constant 0 : i32
    %dma_start3A_136 = tpu.memref_slice %arg5[%add3A, %dma_start3A_133, %dma_start3A_134, %dma_start3A_135] : memref<32x100x1x100xi32, #tpu.memory_space<hbm>> -> memref<1x1x1x100xi32, #tpu.memory_space<hbm>>
    %dma_start3A_137 = tpu.memref_squeeze %dma_start3A_136 : memref<1x1x1x100xi32, #tpu.memory_space<hbm>> -> memref<100xi32, #tpu.memory_space<hbm>>
    %dma_start3A_138 = arith.constant 0 : i32
    %dma_start3A_139 = tpu.memref_slice %arg5[%add3A, %dma_start3A_133, %dma_start3A_134, %dma_start3A_138] : memref<32x100x1x100xi32, #tpu.memory_space<hbm>> -> memref<1x1x1x100xi32, #tpu.memory_space<hbm>>
    %dma_start3A_140 = tpu.memref_squeeze %dma_start3A_139 : memref<1x1x1x100xi32, #tpu.memory_space<hbm>> -> memref<100xi32, #tpu.memory_space<hbm>>
    tpu.enqueue_dma source(%dma_start3A_140 : memref<100xi32, #tpu.memory_space<hbm>>) target(%arg21 : memref<100xi32, #tpu.memory_space<vmem>>) target_semaphore(%arg29 : memref<!tpu.dma_semaphore, #tpu.memory_space<semaphore_mem>>)
    %scan3A_141 = arith.constant 0 : i32
    %scan3A_142 = arith.constant 0 : i32
    %scan3A_143 = arith.constant 50 : i32
    %scan3A_144 = arith.addi %scan3A_142, %scan3A_143 : i32
    %scan3A_145 = arith.constant 1 : i32
    %scan3A_146 = scf.for %scan3A_212 = %scan3A_142 to %scan3A_144 step %scan3A_145 iter_args(%scan3A_213 = %scan3A_141) -> (i32)  : i32 {
      %mul3A_214 = arith.constant 2 : i32
      %mul3A_215 = arith.muli %mul3A_214, %scan3A_212 : i32
      %dma_wait3A_216 = arith.constant 0 : i32
      %dma_wait3A_217 = arith.constant 0 : i32
      %dma_wait3A_218 = arith.constant 0 : i32
      %dma_wait3A_219 = arith.constant 0 : i32
      %dma_wait3A_220 = tpu.memref_slice %arg5[%dma_wait3A_216, %dma_wait3A_217, %dma_wait3A_218, %dma_wait3A_219] : memref<32x100x1x100xi32, #tpu.memory_space<hbm>> -> memref<1x1x1x100xi32, #tpu.memory_space<hbm>>
      %dma_wait3A_221 = tpu.memref_squeeze %dma_wait3A_220 : memref<1x1x1x100xi32, #tpu.memory_space<hbm>> -> memref<100xi32, #tpu.memory_space<hbm>>
      %dma_wait3A_222 = arith.constant 0 : i32
      %dma_wait3A_223 = tpu.memref_slice %arg5[%dma_wait3A_216, %dma_wait3A_217, %dma_wait3A_218, %dma_wait3A_222] : memref<32x100x1x100xi32, #tpu.memory_space<hbm>> -> memref<1x1x1x100xi32, #tpu.memory_space<hbm>>
      %dma_wait3A_224 = tpu.memref_squeeze %dma_wait3A_223 : memref<1x1x1x100xi32, #tpu.memory_space<hbm>> -> memref<100xi32, #tpu.memory_space<hbm>>
      tpu.wait_dma2 semaphore(%arg28 : memref<!tpu.dma_semaphore, #tpu.memory_space<semaphore_mem>>) src(%dma_wait3A_224 : memref<100xi32, #tpu.memory_space<hbm>>) dst(%arg20 : memref<100xi32, #tpu.memory_space<vmem>>)
      "tpu.region"() ({
        %run_scoped3A = tpu.sem_alloc : memref<!tpu.dma_semaphore, #tpu.memory_space<semaphore_mem>>
        %dma_start3A_252 = arith.constant 0 : i32
        %dma_start3A_253 = arith.constant 0 : i32
        %dma_start3A_254 = tpu.memref_slice %arg27[%dma_start3A_252, %dma_start3A_253] : memref<10000x128xf32, #tpu.memory_space<vmem_shared>> -> memref<10000x128xf32, #tpu.memory_space<vmem_shared>>
        tpu.enqueue_indirect_dma source(%arg26 : memref<100x128xf32, #tpu.memory_space<vmem>>) target(%dma_start3A_254 : memref<10000x128xf32, #tpu.memory_space<vmem_shared>>) offsets(%arg20 : memref<100xi32, #tpu.memory_space<vmem>>) semaphore(%run_scoped3A : memref<!tpu.dma_semaphore, #tpu.memory_space<semaphore_mem>>) {add = true}
        %dma_wait3A_255 = arith.constant 0 : i32
        %dma_wait3A_256 = arith.constant 0 : i32
        %dma_wait3A_257 = tpu.memref_slice %arg27[%dma_wait3A_255, %dma_wait3A_256] : memref<10000x128xf32, #tpu.memory_space<vmem_shared>> -> memref<10000x128xf32, #tpu.memory_space<vmem_shared>>
        tpu.wait_indirect_dma semaphore(%run_scoped3A : memref<!tpu.dma_semaphore, #tpu.memory_space<semaphore_mem>>) src(%arg26 : memref<100x128xf32, #tpu.memory_space<vmem>>) dst(%dma_wait3A_257 : memref<10000x128xf32, #tpu.memory_space<vmem_shared>>)
        tpu.yield
      }) : () -> ()
      %add3A_225 = arith.constant 2 : i32
      %add3A_226 = arith.addi %mul3A_215, %add3A_225 : i32
      %lt3A = arith.constant 100 : i32
      %lt3A_227 = arith.cmpi slt, %add3A_226, %lt3A : i32
      %convert_element_type3A_228 = arith.extui %lt3A_227 : i1 to i32
      %cond3A_229 = arith.constant 0 : i32
      %cond3A_230 = arith.cmpi ne, %convert_element_type3A_228, %cond3A_229 : i32
      scf.if %cond3A_230 {
        %add3A_252 = arith.constant 2 : i32
        %add3A_253 = arith.addi %mul3A_215, %add3A_252 : i32
        %dma_start3A_254 = arith.constant 0 : i32
        %dma_start3A_255 = arith.constant 0 : i32
        %dma_start3A_256 = tpu.memref_slice %arg5[%add3A, %add3A_253, %dma_start3A_254, %dma_start3A_255] : memref<32x100x1x100xi32, #tpu.memory_space<hbm>> -> memref<1x1x1x100xi32, #tpu.memory_space<hbm>>
        %dma_start3A_257 = tpu.memref_squeeze %dma_start3A_256 : memref<1x1x1x100xi32, #tpu.memory_space<hbm>> -> memref<100xi32, #tpu.memory_space<hbm>>
        %dma_start3A_258 = arith.constant 0 : i32
        %dma_start3A_259 = tpu.memref_slice %arg5[%add3A, %add3A_253, %dma_start3A_254, %dma_start3A_258] : memref<32x100x1x100xi32, #tpu.memory_space<hbm>> -> memref<1x1x1x100xi32, #tpu.memory_space<hbm>>
        %dma_start3A_260 = tpu.memref_squeeze %dma_start3A_259 : memref<1x1x1x100xi32, #tpu.memory_space<hbm>> -> memref<100xi32, #tpu.memory_space<hbm>>
        tpu.enqueue_dma source(%dma_start3A_260 : memref<100xi32, #tpu.memory_space<hbm>>) target(%arg20 : memref<100xi32, #tpu.memory_space<vmem>>) target_semaphore(%arg28 : memref<!tpu.dma_semaphore, #tpu.memory_space<semaphore_mem>>)
      } else {
      }
      %mul3A_231 = arith.constant 2 : i32
      %mul3A_232 = arith.muli %mul3A_231, %scan3A_212 : i32
      %add3A_233 = arith.constant 1 : i32
      %add3A_234 = arith.addi %mul3A_232, %add3A_233 : i32
      %dma_wait3A_235 = arith.constant 0 : i32
      %dma_wait3A_236 = arith.constant 0 : i32
      %dma_wait3A_237 = arith.constant 0 : i32
      %dma_wait3A_238 = arith.constant 0 : i32
      %dma_wait3A_239 = tpu.memref_slice %arg5[%dma_wait3A_235, %dma_wait3A_236, %dma_wait3A_237, %dma_wait3A_238] : memref<32x100x1x100xi32, #tpu.memory_space<hbm>> -> memref<1x1x1x100xi32, #tpu.memory_space<hbm>>
      %dma_wait3A_240 = tpu.memref_squeeze %dma_wait3A_239 : memref<1x1x1x100xi32, #tpu.memory_space<hbm>> -> memref<100xi32, #tpu.memory_space<hbm>>
      %dma_wait3A_241 = arith.constant 0 : i32
      %dma_wait3A_242 = tpu.memref_slice %arg5[%dma_wait3A_235, %dma_wait3A_236, %dma_wait3A_237, %dma_wait3A_241] : memref<32x100x1x100xi32, #tpu.memory_space<hbm>> -> memref<1x1x1x100xi32, #tpu.memory_space<hbm>>
      %dma_wait3A_243 = tpu.memref_squeeze %dma_wait3A_242 : memref<1x1x1x100xi32, #tpu.memory_space<hbm>> -> memref<100xi32, #tpu.memory_space<hbm>>
      tpu.wait_dma2 semaphore(%arg29 : memref<!tpu.dma_semaphore, #tpu.memory_space<semaphore_mem>>) src(%dma_wait3A_243 : memref<100xi32, #tpu.memory_space<hbm>>) dst(%arg21 : memref<100xi32, #tpu.memory_space<vmem>>)
      "tpu.region"() ({
        %run_scoped3A = tpu.sem_alloc : memref<!tpu.dma_semaphore, #tpu.memory_space<semaphore_mem>>
        %dma_start3A_252 = arith.constant 0 : i32
        %dma_start3A_253 = arith.constant 0 : i32
        %dma_start3A_254 = tpu.memref_slice %arg27[%dma_start3A_252, %dma_start3A_253] : memref<10000x128xf32, #tpu.memory_space<vmem_shared>> -> memref<10000x128xf32, #tpu.memory_space<vmem_shared>>
        tpu.enqueue_indirect_dma source(%arg26 : memref<100x128xf32, #tpu.memory_space<vmem>>) target(%dma_start3A_254 : memref<10000x128xf32, #tpu.memory_space<vmem_shared>>) offsets(%arg21 : memref<100xi32, #tpu.memory_space<vmem>>) semaphore(%run_scoped3A : memref<!tpu.dma_semaphore, #tpu.memory_space<semaphore_mem>>) {add = true}
        %dma_wait3A_255 = arith.constant 0 : i32
        %dma_wait3A_256 = arith.constant 0 : i32
        %dma_wait3A_257 = tpu.memref_slice %arg27[%dma_wait3A_255, %dma_wait3A_256] : memref<10000x128xf32, #tpu.memory_space<vmem_shared>> -> memref<10000x128xf32, #tpu.memory_space<vmem_shared>>
        tpu.wait_indirect_dma semaphore(%run_scoped3A : memref<!tpu.dma_semaphore, #tpu.memory_space<semaphore_mem>>) src(%arg26 : memref<100x128xf32, #tpu.memory_space<vmem>>) dst(%dma_wait3A_257 : memref<10000x128xf32, #tpu.memory_space<vmem_shared>>)
        tpu.yield
      }) : () -> ()
      %add3A_244 = arith.constant 2 : i32
      %add3A_245 = arith.addi %add3A_234, %add3A_244 : i32
      %lt3A_246 = arith.constant 100 : i32
      %lt3A_247 = arith.cmpi slt, %add3A_245, %lt3A_246 : i32
      %convert_element_type3A_248 = arith.extui %lt3A_247 : i1 to i32
      %cond3A_249 = arith.constant 0 : i32
      %cond3A_250 = arith.cmpi ne, %convert_element_type3A_248, %cond3A_249 : i32
      scf.if %cond3A_250 {
        %add3A_252 = arith.constant 2 : i32
        %add3A_253 = arith.addi %add3A_234, %add3A_252 : i32
        %dma_start3A_254 = arith.constant 0 : i32
        %dma_start3A_255 = arith.constant 0 : i32
        %dma_start3A_256 = tpu.memref_slice %arg5[%add3A, %add3A_253, %dma_start3A_254, %dma_start3A_255] : memref<32x100x1x100xi32, #tpu.memory_space<hbm>> -> memref<1x1x1x100xi32, #tpu.memory_space<hbm>>
        %dma_start3A_257 = tpu.memref_squeeze %dma_start3A_256 : memref<1x1x1x100xi32, #tpu.memory_space<hbm>> -> memref<100xi32, #tpu.memory_space<hbm>>
        %dma_start3A_258 = arith.constant 0 : i32
        %dma_start3A_259 = tpu.memref_slice %arg5[%add3A, %add3A_253, %dma_start3A_254, %dma_start3A_258] : memref<32x100x1x100xi32, #tpu.memory_space<hbm>> -> memref<1x1x1x100xi32, #tpu.memory_space<hbm>>
        %dma_start3A_260 = tpu.memref_squeeze %dma_start3A_259 : memref<1x1x1x100xi32, #tpu.memory_space<hbm>> -> memref<100xi32, #tpu.memory_space<hbm>>
        tpu.enqueue_dma source(%dma_start3A_260 : memref<100xi32, #tpu.memory_space<hbm>>) target(%arg21 : memref<100xi32, #tpu.memory_space<vmem>>) target_semaphore(%arg29 : memref<!tpu.dma_semaphore, #tpu.memory_space<semaphore_mem>>)
      } else {
      }
      %scan3A_251 = arith.constant 0 : i32
      scf.yield %scan3A_251 : i32
    }
    %scan3A_147 = arith.constant 50 : i32
    %barrier3A_148 = arith.constant 0 : index
    tpu.barrier barrier_id(%barrier3A_148)
    %mul3A_149 = arith.constant 624 : i32
    %mul3A_150 = arith.muli %arg1, %mul3A_149 : i32
    %mul3A_151 = arith.constant 624 : i32
    %mul3A_152 = arith.muli %arg1, %mul3A_151 : i32
    "tpu.region"() ({
      %run_scoped3A = tpu.sem_alloc : memref<!tpu.dma_semaphore, #tpu.memory_space<semaphore_mem>>
      %dma_start3A_212 = arith.constant 0 : i32
      %dma_start3A_213 = arith.constant 0 : i32
      %dma_start3A_214 = tpu.memref_slice %arg11[%arg0, %dma_start3A_212, %dma_start3A_213] : memref<2x10000x128xf32, #tpu.memory_space<hbm>> -> memref<1x10000x128xf32, #tpu.memory_space<hbm>>
      %dma_start3A_215 = tpu.memref_squeeze %dma_start3A_214 : memref<1x10000x128xf32, #tpu.memory_space<hbm>> -> memref<10000x128xf32, #tpu.memory_space<hbm>>
      %dma_start3A_216 = arith.constant 0 : i32
      %dma_start3A_217 = tpu.memref_slice %dma_start3A_215[%mul3A_152, %dma_start3A_216] : memref<10000x128xf32, #tpu.memory_space<hbm>> -> memref<624x128xf32, #tpu.memory_space<hbm>>
      %dma_start3A_218 = arith.constant 0 : i32
      %dma_start3A_219 = tpu.memref_slice %arg27[%mul3A_150, %dma_start3A_218] : memref<10000x128xf32, #tpu.memory_space<vmem_shared>> -> memref<624x128xf32, #tpu.memory_space<vmem_shared>>
      tpu.enqueue_dma source(%dma_start3A_219 : memref<624x128xf32, #tpu.memory_space<vmem_shared>>) target(%dma_start3A_217 : memref<624x128xf32, #tpu.memory_space<hbm>>) target_semaphore(%run_scoped3A : memref<!tpu.dma_semaphore, #tpu.memory_space<semaphore_mem>>)
      %dma_wait3A_220 = arith.constant 0 : i32
      %dma_wait3A_221 = arith.constant 0 : i32
      %dma_wait3A_222 = tpu.memref_slice %arg11[%arg0, %dma_wait3A_220, %dma_wait3A_221] : memref<2x10000x128xf32, #tpu.memory_space<hbm>> -> memref<1x10000x128xf32, #tpu.memory_space<hbm>>
      %dma_wait3A_223 = tpu.memref_squeeze %dma_wait3A_222 : memref<1x10000x128xf32, #tpu.memory_space<hbm>> -> memref<10000x128xf32, #tpu.memory_space<hbm>>
      %dma_wait3A_224 = arith.constant 0 : i32
      %dma_wait3A_225 = tpu.memref_slice %dma_wait3A_223[%mul3A_152, %dma_wait3A_224] : memref<10000x128xf32, #tpu.memory_space<hbm>> -> memref<624x128xf32, #tpu.memory_space<hbm>>
      %dma_wait3A_226 = arith.constant 0 : i32
      %dma_wait3A_227 = tpu.memref_slice %arg27[%mul3A_150, %dma_wait3A_226] : memref<10000x128xf32, #tpu.memory_space<vmem_shared>> -> memref<624x128xf32, #tpu.memory_space<vmem_shared>>
      tpu.wait_dma2 semaphore(%run_scoped3A : memref<!tpu.dma_semaphore, #tpu.memory_space<semaphore_mem>>) src(%dma_wait3A_227 : memref<624x128xf32, #tpu.memory_space<vmem_shared>>) dst(%dma_wait3A_225 : memref<624x128xf32, #tpu.memory_space<hbm>>)
      tpu.yield
    }) : () -> ()
    %eq3A_153 = arith.constant 15 : i32
    %eq3A_154 = arith.cmpi eq, %arg1, %eq3A_153 : i32
    %convert_element_type3A_155 = arith.extui %eq3A_154 : i1 to i32
    %cond3A_156 = arith.constant 0 : i32
    %cond3A_157 = arith.cmpi ne, %convert_element_type3A_155, %cond3A_156 : i32
    scf.if %cond3A_157 {
      "tpu.region"() ({
        %run_scoped3A = tpu.sem_alloc : memref<!tpu.dma_semaphore, #tpu.memory_space<semaphore_mem>>
        %dma_start3A_212 = arith.constant 0 : i32
        %dma_start3A_213 = arith.constant 0 : i32
        %dma_start3A_214 = tpu.memref_slice %arg11[%arg0, %dma_start3A_212, %dma_start3A_213] : memref<2x10000x128xf32, #tpu.memory_space<hbm>> -> memref<1x10000x128xf32, #tpu.memory_space<hbm>>
        %dma_start3A_215 = tpu.memref_squeeze %dma_start3A_214 : memref<1x10000x128xf32, #tpu.memory_space<hbm>> -> memref<10000x128xf32, #tpu.memory_space<hbm>>
        %dma_start3A_216 = arith.constant 9984 : i32
        %dma_start3A_217 = arith.constant 0 : i32
        %dma_start3A_218 = tpu.memref_slice %dma_start3A_215[%dma_start3A_216, %dma_start3A_217] : memref<10000x128xf32, #tpu.memory_space<hbm>> -> memref<16x128xf32, #tpu.memory_space<hbm>>
        %dma_start3A_219 = arith.constant 9984 : i32
        %dma_start3A_220 = arith.constant 0 : i32
        %dma_start3A_221 = tpu.memref_slice %arg27[%dma_start3A_219, %dma_start3A_220] : memref<10000x128xf32, #tpu.memory_space<vmem_shared>> -> memref<16x128xf32, #tpu.memory_space<vmem_shared>>
        tpu.enqueue_dma source(%dma_start3A_221 : memref<16x128xf32, #tpu.memory_space<vmem_shared>>) target(%dma_start3A_218 : memref<16x128xf32, #tpu.memory_space<hbm>>) target_semaphore(%run_scoped3A : memref<!tpu.dma_semaphore, #tpu.memory_space<semaphore_mem>>)
        %dma_wait3A_222 = arith.constant 0 : i32
        %dma_wait3A_223 = arith.constant 0 : i32
        %dma_wait3A_224 = tpu.memref_slice %arg11[%arg0, %dma_wait3A_222, %dma_wait3A_223] : memref<2x10000x128xf32, #tpu.memory_space<hbm>> -> memref<1x10000x128xf32, #tpu.memory_space<hbm>>
        %dma_wait3A_225 = tpu.memref_squeeze %dma_wait3A_224 : memref<1x10000x128xf32, #tpu.memory_space<hbm>> -> memref<10000x128xf32, #tpu.memory_space<hbm>>
        %dma_wait3A_226 = arith.constant 9984 : i32
        %dma_wait3A_227 = arith.constant 0 : i32
        %dma_wait3A_228 = tpu.memref_slice %dma_wait3A_225[%dma_wait3A_226, %dma_wait3A_227] : memref<10000x128xf32, #tpu.memory_space<hbm>> -> memref<16x128xf32, #tpu.memory_space<hbm>>
        %dma_wait3A_229 = arith.constant 9984 : i32
        %dma_wait3A_230 = arith.constant 0 : i32
        %dma_wait3A_231 = tpu.memref_slice %arg27[%dma_wait3A_229, %dma_wait3A_230] : memref<10000x128xf32, #tpu.memory_space<vmem_shared>> -> memref<16x128xf32, #tpu.memory_space<vmem_shared>>
        tpu.wait_dma2 semaphore(%run_scoped3A : memref<!tpu.dma_semaphore, #tpu.memory_space<semaphore_mem>>) src(%dma_wait3A_231 : memref<16x128xf32, #tpu.memory_space<vmem_shared>>) dst(%dma_wait3A_228 : memref<16x128xf32, #tpu.memory_space<hbm>>)
        tpu.yield
      }) : () -> ()
    } else {
    }
    %mul3A_158 = arith.constant 248 : i32
    %mul3A_159 = arith.muli %arg1, %mul3A_158 : i32
    %mul3A_160 = arith.constant 248 : i32
    %mul3A_161 = arith.muli %arg1, %mul3A_160 : i32
    "tpu.region"() ({
      %run_scoped3A = tpu.sem_alloc : memref<!tpu.dma_semaphore, #tpu.memory_space<semaphore_mem>>
      %dma_start3A_212 = arith.constant 0 : i32
      %dma_start3A_213 = tpu.memref_slice %arg27[%mul3A_161, %dma_start3A_212] : memref<10000x128xf32, #tpu.memory_space<vmem_shared>> -> memref<248x128xf32, #tpu.memory_space<vmem_shared>>
      %dma_start3A_214 = arith.constant 0 : i32
      %dma_start3A_215 = tpu.memref_slice %arg9[%mul3A_159, %dma_start3A_214] : memref<10000x128xf32, #tpu.memory_space<hbm>> -> memref<248x128xf32, #tpu.memory_space<hbm>>
      tpu.enqueue_dma source(%dma_start3A_215 : memref<248x128xf32, #tpu.memory_space<hbm>>) target(%dma_start3A_213 : memref<248x128xf32, #tpu.memory_space<vmem_shared>>) target_semaphore(%run_scoped3A : memref<!tpu.dma_semaphore, #tpu.memory_space<semaphore_mem>>)
      %dma_wait3A_216 = arith.constant 0 : i32
      %dma_wait3A_217 = tpu.memref_slice %arg27[%mul3A_161, %dma_wait3A_216] : memref<10000x128xf32, #tpu.memory_space<vmem_shared>> -> memref<248x128xf32, #tpu.memory_space<vmem_shared>>
      %dma_wait3A_218 = arith.constant 0 : i32
      %dma_wait3A_219 = tpu.memref_slice %arg9[%mul3A_159, %dma_wait3A_218] : memref<10000x128xf32, #tpu.memory_space<hbm>> -> memref<248x128xf32, #tpu.memory_space<hbm>>
      tpu.wait_dma2 semaphore(%run_scoped3A : memref<!tpu.dma_semaphore, #tpu.memory_space<semaphore_mem>>) src(%dma_wait3A_219 : memref<248x128xf32, #tpu.memory_space<hbm>>) dst(%dma_wait3A_217 : memref<248x128xf32, #tpu.memory_space<vmem_shared>>)
      tpu.yield
    }) : () -> ()
    %eq3A_162 = arith.constant 15 : i32
    %eq3A_163 = arith.cmpi eq, %arg1, %eq3A_162 : i32
    %convert_element_type3A_164 = arith.extui %eq3A_163 : i1 to i32
    %cond3A_165 = arith.constant 0 : i32
    %cond3A_166 = arith.cmpi ne, %convert_element_type3A_164, %cond3A_165 : i32
    scf.if %cond3A_166 {
      "tpu.region"() ({
        %run_scoped3A = tpu.sem_alloc : memref<!tpu.dma_semaphore, #tpu.memory_space<semaphore_mem>>
        %dma_start3A_212 = arith.constant 3968 : i32
        %dma_start3A_213 = arith.constant 0 : i32
        %dma_start3A_214 = tpu.memref_slice %arg27[%dma_start3A_212, %dma_start3A_213] : memref<10000x128xf32, #tpu.memory_space<vmem_shared>> -> memref<32x128xf32, #tpu.memory_space<vmem_shared>>
        %dma_start3A_215 = arith.constant 3968 : i32
        %dma_start3A_216 = arith.constant 0 : i32
        %dma_start3A_217 = tpu.memref_slice %arg9[%dma_start3A_215, %dma_start3A_216] : memref<10000x128xf32, #tpu.memory_space<hbm>> -> memref<32x128xf32, #tpu.memory_space<hbm>>
        tpu.enqueue_dma source(%dma_start3A_217 : memref<32x128xf32, #tpu.memory_space<hbm>>) target(%dma_start3A_214 : memref<32x128xf32, #tpu.memory_space<vmem_shared>>) target_semaphore(%run_scoped3A : memref<!tpu.dma_semaphore, #tpu.memory_space<semaphore_mem>>)
        %dma_wait3A_218 = arith.constant 3968 : i32
        %dma_wait3A_219 = arith.constant 0 : i32
        %dma_wait3A_220 = tpu.memref_slice %arg27[%dma_wait3A_218, %dma_wait3A_219] : memref<10000x128xf32, #tpu.memory_space<vmem_shared>> -> memref<32x128xf32, #tpu.memory_space<vmem_shared>>
        %dma_wait3A_221 = arith.constant 3968 : i32
        %dma_wait3A_222 = arith.constant 0 : i32
        %dma_wait3A_223 = tpu.memref_slice %arg9[%dma_wait3A_221, %dma_wait3A_222] : memref<10000x128xf32, #tpu.memory_space<hbm>> -> memref<32x128xf32, #tpu.memory_space<hbm>>
        tpu.wait_dma2 semaphore(%run_scoped3A : memref<!tpu.dma_semaphore, #tpu.memory_space<semaphore_mem>>) src(%dma_wait3A_223 : memref<32x128xf32, #tpu.memory_space<hbm>>) dst(%dma_wait3A_220 : memref<32x128xf32, #tpu.memory_space<vmem_shared>>)
        tpu.yield
      }) : () -> ()
    } else {
    }
    %barrier3A_167 = arith.constant 0 : index
    tpu.barrier barrier_id(%barrier3A_167)
    %dma_start3A_168 = arith.constant 0 : i32
    %dma_start3A_169 = arith.constant 0 : i32
    %dma_start3A_170 = arith.constant 0 : i32
    %dma_start3A_171 = tpu.memref_slice %arg6[%add3A, %dma_start3A_168, %dma_start3A_169, %dma_start3A_170] : memref<32x40x1x100xi32, #tpu.memory_space<hbm>> -> memref<1x1x1x100xi32, #tpu.memory_space<hbm>>
    %dma_start3A_172 = tpu.memref_squeeze %dma_start3A_171 : memref<1x1x1x100xi32, #tpu.memory_space<hbm>> -> memref<100xi32, #tpu.memory_space<hbm>>
    %dma_start3A_173 = arith.constant 0 : i32
    %dma_start3A_174 = tpu.memref_slice %arg6[%add3A, %dma_start3A_168, %dma_start3A_169, %dma_start3A_173] : memref<32x40x1x100xi32, #tpu.memory_space<hbm>> -> memref<1x1x1x100xi32, #tpu.memory_space<hbm>>
    %dma_start3A_175 = tpu.memref_squeeze %dma_start3A_174 : memref<1x1x1x100xi32, #tpu.memory_space<hbm>> -> memref<100xi32, #tpu.memory_space<hbm>>
    tpu.enqueue_dma source(%dma_start3A_175 : memref<100xi32, #tpu.memory_space<hbm>>) target(%arg20 : memref<100xi32, #tpu.memory_space<vmem>>) target_semaphore(%arg28 : memref<!tpu.dma_semaphore, #tpu.memory_space<semaphore_mem>>)
    %dma_start3A_176 = arith.constant 1 : i32
    %dma_start3A_177 = arith.constant 0 : i32
    %dma_start3A_178 = arith.constant 0 : i32
    %dma_start3A_179 = tpu.memref_slice %arg6[%add3A, %dma_start3A_176, %dma_start3A_177, %dma_start3A_178] : memref<32x40x1x100xi32, #tpu.memory_space<hbm>> -> memref<1x1x1x100xi32, #tpu.memory_space<hbm>>
    %dma_start3A_180 = tpu.memref_squeeze %dma_start3A_179 : memref<1x1x1x100xi32, #tpu.memory_space<hbm>> -> memref<100xi32, #tpu.memory_space<hbm>>
    %dma_start3A_181 = arith.constant 0 : i32
    %dma_start3A_182 = tpu.memref_slice %arg6[%add3A, %dma_start3A_176, %dma_start3A_177, %dma_start3A_181] : memref<32x40x1x100xi32, #tpu.memory_space<hbm>> -> memref<1x1x1x100xi32, #tpu.memory_space<hbm>>
    %dma_start3A_183 = tpu.memref_squeeze %dma_start3A_182 : memref<1x1x1x100xi32, #tpu.memory_space<hbm>> -> memref<100xi32, #tpu.memory_space<hbm>>
    tpu.enqueue_dma source(%dma_start3A_183 : memref<100xi32, #tpu.memory_space<hbm>>) target(%arg21 : memref<100xi32, #tpu.memory_space<vmem>>) target_semaphore(%arg29 : memref<!tpu.dma_semaphore, #tpu.memory_space<semaphore_mem>>)
    %scan3A_184 = arith.constant 0 : i32
    %scan3A_185 = arith.constant 0 : i32
    %scan3A_186 = arith.constant 20 : i32
    %scan3A_187 = arith.addi %scan3A_185, %scan3A_186 : i32
    %scan3A_188 = arith.constant 1 : i32
    %scan3A_189 = scf.for %scan3A_212 = %scan3A_185 to %scan3A_187 step %scan3A_188 iter_args(%scan3A_213 = %scan3A_184) -> (i32)  : i32 {
      %mul3A_214 = arith.constant 2 : i32
      %mul3A_215 = arith.muli %mul3A_214, %scan3A_212 : i32
      %dma_wait3A_216 = arith.constant 0 : i32
      %dma_wait3A_217 = arith.constant 0 : i32
      %dma_wait3A_218 = arith.constant 0 : i32
      %dma_wait3A_219 = arith.constant 0 : i32
      %dma_wait3A_220 = tpu.memref_slice %arg5[%dma_wait3A_216, %dma_wait3A_217, %dma_wait3A_218, %dma_wait3A_219] : memref<32x100x1x100xi32, #tpu.memory_space<hbm>> -> memref<1x1x1x100xi32, #tpu.memory_space<hbm>>
      %dma_wait3A_221 = tpu.memref_squeeze %dma_wait3A_220 : memref<1x1x1x100xi32, #tpu.memory_space<hbm>> -> memref<100xi32, #tpu.memory_space<hbm>>
      %dma_wait3A_222 = arith.constant 0 : i32
      %dma_wait3A_223 = tpu.memref_slice %arg5[%dma_wait3A_216, %dma_wait3A_217, %dma_wait3A_218, %dma_wait3A_222] : memref<32x100x1x100xi32, #tpu.memory_space<hbm>> -> memref<1x1x1x100xi32, #tpu.memory_space<hbm>>
      %dma_wait3A_224 = tpu.memref_squeeze %dma_wait3A_223 : memref<1x1x1x100xi32, #tpu.memory_space<hbm>> -> memref<100xi32, #tpu.memory_space<hbm>>
      tpu.wait_dma2 semaphore(%arg28 : memref<!tpu.dma_semaphore, #tpu.memory_space<semaphore_mem>>) src(%dma_wait3A_224 : memref<100xi32, #tpu.memory_space<hbm>>) dst(%arg20 : memref<100xi32, #tpu.memory_space<vmem>>)
      "tpu.region"() ({
        %run_scoped3A = tpu.sem_alloc : memref<!tpu.dma_semaphore, #tpu.memory_space<semaphore_mem>>
        %dma_start3A_252 = arith.constant 0 : i32
        %dma_start3A_253 = arith.constant 0 : i32
        %dma_start3A_254 = tpu.memref_slice %arg27[%dma_start3A_252, %dma_start3A_253] : memref<10000x128xf32, #tpu.memory_space<vmem_shared>> -> memref<10000x128xf32, #tpu.memory_space<vmem_shared>>
        tpu.enqueue_indirect_dma source(%arg26 : memref<100x128xf32, #tpu.memory_space<vmem>>) target(%dma_start3A_254 : memref<10000x128xf32, #tpu.memory_space<vmem_shared>>) offsets(%arg20 : memref<100xi32, #tpu.memory_space<vmem>>) semaphore(%run_scoped3A : memref<!tpu.dma_semaphore, #tpu.memory_space<semaphore_mem>>) {add = true}
        %dma_wait3A_255 = arith.constant 0 : i32
        %dma_wait3A_256 = arith.constant 0 : i32
        %dma_wait3A_257 = tpu.memref_slice %arg27[%dma_wait3A_255, %dma_wait3A_256] : memref<10000x128xf32, #tpu.memory_space<vmem_shared>> -> memref<10000x128xf32, #tpu.memory_space<vmem_shared>>
        tpu.wait_indirect_dma semaphore(%run_scoped3A : memref<!tpu.dma_semaphore, #tpu.memory_space<semaphore_mem>>) src(%arg26 : memref<100x128xf32, #tpu.memory_space<vmem>>) dst(%dma_wait3A_257 : memref<10000x128xf32, #tpu.memory_space<vmem_shared>>)
        tpu.yield
      }) : () -> ()
      %add3A_225 = arith.constant 2 : i32
      %add3A_226 = arith.addi %mul3A_215, %add3A_225 : i32
      %lt3A = arith.constant 40 : i32
      %lt3A_227 = arith.cmpi slt, %add3A_226, %lt3A : i32
      %convert_element_type3A_228 = arith.extui %lt3A_227 : i1 to i32
      %cond3A_229 = arith.constant 0 : i32
      %cond3A_230 = arith.cmpi ne, %convert_element_type3A_228, %cond3A_229 : i32
      scf.if %cond3A_230 {
        %add3A_252 = arith.constant 2 : i32
        %add3A_253 = arith.addi %mul3A_215, %add3A_252 : i32
        %dma_start3A_254 = arith.constant 0 : i32
        %dma_start3A_255 = arith.constant 0 : i32
        %dma_start3A_256 = tpu.memref_slice %arg6[%add3A, %add3A_253, %dma_start3A_254, %dma_start3A_255] : memref<32x40x1x100xi32, #tpu.memory_space<hbm>> -> memref<1x1x1x100xi32, #tpu.memory_space<hbm>>
        %dma_start3A_257 = tpu.memref_squeeze %dma_start3A_256 : memref<1x1x1x100xi32, #tpu.memory_space<hbm>> -> memref<100xi32, #tpu.memory_space<hbm>>
        %dma_start3A_258 = arith.constant 0 : i32
        %dma_start3A_259 = tpu.memref_slice %arg6[%add3A, %add3A_253, %dma_start3A_254, %dma_start3A_258] : memref<32x40x1x100xi32, #tpu.memory_space<hbm>> -> memref<1x1x1x100xi32, #tpu.memory_space<hbm>>
        %dma_start3A_260 = tpu.memref_squeeze %dma_start3A_259 : memref<1x1x1x100xi32, #tpu.memory_space<hbm>> -> memref<100xi32, #tpu.memory_space<hbm>>
        tpu.enqueue_dma source(%dma_start3A_260 : memref<100xi32, #tpu.memory_space<hbm>>) target(%arg20 : memref<100xi32, #tpu.memory_space<vmem>>) target_semaphore(%arg28 : memref<!tpu.dma_semaphore, #tpu.memory_space<semaphore_mem>>)
      } else {
      }
      %mul3A_231 = arith.constant 2 : i32
      %mul3A_232 = arith.muli %mul3A_231, %scan3A_212 : i32
      %add3A_233 = arith.constant 1 : i32
      %add3A_234 = arith.addi %mul3A_232, %add3A_233 : i32
      %dma_wait3A_235 = arith.constant 0 : i32
      %dma_wait3A_236 = arith.constant 0 : i32
      %dma_wait3A_237 = arith.constant 0 : i32
      %dma_wait3A_238 = arith.constant 0 : i32
      %dma_wait3A_239 = tpu.memref_slice %arg5[%dma_wait3A_235, %dma_wait3A_236, %dma_wait3A_237, %dma_wait3A_238] : memref<32x100x1x100xi32, #tpu.memory_space<hbm>> -> memref<1x1x1x100xi32, #tpu.memory_space<hbm>>
      %dma_wait3A_240 = tpu.memref_squeeze %dma_wait3A_239 : memref<1x1x1x100xi32, #tpu.memory_space<hbm>> -> memref<100xi32, #tpu.memory_space<hbm>>
      %dma_wait3A_241 = arith.constant 0 : i32
      %dma_wait3A_242 = tpu.memref_slice %arg5[%dma_wait3A_235, %dma_wait3A_236, %dma_wait3A_237, %dma_wait3A_241] : memref<32x100x1x100xi32, #tpu.memory_space<hbm>> -> memref<1x1x1x100xi32, #tpu.memory_space<hbm>>
      %dma_wait3A_243 = tpu.memref_squeeze %dma_wait3A_242 : memref<1x1x1x100xi32, #tpu.memory_space<hbm>> -> memref<100xi32, #tpu.memory_space<hbm>>
      tpu.wait_dma2 semaphore(%arg29 : memref<!tpu.dma_semaphore, #tpu.memory_space<semaphore_mem>>) src(%dma_wait3A_243 : memref<100xi32, #tpu.memory_space<hbm>>) dst(%arg21 : memref<100xi32, #tpu.memory_space<vmem>>)
      "tpu.region"() ({
        %run_scoped3A = tpu.sem_alloc : memref<!tpu.dma_semaphore, #tpu.memory_space<semaphore_mem>>
        %dma_start3A_252 = arith.constant 0 : i32
        %dma_start3A_253 = arith.constant 0 : i32
        %dma_start3A_254 = tpu.memref_slice %arg27[%dma_start3A_252, %dma_start3A_253] : memref<10000x128xf32, #tpu.memory_space<vmem_shared>> -> memref<10000x128xf32, #tpu.memory_space<vmem_shared>>
        tpu.enqueue_indirect_dma source(%arg26 : memref<100x128xf32, #tpu.memory_space<vmem>>) target(%dma_start3A_254 : memref<10000x128xf32, #tpu.memory_space<vmem_shared>>) offsets(%arg21 : memref<100xi32, #tpu.memory_space<vmem>>) semaphore(%run_scoped3A : memref<!tpu.dma_semaphore, #tpu.memory_space<semaphore_mem>>) {add = true}
        %dma_wait3A_255 = arith.constant 0 : i32
        %dma_wait3A_256 = arith.constant 0 : i32
        %dma_wait3A_257 = tpu.memref_slice %arg27[%dma_wait3A_255, %dma_wait3A_256] : memref<10000x128xf32, #tpu.memory_space<vmem_shared>> -> memref<10000x128xf32, #tpu.memory_space<vmem_shared>>
        tpu.wait_indirect_dma semaphore(%run_scoped3A : memref<!tpu.dma_semaphore, #tpu.memory_space<semaphore_mem>>) src(%arg26 : memref<100x128xf32, #tpu.memory_space<vmem>>) dst(%dma_wait3A_257 : memref<10000x128xf32, #tpu.memory_space<vmem_shared>>)
        tpu.yield
      }) : () -> ()
      %add3A_244 = arith.constant 2 : i32
      %add3A_245 = arith.addi %add3A_234, %add3A_244 : i32
      %lt3A_246 = arith.constant 40 : i32
      %lt3A_247 = arith.cmpi slt, %add3A_245, %lt3A_246 : i32
      %convert_element_type3A_248 = arith.extui %lt3A_247 : i1 to i32
      %cond3A_249 = arith.constant 0 : i32
      %cond3A_250 = arith.cmpi ne, %convert_element_type3A_248, %cond3A_249 : i32
      scf.if %cond3A_250 {
        %add3A_252 = arith.constant 2 : i32
        %add3A_253 = arith.addi %add3A_234, %add3A_252 : i32
        %dma_start3A_254 = arith.constant 0 : i32
        %dma_start3A_255 = arith.constant 0 : i32
        %dma_start3A_256 = tpu.memref_slice %arg6[%add3A, %add3A_253, %dma_start3A_254, %dma_start3A_255] : memref<32x40x1x100xi32, #tpu.memory_space<hbm>> -> memref<1x1x1x100xi32, #tpu.memory_space<hbm>>
        %dma_start3A_257 = tpu.memref_squeeze %dma_start3A_256 : memref<1x1x1x100xi32, #tpu.memory_space<hbm>> -> memref<100xi32, #tpu.memory_space<hbm>>
        %dma_start3A_258 = arith.constant 0 : i32
        %dma_start3A_259 = tpu.memref_slice %arg6[%add3A, %add3A_253, %dma_start3A_254, %dma_start3A_258] : memref<32x40x1x100xi32, #tpu.memory_space<hbm>> -> memref<1x1x1x100xi32, #tpu.memory_space<hbm>>
        %dma_start3A_260 = tpu.memref_squeeze %dma_start3A_259 : memref<1x1x1x100xi32, #tpu.memory_space<hbm>> -> memref<100xi32, #tpu.memory_space<hbm>>
        tpu.enqueue_dma source(%dma_start3A_260 : memref<100xi32, #tpu.memory_space<hbm>>) target(%arg21 : memref<100xi32, #tpu.memory_space<vmem>>) target_semaphore(%arg29 : memref<!tpu.dma_semaphore, #tpu.memory_space<semaphore_mem>>)
      } else {
      }
      %scan3A_251 = arith.constant 0 : i32
      scf.yield %scan3A_251 : i32
    }
    %scan3A_190 = arith.constant 20 : i32
    %barrier3A_191 = arith.constant 0 : index
    tpu.barrier barrier_id(%barrier3A_191)
    %mul3A_192 = arith.constant 120 : i32
    %mul3A_193 = arith.muli %arg1, %mul3A_192 : i32
    %mul3A_194 = arith.constant 120 : i32
    %mul3A_195 = arith.muli %arg1, %mul3A_194 : i32
    "tpu.region"() ({
      %run_scoped3A = tpu.sem_alloc : memref<!tpu.dma_semaphore, #tpu.memory_space<semaphore_mem>>
      %dma_start3A_212 = arith.constant 0 : i32
      %dma_start3A_213 = arith.constant 0 : i32
      %dma_start3A_214 = tpu.memref_slice %arg12[%arg0, %dma_start3A_212, %dma_start3A_213] : memref<2x2000x128xf32, #tpu.memory_space<hbm>> -> memref<1x2000x128xf32, #tpu.memory_space<hbm>>
      %dma_start3A_215 = tpu.memref_squeeze %dma_start3A_214 : memref<1x2000x128xf32, #tpu.memory_space<hbm>> -> memref<2000x128xf32, #tpu.memory_space<hbm>>
      %dma_start3A_216 = arith.constant 0 : i32
      %dma_start3A_217 = tpu.memref_slice %dma_start3A_215[%mul3A_195, %dma_start3A_216] : memref<2000x128xf32, #tpu.memory_space<hbm>> -> memref<120x128xf32, #tpu.memory_space<hbm>>
      %dma_start3A_218 = arith.constant 0 : i32
      %dma_start3A_219 = tpu.memref_slice %arg27[%mul3A_193, %dma_start3A_218] : memref<10000x128xf32, #tpu.memory_space<vmem_shared>> -> memref<120x128xf32, #tpu.memory_space<vmem_shared>>
      tpu.enqueue_dma source(%dma_start3A_219 : memref<120x128xf32, #tpu.memory_space<vmem_shared>>) target(%dma_start3A_217 : memref<120x128xf32, #tpu.memory_space<hbm>>) target_semaphore(%run_scoped3A : memref<!tpu.dma_semaphore, #tpu.memory_space<semaphore_mem>>)
      %dma_wait3A_220 = arith.constant 0 : i32
      %dma_wait3A_221 = arith.constant 0 : i32
      %dma_wait3A_222 = tpu.memref_slice %arg12[%arg0, %dma_wait3A_220, %dma_wait3A_221] : memref<2x2000x128xf32, #tpu.memory_space<hbm>> -> memref<1x2000x128xf32, #tpu.memory_space<hbm>>
      %dma_wait3A_223 = tpu.memref_squeeze %dma_wait3A_222 : memref<1x2000x128xf32, #tpu.memory_space<hbm>> -> memref<2000x128xf32, #tpu.memory_space<hbm>>
      %dma_wait3A_224 = arith.constant 0 : i32
      %dma_wait3A_225 = tpu.memref_slice %dma_wait3A_223[%mul3A_195, %dma_wait3A_224] : memref<2000x128xf32, #tpu.memory_space<hbm>> -> memref<120x128xf32, #tpu.memory_space<hbm>>
      %dma_wait3A_226 = arith.constant 0 : i32
      %dma_wait3A_227 = tpu.memref_slice %arg27[%mul3A_193, %dma_wait3A_226] : memref<10000x128xf32, #tpu.memory_space<vmem_shared>> -> memref<120x128xf32, #tpu.memory_space<vmem_shared>>
      tpu.wait_dma2 semaphore(%run_scoped3A : memref<!tpu.dma_semaphore, #tpu.memory_space<semaphore_mem>>) src(%dma_wait3A_227 : memref<120x128xf32, #tpu.memory_space<vmem_shared>>) dst(%dma_wait3A_225 : memref<120x128xf32, #tpu.memory_space<hbm>>)
      tpu.yield
    }) : () -> ()
    %eq3A_196 = arith.constant 15 : i32
    %eq3A_197 = arith.cmpi eq, %arg1, %eq3A_196 : i32
    %convert_element_type3A_198 = arith.extui %eq3A_197 : i1 to i32
    %cond3A_199 = arith.constant 0 : i32
    %cond3A_200 = arith.cmpi ne, %convert_element_type3A_198, %cond3A_199 : i32
    scf.if %cond3A_200 {
      "tpu.region"() ({
        %run_scoped3A = tpu.sem_alloc : memref<!tpu.dma_semaphore, #tpu.memory_space<semaphore_mem>>
        %dma_start3A_212 = arith.constant 0 : i32
        %dma_start3A_213 = arith.constant 0 : i32
        %dma_start3A_214 = tpu.memref_slice %arg12[%arg0, %dma_start3A_212, %dma_start3A_213] : memref<2x2000x128xf32, #tpu.memory_space<hbm>> -> memref<1x2000x128xf32, #tpu.memory_space<hbm>>
        %dma_start3A_215 = tpu.memref_squeeze %dma_start3A_214 : memref<1x2000x128xf32, #tpu.memory_space<hbm>> -> memref<2000x128xf32, #tpu.memory_space<hbm>>
        %dma_start3A_216 = arith.constant 1920 : i32
        %dma_start3A_217 = arith.constant 0 : i32
        %dma_start3A_218 = tpu.memref_slice %dma_start3A_215[%dma_start3A_216, %dma_start3A_217] : memref<2000x128xf32, #tpu.memory_space<hbm>> -> memref<80x128xf32, #tpu.memory_space<hbm>>
        %dma_start3A_219 = arith.constant 1920 : i32
        %dma_start3A_220 = arith.constant 0 : i32
        %dma_start3A_221 = tpu.memref_slice %arg27[%dma_start3A_219, %dma_start3A_220] : memref<10000x128xf32, #tpu.memory_space<vmem_shared>> -> memref<80x128xf32, #tpu.memory_space<vmem_shared>>
        tpu.enqueue_dma source(%dma_start3A_221 : memref<80x128xf32, #tpu.memory_space<vmem_shared>>) target(%dma_start3A_218 : memref<80x128xf32, #tpu.memory_space<hbm>>) target_semaphore(%run_scoped3A : memref<!tpu.dma_semaphore, #tpu.memory_space<semaphore_mem>>)
        %dma_wait3A_222 = arith.constant 0 : i32
        %dma_wait3A_223 = arith.constant 0 : i32
        %dma_wait3A_224 = tpu.memref_slice %arg12[%arg0, %dma_wait3A_222, %dma_wait3A_223] : memref<2x2000x128xf32, #tpu.memory_space<hbm>> -> memref<1x2000x128xf32, #tpu.memory_space<hbm>>
        %dma_wait3A_225 = tpu.memref_squeeze %dma_wait3A_224 : memref<1x2000x128xf32, #tpu.memory_space<hbm>> -> memref<2000x128xf32, #tpu.memory_space<hbm>>
        %dma_wait3A_226 = arith.constant 1920 : i32
        %dma_wait3A_227 = arith.constant 0 : i32
        %dma_wait3A_228 = tpu.memref_slice %dma_wait3A_225[%dma_wait3A_226, %dma_wait3A_227] : memref<2000x128xf32, #tpu.memory_space<hbm>> -> memref<80x128xf32, #tpu.memory_space<hbm>>
        %dma_wait3A_229 = arith.constant 1920 : i32
        %dma_wait3A_230 = arith.constant 0 : i32
        %dma_wait3A_231 = tpu.memref_slice %arg27[%dma_wait3A_229, %dma_wait3A_230] : memref<10000x128xf32, #tpu.memory_space<vmem_shared>> -> memref<80x128xf32, #tpu.memory_space<vmem_shared>>
        tpu.wait_dma2 semaphore(%run_scoped3A : memref<!tpu.dma_semaphore, #tpu.memory_space<semaphore_mem>>) src(%dma_wait3A_231 : memref<80x128xf32, #tpu.memory_space<vmem_shared>>) dst(%dma_wait3A_228 : memref<80x128xf32, #tpu.memory_space<hbm>>)
        tpu.yield
      }) : () -> ()
    } else {
    }
    %mul3A_201 = arith.constant 120 : i32
    %mul3A_202 = arith.muli %arg1, %mul3A_201 : i32
    %add3A_203 = arith.constant 2000 : i32
    %add3A_204 = arith.addi %add3A_203, %mul3A_202 : i32
    %mul3A_205 = arith.constant 120 : i32
    %mul3A_206 = arith.muli %arg1, %mul3A_205 : i32
    "tpu.region"() ({
      %run_scoped3A = tpu.sem_alloc : memref<!tpu.dma_semaphore, #tpu.memory_space<semaphore_mem>>
      %dma_start3A_212 = arith.constant 0 : i32
      %dma_start3A_213 = arith.constant 0 : i32
      %dma_start3A_214 = tpu.memref_slice %arg13[%arg0, %dma_start3A_212, %dma_start3A_213] : memref<2x2000x128xf32, #tpu.memory_space<hbm>> -> memref<1x2000x128xf32, #tpu.memory_space<hbm>>
      %dma_start3A_215 = tpu.memref_squeeze %dma_start3A_214 : memref<1x2000x128xf32, #tpu.memory_space<hbm>> -> memref<2000x128xf32, #tpu.memory_space<hbm>>
      %dma_start3A_216 = arith.constant 0 : i32
      %dma_start3A_217 = tpu.memref_slice %dma_start3A_215[%mul3A_206, %dma_start3A_216] : memref<2000x128xf32, #tpu.memory_space<hbm>> -> memref<120x128xf32, #tpu.memory_space<hbm>>
      %dma_start3A_218 = arith.constant 0 : i32
      %dma_start3A_219 = tpu.memref_slice %arg27[%add3A_204, %dma_start3A_218] : memref<10000x128xf32, #tpu.memory_space<vmem_shared>> -> memref<120x128xf32, #tpu.memory_space<vmem_shared>>
      tpu.enqueue_dma source(%dma_start3A_219 : memref<120x128xf32, #tpu.memory_space<vmem_shared>>) target(%dma_start3A_217 : memref<120x128xf32, #tpu.memory_space<hbm>>) target_semaphore(%run_scoped3A : memref<!tpu.dma_semaphore, #tpu.memory_space<semaphore_mem>>)
      %dma_wait3A_220 = arith.constant 0 : i32
      %dma_wait3A_221 = arith.constant 0 : i32
      %dma_wait3A_222 = tpu.memref_slice %arg13[%arg0, %dma_wait3A_220, %dma_wait3A_221] : memref<2x2000x128xf32, #tpu.memory_space<hbm>> -> memref<1x2000x128xf32, #tpu.memory_space<hbm>>
      %dma_wait3A_223 = tpu.memref_squeeze %dma_wait3A_222 : memref<1x2000x128xf32, #tpu.memory_space<hbm>> -> memref<2000x128xf32, #tpu.memory_space<hbm>>
      %dma_wait3A_224 = arith.constant 0 : i32
      %dma_wait3A_225 = tpu.memref_slice %dma_wait3A_223[%mul3A_206, %dma_wait3A_224] : memref<2000x128xf32, #tpu.memory_space<hbm>> -> memref<120x128xf32, #tpu.memory_space<hbm>>
      %dma_wait3A_226 = arith.constant 0 : i32
      %dma_wait3A_227 = tpu.memref_slice %arg27[%add3A_204, %dma_wait3A_226] : memref<10000x128xf32, #tpu.memory_space<vmem_shared>> -> memref<120x128xf32, #tpu.memory_space<vmem_shared>>
      tpu.wait_dma2 semaphore(%run_scoped3A : memref<!tpu.dma_semaphore, #tpu.memory_space<semaphore_mem>>) src(%dma_wait3A_227 : memref<120x128xf32, #tpu.memory_space<vmem_shared>>) dst(%dma_wait3A_225 : memref<120x128xf32, #tpu.memory_space<hbm>>)
      tpu.yield
    }) : () -> ()
    %eq3A_207 = arith.constant 15 : i32
    %eq3A_208 = arith.cmpi eq, %arg1, %eq3A_207 : i32
    %convert_element_type3A_209 = arith.extui %eq3A_208 : i1 to i32
    %cond3A_210 = arith.constant 0 : i32
    %cond3A_211 = arith.cmpi ne, %convert_element_type3A_209, %cond3A_210 : i32
    scf.if %cond3A_211 {
      "tpu.region"() ({
        %run_scoped3A = tpu.sem_alloc : memref<!tpu.dma_semaphore, #tpu.memory_space<semaphore_mem>>
        %dma_start3A_212 = arith.constant 0 : i32
        %dma_start3A_213 = arith.constant 0 : i32
        %dma_start3A_214 = tpu.memref_slice %arg13[%arg0, %dma_start3A_212, %dma_start3A_213] : memref<2x2000x128xf32, #tpu.memory_space<hbm>> -> memref<1x2000x128xf32, #tpu.memory_space<hbm>>
        %dma_start3A_215 = tpu.memref_squeeze %dma_start3A_214 : memref<1x2000x128xf32, #tpu.memory_space<hbm>> -> memref<2000x128xf32, #tpu.memory_space<hbm>>
        %dma_start3A_216 = arith.constant 1920 : i32
        %dma_start3A_217 = arith.constant 0 : i32
        %dma_start3A_218 = tpu.memref_slice %dma_start3A_215[%dma_start3A_216, %dma_start3A_217] : memref<2000x128xf32, #tpu.memory_space<hbm>> -> memref<80x128xf32, #tpu.memory_space<hbm>>
        %dma_start3A_219 = arith.constant 3920 : i32
        %dma_start3A_220 = arith.constant 0 : i32
        %dma_start3A_221 = tpu.memref_slice %arg27[%dma_start3A_219, %dma_start3A_220] : memref<10000x128xf32, #tpu.memory_space<vmem_shared>> -> memref<80x128xf32, #tpu.memory_space<vmem_shared>>
        tpu.enqueue_dma source(%dma_start3A_221 : memref<80x128xf32, #tpu.memory_space<vmem_shared>>) target(%dma_start3A_218 : memref<80x128xf32, #tpu.memory_space<hbm>>) target_semaphore(%run_scoped3A : memref<!tpu.dma_semaphore, #tpu.memory_space<semaphore_mem>>)
        %dma_wait3A_222 = arith.constant 0 : i32
        %dma_wait3A_223 = arith.constant 0 : i32
        %dma_wait3A_224 = tpu.memref_slice %arg13[%arg0, %dma_wait3A_222, %dma_wait3A_223] : memref<2x2000x128xf32, #tpu.memory_space<hbm>> -> memref<1x2000x128xf32, #tpu.memory_space<hbm>>
        %dma_wait3A_225 = tpu.memref_squeeze %dma_wait3A_224 : memref<1x2000x128xf32, #tpu.memory_space<hbm>> -> memref<2000x128xf32, #tpu.memory_space<hbm>>
        %dma_wait3A_226 = arith.constant 1920 : i32
        %dma_wait3A_227 = arith.constant 0 : i32
        %dma_wait3A_228 = tpu.memref_slice %dma_wait3A_225[%dma_wait3A_226, %dma_wait3A_227] : memref<2000x128xf32, #tpu.memory_space<hbm>> -> memref<80x128xf32, #tpu.memory_space<hbm>>
        %dma_wait3A_229 = arith.constant 3920 : i32
        %dma_wait3A_230 = arith.constant 0 : i32
        %dma_wait3A_231 = tpu.memref_slice %arg27[%dma_wait3A_229, %dma_wait3A_230] : memref<10000x128xf32, #tpu.memory_space<vmem_shared>> -> memref<80x128xf32, #tpu.memory_space<vmem_shared>>
        tpu.wait_dma2 semaphore(%run_scoped3A : memref<!tpu.dma_semaphore, #tpu.memory_space<semaphore_mem>>) src(%dma_wait3A_231 : memref<80x128xf32, #tpu.memory_space<vmem_shared>>) dst(%dma_wait3A_228 : memref<80x128xf32, #tpu.memory_space<hbm>>)
        tpu.yield
      }) : () -> ()
    } else {
    }
    return
  }
}

#map = affine_map<(d0, d1) -> (0, 0)>
#map1 = affine_map<(d0, d1) -> (0, 0, 0, 0)>
module attributes {stable_mosaic.version = 14 : i64} {
  func.func @_gcn_agg_body(%arg0: i32, %arg1: i32, %arg2: memref<2000x128xf32, #tpu.memory_space<hbm>>, %arg3: memref<2000x128xf32, #tpu.memory_space<hbm>>, %arg4: memref<32x40x1x50xi32, #tpu.memory_space<hbm>>, %arg5: memref<32x40x1x50xi32, #tpu.memory_space<hbm>>, %arg6: memref<32x40x1x50xi32, #tpu.memory_space<hbm>>, %arg7: memref<32x40x1x50xi32, #tpu.memory_space<hbm>>, %arg8: memref<2000x128xf32, #tpu.memory_space<hbm>>, %arg9: memref<2x2x2000x128xf32, #tpu.memory_space<hbm>>, %arg10: memref<50xi32, #tpu.memory_space<vmem>>, %arg11: memref<50xi32, #tpu.memory_space<vmem>>, %arg12: memref<50xi32, #tpu.memory_space<vmem>>, %arg13: memref<50xi32, #tpu.memory_space<vmem>>, %arg14: memref<50x128xf32, #tpu.memory_space<vmem>>, %arg15: memref<50x128xf32, #tpu.memory_space<vmem>>, %arg16: memref<2000x128xf32, #tpu.memory_space<vmem_shared>>, %arg17: memref<2000x128xf32, #tpu.memory_space<vmem_shared>>, %arg18: memref<!tpu.dma_semaphore, #tpu.memory_space<semaphore_mem>>, %arg19: memref<!tpu.dma_semaphore, #tpu.memory_space<semaphore_mem>>, %arg20: memref<!tpu.dma_semaphore, #tpu.memory_space<semaphore_mem>>, %arg21: memref<!tpu.dma_semaphore, #tpu.memory_space<semaphore_mem>>, %arg22: memref<!tpu.dma_semaphore, #tpu.memory_space<semaphore_mem>>, %arg23: memref<!tpu.dma_semaphore, #tpu.memory_space<semaphore_mem>>) attributes {dimension_semantics = [#tpu.dimension_semantics<core_parallel>, #tpu.dimension_semantics<subcore_parallel>], iteration_bounds = array<i64: 2, 16>, scalar_prefetch = 0 : i64, scratch_operands = 14 : i64, tpu.core_type = #tpu.core_type<sc_vector_subcore>, window_params = [{transform_indices = #map}, {transform_indices = #map}, {transform_indices = #map1}, {transform_indices = #map1}, {transform_indices = #map1}, {transform_indices = #map1}, {transform_indices = #map}, {transform_indices = #map1}]} {
    %mul3A = arith.constant 16 : i32
    %mul3A_0 = arith.muli %arg0, %mul3A : i32
    %add3A = arith.addi %mul3A_0, %arg1 : i32
    %mul3A_1 = arith.constant 120 : i32
    %mul3A_2 = arith.muli %arg1, %mul3A_1 : i32
    %mul3A_3 = arith.constant 120 : i32
    %mul3A_4 = arith.muli %arg1, %mul3A_3 : i32
    "tpu.region"() ({
      %run_scoped3A_167 = tpu.sem_alloc : memref<!tpu.dma_semaphore, #tpu.memory_space<semaphore_mem>>
      %dma_start3A_168 = arith.constant 0 : i32
      %dma_start3A_169 = tpu.memref_slice %arg16[%mul3A_4, %dma_start3A_168] : memref<2000x128xf32, #tpu.memory_space<vmem_shared>> -> memref<120x128xf32, #tpu.memory_space<vmem_shared>>
      %dma_start3A_170 = arith.constant 0 : i32
      %dma_start3A_171 = tpu.memref_slice %arg8[%mul3A_2, %dma_start3A_170] : memref<2000x128xf32, #tpu.memory_space<hbm>> -> memref<120x128xf32, #tpu.memory_space<hbm>>
      tpu.enqueue_dma source(%dma_start3A_171 : memref<120x128xf32, #tpu.memory_space<hbm>>) target(%dma_start3A_169 : memref<120x128xf32, #tpu.memory_space<vmem_shared>>) target_semaphore(%run_scoped3A_167 : memref<!tpu.dma_semaphore, #tpu.memory_space<semaphore_mem>>)
      %dma_wait3A_172 = arith.constant 0 : i32
      %dma_wait3A_173 = tpu.memref_slice %arg16[%mul3A_4, %dma_wait3A_172] : memref<2000x128xf32, #tpu.memory_space<vmem_shared>> -> memref<120x128xf32, #tpu.memory_space<vmem_shared>>
      %dma_wait3A_174 = arith.constant 0 : i32
      %dma_wait3A_175 = tpu.memref_slice %arg8[%mul3A_2, %dma_wait3A_174] : memref<2000x128xf32, #tpu.memory_space<hbm>> -> memref<120x128xf32, #tpu.memory_space<hbm>>
      tpu.wait_dma2 semaphore(%run_scoped3A_167 : memref<!tpu.dma_semaphore, #tpu.memory_space<semaphore_mem>>) src(%dma_wait3A_175 : memref<120x128xf32, #tpu.memory_space<hbm>>) dst(%dma_wait3A_173 : memref<120x128xf32, #tpu.memory_space<vmem_shared>>)
      tpu.yield
    }) : () -> ()
    %eq3A = arith.constant 15 : i32
    %eq3A_5 = arith.cmpi eq, %arg1, %eq3A : i32
    %convert_element_type3A = arith.extui %eq3A_5 : i1 to i32
    %cond3A = arith.constant 0 : i32
    %cond3A_6 = arith.cmpi ne, %convert_element_type3A, %cond3A : i32
    scf.if %cond3A_6 {
      "tpu.region"() ({
        %run_scoped3A_167 = tpu.sem_alloc : memref<!tpu.dma_semaphore, #tpu.memory_space<semaphore_mem>>
        %dma_start3A_168 = arith.constant 1920 : i32
        %dma_start3A_169 = arith.constant 0 : i32
        %dma_start3A_170 = tpu.memref_slice %arg16[%dma_start3A_168, %dma_start3A_169] : memref<2000x128xf32, #tpu.memory_space<vmem_shared>> -> memref<80x128xf32, #tpu.memory_space<vmem_shared>>
        %dma_start3A_171 = arith.constant 1920 : i32
        %dma_start3A_172 = arith.constant 0 : i32
        %dma_start3A_173 = tpu.memref_slice %arg8[%dma_start3A_171, %dma_start3A_172] : memref<2000x128xf32, #tpu.memory_space<hbm>> -> memref<80x128xf32, #tpu.memory_space<hbm>>
        tpu.enqueue_dma source(%dma_start3A_173 : memref<80x128xf32, #tpu.memory_space<hbm>>) target(%dma_start3A_170 : memref<80x128xf32, #tpu.memory_space<vmem_shared>>) target_semaphore(%run_scoped3A_167 : memref<!tpu.dma_semaphore, #tpu.memory_space<semaphore_mem>>)
        %dma_wait3A_174 = arith.constant 1920 : i32
        %dma_wait3A_175 = arith.constant 0 : i32
        %dma_wait3A_176 = tpu.memref_slice %arg16[%dma_wait3A_174, %dma_wait3A_175] : memref<2000x128xf32, #tpu.memory_space<vmem_shared>> -> memref<80x128xf32, #tpu.memory_space<vmem_shared>>
        %dma_wait3A_177 = arith.constant 1920 : i32
        %dma_wait3A_178 = arith.constant 0 : i32
        %dma_wait3A_179 = tpu.memref_slice %arg8[%dma_wait3A_177, %dma_wait3A_178] : memref<2000x128xf32, #tpu.memory_space<hbm>> -> memref<80x128xf32, #tpu.memory_space<hbm>>
        tpu.wait_dma2 semaphore(%run_scoped3A_167 : memref<!tpu.dma_semaphore, #tpu.memory_space<semaphore_mem>>) src(%dma_wait3A_179 : memref<80x128xf32, #tpu.memory_space<hbm>>) dst(%dma_wait3A_176 : memref<80x128xf32, #tpu.memory_space<vmem_shared>>)
        tpu.yield
      }) : () -> ()
    } else {
    }
    %mul3A_7 = arith.constant 120 : i32
    %mul3A_8 = arith.muli %arg1, %mul3A_7 : i32
    %mul3A_9 = arith.constant 120 : i32
    %mul3A_10 = arith.muli %arg1, %mul3A_9 : i32
    "tpu.region"() ({
      %run_scoped3A_167 = tpu.sem_alloc : memref<!tpu.dma_semaphore, #tpu.memory_space<semaphore_mem>>
      %dma_start3A_168 = arith.constant 0 : i32
      %dma_start3A_169 = tpu.memref_slice %arg17[%mul3A_10, %dma_start3A_168] : memref<2000x128xf32, #tpu.memory_space<vmem_shared>> -> memref<120x128xf32, #tpu.memory_space<vmem_shared>>
      %dma_start3A_170 = arith.constant 0 : i32
      %dma_start3A_171 = tpu.memref_slice %arg8[%mul3A_8, %dma_start3A_170] : memref<2000x128xf32, #tpu.memory_space<hbm>> -> memref<120x128xf32, #tpu.memory_space<hbm>>
      tpu.enqueue_dma source(%dma_start3A_171 : memref<120x128xf32, #tpu.memory_space<hbm>>) target(%dma_start3A_169 : memref<120x128xf32, #tpu.memory_space<vmem_shared>>) target_semaphore(%run_scoped3A_167 : memref<!tpu.dma_semaphore, #tpu.memory_space<semaphore_mem>>)
      %dma_wait3A_172 = arith.constant 0 : i32
      %dma_wait3A_173 = tpu.memref_slice %arg17[%mul3A_10, %dma_wait3A_172] : memref<2000x128xf32, #tpu.memory_space<vmem_shared>> -> memref<120x128xf32, #tpu.memory_space<vmem_shared>>
      %dma_wait3A_174 = arith.constant 0 : i32
      %dma_wait3A_175 = tpu.memref_slice %arg8[%mul3A_8, %dma_wait3A_174] : memref<2000x128xf32, #tpu.memory_space<hbm>> -> memref<120x128xf32, #tpu.memory_space<hbm>>
      tpu.wait_dma2 semaphore(%run_scoped3A_167 : memref<!tpu.dma_semaphore, #tpu.memory_space<semaphore_mem>>) src(%dma_wait3A_175 : memref<120x128xf32, #tpu.memory_space<hbm>>) dst(%dma_wait3A_173 : memref<120x128xf32, #tpu.memory_space<vmem_shared>>)
      tpu.yield
    }) : () -> ()
    %eq3A_11 = arith.constant 15 : i32
    %eq3A_12 = arith.cmpi eq, %arg1, %eq3A_11 : i32
    %convert_element_type3A_13 = arith.extui %eq3A_12 : i1 to i32
    %cond3A_14 = arith.constant 0 : i32
    %cond3A_15 = arith.cmpi ne, %convert_element_type3A_13, %cond3A_14 : i32
    scf.if %cond3A_15 {
      "tpu.region"() ({
        %run_scoped3A_167 = tpu.sem_alloc : memref<!tpu.dma_semaphore, #tpu.memory_space<semaphore_mem>>
        %dma_start3A_168 = arith.constant 1920 : i32
        %dma_start3A_169 = arith.constant 0 : i32
        %dma_start3A_170 = tpu.memref_slice %arg17[%dma_start3A_168, %dma_start3A_169] : memref<2000x128xf32, #tpu.memory_space<vmem_shared>> -> memref<80x128xf32, #tpu.memory_space<vmem_shared>>
        %dma_start3A_171 = arith.constant 1920 : i32
        %dma_start3A_172 = arith.constant 0 : i32
        %dma_start3A_173 = tpu.memref_slice %arg8[%dma_start3A_171, %dma_start3A_172] : memref<2000x128xf32, #tpu.memory_space<hbm>> -> memref<80x128xf32, #tpu.memory_space<hbm>>
        tpu.enqueue_dma source(%dma_start3A_173 : memref<80x128xf32, #tpu.memory_space<hbm>>) target(%dma_start3A_170 : memref<80x128xf32, #tpu.memory_space<vmem_shared>>) target_semaphore(%run_scoped3A_167 : memref<!tpu.dma_semaphore, #tpu.memory_space<semaphore_mem>>)
        %dma_wait3A_174 = arith.constant 1920 : i32
        %dma_wait3A_175 = arith.constant 0 : i32
        %dma_wait3A_176 = tpu.memref_slice %arg17[%dma_wait3A_174, %dma_wait3A_175] : memref<2000x128xf32, #tpu.memory_space<vmem_shared>> -> memref<80x128xf32, #tpu.memory_space<vmem_shared>>
        %dma_wait3A_177 = arith.constant 1920 : i32
        %dma_wait3A_178 = arith.constant 0 : i32
        %dma_wait3A_179 = tpu.memref_slice %arg8[%dma_wait3A_177, %dma_wait3A_178] : memref<2000x128xf32, #tpu.memory_space<hbm>> -> memref<80x128xf32, #tpu.memory_space<hbm>>
        tpu.wait_dma2 semaphore(%run_scoped3A_167 : memref<!tpu.dma_semaphore, #tpu.memory_space<semaphore_mem>>) src(%dma_wait3A_179 : memref<80x128xf32, #tpu.memory_space<hbm>>) dst(%dma_wait3A_176 : memref<80x128xf32, #tpu.memory_space<vmem_shared>>)
        tpu.yield
      }) : () -> ()
    } else {
    }
    %barrier3A = arith.constant 0 : index
    tpu.barrier barrier_id(%barrier3A)
    %dma_start3A = arith.constant 0 : i32
    %dma_start3A_16 = arith.constant 0 : i32
    %dma_start3A_17 = arith.constant 0 : i32
    %dma_start3A_18 = tpu.memref_slice %arg4[%add3A, %dma_start3A, %dma_start3A_16, %dma_start3A_17] : memref<32x40x1x50xi32, #tpu.memory_space<hbm>> -> memref<1x1x1x50xi32, #tpu.memory_space<hbm>>
    %dma_start3A_19 = tpu.memref_squeeze %dma_start3A_18 : memref<1x1x1x50xi32, #tpu.memory_space<hbm>> -> memref<50xi32, #tpu.memory_space<hbm>>
    %dma_start3A_20 = arith.constant 0 : i32
    %dma_start3A_21 = tpu.memref_slice %arg4[%add3A, %dma_start3A, %dma_start3A_16, %dma_start3A_20] : memref<32x40x1x50xi32, #tpu.memory_space<hbm>> -> memref<1x1x1x50xi32, #tpu.memory_space<hbm>>
    %dma_start3A_22 = tpu.memref_squeeze %dma_start3A_21 : memref<1x1x1x50xi32, #tpu.memory_space<hbm>> -> memref<50xi32, #tpu.memory_space<hbm>>
    tpu.enqueue_dma source(%dma_start3A_22 : memref<50xi32, #tpu.memory_space<hbm>>) target(%arg10 : memref<50xi32, #tpu.memory_space<vmem>>) target_semaphore(%arg18 : memref<!tpu.dma_semaphore, #tpu.memory_space<semaphore_mem>>)
    %dma_start3A_23 = arith.constant 0 : i32
    %dma_start3A_24 = arith.constant 0 : i32
    %dma_start3A_25 = arith.constant 0 : i32
    %dma_start3A_26 = tpu.memref_slice %arg5[%add3A, %dma_start3A_23, %dma_start3A_24, %dma_start3A_25] : memref<32x40x1x50xi32, #tpu.memory_space<hbm>> -> memref<1x1x1x50xi32, #tpu.memory_space<hbm>>
    %dma_start3A_27 = tpu.memref_squeeze %dma_start3A_26 : memref<1x1x1x50xi32, #tpu.memory_space<hbm>> -> memref<50xi32, #tpu.memory_space<hbm>>
    %dma_start3A_28 = arith.constant 0 : i32
    %dma_start3A_29 = tpu.memref_slice %arg5[%add3A, %dma_start3A_23, %dma_start3A_24, %dma_start3A_28] : memref<32x40x1x50xi32, #tpu.memory_space<hbm>> -> memref<1x1x1x50xi32, #tpu.memory_space<hbm>>
    %dma_start3A_30 = tpu.memref_squeeze %dma_start3A_29 : memref<1x1x1x50xi32, #tpu.memory_space<hbm>> -> memref<50xi32, #tpu.memory_space<hbm>>
    tpu.enqueue_dma source(%dma_start3A_30 : memref<50xi32, #tpu.memory_space<hbm>>) target(%arg12 : memref<50xi32, #tpu.memory_space<vmem>>) target_semaphore(%arg18 : memref<!tpu.dma_semaphore, #tpu.memory_space<semaphore_mem>>)
    %dma_start3A_31 = arith.constant 1 : i32
    %dma_start3A_32 = arith.constant 0 : i32
    %dma_start3A_33 = arith.constant 0 : i32
    %dma_start3A_34 = tpu.memref_slice %arg4[%add3A, %dma_start3A_31, %dma_start3A_32, %dma_start3A_33] : memref<32x40x1x50xi32, #tpu.memory_space<hbm>> -> memref<1x1x1x50xi32, #tpu.memory_space<hbm>>
    %dma_start3A_35 = tpu.memref_squeeze %dma_start3A_34 : memref<1x1x1x50xi32, #tpu.memory_space<hbm>> -> memref<50xi32, #tpu.memory_space<hbm>>
    %dma_start3A_36 = arith.constant 0 : i32
    %dma_start3A_37 = tpu.memref_slice %arg4[%add3A, %dma_start3A_31, %dma_start3A_32, %dma_start3A_36] : memref<32x40x1x50xi32, #tpu.memory_space<hbm>> -> memref<1x1x1x50xi32, #tpu.memory_space<hbm>>
    %dma_start3A_38 = tpu.memref_squeeze %dma_start3A_37 : memref<1x1x1x50xi32, #tpu.memory_space<hbm>> -> memref<50xi32, #tpu.memory_space<hbm>>
    tpu.enqueue_dma source(%dma_start3A_38 : memref<50xi32, #tpu.memory_space<hbm>>) target(%arg11 : memref<50xi32, #tpu.memory_space<vmem>>) target_semaphore(%arg19 : memref<!tpu.dma_semaphore, #tpu.memory_space<semaphore_mem>>)
    %dma_start3A_39 = arith.constant 1 : i32
    %dma_start3A_40 = arith.constant 0 : i32
    %dma_start3A_41 = arith.constant 0 : i32
    %dma_start3A_42 = tpu.memref_slice %arg5[%add3A, %dma_start3A_39, %dma_start3A_40, %dma_start3A_41] : memref<32x40x1x50xi32, #tpu.memory_space<hbm>> -> memref<1x1x1x50xi32, #tpu.memory_space<hbm>>
    %dma_start3A_43 = tpu.memref_squeeze %dma_start3A_42 : memref<1x1x1x50xi32, #tpu.memory_space<hbm>> -> memref<50xi32, #tpu.memory_space<hbm>>
    %dma_start3A_44 = arith.constant 0 : i32
    %dma_start3A_45 = tpu.memref_slice %arg5[%add3A, %dma_start3A_39, %dma_start3A_40, %dma_start3A_44] : memref<32x40x1x50xi32, #tpu.memory_space<hbm>> -> memref<1x1x1x50xi32, #tpu.memory_space<hbm>>
    %dma_start3A_46 = tpu.memref_squeeze %dma_start3A_45 : memref<1x1x1x50xi32, #tpu.memory_space<hbm>> -> memref<50xi32, #tpu.memory_space<hbm>>
    tpu.enqueue_dma source(%dma_start3A_46 : memref<50xi32, #tpu.memory_space<hbm>>) target(%arg13 : memref<50xi32, #tpu.memory_space<vmem>>) target_semaphore(%arg19 : memref<!tpu.dma_semaphore, #tpu.memory_space<semaphore_mem>>)
    %dma_wait3A = arith.constant 0 : i32
    %dma_wait3A_47 = arith.constant 0 : i32
    %dma_wait3A_48 = arith.constant 0 : i32
    %dma_wait3A_49 = arith.constant 0 : i32
    %dma_wait3A_50 = tpu.memref_slice %arg4[%dma_wait3A, %dma_wait3A_47, %dma_wait3A_48, %dma_wait3A_49] : memref<32x40x1x50xi32, #tpu.memory_space<hbm>> -> memref<1x1x1x50xi32, #tpu.memory_space<hbm>>
    %dma_wait3A_51 = tpu.memref_squeeze %dma_wait3A_50 : memref<1x1x1x50xi32, #tpu.memory_space<hbm>> -> memref<50xi32, #tpu.memory_space<hbm>>
    %dma_wait3A_52 = arith.constant 0 : i32
    %dma_wait3A_53 = tpu.memref_slice %arg4[%dma_wait3A, %dma_wait3A_47, %dma_wait3A_48, %dma_wait3A_52] : memref<32x40x1x50xi32, #tpu.memory_space<hbm>> -> memref<1x1x1x50xi32, #tpu.memory_space<hbm>>
    %dma_wait3A_54 = tpu.memref_squeeze %dma_wait3A_53 : memref<1x1x1x50xi32, #tpu.memory_space<hbm>> -> memref<50xi32, #tpu.memory_space<hbm>>
    tpu.wait_dma2 semaphore(%arg18 : memref<!tpu.dma_semaphore, #tpu.memory_space<semaphore_mem>>) src(%dma_wait3A_54 : memref<50xi32, #tpu.memory_space<hbm>>) dst(%arg10 : memref<50xi32, #tpu.memory_space<vmem>>)
    %dma_wait3A_55 = arith.constant 0 : i32
    %dma_wait3A_56 = arith.constant 0 : i32
    %dma_wait3A_57 = arith.constant 0 : i32
    %dma_wait3A_58 = arith.constant 0 : i32
    %dma_wait3A_59 = tpu.memref_slice %arg4[%dma_wait3A_55, %dma_wait3A_56, %dma_wait3A_57, %dma_wait3A_58] : memref<32x40x1x50xi32, #tpu.memory_space<hbm>> -> memref<1x1x1x50xi32, #tpu.memory_space<hbm>>
    %dma_wait3A_60 = tpu.memref_squeeze %dma_wait3A_59 : memref<1x1x1x50xi32, #tpu.memory_space<hbm>> -> memref<50xi32, #tpu.memory_space<hbm>>
    %dma_wait3A_61 = arith.constant 0 : i32
    %dma_wait3A_62 = tpu.memref_slice %arg4[%dma_wait3A_55, %dma_wait3A_56, %dma_wait3A_57, %dma_wait3A_61] : memref<32x40x1x50xi32, #tpu.memory_space<hbm>> -> memref<1x1x1x50xi32, #tpu.memory_space<hbm>>
    %dma_wait3A_63 = tpu.memref_squeeze %dma_wait3A_62 : memref<1x1x1x50xi32, #tpu.memory_space<hbm>> -> memref<50xi32, #tpu.memory_space<hbm>>
    tpu.wait_dma2 semaphore(%arg18 : memref<!tpu.dma_semaphore, #tpu.memory_space<semaphore_mem>>) src(%dma_wait3A_63 : memref<50xi32, #tpu.memory_space<hbm>>) dst(%arg12 : memref<50xi32, #tpu.memory_space<vmem>>)
    %dma_start3A_64 = arith.constant 0 : i32
    %dma_start3A_65 = arith.constant 0 : i32
    %dma_start3A_66 = tpu.memref_slice %arg2[%dma_start3A_64, %dma_start3A_65] : memref<2000x128xf32, #tpu.memory_space<hbm>> -> memref<2000x128xf32, #tpu.memory_space<hbm>>
    tpu.enqueue_indirect_dma source(%dma_start3A_66 : memref<2000x128xf32, #tpu.memory_space<hbm>>) target(%arg14 : memref<50x128xf32, #tpu.memory_space<vmem>>) offsets(%arg10 : memref<50xi32, #tpu.memory_space<vmem>>) semaphore(%arg20 : memref<!tpu.dma_semaphore, #tpu.memory_space<semaphore_mem>>)
    %scan3A = arith.constant 0 : i32
    %scan3A_67 = arith.constant 0 : i32
    %scan3A_68 = arith.constant 20 : i32
    %scan3A_69 = arith.addi %scan3A_67, %scan3A_68 : i32
    %scan3A_70 = arith.constant 1 : i32
    %scan3A_71 = scf.for %scan3A_167 = %scan3A_67 to %scan3A_69 step %scan3A_70 iter_args(%scan3A_168 = %scan3A) -> (i32)  : i32 {
      %mul3A_169 = arith.constant 2 : i32
      %mul3A_170 = arith.muli %mul3A_169, %scan3A_167 : i32
      %dma_wait3A_171 = arith.constant 0 : i32
      %dma_wait3A_172 = arith.constant 0 : i32
      %dma_wait3A_173 = tpu.memref_slice %arg2[%dma_wait3A_171, %dma_wait3A_172] : memref<2000x128xf32, #tpu.memory_space<hbm>> -> memref<2000x128xf32, #tpu.memory_space<hbm>>
      tpu.wait_indirect_dma semaphore(%arg20 : memref<!tpu.dma_semaphore, #tpu.memory_space<semaphore_mem>>) src(%dma_wait3A_173 : memref<2000x128xf32, #tpu.memory_space<hbm>>) dst(%arg14 : memref<50x128xf32, #tpu.memory_space<vmem>>)
      %add3A_174 = arith.constant 2 : i32
      %add3A_175 = arith.addi %mul3A_170, %add3A_174 : i32
      %lt3A = arith.constant 40 : i32
      %lt3A_176 = arith.cmpi slt, %add3A_175, %lt3A : i32
      %convert_element_type3A_177 = arith.extui %lt3A_176 : i1 to i32
      %cond3A_178 = arith.constant 0 : i32
      %cond3A_179 = arith.cmpi ne, %convert_element_type3A_177, %cond3A_178 : i32
      scf.if %cond3A_179 {
        %add3A_215 = arith.constant 2 : i32
        %add3A_216 = arith.addi %mul3A_170, %add3A_215 : i32
        %dma_start3A_217 = arith.constant 0 : i32
        %dma_start3A_218 = arith.constant 0 : i32
        %dma_start3A_219 = tpu.memref_slice %arg4[%add3A, %add3A_216, %dma_start3A_217, %dma_start3A_218] : memref<32x40x1x50xi32, #tpu.memory_space<hbm>> -> memref<1x1x1x50xi32, #tpu.memory_space<hbm>>
        %dma_start3A_220 = tpu.memref_squeeze %dma_start3A_219 : memref<1x1x1x50xi32, #tpu.memory_space<hbm>> -> memref<50xi32, #tpu.memory_space<hbm>>
        %dma_start3A_221 = arith.constant 0 : i32
        %dma_start3A_222 = tpu.memref_slice %arg4[%add3A, %add3A_216, %dma_start3A_217, %dma_start3A_221] : memref<32x40x1x50xi32, #tpu.memory_space<hbm>> -> memref<1x1x1x50xi32, #tpu.memory_space<hbm>>
        %dma_start3A_223 = tpu.memref_squeeze %dma_start3A_222 : memref<1x1x1x50xi32, #tpu.memory_space<hbm>> -> memref<50xi32, #tpu.memory_space<hbm>>
        tpu.enqueue_dma source(%dma_start3A_223 : memref<50xi32, #tpu.memory_space<hbm>>) target(%arg10 : memref<50xi32, #tpu.memory_space<vmem>>) target_semaphore(%arg18 : memref<!tpu.dma_semaphore, #tpu.memory_space<semaphore_mem>>)
        %dma_start3A_224 = arith.constant 0 : i32
        %dma_start3A_225 = arith.constant 0 : i32
        %dma_start3A_226 = tpu.memref_slice %arg5[%add3A, %add3A_216, %dma_start3A_224, %dma_start3A_225] : memref<32x40x1x50xi32, #tpu.memory_space<hbm>> -> memref<1x1x1x50xi32, #tpu.memory_space<hbm>>
        %dma_start3A_227 = tpu.memref_squeeze %dma_start3A_226 : memref<1x1x1x50xi32, #tpu.memory_space<hbm>> -> memref<50xi32, #tpu.memory_space<hbm>>
        %dma_start3A_228 = arith.constant 0 : i32
        %dma_start3A_229 = tpu.memref_slice %arg5[%add3A, %add3A_216, %dma_start3A_224, %dma_start3A_228] : memref<32x40x1x50xi32, #tpu.memory_space<hbm>> -> memref<1x1x1x50xi32, #tpu.memory_space<hbm>>
        %dma_start3A_230 = tpu.memref_squeeze %dma_start3A_229 : memref<1x1x1x50xi32, #tpu.memory_space<hbm>> -> memref<50xi32, #tpu.memory_space<hbm>>
        tpu.enqueue_dma source(%dma_start3A_230 : memref<50xi32, #tpu.memory_space<hbm>>) target(%arg12 : memref<50xi32, #tpu.memory_space<vmem>>) target_semaphore(%arg18 : memref<!tpu.dma_semaphore, #tpu.memory_space<semaphore_mem>>)
      } else {
      }
      %add3A_180 = arith.constant 1 : i32
      %add3A_181 = arith.addi %mul3A_170, %add3A_180 : i32
      %lt3A_182 = arith.constant 40 : i32
      %lt3A_183 = arith.cmpi slt, %add3A_181, %lt3A_182 : i32
      %convert_element_type3A_184 = arith.extui %lt3A_183 : i1 to i32
      %cond3A_185 = arith.constant 0 : i32
      %cond3A_186 = arith.cmpi ne, %convert_element_type3A_184, %cond3A_185 : i32
      scf.if %cond3A_186 {
        %dma_wait3A_215 = arith.constant 0 : i32
        %dma_wait3A_216 = arith.constant 0 : i32
        %dma_wait3A_217 = arith.constant 0 : i32
        %dma_wait3A_218 = arith.constant 0 : i32
        %dma_wait3A_219 = tpu.memref_slice %arg4[%dma_wait3A_215, %dma_wait3A_216, %dma_wait3A_217, %dma_wait3A_218] : memref<32x40x1x50xi32, #tpu.memory_space<hbm>> -> memref<1x1x1x50xi32, #tpu.memory_space<hbm>>
        %dma_wait3A_220 = tpu.memref_squeeze %dma_wait3A_219 : memref<1x1x1x50xi32, #tpu.memory_space<hbm>> -> memref<50xi32, #tpu.memory_space<hbm>>
        %dma_wait3A_221 = arith.constant 0 : i32
        %dma_wait3A_222 = tpu.memref_slice %arg4[%dma_wait3A_215, %dma_wait3A_216, %dma_wait3A_217, %dma_wait3A_221] : memref<32x40x1x50xi32, #tpu.memory_space<hbm>> -> memref<1x1x1x50xi32, #tpu.memory_space<hbm>>
        %dma_wait3A_223 = tpu.memref_squeeze %dma_wait3A_222 : memref<1x1x1x50xi32, #tpu.memory_space<hbm>> -> memref<50xi32, #tpu.memory_space<hbm>>
        tpu.wait_dma2 semaphore(%arg19 : memref<!tpu.dma_semaphore, #tpu.memory_space<semaphore_mem>>) src(%dma_wait3A_223 : memref<50xi32, #tpu.memory_space<hbm>>) dst(%arg11 : memref<50xi32, #tpu.memory_space<vmem>>)
        %dma_wait3A_224 = arith.constant 0 : i32
        %dma_wait3A_225 = arith.constant 0 : i32
        %dma_wait3A_226 = arith.constant 0 : i32
        %dma_wait3A_227 = arith.constant 0 : i32
        %dma_wait3A_228 = tpu.memref_slice %arg4[%dma_wait3A_224, %dma_wait3A_225, %dma_wait3A_226, %dma_wait3A_227] : memref<32x40x1x50xi32, #tpu.memory_space<hbm>> -> memref<1x1x1x50xi32, #tpu.memory_space<hbm>>
        %dma_wait3A_229 = tpu.memref_squeeze %dma_wait3A_228 : memref<1x1x1x50xi32, #tpu.memory_space<hbm>> -> memref<50xi32, #tpu.memory_space<hbm>>
        %dma_wait3A_230 = arith.constant 0 : i32
        %dma_wait3A_231 = tpu.memref_slice %arg4[%dma_wait3A_224, %dma_wait3A_225, %dma_wait3A_226, %dma_wait3A_230] : memref<32x40x1x50xi32, #tpu.memory_space<hbm>> -> memref<1x1x1x50xi32, #tpu.memory_space<hbm>>
        %dma_wait3A_232 = tpu.memref_squeeze %dma_wait3A_231 : memref<1x1x1x50xi32, #tpu.memory_space<hbm>> -> memref<50xi32, #tpu.memory_space<hbm>>
        tpu.wait_dma2 semaphore(%arg19 : memref<!tpu.dma_semaphore, #tpu.memory_space<semaphore_mem>>) src(%dma_wait3A_232 : memref<50xi32, #tpu.memory_space<hbm>>) dst(%arg13 : memref<50xi32, #tpu.memory_space<vmem>>)
        %ge3A = arith.constant 1 : i32
        %ge3A_233 = arith.cmpi sge, %mul3A_170, %ge3A : i32
        %convert_element_type3A_234 = arith.extui %ge3A_233 : i1 to i32
        %cond3A_235 = arith.constant 0 : i32
        %cond3A_236 = arith.cmpi ne, %convert_element_type3A_234, %cond3A_235 : i32
        scf.if %cond3A_236 {
          %dma_wait3A_240 = arith.constant 0 : i32
          %dma_wait3A_241 = arith.constant 0 : i32
          %dma_wait3A_242 = tpu.memref_slice %arg16[%dma_wait3A_240, %dma_wait3A_241] : memref<2000x128xf32, #tpu.memory_space<vmem_shared>> -> memref<2000x128xf32, #tpu.memory_space<vmem_shared>>
          tpu.wait_indirect_dma semaphore(%arg23 : memref<!tpu.dma_semaphore, #tpu.memory_space<semaphore_mem>>) src(%arg15 : memref<50x128xf32, #tpu.memory_space<vmem>>) dst(%dma_wait3A_242 : memref<2000x128xf32, #tpu.memory_space<vmem_shared>>)
        } else {
        }
        %dma_start3A_237 = arith.constant 0 : i32
        %dma_start3A_238 = arith.constant 0 : i32
        %dma_start3A_239 = tpu.memref_slice %arg2[%dma_start3A_237, %dma_start3A_238] : memref<2000x128xf32, #tpu.memory_space<hbm>> -> memref<2000x128xf32, #tpu.memory_space<hbm>>
        tpu.enqueue_indirect_dma source(%dma_start3A_239 : memref<2000x128xf32, #tpu.memory_space<hbm>>) target(%arg15 : memref<50x128xf32, #tpu.memory_space<vmem>>) offsets(%arg11 : memref<50xi32, #tpu.memory_space<vmem>>) semaphore(%arg21 : memref<!tpu.dma_semaphore, #tpu.memory_space<semaphore_mem>>)
      } else {
      }
      %dma_start3A_187 = arith.constant 0 : i32
      %dma_start3A_188 = arith.constant 0 : i32
      %dma_start3A_189 = tpu.memref_slice %arg16[%dma_start3A_187, %dma_start3A_188] : memref<2000x128xf32, #tpu.memory_space<vmem_shared>> -> memref<2000x128xf32, #tpu.memory_space<vmem_shared>>
      tpu.enqueue_indirect_dma source(%arg14 : memref<50x128xf32, #tpu.memory_space<vmem>>) target(%dma_start3A_189 : memref<2000x128xf32, #tpu.memory_space<vmem_shared>>) offsets(%arg12 : memref<50xi32, #tpu.memory_space<vmem>>) semaphore(%arg22 : memref<!tpu.dma_semaphore, #tpu.memory_space<semaphore_mem>>) {add = true}
      %mul3A_190 = arith.constant 2 : i32
      %mul3A_191 = arith.muli %mul3A_190, %scan3A_167 : i32
      %add3A_192 = arith.constant 1 : i32
      %add3A_193 = arith.addi %mul3A_191, %add3A_192 : i32
      %dma_wait3A_194 = arith.constant 0 : i32
      %dma_wait3A_195 = arith.constant 0 : i32
      %dma_wait3A_196 = tpu.memref_slice %arg2[%dma_wait3A_194, %dma_wait3A_195] : memref<2000x128xf32, #tpu.memory_space<hbm>> -> memref<2000x128xf32, #tpu.memory_space<hbm>>
      tpu.wait_indirect_dma semaphore(%arg21 : memref<!tpu.dma_semaphore, #tpu.memory_space<semaphore_mem>>) src(%dma_wait3A_196 : memref<2000x128xf32, #tpu.memory_space<hbm>>) dst(%arg15 : memref<50x128xf32, #tpu.memory_space<vmem>>)
      %add3A_197 = arith.constant 2 : i32
      %add3A_198 = arith.addi %add3A_193, %add3A_197 : i32
      %lt3A_199 = arith.constant 40 : i32
      %lt3A_200 = arith.cmpi slt, %add3A_198, %lt3A_199 : i32
      %convert_element_type3A_201 = arith.extui %lt3A_200 : i1 to i32
      %cond3A_202 = arith.constant 0 : i32
      %cond3A_203 = arith.cmpi ne, %convert_element_type3A_201, %cond3A_202 : i32
      scf.if %cond3A_203 {
        %add3A_215 = arith.constant 2 : i32
        %add3A_216 = arith.addi %add3A_193, %add3A_215 : i32
        %dma_start3A_217 = arith.constant 0 : i32
        %dma_start3A_218 = arith.constant 0 : i32
        %dma_start3A_219 = tpu.memref_slice %arg4[%add3A, %add3A_216, %dma_start3A_217, %dma_start3A_218] : memref<32x40x1x50xi32, #tpu.memory_space<hbm>> -> memref<1x1x1x50xi32, #tpu.memory_space<hbm>>
        %dma_start3A_220 = tpu.memref_squeeze %dma_start3A_219 : memref<1x1x1x50xi32, #tpu.memory_space<hbm>> -> memref<50xi32, #tpu.memory_space<hbm>>
        %dma_start3A_221 = arith.constant 0 : i32
        %dma_start3A_222 = tpu.memref_slice %arg4[%add3A, %add3A_216, %dma_start3A_217, %dma_start3A_221] : memref<32x40x1x50xi32, #tpu.memory_space<hbm>> -> memref<1x1x1x50xi32, #tpu.memory_space<hbm>>
        %dma_start3A_223 = tpu.memref_squeeze %dma_start3A_222 : memref<1x1x1x50xi32, #tpu.memory_space<hbm>> -> memref<50xi32, #tpu.memory_space<hbm>>
        tpu.enqueue_dma source(%dma_start3A_223 : memref<50xi32, #tpu.memory_space<hbm>>) target(%arg11 : memref<50xi32, #tpu.memory_space<vmem>>) target_semaphore(%arg19 : memref<!tpu.dma_semaphore, #tpu.memory_space<semaphore_mem>>)
        %dma_start3A_224 = arith.constant 0 : i32
        %dma_start3A_225 = arith.constant 0 : i32
        %dma_start3A_226 = tpu.memref_slice %arg5[%add3A, %add3A_216, %dma_start3A_224, %dma_start3A_225] : memref<32x40x1x50xi32, #tpu.memory_space<hbm>> -> memref<1x1x1x50xi32, #tpu.memory_space<hbm>>
        %dma_start3A_227 = tpu.memref_squeeze %dma_start3A_226 : memref<1x1x1x50xi32, #tpu.memory_space<hbm>> -> memref<50xi32, #tpu.memory_space<hbm>>
        %dma_start3A_228 = arith.constant 0 : i32
        %dma_start3A_229 = tpu.memref_slice %arg5[%add3A, %add3A_216, %dma_start3A_224, %dma_start3A_228] : memref<32x40x1x50xi32, #tpu.memory_space<hbm>> -> memref<1x1x1x50xi32, #tpu.memory_space<hbm>>
        %dma_start3A_230 = tpu.memref_squeeze %dma_start3A_229 : memref<1x1x1x50xi32, #tpu.memory_space<hbm>> -> memref<50xi32, #tpu.memory_space<hbm>>
        tpu.enqueue_dma source(%dma_start3A_230 : memref<50xi32, #tpu.memory_space<hbm>>) target(%arg13 : memref<50xi32, #tpu.memory_space<vmem>>) target_semaphore(%arg19 : memref<!tpu.dma_semaphore, #tpu.memory_space<semaphore_mem>>)
      } else {
      }
      %add3A_204 = arith.constant 1 : i32
      %add3A_205 = arith.addi %add3A_193, %add3A_204 : i32
      %lt3A_206 = arith.constant 40 : i32
      %lt3A_207 = arith.cmpi slt, %add3A_205, %lt3A_206 : i32
      %convert_element_type3A_208 = arith.extui %lt3A_207 : i1 to i32
      %cond3A_209 = arith.constant 0 : i32
      %cond3A_210 = arith.cmpi ne, %convert_element_type3A_208, %cond3A_209 : i32
      scf.if %cond3A_210 {
        %dma_wait3A_215 = arith.constant 0 : i32
        %dma_wait3A_216 = arith.constant 0 : i32
        %dma_wait3A_217 = arith.constant 0 : i32
        %dma_wait3A_218 = arith.constant 0 : i32
        %dma_wait3A_219 = tpu.memref_slice %arg4[%dma_wait3A_215, %dma_wait3A_216, %dma_wait3A_217, %dma_wait3A_218] : memref<32x40x1x50xi32, #tpu.memory_space<hbm>> -> memref<1x1x1x50xi32, #tpu.memory_space<hbm>>
        %dma_wait3A_220 = tpu.memref_squeeze %dma_wait3A_219 : memref<1x1x1x50xi32, #tpu.memory_space<hbm>> -> memref<50xi32, #tpu.memory_space<hbm>>
        %dma_wait3A_221 = arith.constant 0 : i32
        %dma_wait3A_222 = tpu.memref_slice %arg4[%dma_wait3A_215, %dma_wait3A_216, %dma_wait3A_217, %dma_wait3A_221] : memref<32x40x1x50xi32, #tpu.memory_space<hbm>> -> memref<1x1x1x50xi32, #tpu.memory_space<hbm>>
        %dma_wait3A_223 = tpu.memref_squeeze %dma_wait3A_222 : memref<1x1x1x50xi32, #tpu.memory_space<hbm>> -> memref<50xi32, #tpu.memory_space<hbm>>
        tpu.wait_dma2 semaphore(%arg18 : memref<!tpu.dma_semaphore, #tpu.memory_space<semaphore_mem>>) src(%dma_wait3A_223 : memref<50xi32, #tpu.memory_space<hbm>>) dst(%arg10 : memref<50xi32, #tpu.memory_space<vmem>>)
        %dma_wait3A_224 = arith.constant 0 : i32
        %dma_wait3A_225 = arith.constant 0 : i32
        %dma_wait3A_226 = arith.constant 0 : i32
        %dma_wait3A_227 = arith.constant 0 : i32
        %dma_wait3A_228 = tpu.memref_slice %arg4[%dma_wait3A_224, %dma_wait3A_225, %dma_wait3A_226, %dma_wait3A_227] : memref<32x40x1x50xi32, #tpu.memory_space<hbm>> -> memref<1x1x1x50xi32, #tpu.memory_space<hbm>>
        %dma_wait3A_229 = tpu.memref_squeeze %dma_wait3A_228 : memref<1x1x1x50xi32, #tpu.memory_space<hbm>> -> memref<50xi32, #tpu.memory_space<hbm>>
        %dma_wait3A_230 = arith.constant 0 : i32
        %dma_wait3A_231 = tpu.memref_slice %arg4[%dma_wait3A_224, %dma_wait3A_225, %dma_wait3A_226, %dma_wait3A_230] : memref<32x40x1x50xi32, #tpu.memory_space<hbm>> -> memref<1x1x1x50xi32, #tpu.memory_space<hbm>>
        %dma_wait3A_232 = tpu.memref_squeeze %dma_wait3A_231 : memref<1x1x1x50xi32, #tpu.memory_space<hbm>> -> memref<50xi32, #tpu.memory_space<hbm>>
        tpu.wait_dma2 semaphore(%arg18 : memref<!tpu.dma_semaphore, #tpu.memory_space<semaphore_mem>>) src(%dma_wait3A_232 : memref<50xi32, #tpu.memory_space<hbm>>) dst(%arg12 : memref<50xi32, #tpu.memory_space<vmem>>)
        %ge3A = arith.constant 1 : i32
        %ge3A_233 = arith.cmpi sge, %add3A_193, %ge3A : i32
        %convert_element_type3A_234 = arith.extui %ge3A_233 : i1 to i32
        %cond3A_235 = arith.constant 0 : i32
        %cond3A_236 = arith.cmpi ne, %convert_element_type3A_234, %cond3A_235 : i32
        scf.if %cond3A_236 {
          %dma_wait3A_240 = arith.constant 0 : i32
          %dma_wait3A_241 = arith.constant 0 : i32
          %dma_wait3A_242 = tpu.memref_slice %arg16[%dma_wait3A_240, %dma_wait3A_241] : memref<2000x128xf32, #tpu.memory_space<vmem_shared>> -> memref<2000x128xf32, #tpu.memory_space<vmem_shared>>
          tpu.wait_indirect_dma semaphore(%arg22 : memref<!tpu.dma_semaphore, #tpu.memory_space<semaphore_mem>>) src(%arg14 : memref<50x128xf32, #tpu.memory_space<vmem>>) dst(%dma_wait3A_242 : memref<2000x128xf32, #tpu.memory_space<vmem_shared>>)
        } else {
        }
        %dma_start3A_237 = arith.constant 0 : i32
        %dma_start3A_238 = arith.constant 0 : i32
        %dma_start3A_239 = tpu.memref_slice %arg2[%dma_start3A_237, %dma_start3A_238] : memref<2000x128xf32, #tpu.memory_space<hbm>> -> memref<2000x128xf32, #tpu.memory_space<hbm>>
        tpu.enqueue_indirect_dma source(%dma_start3A_239 : memref<2000x128xf32, #tpu.memory_space<hbm>>) target(%arg14 : memref<50x128xf32, #tpu.memory_space<vmem>>) offsets(%arg10 : memref<50xi32, #tpu.memory_space<vmem>>) semaphore(%arg20 : memref<!tpu.dma_semaphore, #tpu.memory_space<semaphore_mem>>)
      } else {
      }
      %dma_start3A_211 = arith.constant 0 : i32
      %dma_start3A_212 = arith.constant 0 : i32
      %dma_start3A_213 = tpu.memref_slice %arg16[%dma_start3A_211, %dma_start3A_212] : memref<2000x128xf32, #tpu.memory_space<vmem_shared>> -> memref<2000x128xf32, #tpu.memory_space<vmem_shared>>
      tpu.enqueue_indirect_dma source(%arg15 : memref<50x128xf32, #tpu.memory_space<vmem>>) target(%dma_start3A_213 : memref<2000x128xf32, #tpu.memory_space<vmem_shared>>) offsets(%arg13 : memref<50xi32, #tpu.memory_space<vmem>>) semaphore(%arg23 : memref<!tpu.dma_semaphore, #tpu.memory_space<semaphore_mem>>) {add = true}
      %scan3A_214 = arith.constant 0 : i32
      scf.yield %scan3A_214 : i32
    }
    %scan3A_72 = arith.constant 20 : i32
    %dma_wait3A_73 = arith.constant 0 : i32
    %dma_wait3A_74 = arith.constant 0 : i32
    %dma_wait3A_75 = tpu.memref_slice %arg16[%dma_wait3A_73, %dma_wait3A_74] : memref<2000x128xf32, #tpu.memory_space<vmem_shared>> -> memref<2000x128xf32, #tpu.memory_space<vmem_shared>>
    tpu.wait_indirect_dma semaphore(%arg22 : memref<!tpu.dma_semaphore, #tpu.memory_space<semaphore_mem>>) src(%arg14 : memref<50x128xf32, #tpu.memory_space<vmem>>) dst(%dma_wait3A_75 : memref<2000x128xf32, #tpu.memory_space<vmem_shared>>)
    %dma_wait3A_76 = arith.constant 0 : i32
    %dma_wait3A_77 = arith.constant 0 : i32
    %dma_wait3A_78 = tpu.memref_slice %arg16[%dma_wait3A_76, %dma_wait3A_77] : memref<2000x128xf32, #tpu.memory_space<vmem_shared>> -> memref<2000x128xf32, #tpu.memory_space<vmem_shared>>
    tpu.wait_indirect_dma semaphore(%arg23 : memref<!tpu.dma_semaphore, #tpu.memory_space<semaphore_mem>>) src(%arg15 : memref<50x128xf32, #tpu.memory_space<vmem>>) dst(%dma_wait3A_78 : memref<2000x128xf32, #tpu.memory_space<vmem_shared>>)
    %dma_start3A_79 = arith.constant 0 : i32
    %dma_start3A_80 = arith.constant 0 : i32
    %dma_start3A_81 = arith.constant 0 : i32
    %dma_start3A_82 = tpu.memref_slice %arg6[%add3A, %dma_start3A_79, %dma_start3A_80, %dma_start3A_81] : memref<32x40x1x50xi32, #tpu.memory_space<hbm>> -> memref<1x1x1x50xi32, #tpu.memory_space<hbm>>
    %dma_start3A_83 = tpu.memref_squeeze %dma_start3A_82 : memref<1x1x1x50xi32, #tpu.memory_space<hbm>> -> memref<50xi32, #tpu.memory_space<hbm>>
    %dma_start3A_84 = arith.constant 0 : i32
    %dma_start3A_85 = tpu.memref_slice %arg6[%add3A, %dma_start3A_79, %dma_start3A_80, %dma_start3A_84] : memref<32x40x1x50xi32, #tpu.memory_space<hbm>> -> memref<1x1x1x50xi32, #tpu.memory_space<hbm>>
    %dma_start3A_86 = tpu.memref_squeeze %dma_start3A_85 : memref<1x1x1x50xi32, #tpu.memory_space<hbm>> -> memref<50xi32, #tpu.memory_space<hbm>>
    tpu.enqueue_dma source(%dma_start3A_86 : memref<50xi32, #tpu.memory_space<hbm>>) target(%arg10 : memref<50xi32, #tpu.memory_space<vmem>>) target_semaphore(%arg18 : memref<!tpu.dma_semaphore, #tpu.memory_space<semaphore_mem>>)
    %dma_start3A_87 = arith.constant 0 : i32
    %dma_start3A_88 = arith.constant 0 : i32
    %dma_start3A_89 = arith.constant 0 : i32
    %dma_start3A_90 = tpu.memref_slice %arg7[%add3A, %dma_start3A_87, %dma_start3A_88, %dma_start3A_89] : memref<32x40x1x50xi32, #tpu.memory_space<hbm>> -> memref<1x1x1x50xi32, #tpu.memory_space<hbm>>
    %dma_start3A_91 = tpu.memref_squeeze %dma_start3A_90 : memref<1x1x1x50xi32, #tpu.memory_space<hbm>> -> memref<50xi32, #tpu.memory_space<hbm>>
    %dma_start3A_92 = arith.constant 0 : i32
    %dma_start3A_93 = tpu.memref_slice %arg7[%add3A, %dma_start3A_87, %dma_start3A_88, %dma_start3A_92] : memref<32x40x1x50xi32, #tpu.memory_space<hbm>> -> memref<1x1x1x50xi32, #tpu.memory_space<hbm>>
    %dma_start3A_94 = tpu.memref_squeeze %dma_start3A_93 : memref<1x1x1x50xi32, #tpu.memory_space<hbm>> -> memref<50xi32, #tpu.memory_space<hbm>>
    tpu.enqueue_dma source(%dma_start3A_94 : memref<50xi32, #tpu.memory_space<hbm>>) target(%arg12 : memref<50xi32, #tpu.memory_space<vmem>>) target_semaphore(%arg18 : memref<!tpu.dma_semaphore, #tpu.memory_space<semaphore_mem>>)
    %dma_start3A_95 = arith.constant 1 : i32
    %dma_start3A_96 = arith.constant 0 : i32
    %dma_start3A_97 = arith.constant 0 : i32
    %dma_start3A_98 = tpu.memref_slice %arg6[%add3A, %dma_start3A_95, %dma_start3A_96, %dma_start3A_97] : memref<32x40x1x50xi32, #tpu.memory_space<hbm>> -> memref<1x1x1x50xi32, #tpu.memory_space<hbm>>
    %dma_start3A_99 = tpu.memref_squeeze %dma_start3A_98 : memref<1x1x1x50xi32, #tpu.memory_space<hbm>> -> memref<50xi32, #tpu.memory_space<hbm>>
    %dma_start3A_100 = arith.constant 0 : i32
    %dma_start3A_101 = tpu.memref_slice %arg6[%add3A, %dma_start3A_95, %dma_start3A_96, %dma_start3A_100] : memref<32x40x1x50xi32, #tpu.memory_space<hbm>> -> memref<1x1x1x50xi32, #tpu.memory_space<hbm>>
    %dma_start3A_102 = tpu.memref_squeeze %dma_start3A_101 : memref<1x1x1x50xi32, #tpu.memory_space<hbm>> -> memref<50xi32, #tpu.memory_space<hbm>>
    tpu.enqueue_dma source(%dma_start3A_102 : memref<50xi32, #tpu.memory_space<hbm>>) target(%arg11 : memref<50xi32, #tpu.memory_space<vmem>>) target_semaphore(%arg19 : memref<!tpu.dma_semaphore, #tpu.memory_space<semaphore_mem>>)
    %dma_start3A_103 = arith.constant 1 : i32
    %dma_start3A_104 = arith.constant 0 : i32
    %dma_start3A_105 = arith.constant 0 : i32
    %dma_start3A_106 = tpu.memref_slice %arg7[%add3A, %dma_start3A_103, %dma_start3A_104, %dma_start3A_105] : memref<32x40x1x50xi32, #tpu.memory_space<hbm>> -> memref<1x1x1x50xi32, #tpu.memory_space<hbm>>
    %dma_start3A_107 = tpu.memref_squeeze %dma_start3A_106 : memref<1x1x1x50xi32, #tpu.memory_space<hbm>> -> memref<50xi32, #tpu.memory_space<hbm>>
    %dma_start3A_108 = arith.constant 0 : i32
    %dma_start3A_109 = tpu.memref_slice %arg7[%add3A, %dma_start3A_103, %dma_start3A_104, %dma_start3A_108] : memref<32x40x1x50xi32, #tpu.memory_space<hbm>> -> memref<1x1x1x50xi32, #tpu.memory_space<hbm>>
    %dma_start3A_110 = tpu.memref_squeeze %dma_start3A_109 : memref<1x1x1x50xi32, #tpu.memory_space<hbm>> -> memref<50xi32, #tpu.memory_space<hbm>>
    tpu.enqueue_dma source(%dma_start3A_110 : memref<50xi32, #tpu.memory_space<hbm>>) target(%arg13 : memref<50xi32, #tpu.memory_space<vmem>>) target_semaphore(%arg19 : memref<!tpu.dma_semaphore, #tpu.memory_space<semaphore_mem>>)
    %dma_wait3A_111 = arith.constant 0 : i32
    %dma_wait3A_112 = arith.constant 0 : i32
    %dma_wait3A_113 = arith.constant 0 : i32
    %dma_wait3A_114 = arith.constant 0 : i32
    %dma_wait3A_115 = tpu.memref_slice %arg6[%dma_wait3A_111, %dma_wait3A_112, %dma_wait3A_113, %dma_wait3A_114] : memref<32x40x1x50xi32, #tpu.memory_space<hbm>> -> memref<1x1x1x50xi32, #tpu.memory_space<hbm>>
    %dma_wait3A_116 = tpu.memref_squeeze %dma_wait3A_115 : memref<1x1x1x50xi32, #tpu.memory_space<hbm>> -> memref<50xi32, #tpu.memory_space<hbm>>
    %dma_wait3A_117 = arith.constant 0 : i32
    %dma_wait3A_118 = tpu.memref_slice %arg6[%dma_wait3A_111, %dma_wait3A_112, %dma_wait3A_113, %dma_wait3A_117] : memref<32x40x1x50xi32, #tpu.memory_space<hbm>> -> memref<1x1x1x50xi32, #tpu.memory_space<hbm>>
    %dma_wait3A_119 = tpu.memref_squeeze %dma_wait3A_118 : memref<1x1x1x50xi32, #tpu.memory_space<hbm>> -> memref<50xi32, #tpu.memory_space<hbm>>
    tpu.wait_dma2 semaphore(%arg18 : memref<!tpu.dma_semaphore, #tpu.memory_space<semaphore_mem>>) src(%dma_wait3A_119 : memref<50xi32, #tpu.memory_space<hbm>>) dst(%arg10 : memref<50xi32, #tpu.memory_space<vmem>>)
    %dma_wait3A_120 = arith.constant 0 : i32
    %dma_wait3A_121 = arith.constant 0 : i32
    %dma_wait3A_122 = arith.constant 0 : i32
    %dma_wait3A_123 = arith.constant 0 : i32
    %dma_wait3A_124 = tpu.memref_slice %arg6[%dma_wait3A_120, %dma_wait3A_121, %dma_wait3A_122, %dma_wait3A_123] : memref<32x40x1x50xi32, #tpu.memory_space<hbm>> -> memref<1x1x1x50xi32, #tpu.memory_space<hbm>>
    %dma_wait3A_125 = tpu.memref_squeeze %dma_wait3A_124 : memref<1x1x1x50xi32, #tpu.memory_space<hbm>> -> memref<50xi32, #tpu.memory_space<hbm>>
    %dma_wait3A_126 = arith.constant 0 : i32
    %dma_wait3A_127 = tpu.memref_slice %arg6[%dma_wait3A_120, %dma_wait3A_121, %dma_wait3A_122, %dma_wait3A_126] : memref<32x40x1x50xi32, #tpu.memory_space<hbm>> -> memref<1x1x1x50xi32, #tpu.memory_space<hbm>>
    %dma_wait3A_128 = tpu.memref_squeeze %dma_wait3A_127 : memref<1x1x1x50xi32, #tpu.memory_space<hbm>> -> memref<50xi32, #tpu.memory_space<hbm>>
    tpu.wait_dma2 semaphore(%arg18 : memref<!tpu.dma_semaphore, #tpu.memory_space<semaphore_mem>>) src(%dma_wait3A_128 : memref<50xi32, #tpu.memory_space<hbm>>) dst(%arg12 : memref<50xi32, #tpu.memory_space<vmem>>)
    %dma_start3A_129 = arith.constant 0 : i32
    %dma_start3A_130 = arith.constant 0 : i32
    %dma_start3A_131 = tpu.memref_slice %arg3[%dma_start3A_129, %dma_start3A_130] : memref<2000x128xf32, #tpu.memory_space<hbm>> -> memref<2000x128xf32, #tpu.memory_space<hbm>>
    tpu.enqueue_indirect_dma source(%dma_start3A_131 : memref<2000x128xf32, #tpu.memory_space<hbm>>) target(%arg14 : memref<50x128xf32, #tpu.memory_space<vmem>>) offsets(%arg10 : memref<50xi32, #tpu.memory_space<vmem>>) semaphore(%arg20 : memref<!tpu.dma_semaphore, #tpu.memory_space<semaphore_mem>>)
    %scan3A_132 = arith.constant 0 : i32
    %scan3A_133 = arith.constant 0 : i32
    %scan3A_134 = arith.constant 20 : i32
    %scan3A_135 = arith.addi %scan3A_133, %scan3A_134 : i32
    %scan3A_136 = arith.constant 1 : i32
    %scan3A_137 = scf.for %scan3A_167 = %scan3A_133 to %scan3A_135 step %scan3A_136 iter_args(%scan3A_168 = %scan3A_132) -> (i32)  : i32 {
      %mul3A_169 = arith.constant 2 : i32
      %mul3A_170 = arith.muli %mul3A_169, %scan3A_167 : i32
      %dma_wait3A_171 = arith.constant 0 : i32
      %dma_wait3A_172 = arith.constant 0 : i32
      %dma_wait3A_173 = tpu.memref_slice %arg3[%dma_wait3A_171, %dma_wait3A_172] : memref<2000x128xf32, #tpu.memory_space<hbm>> -> memref<2000x128xf32, #tpu.memory_space<hbm>>
      tpu.wait_indirect_dma semaphore(%arg20 : memref<!tpu.dma_semaphore, #tpu.memory_space<semaphore_mem>>) src(%dma_wait3A_173 : memref<2000x128xf32, #tpu.memory_space<hbm>>) dst(%arg14 : memref<50x128xf32, #tpu.memory_space<vmem>>)
      %add3A_174 = arith.constant 2 : i32
      %add3A_175 = arith.addi %mul3A_170, %add3A_174 : i32
      %lt3A = arith.constant 40 : i32
      %lt3A_176 = arith.cmpi slt, %add3A_175, %lt3A : i32
      %convert_element_type3A_177 = arith.extui %lt3A_176 : i1 to i32
      %cond3A_178 = arith.constant 0 : i32
      %cond3A_179 = arith.cmpi ne, %convert_element_type3A_177, %cond3A_178 : i32
      scf.if %cond3A_179 {
        %add3A_215 = arith.constant 2 : i32
        %add3A_216 = arith.addi %mul3A_170, %add3A_215 : i32
        %dma_start3A_217 = arith.constant 0 : i32
        %dma_start3A_218 = arith.constant 0 : i32
        %dma_start3A_219 = tpu.memref_slice %arg6[%add3A, %add3A_216, %dma_start3A_217, %dma_start3A_218] : memref<32x40x1x50xi32, #tpu.memory_space<hbm>> -> memref<1x1x1x50xi32, #tpu.memory_space<hbm>>
        %dma_start3A_220 = tpu.memref_squeeze %dma_start3A_219 : memref<1x1x1x50xi32, #tpu.memory_space<hbm>> -> memref<50xi32, #tpu.memory_space<hbm>>
        %dma_start3A_221 = arith.constant 0 : i32
        %dma_start3A_222 = tpu.memref_slice %arg6[%add3A, %add3A_216, %dma_start3A_217, %dma_start3A_221] : memref<32x40x1x50xi32, #tpu.memory_space<hbm>> -> memref<1x1x1x50xi32, #tpu.memory_space<hbm>>
        %dma_start3A_223 = tpu.memref_squeeze %dma_start3A_222 : memref<1x1x1x50xi32, #tpu.memory_space<hbm>> -> memref<50xi32, #tpu.memory_space<hbm>>
        tpu.enqueue_dma source(%dma_start3A_223 : memref<50xi32, #tpu.memory_space<hbm>>) target(%arg10 : memref<50xi32, #tpu.memory_space<vmem>>) target_semaphore(%arg18 : memref<!tpu.dma_semaphore, #tpu.memory_space<semaphore_mem>>)
        %dma_start3A_224 = arith.constant 0 : i32
        %dma_start3A_225 = arith.constant 0 : i32
        %dma_start3A_226 = tpu.memref_slice %arg7[%add3A, %add3A_216, %dma_start3A_224, %dma_start3A_225] : memref<32x40x1x50xi32, #tpu.memory_space<hbm>> -> memref<1x1x1x50xi32, #tpu.memory_space<hbm>>
        %dma_start3A_227 = tpu.memref_squeeze %dma_start3A_226 : memref<1x1x1x50xi32, #tpu.memory_space<hbm>> -> memref<50xi32, #tpu.memory_space<hbm>>
        %dma_start3A_228 = arith.constant 0 : i32
        %dma_start3A_229 = tpu.memref_slice %arg7[%add3A, %add3A_216, %dma_start3A_224, %dma_start3A_228] : memref<32x40x1x50xi32, #tpu.memory_space<hbm>> -> memref<1x1x1x50xi32, #tpu.memory_space<hbm>>
        %dma_start3A_230 = tpu.memref_squeeze %dma_start3A_229 : memref<1x1x1x50xi32, #tpu.memory_space<hbm>> -> memref<50xi32, #tpu.memory_space<hbm>>
        tpu.enqueue_dma source(%dma_start3A_230 : memref<50xi32, #tpu.memory_space<hbm>>) target(%arg12 : memref<50xi32, #tpu.memory_space<vmem>>) target_semaphore(%arg18 : memref<!tpu.dma_semaphore, #tpu.memory_space<semaphore_mem>>)
      } else {
      }
      %add3A_180 = arith.constant 1 : i32
      %add3A_181 = arith.addi %mul3A_170, %add3A_180 : i32
      %lt3A_182 = arith.constant 40 : i32
      %lt3A_183 = arith.cmpi slt, %add3A_181, %lt3A_182 : i32
      %convert_element_type3A_184 = arith.extui %lt3A_183 : i1 to i32
      %cond3A_185 = arith.constant 0 : i32
      %cond3A_186 = arith.cmpi ne, %convert_element_type3A_184, %cond3A_185 : i32
      scf.if %cond3A_186 {
        %dma_wait3A_215 = arith.constant 0 : i32
        %dma_wait3A_216 = arith.constant 0 : i32
        %dma_wait3A_217 = arith.constant 0 : i32
        %dma_wait3A_218 = arith.constant 0 : i32
        %dma_wait3A_219 = tpu.memref_slice %arg6[%dma_wait3A_215, %dma_wait3A_216, %dma_wait3A_217, %dma_wait3A_218] : memref<32x40x1x50xi32, #tpu.memory_space<hbm>> -> memref<1x1x1x50xi32, #tpu.memory_space<hbm>>
        %dma_wait3A_220 = tpu.memref_squeeze %dma_wait3A_219 : memref<1x1x1x50xi32, #tpu.memory_space<hbm>> -> memref<50xi32, #tpu.memory_space<hbm>>
        %dma_wait3A_221 = arith.constant 0 : i32
        %dma_wait3A_222 = tpu.memref_slice %arg6[%dma_wait3A_215, %dma_wait3A_216, %dma_wait3A_217, %dma_wait3A_221] : memref<32x40x1x50xi32, #tpu.memory_space<hbm>> -> memref<1x1x1x50xi32, #tpu.memory_space<hbm>>
        %dma_wait3A_223 = tpu.memref_squeeze %dma_wait3A_222 : memref<1x1x1x50xi32, #tpu.memory_space<hbm>> -> memref<50xi32, #tpu.memory_space<hbm>>
        tpu.wait_dma2 semaphore(%arg19 : memref<!tpu.dma_semaphore, #tpu.memory_space<semaphore_mem>>) src(%dma_wait3A_223 : memref<50xi32, #tpu.memory_space<hbm>>) dst(%arg11 : memref<50xi32, #tpu.memory_space<vmem>>)
        %dma_wait3A_224 = arith.constant 0 : i32
        %dma_wait3A_225 = arith.constant 0 : i32
        %dma_wait3A_226 = arith.constant 0 : i32
        %dma_wait3A_227 = arith.constant 0 : i32
        %dma_wait3A_228 = tpu.memref_slice %arg6[%dma_wait3A_224, %dma_wait3A_225, %dma_wait3A_226, %dma_wait3A_227] : memref<32x40x1x50xi32, #tpu.memory_space<hbm>> -> memref<1x1x1x50xi32, #tpu.memory_space<hbm>>
        %dma_wait3A_229 = tpu.memref_squeeze %dma_wait3A_228 : memref<1x1x1x50xi32, #tpu.memory_space<hbm>> -> memref<50xi32, #tpu.memory_space<hbm>>
        %dma_wait3A_230 = arith.constant 0 : i32
        %dma_wait3A_231 = tpu.memref_slice %arg6[%dma_wait3A_224, %dma_wait3A_225, %dma_wait3A_226, %dma_wait3A_230] : memref<32x40x1x50xi32, #tpu.memory_space<hbm>> -> memref<1x1x1x50xi32, #tpu.memory_space<hbm>>
        %dma_wait3A_232 = tpu.memref_squeeze %dma_wait3A_231 : memref<1x1x1x50xi32, #tpu.memory_space<hbm>> -> memref<50xi32, #tpu.memory_space<hbm>>
        tpu.wait_dma2 semaphore(%arg19 : memref<!tpu.dma_semaphore, #tpu.memory_space<semaphore_mem>>) src(%dma_wait3A_232 : memref<50xi32, #tpu.memory_space<hbm>>) dst(%arg13 : memref<50xi32, #tpu.memory_space<vmem>>)
        %ge3A = arith.constant 1 : i32
        %ge3A_233 = arith.cmpi sge, %mul3A_170, %ge3A : i32
        %convert_element_type3A_234 = arith.extui %ge3A_233 : i1 to i32
        %cond3A_235 = arith.constant 0 : i32
        %cond3A_236 = arith.cmpi ne, %convert_element_type3A_234, %cond3A_235 : i32
        scf.if %cond3A_236 {
          %dma_wait3A_240 = arith.constant 0 : i32
          %dma_wait3A_241 = arith.constant 0 : i32
          %dma_wait3A_242 = tpu.memref_slice %arg17[%dma_wait3A_240, %dma_wait3A_241] : memref<2000x128xf32, #tpu.memory_space<vmem_shared>> -> memref<2000x128xf32, #tpu.memory_space<vmem_shared>>
          tpu.wait_indirect_dma semaphore(%arg23 : memref<!tpu.dma_semaphore, #tpu.memory_space<semaphore_mem>>) src(%arg15 : memref<50x128xf32, #tpu.memory_space<vmem>>) dst(%dma_wait3A_242 : memref<2000x128xf32, #tpu.memory_space<vmem_shared>>)
        } else {
        }
        %dma_start3A_237 = arith.constant 0 : i32
        %dma_start3A_238 = arith.constant 0 : i32
        %dma_start3A_239 = tpu.memref_slice %arg3[%dma_start3A_237, %dma_start3A_238] : memref<2000x128xf32, #tpu.memory_space<hbm>> -> memref<2000x128xf32, #tpu.memory_space<hbm>>
        tpu.enqueue_indirect_dma source(%dma_start3A_239 : memref<2000x128xf32, #tpu.memory_space<hbm>>) target(%arg15 : memref<50x128xf32, #tpu.memory_space<vmem>>) offsets(%arg11 : memref<50xi32, #tpu.memory_space<vmem>>) semaphore(%arg21 : memref<!tpu.dma_semaphore, #tpu.memory_space<semaphore_mem>>)
      } else {
      }
      %dma_start3A_187 = arith.constant 0 : i32
      %dma_start3A_188 = arith.constant 0 : i32
      %dma_start3A_189 = tpu.memref_slice %arg17[%dma_start3A_187, %dma_start3A_188] : memref<2000x128xf32, #tpu.memory_space<vmem_shared>> -> memref<2000x128xf32, #tpu.memory_space<vmem_shared>>
      tpu.enqueue_indirect_dma source(%arg14 : memref<50x128xf32, #tpu.memory_space<vmem>>) target(%dma_start3A_189 : memref<2000x128xf32, #tpu.memory_space<vmem_shared>>) offsets(%arg12 : memref<50xi32, #tpu.memory_space<vmem>>) semaphore(%arg22 : memref<!tpu.dma_semaphore, #tpu.memory_space<semaphore_mem>>) {add = true}
      %mul3A_190 = arith.constant 2 : i32
      %mul3A_191 = arith.muli %mul3A_190, %scan3A_167 : i32
      %add3A_192 = arith.constant 1 : i32
      %add3A_193 = arith.addi %mul3A_191, %add3A_192 : i32
      %dma_wait3A_194 = arith.constant 0 : i32
      %dma_wait3A_195 = arith.constant 0 : i32
      %dma_wait3A_196 = tpu.memref_slice %arg3[%dma_wait3A_194, %dma_wait3A_195] : memref<2000x128xf32, #tpu.memory_space<hbm>> -> memref<2000x128xf32, #tpu.memory_space<hbm>>
      tpu.wait_indirect_dma semaphore(%arg21 : memref<!tpu.dma_semaphore, #tpu.memory_space<semaphore_mem>>) src(%dma_wait3A_196 : memref<2000x128xf32, #tpu.memory_space<hbm>>) dst(%arg15 : memref<50x128xf32, #tpu.memory_space<vmem>>)
      %add3A_197 = arith.constant 2 : i32
      %add3A_198 = arith.addi %add3A_193, %add3A_197 : i32
      %lt3A_199 = arith.constant 40 : i32
      %lt3A_200 = arith.cmpi slt, %add3A_198, %lt3A_199 : i32
      %convert_element_type3A_201 = arith.extui %lt3A_200 : i1 to i32
      %cond3A_202 = arith.constant 0 : i32
      %cond3A_203 = arith.cmpi ne, %convert_element_type3A_201, %cond3A_202 : i32
      scf.if %cond3A_203 {
        %add3A_215 = arith.constant 2 : i32
        %add3A_216 = arith.addi %add3A_193, %add3A_215 : i32
        %dma_start3A_217 = arith.constant 0 : i32
        %dma_start3A_218 = arith.constant 0 : i32
        %dma_start3A_219 = tpu.memref_slice %arg6[%add3A, %add3A_216, %dma_start3A_217, %dma_start3A_218] : memref<32x40x1x50xi32, #tpu.memory_space<hbm>> -> memref<1x1x1x50xi32, #tpu.memory_space<hbm>>
        %dma_start3A_220 = tpu.memref_squeeze %dma_start3A_219 : memref<1x1x1x50xi32, #tpu.memory_space<hbm>> -> memref<50xi32, #tpu.memory_space<hbm>>
        %dma_start3A_221 = arith.constant 0 : i32
        %dma_start3A_222 = tpu.memref_slice %arg6[%add3A, %add3A_216, %dma_start3A_217, %dma_start3A_221] : memref<32x40x1x50xi32, #tpu.memory_space<hbm>> -> memref<1x1x1x50xi32, #tpu.memory_space<hbm>>
        %dma_start3A_223 = tpu.memref_squeeze %dma_start3A_222 : memref<1x1x1x50xi32, #tpu.memory_space<hbm>> -> memref<50xi32, #tpu.memory_space<hbm>>
        tpu.enqueue_dma source(%dma_start3A_223 : memref<50xi32, #tpu.memory_space<hbm>>) target(%arg11 : memref<50xi32, #tpu.memory_space<vmem>>) target_semaphore(%arg19 : memref<!tpu.dma_semaphore, #tpu.memory_space<semaphore_mem>>)
        %dma_start3A_224 = arith.constant 0 : i32
        %dma_start3A_225 = arith.constant 0 : i32
        %dma_start3A_226 = tpu.memref_slice %arg7[%add3A, %add3A_216, %dma_start3A_224, %dma_start3A_225] : memref<32x40x1x50xi32, #tpu.memory_space<hbm>> -> memref<1x1x1x50xi32, #tpu.memory_space<hbm>>
        %dma_start3A_227 = tpu.memref_squeeze %dma_start3A_226 : memref<1x1x1x50xi32, #tpu.memory_space<hbm>> -> memref<50xi32, #tpu.memory_space<hbm>>
        %dma_start3A_228 = arith.constant 0 : i32
        %dma_start3A_229 = tpu.memref_slice %arg7[%add3A, %add3A_216, %dma_start3A_224, %dma_start3A_228] : memref<32x40x1x50xi32, #tpu.memory_space<hbm>> -> memref<1x1x1x50xi32, #tpu.memory_space<hbm>>
        %dma_start3A_230 = tpu.memref_squeeze %dma_start3A_229 : memref<1x1x1x50xi32, #tpu.memory_space<hbm>> -> memref<50xi32, #tpu.memory_space<hbm>>
        tpu.enqueue_dma source(%dma_start3A_230 : memref<50xi32, #tpu.memory_space<hbm>>) target(%arg13 : memref<50xi32, #tpu.memory_space<vmem>>) target_semaphore(%arg19 : memref<!tpu.dma_semaphore, #tpu.memory_space<semaphore_mem>>)
      } else {
      }
      %add3A_204 = arith.constant 1 : i32
      %add3A_205 = arith.addi %add3A_193, %add3A_204 : i32
      %lt3A_206 = arith.constant 40 : i32
      %lt3A_207 = arith.cmpi slt, %add3A_205, %lt3A_206 : i32
      %convert_element_type3A_208 = arith.extui %lt3A_207 : i1 to i32
      %cond3A_209 = arith.constant 0 : i32
      %cond3A_210 = arith.cmpi ne, %convert_element_type3A_208, %cond3A_209 : i32
      scf.if %cond3A_210 {
        %dma_wait3A_215 = arith.constant 0 : i32
        %dma_wait3A_216 = arith.constant 0 : i32
        %dma_wait3A_217 = arith.constant 0 : i32
        %dma_wait3A_218 = arith.constant 0 : i32
        %dma_wait3A_219 = tpu.memref_slice %arg6[%dma_wait3A_215, %dma_wait3A_216, %dma_wait3A_217, %dma_wait3A_218] : memref<32x40x1x50xi32, #tpu.memory_space<hbm>> -> memref<1x1x1x50xi32, #tpu.memory_space<hbm>>
        %dma_wait3A_220 = tpu.memref_squeeze %dma_wait3A_219 : memref<1x1x1x50xi32, #tpu.memory_space<hbm>> -> memref<50xi32, #tpu.memory_space<hbm>>
        %dma_wait3A_221 = arith.constant 0 : i32
        %dma_wait3A_222 = tpu.memref_slice %arg6[%dma_wait3A_215, %dma_wait3A_216, %dma_wait3A_217, %dma_wait3A_221] : memref<32x40x1x50xi32, #tpu.memory_space<hbm>> -> memref<1x1x1x50xi32, #tpu.memory_space<hbm>>
        %dma_wait3A_223 = tpu.memref_squeeze %dma_wait3A_222 : memref<1x1x1x50xi32, #tpu.memory_space<hbm>> -> memref<50xi32, #tpu.memory_space<hbm>>
        tpu.wait_dma2 semaphore(%arg18 : memref<!tpu.dma_semaphore, #tpu.memory_space<semaphore_mem>>) src(%dma_wait3A_223 : memref<50xi32, #tpu.memory_space<hbm>>) dst(%arg10 : memref<50xi32, #tpu.memory_space<vmem>>)
        %dma_wait3A_224 = arith.constant 0 : i32
        %dma_wait3A_225 = arith.constant 0 : i32
        %dma_wait3A_226 = arith.constant 0 : i32
        %dma_wait3A_227 = arith.constant 0 : i32
        %dma_wait3A_228 = tpu.memref_slice %arg6[%dma_wait3A_224, %dma_wait3A_225, %dma_wait3A_226, %dma_wait3A_227] : memref<32x40x1x50xi32, #tpu.memory_space<hbm>> -> memref<1x1x1x50xi32, #tpu.memory_space<hbm>>
        %dma_wait3A_229 = tpu.memref_squeeze %dma_wait3A_228 : memref<1x1x1x50xi32, #tpu.memory_space<hbm>> -> memref<50xi32, #tpu.memory_space<hbm>>
        %dma_wait3A_230 = arith.constant 0 : i32
        %dma_wait3A_231 = tpu.memref_slice %arg6[%dma_wait3A_224, %dma_wait3A_225, %dma_wait3A_226, %dma_wait3A_230] : memref<32x40x1x50xi32, #tpu.memory_space<hbm>> -> memref<1x1x1x50xi32, #tpu.memory_space<hbm>>
        %dma_wait3A_232 = tpu.memref_squeeze %dma_wait3A_231 : memref<1x1x1x50xi32, #tpu.memory_space<hbm>> -> memref<50xi32, #tpu.memory_space<hbm>>
        tpu.wait_dma2 semaphore(%arg18 : memref<!tpu.dma_semaphore, #tpu.memory_space<semaphore_mem>>) src(%dma_wait3A_232 : memref<50xi32, #tpu.memory_space<hbm>>) dst(%arg12 : memref<50xi32, #tpu.memory_space<vmem>>)
        %ge3A = arith.constant 1 : i32
        %ge3A_233 = arith.cmpi sge, %add3A_193, %ge3A : i32
        %convert_element_type3A_234 = arith.extui %ge3A_233 : i1 to i32
        %cond3A_235 = arith.constant 0 : i32
        %cond3A_236 = arith.cmpi ne, %convert_element_type3A_234, %cond3A_235 : i32
        scf.if %cond3A_236 {
          %dma_wait3A_240 = arith.constant 0 : i32
          %dma_wait3A_241 = arith.constant 0 : i32
          %dma_wait3A_242 = tpu.memref_slice %arg17[%dma_wait3A_240, %dma_wait3A_241] : memref<2000x128xf32, #tpu.memory_space<vmem_shared>> -> memref<2000x128xf32, #tpu.memory_space<vmem_shared>>
          tpu.wait_indirect_dma semaphore(%arg22 : memref<!tpu.dma_semaphore, #tpu.memory_space<semaphore_mem>>) src(%arg14 : memref<50x128xf32, #tpu.memory_space<vmem>>) dst(%dma_wait3A_242 : memref<2000x128xf32, #tpu.memory_space<vmem_shared>>)
        } else {
        }
        %dma_start3A_237 = arith.constant 0 : i32
        %dma_start3A_238 = arith.constant 0 : i32
        %dma_start3A_239 = tpu.memref_slice %arg3[%dma_start3A_237, %dma_start3A_238] : memref<2000x128xf32, #tpu.memory_space<hbm>> -> memref<2000x128xf32, #tpu.memory_space<hbm>>
        tpu.enqueue_indirect_dma source(%dma_start3A_239 : memref<2000x128xf32, #tpu.memory_space<hbm>>) target(%arg14 : memref<50x128xf32, #tpu.memory_space<vmem>>) offsets(%arg10 : memref<50xi32, #tpu.memory_space<vmem>>) semaphore(%arg20 : memref<!tpu.dma_semaphore, #tpu.memory_space<semaphore_mem>>)
      } else {
      }
      %dma_start3A_211 = arith.constant 0 : i32
      %dma_start3A_212 = arith.constant 0 : i32
      %dma_start3A_213 = tpu.memref_slice %arg17[%dma_start3A_211, %dma_start3A_212] : memref<2000x128xf32, #tpu.memory_space<vmem_shared>> -> memref<2000x128xf32, #tpu.memory_space<vmem_shared>>
      tpu.enqueue_indirect_dma source(%arg15 : memref<50x128xf32, #tpu.memory_space<vmem>>) target(%dma_start3A_213 : memref<2000x128xf32, #tpu.memory_space<vmem_shared>>) offsets(%arg13 : memref<50xi32, #tpu.memory_space<vmem>>) semaphore(%arg23 : memref<!tpu.dma_semaphore, #tpu.memory_space<semaphore_mem>>) {add = true}
      %scan3A_214 = arith.constant 0 : i32
      scf.yield %scan3A_214 : i32
    }
    %scan3A_138 = arith.constant 20 : i32
    %dma_wait3A_139 = arith.constant 0 : i32
    %dma_wait3A_140 = arith.constant 0 : i32
    %dma_wait3A_141 = tpu.memref_slice %arg17[%dma_wait3A_139, %dma_wait3A_140] : memref<2000x128xf32, #tpu.memory_space<vmem_shared>> -> memref<2000x128xf32, #tpu.memory_space<vmem_shared>>
    tpu.wait_indirect_dma semaphore(%arg22 : memref<!tpu.dma_semaphore, #tpu.memory_space<semaphore_mem>>) src(%arg14 : memref<50x128xf32, #tpu.memory_space<vmem>>) dst(%dma_wait3A_141 : memref<2000x128xf32, #tpu.memory_space<vmem_shared>>)
    %dma_wait3A_142 = arith.constant 0 : i32
    %dma_wait3A_143 = arith.constant 0 : i32
    %dma_wait3A_144 = tpu.memref_slice %arg17[%dma_wait3A_142, %dma_wait3A_143] : memref<2000x128xf32, #tpu.memory_space<vmem_shared>> -> memref<2000x128xf32, #tpu.memory_space<vmem_shared>>
    tpu.wait_indirect_dma semaphore(%arg23 : memref<!tpu.dma_semaphore, #tpu.memory_space<semaphore_mem>>) src(%arg15 : memref<50x128xf32, #tpu.memory_space<vmem>>) dst(%dma_wait3A_144 : memref<2000x128xf32, #tpu.memory_space<vmem_shared>>)
    %barrier3A_145 = arith.constant 0 : index
    tpu.barrier barrier_id(%barrier3A_145)
    %mul3A_146 = arith.constant 120 : i32
    %mul3A_147 = arith.muli %arg1, %mul3A_146 : i32
    %mul3A_148 = arith.constant 120 : i32
    %mul3A_149 = arith.muli %arg1, %mul3A_148 : i32
    %run_scoped3A = arith.constant 0 : i32
    "tpu.region"() ({
      %run_scoped3A_167 = tpu.sem_alloc : memref<!tpu.dma_semaphore, #tpu.memory_space<semaphore_mem>>
      %dma_start3A_168 = arith.constant 0 : i32
      %dma_start3A_169 = arith.constant 0 : i32
      %dma_start3A_170 = tpu.memref_slice %arg9[%arg0, %run_scoped3A, %dma_start3A_168, %dma_start3A_169] : memref<2x2x2000x128xf32, #tpu.memory_space<hbm>> -> memref<1x1x2000x128xf32, #tpu.memory_space<hbm>>
      %dma_start3A_171 = tpu.memref_squeeze %dma_start3A_170 : memref<1x1x2000x128xf32, #tpu.memory_space<hbm>> -> memref<2000x128xf32, #tpu.memory_space<hbm>>
      %dma_start3A_172 = arith.constant 0 : i32
      %dma_start3A_173 = tpu.memref_slice %dma_start3A_171[%mul3A_149, %dma_start3A_172] : memref<2000x128xf32, #tpu.memory_space<hbm>> -> memref<120x128xf32, #tpu.memory_space<hbm>>
      %dma_start3A_174 = arith.constant 0 : i32
      %dma_start3A_175 = tpu.memref_slice %arg16[%mul3A_147, %dma_start3A_174] : memref<2000x128xf32, #tpu.memory_space<vmem_shared>> -> memref<120x128xf32, #tpu.memory_space<vmem_shared>>
      tpu.enqueue_dma source(%dma_start3A_175 : memref<120x128xf32, #tpu.memory_space<vmem_shared>>) target(%dma_start3A_173 : memref<120x128xf32, #tpu.memory_space<hbm>>) target_semaphore(%run_scoped3A_167 : memref<!tpu.dma_semaphore, #tpu.memory_space<semaphore_mem>>)
      %dma_wait3A_176 = arith.constant 0 : i32
      %dma_wait3A_177 = arith.constant 0 : i32
      %dma_wait3A_178 = tpu.memref_slice %arg9[%arg0, %run_scoped3A, %dma_wait3A_176, %dma_wait3A_177] : memref<2x2x2000x128xf32, #tpu.memory_space<hbm>> -> memref<1x1x2000x128xf32, #tpu.memory_space<hbm>>
      %dma_wait3A_179 = tpu.memref_squeeze %dma_wait3A_178 : memref<1x1x2000x128xf32, #tpu.memory_space<hbm>> -> memref<2000x128xf32, #tpu.memory_space<hbm>>
      %dma_wait3A_180 = arith.constant 0 : i32
      %dma_wait3A_181 = tpu.memref_slice %dma_wait3A_179[%mul3A_149, %dma_wait3A_180] : memref<2000x128xf32, #tpu.memory_space<hbm>> -> memref<120x128xf32, #tpu.memory_space<hbm>>
      %dma_wait3A_182 = arith.constant 0 : i32
      %dma_wait3A_183 = tpu.memref_slice %arg16[%mul3A_147, %dma_wait3A_182] : memref<2000x128xf32, #tpu.memory_space<vmem_shared>> -> memref<120x128xf32, #tpu.memory_space<vmem_shared>>
      tpu.wait_dma2 semaphore(%run_scoped3A_167 : memref<!tpu.dma_semaphore, #tpu.memory_space<semaphore_mem>>) src(%dma_wait3A_183 : memref<120x128xf32, #tpu.memory_space<vmem_shared>>) dst(%dma_wait3A_181 : memref<120x128xf32, #tpu.memory_space<hbm>>)
      tpu.yield
    }) : () -> ()
    %eq3A_150 = arith.constant 15 : i32
    %eq3A_151 = arith.cmpi eq, %arg1, %eq3A_150 : i32
    %convert_element_type3A_152 = arith.extui %eq3A_151 : i1 to i32
    %cond3A_153 = arith.constant 0 : i32
    %cond3A_154 = arith.constant 0 : i32
    %cond3A_155 = arith.cmpi ne, %convert_element_type3A_152, %cond3A_154 : i32
    scf.if %cond3A_155 {
      "tpu.region"() ({
        %run_scoped3A_167 = tpu.sem_alloc : memref<!tpu.dma_semaphore, #tpu.memory_space<semaphore_mem>>
        %dma_start3A_168 = arith.constant 0 : i32
        %dma_start3A_169 = arith.constant 0 : i32
        %dma_start3A_170 = tpu.memref_slice %arg9[%arg0, %cond3A_153, %dma_start3A_168, %dma_start3A_169] : memref<2x2x2000x128xf32, #tpu.memory_space<hbm>> -> memref<1x1x2000x128xf32, #tpu.memory_space<hbm>>
        %dma_start3A_171 = tpu.memref_squeeze %dma_start3A_170 : memref<1x1x2000x128xf32, #tpu.memory_space<hbm>> -> memref<2000x128xf32, #tpu.memory_space<hbm>>
        %dma_start3A_172 = arith.constant 1920 : i32
        %dma_start3A_173 = arith.constant 0 : i32
        %dma_start3A_174 = tpu.memref_slice %dma_start3A_171[%dma_start3A_172, %dma_start3A_173] : memref<2000x128xf32, #tpu.memory_space<hbm>> -> memref<80x128xf32, #tpu.memory_space<hbm>>
        %dma_start3A_175 = arith.constant 1920 : i32
        %dma_start3A_176 = arith.constant 0 : i32
        %dma_start3A_177 = tpu.memref_slice %arg16[%dma_start3A_175, %dma_start3A_176] : memref<2000x128xf32, #tpu.memory_space<vmem_shared>> -> memref<80x128xf32, #tpu.memory_space<vmem_shared>>
        tpu.enqueue_dma source(%dma_start3A_177 : memref<80x128xf32, #tpu.memory_space<vmem_shared>>) target(%dma_start3A_174 : memref<80x128xf32, #tpu.memory_space<hbm>>) target_semaphore(%run_scoped3A_167 : memref<!tpu.dma_semaphore, #tpu.memory_space<semaphore_mem>>)
        %dma_wait3A_178 = arith.constant 0 : i32
        %dma_wait3A_179 = arith.constant 0 : i32
        %dma_wait3A_180 = tpu.memref_slice %arg9[%arg0, %cond3A_153, %dma_wait3A_178, %dma_wait3A_179] : memref<2x2x2000x128xf32, #tpu.memory_space<hbm>> -> memref<1x1x2000x128xf32, #tpu.memory_space<hbm>>
        %dma_wait3A_181 = tpu.memref_squeeze %dma_wait3A_180 : memref<1x1x2000x128xf32, #tpu.memory_space<hbm>> -> memref<2000x128xf32, #tpu.memory_space<hbm>>
        %dma_wait3A_182 = arith.constant 1920 : i32
        %dma_wait3A_183 = arith.constant 0 : i32
        %dma_wait3A_184 = tpu.memref_slice %dma_wait3A_181[%dma_wait3A_182, %dma_wait3A_183] : memref<2000x128xf32, #tpu.memory_space<hbm>> -> memref<80x128xf32, #tpu.memory_space<hbm>>
        %dma_wait3A_185 = arith.constant 1920 : i32
        %dma_wait3A_186 = arith.constant 0 : i32
        %dma_wait3A_187 = tpu.memref_slice %arg16[%dma_wait3A_185, %dma_wait3A_186] : memref<2000x128xf32, #tpu.memory_space<vmem_shared>> -> memref<80x128xf32, #tpu.memory_space<vmem_shared>>
        tpu.wait_dma2 semaphore(%run_scoped3A_167 : memref<!tpu.dma_semaphore, #tpu.memory_space<semaphore_mem>>) src(%dma_wait3A_187 : memref<80x128xf32, #tpu.memory_space<vmem_shared>>) dst(%dma_wait3A_184 : memref<80x128xf32, #tpu.memory_space<hbm>>)
        tpu.yield
      }) : () -> ()
    } else {
    }
    %mul3A_156 = arith.constant 120 : i32
    %mul3A_157 = arith.muli %arg1, %mul3A_156 : i32
    %mul3A_158 = arith.constant 120 : i32
    %mul3A_159 = arith.muli %arg1, %mul3A_158 : i32
    %run_scoped3A_160 = arith.constant 1 : i32
    "tpu.region"() ({
      %run_scoped3A_167 = tpu.sem_alloc : memref<!tpu.dma_semaphore, #tpu.memory_space<semaphore_mem>>
      %dma_start3A_168 = arith.constant 0 : i32
      %dma_start3A_169 = arith.constant 0 : i32
      %dma_start3A_170 = tpu.memref_slice %arg9[%arg0, %run_scoped3A_160, %dma_start3A_168, %dma_start3A_169] : memref<2x2x2000x128xf32, #tpu.memory_space<hbm>> -> memref<1x1x2000x128xf32, #tpu.memory_space<hbm>>
      %dma_start3A_171 = tpu.memref_squeeze %dma_start3A_170 : memref<1x1x2000x128xf32, #tpu.memory_space<hbm>> -> memref<2000x128xf32, #tpu.memory_space<hbm>>
      %dma_start3A_172 = arith.constant 0 : i32
      %dma_start3A_173 = tpu.memref_slice %dma_start3A_171[%mul3A_159, %dma_start3A_172] : memref<2000x128xf32, #tpu.memory_space<hbm>> -> memref<120x128xf32, #tpu.memory_space<hbm>>
      %dma_start3A_174 = arith.constant 0 : i32
      %dma_start3A_175 = tpu.memref_slice %arg17[%mul3A_157, %dma_start3A_174] : memref<2000x128xf32, #tpu.memory_space<vmem_shared>> -> memref<120x128xf32, #tpu.memory_space<vmem_shared>>
      tpu.enqueue_dma source(%dma_start3A_175 : memref<120x128xf32, #tpu.memory_space<vmem_shared>>) target(%dma_start3A_173 : memref<120x128xf32, #tpu.memory_space<hbm>>) target_semaphore(%run_scoped3A_167 : memref<!tpu.dma_semaphore, #tpu.memory_space<semaphore_mem>>)
      %dma_wait3A_176 = arith.constant 0 : i32
      %dma_wait3A_177 = arith.constant 0 : i32
      %dma_wait3A_178 = tpu.memref_slice %arg9[%arg0, %run_scoped3A_160, %dma_wait3A_176, %dma_wait3A_177] : memref<2x2x2000x128xf32, #tpu.memory_space<hbm>> -> memref<1x1x2000x128xf32, #tpu.memory_space<hbm>>
      %dma_wait3A_179 = tpu.memref_squeeze %dma_wait3A_178 : memref<1x1x2000x128xf32, #tpu.memory_space<hbm>> -> memref<2000x128xf32, #tpu.memory_space<hbm>>
      %dma_wait3A_180 = arith.constant 0 : i32
      %dma_wait3A_181 = tpu.memref_slice %dma_wait3A_179[%mul3A_159, %dma_wait3A_180] : memref<2000x128xf32, #tpu.memory_space<hbm>> -> memref<120x128xf32, #tpu.memory_space<hbm>>
      %dma_wait3A_182 = arith.constant 0 : i32
      %dma_wait3A_183 = tpu.memref_slice %arg17[%mul3A_157, %dma_wait3A_182] : memref<2000x128xf32, #tpu.memory_space<vmem_shared>> -> memref<120x128xf32, #tpu.memory_space<vmem_shared>>
      tpu.wait_dma2 semaphore(%run_scoped3A_167 : memref<!tpu.dma_semaphore, #tpu.memory_space<semaphore_mem>>) src(%dma_wait3A_183 : memref<120x128xf32, #tpu.memory_space<vmem_shared>>) dst(%dma_wait3A_181 : memref<120x128xf32, #tpu.memory_space<hbm>>)
      tpu.yield
    }) : () -> ()
    %eq3A_161 = arith.constant 15 : i32
    %eq3A_162 = arith.cmpi eq, %arg1, %eq3A_161 : i32
    %convert_element_type3A_163 = arith.extui %eq3A_162 : i1 to i32
    %cond3A_164 = arith.constant 1 : i32
    %cond3A_165 = arith.constant 0 : i32
    %cond3A_166 = arith.cmpi ne, %convert_element_type3A_163, %cond3A_165 : i32
    scf.if %cond3A_166 {
      "tpu.region"() ({
        %run_scoped3A_167 = tpu.sem_alloc : memref<!tpu.dma_semaphore, #tpu.memory_space<semaphore_mem>>
        %dma_start3A_168 = arith.constant 0 : i32
        %dma_start3A_169 = arith.constant 0 : i32
        %dma_start3A_170 = tpu.memref_slice %arg9[%arg0, %cond3A_164, %dma_start3A_168, %dma_start3A_169] : memref<2x2x2000x128xf32, #tpu.memory_space<hbm>> -> memref<1x1x2000x128xf32, #tpu.memory_space<hbm>>
        %dma_start3A_171 = tpu.memref_squeeze %dma_start3A_170 : memref<1x1x2000x128xf32, #tpu.memory_space<hbm>> -> memref<2000x128xf32, #tpu.memory_space<hbm>>
        %dma_start3A_172 = arith.constant 1920 : i32
        %dma_start3A_173 = arith.constant 0 : i32
        %dma_start3A_174 = tpu.memref_slice %dma_start3A_171[%dma_start3A_172, %dma_start3A_173] : memref<2000x128xf32, #tpu.memory_space<hbm>> -> memref<80x128xf32, #tpu.memory_space<hbm>>
        %dma_start3A_175 = arith.constant 1920 : i32
        %dma_start3A_176 = arith.constant 0 : i32
        %dma_start3A_177 = tpu.memref_slice %arg17[%dma_start3A_175, %dma_start3A_176] : memref<2000x128xf32, #tpu.memory_space<vmem_shared>> -> memref<80x128xf32, #tpu.memory_space<vmem_shared>>
        tpu.enqueue_dma source(%dma_start3A_177 : memref<80x128xf32, #tpu.memory_space<vmem_shared>>) target(%dma_start3A_174 : memref<80x128xf32, #tpu.memory_space<hbm>>) target_semaphore(%run_scoped3A_167 : memref<!tpu.dma_semaphore, #tpu.memory_space<semaphore_mem>>)
        %dma_wait3A_178 = arith.constant 0 : i32
        %dma_wait3A_179 = arith.constant 0 : i32
        %dma_wait3A_180 = tpu.memref_slice %arg9[%arg0, %cond3A_164, %dma_wait3A_178, %dma_wait3A_179] : memref<2x2x2000x128xf32, #tpu.memory_space<hbm>> -> memref<1x1x2000x128xf32, #tpu.memory_space<hbm>>
        %dma_wait3A_181 = tpu.memref_squeeze %dma_wait3A_180 : memref<1x1x2000x128xf32, #tpu.memory_space<hbm>> -> memref<2000x128xf32, #tpu.memory_space<hbm>>
        %dma_wait3A_182 = arith.constant 1920 : i32
        %dma_wait3A_183 = arith.constant 0 : i32
        %dma_wait3A_184 = tpu.memref_slice %dma_wait3A_181[%dma_wait3A_182, %dma_wait3A_183] : memref<2000x128xf32, #tpu.memory_space<hbm>> -> memref<80x128xf32, #tpu.memory_space<hbm>>
        %dma_wait3A_185 = arith.constant 1920 : i32
        %dma_wait3A_186 = arith.constant 0 : i32
        %dma_wait3A_187 = tpu.memref_slice %arg17[%dma_wait3A_185, %dma_wait3A_186] : memref<2000x128xf32, #tpu.memory_space<vmem_shared>> -> memref<80x128xf32, #tpu.memory_space<vmem_shared>>
        tpu.wait_dma2 semaphore(%run_scoped3A_167 : memref<!tpu.dma_semaphore, #tpu.memory_space<semaphore_mem>>) src(%dma_wait3A_187 : memref<80x128xf32, #tpu.memory_space<vmem_shared>>) dst(%dma_wait3A_184 : memref<80x128xf32, #tpu.memory_space<hbm>>)
        tpu.yield
      }) : () -> ()
    } else {
    }
    return
  }
}

module attributes {stable_mosaic.version = 14 : i64} {
  func.func @_rsq_body(%arg0: memref<2x2000x128xf32, #tpu.memory_space<vmem>>, %arg1: memref<2x2000x128xf32, #tpu.memory_space<vmem>>, %arg2: memref<2000x1xf32, #tpu.memory_space<vmem>>, %arg3: memref<2000x1xf32, #tpu.memory_space<vmem>>) attributes {dimension_semantics = [], scalar_prefetch = 0 : i64, scratch_operands = 0 : i64, tpu.core_type = #tpu.core_type<tc>} {
    %get3A = arith.constant 0 : index
    %get3A_0 = arith.constant 0 : index
    %get3A_1 = arith.constant 0 : index
    %get3A_2 = vector.load %arg0[%get3A, %get3A_0, %get3A_1] : memref<2x2000x128xf32, #tpu.memory_space<vmem>>, vector<1x2000x1xf32>
    %get3A_3 = vector.shape_cast %get3A_2 : vector<1x2000x1xf32> to vector<2000x1xf32>
    %get3A_4 = arith.constant 1 : index
    %get3A_5 = arith.constant 0 : index
    %get3A_6 = arith.constant 0 : index
    %get3A_7 = vector.load %arg0[%get3A_4, %get3A_5, %get3A_6] : memref<2x2000x128xf32, #tpu.memory_space<vmem>>, vector<1x2000x1xf32>
    %get3A_8 = vector.shape_cast %get3A_7 : vector<1x2000x1xf32> to vector<2000x1xf32>
    %add3A = arith.addf %get3A_3, %get3A_8 : vector<2000x1xf32>
    %max3A = arith.constant 1.000000e+00 : f32
    %max3A_9 = vector.broadcast %max3A : f32 to vector<2000x1xf32>
    %max3A_10 = arith.maximumf %add3A, %max3A_9 : vector<2000x1xf32>
    %rsqrt3A = math.rsqrt %max3A_10 : vector<2000x1xf32>
    %swap3A = arith.constant 0 : index
    %swap3A_11 = arith.constant 0 : index
    %swap3A_12 = vector.load %arg2[%swap3A, %swap3A_11] : memref<2000x1xf32, #tpu.memory_space<vmem>>, vector<2000x1xf32>
    tpu.vector_store %arg2[%swap3A, %swap3A_11], %rsqrt3A {strides = array<i32>} : memref<2000x1xf32, #tpu.memory_space<vmem>>, vector<2000x1xf32>,
    %get3A_13 = arith.constant 0 : index
    %get3A_14 = arith.constant 0 : index
    %get3A_15 = arith.constant 0 : index
    %get3A_16 = vector.load %arg1[%get3A_13, %get3A_14, %get3A_15] : memref<2x2000x128xf32, #tpu.memory_space<vmem>>, vector<1x2000x1xf32>
    %get3A_17 = vector.shape_cast %get3A_16 : vector<1x2000x1xf32> to vector<2000x1xf32>
    %get3A_18 = arith.constant 1 : index
    %get3A_19 = arith.constant 0 : index
    %get3A_20 = arith.constant 0 : index
    %get3A_21 = vector.load %arg1[%get3A_18, %get3A_19, %get3A_20] : memref<2x2000x128xf32, #tpu.memory_space<vmem>>, vector<1x2000x1xf32>
    %get3A_22 = vector.shape_cast %get3A_21 : vector<1x2000x1xf32> to vector<2000x1xf32>
    %add3A_23 = arith.addf %get3A_17, %get3A_22 : vector<2000x1xf32>
    %max3A_24 = arith.constant 1.000000e+00 : f32
    %max3A_25 = vector.broadcast %max3A_24 : f32 to vector<2000x1xf32>
    %max3A_26 = arith.maximumf %add3A_23, %max3A_25 : vector<2000x1xf32>
    %rsqrt3A_27 = math.rsqrt %max3A_26 : vector<2000x1xf32>
    %swap3A_28 = arith.constant 0 : index
    %swap3A_29 = arith.constant 0 : index
    %swap3A_30 = vector.load %arg3[%swap3A_28, %swap3A_29] : memref<2000x1xf32, #tpu.memory_space<vmem>>, vector<2000x1xf32>
    tpu.vector_store %arg3[%swap3A_28, %swap3A_29], %rsqrt3A_27 {strides = array<i32>} : memref<2000x1xf32, #tpu.memory_space<vmem>>, vector<2000x1xf32>,
    return
  }
}

module attributes {stable_mosaic.version = 14 : i64} {
  func.func @_rgcn_linear_body(%arg0: i32, %arg1: memref<2x1000x128xf32, #tpu.memory_space<vmem>>, %arg2: memref<2x1000x128xf32, #tpu.memory_space<vmem>>, %arg3: memref<1000x128xf32, #tpu.memory_space<vmem>>, %arg4: memref<128x128xf32, #tpu.memory_space<vmem>>, %arg5: memref<128x128xf32, #tpu.memory_space<vmem>>, %arg6: memref<1000x128xf32, #tpu.memory_space<vmem>>) attributes {dimension_semantics = [#tpu.dimension_semantics<arbitrary>], iteration_bounds = array<i64: 10>, scalar_prefetch = 0 : i64, scratch_operands = 0 : i64, tpu.core_type = #tpu.core_type<tc>, window_params = [{transform_indices = @transform_0, window_bounds = array<i64: 2, 1000, 128>}, {transform_indices = @transform_1, window_bounds = array<i64: 2, 1000, 128>}, {transform_indices = @transform_2, window_bounds = array<i64: 1000, 128>}, {pipeline_mode = #tpu.pipeline_mode<synchronous>, transform_indices = @transform_3, window_bounds = array<i64: 128, 128>}, {pipeline_mode = #tpu.pipeline_mode<synchronous>, transform_indices = @transform_4, window_bounds = array<i64: 128, 128>}, {transform_indices = @transform_5, window_bounds = array<i64: 1000, 128>}]} {
    %get3A = arith.constant 0 : index
    %get3A_0 = arith.constant 0 : index
    %get3A_1 = arith.constant 0 : index
    %get3A_2 = vector.load %arg2[%get3A, %get3A_0, %get3A_1] : memref<2x1000x128xf32, #tpu.memory_space<vmem>>, vector<1x1000x1xf32>
    %get3A_3 = vector.shape_cast %get3A_2 : vector<1x1000x1xf32> to vector<1000x1xf32>
    %get3A_4 = arith.constant 1 : index
    %get3A_5 = arith.constant 0 : index
    %get3A_6 = arith.constant 0 : index
    %get3A_7 = vector.load %arg2[%get3A_4, %get3A_5, %get3A_6] : memref<2x1000x128xf32, #tpu.memory_space<vmem>>, vector<1x1000x1xf32>
    %get3A_8 = vector.shape_cast %get3A_7 : vector<1x1000x1xf32> to vector<1000x1xf32>
    %add3A = arith.addf %get3A_3, %get3A_8 : vector<1000x1xf32>
    %max3A = arith.constant 1.000000e+00 : f32
    %max3A_9 = vector.broadcast %max3A : f32 to vector<1000x1xf32>
    %max3A_10 = arith.maximumf %add3A, %max3A_9 : vector<1000x1xf32>
    %get3A_11 = arith.constant 0 : index
    %get3A_12 = arith.constant 0 : index
    %get3A_13 = arith.constant 0 : index
    %get3A_14 = vector.load %arg1[%get3A_11, %get3A_12, %get3A_13] : memref<2x1000x128xf32, #tpu.memory_space<vmem>>, vector<1x1000x128xf32>
    %get3A_15 = vector.shape_cast %get3A_14 : vector<1x1000x128xf32> to vector<1000x128xf32>
    %get3A_16 = arith.constant 1 : index
    %get3A_17 = arith.constant 0 : index
    %get3A_18 = arith.constant 0 : index
    %get3A_19 = vector.load %arg1[%get3A_16, %get3A_17, %get3A_18] : memref<2x1000x128xf32, #tpu.memory_space<vmem>>, vector<1x1000x128xf32>
    %get3A_20 = vector.shape_cast %get3A_19 : vector<1x1000x128xf32> to vector<1000x128xf32>
    %add3A_21 = arith.addf %get3A_15, %get3A_20 : vector<1000x128xf32>
    %div3A = vector.broadcast %max3A_10 : vector<1000x1xf32> to vector<1000x128xf32>
    %div3A_22 = arith.divf %add3A_21, %div3A : vector<1000x128xf32>
    %get3A_23 = arith.constant 0 : index
    %get3A_24 = arith.constant 0 : index
    %get3A_25 = vector.load %arg4[%get3A_23, %get3A_24] : memref<128x128xf32, #tpu.memory_space<vmem>>, vector<128x128xf32>
    %dot_general3A = arith.constant dense<0.000000e+00> : vector<1000x128xf32>
    %dot_general3A_26 = tpu.matmul %div3A_22, %get3A_25, %dot_general3A {dimension_numbers = #tpu.dot_dimension_numbers<[1], [0], [0], [1], [0, 0, 1, 1], [], []>, transpose_lhs_hint = false} : vector<1000x128xf32>, vector<128x128xf32>, vector<1000x128xf32> -> vector<1000x128xf32>
    %get3A_27 = arith.constant 0 : index
    %get3A_28 = arith.constant 0 : index
    %get3A_29 = vector.load %arg3[%get3A_27, %get3A_28] : memref<1000x128xf32, #tpu.memory_space<vmem>>, vector<1000x128xf32>
    %get3A_30 = arith.constant 0 : index
    %get3A_31 = arith.constant 0 : index
    %get3A_32 = vector.load %arg5[%get3A_30, %get3A_31] : memref<128x128xf32, #tpu.memory_space<vmem>>, vector<128x128xf32>
    %dot_general3A_33 = arith.constant dense<0.000000e+00> : vector<1000x128xf32>
    %dot_general3A_34 = tpu.matmul %get3A_29, %get3A_32, %dot_general3A_33 {dimension_numbers = #tpu.dot_dimension_numbers<[1], [0], [0], [1], [0, 0, 1, 1], [], []>, transpose_lhs_hint = false} : vector<1000x128xf32>, vector<128x128xf32>, vector<1000x128xf32> -> vector<1000x128xf32>
    %add3A_35 = arith.addf %dot_general3A_26, %dot_general3A_34 : vector<1000x128xf32>
    %max3A_36 = arith.constant 0.000000e+00 : f32
    %max3A_37 = vector.broadcast %max3A_36 : f32 to vector<1000x128xf32>
    %max3A_38 = arith.maximumf %add3A_35, %max3A_37 : vector<1000x128xf32>
    %swap3A = arith.constant 0 : index
    %swap3A_39 = arith.constant 0 : index
    %swap3A_40 = vector.load %arg6[%swap3A, %swap3A_39] : memref<1000x128xf32, #tpu.memory_space<vmem>>, vector<1000x128xf32>
    tpu.vector_store %arg6[%swap3A, %swap3A_39], %max3A_38 {strides = array<i32>} : memref<1000x128xf32, #tpu.memory_space<vmem>>, vector<1000x128xf32>,
    return
  }
  func.func @transform_0(%arg0: i32) -> (i32, i32, i32) {
    %c0_i32 = arith.constant 0 : i32
    %c0_i32_0 = arith.constant 0 : i32
    %c0_i32_1 = arith.constant 0 : i32
    return %c0_i32, %arg0, %c0_i32_0 : i32, i32, i32
  }
  func.func @transform_1(%arg0: i32) -> (i32, i32, i32) {
    %c0_i32 = arith.constant 0 : i32
    %c0_i32_0 = arith.constant 0 : i32
    %c0_i32_1 = arith.constant 0 : i32
    return %c0_i32, %arg0, %c0_i32_0 : i32, i32, i32
  }
  func.func @transform_2(%arg0: i32) -> (i32, i32) {
    %c0_i32 = arith.constant 0 : i32
    %c0_i32_0 = arith.constant 0 : i32
    return %arg0, %c0_i32 : i32, i32
  }
  func.func @transform_3(%arg0: i32) -> (i32, i32) {
    %c0_i32 = arith.constant 0 : i32
    %c0_i32_0 = arith.constant 0 : i32
    %c0_i32_1 = arith.constant 0 : i32
    return %c0_i32, %c0_i32_0 : i32, i32
  }
  func.func @transform_4(%arg0: i32) -> (i32, i32) {
    %c0_i32 = arith.constant 0 : i32
    %c0_i32_0 = arith.constant 0 : i32
    %c0_i32_1 = arith.constant 0 : i32
    return %c0_i32, %c0_i32_0 : i32, i32
  }
  func.func @transform_5(%arg0: i32) -> (i32, i32) {
    %c0_i32 = arith.constant 0 : i32
    %c0_i32_0 = arith.constant 0 : i32
    return %arg0, %c0_i32 : i32, i32
  }
}

module attributes {stable_mosaic.version = 14 : i64} {
  func.func @_pool_scale_body(%arg0: i32, %arg1: memref<200x10000xf32, #tpu.memory_space<vmem>>, %arg2: memref<10000x128xf32, #tpu.memory_space<vmem>>, %arg3: memref<200x1xf32, #tpu.memory_space<vmem>>, %arg4: memref<200x1xf32, #tpu.memory_space<vmem>>, %arg5: memref<2x200x128xf32, #tpu.memory_space<vmem>>) attributes {dimension_semantics = [#tpu.dimension_semantics<arbitrary>], iteration_bounds = array<i64: 10>, scalar_prefetch = 0 : i64, scratch_operands = 0 : i64, tpu.core_type = #tpu.core_type<tc>, window_params = [{transform_indices = @transform_0, window_bounds = array<i64: 200, 10000>}, {pipeline_mode = #tpu.pipeline_mode<synchronous>, transform_indices = @transform_1, window_bounds = array<i64: 10000, 128>}, {transform_indices = @transform_2, window_bounds = array<i64: 200, 1>}, {transform_indices = @transform_3, window_bounds = array<i64: 200, 1>}, {transform_indices = @transform_4, window_bounds = array<i64: 2, 200, 128>}]} {
    %get3A = arith.constant 0 : index
    %get3A_0 = arith.constant 0 : index
    %get3A_1 = vector.load %arg1[%get3A, %get3A_0] : memref<200x10000xf32, #tpu.memory_space<vmem>>, vector<200x10000xf32>
    %get3A_2 = arith.constant 0 : index
    %get3A_3 = arith.constant 0 : index
    %get3A_4 = vector.load %arg2[%get3A_2, %get3A_3] : memref<10000x128xf32, #tpu.memory_space<vmem>>, vector<10000x128xf32>
    %dot_general3A = arith.constant dense<0.000000e+00> : vector<200x128xf32>
    %dot_general3A_5 = tpu.matmul %get3A_1, %get3A_4, %dot_general3A {dimension_numbers = #tpu.dot_dimension_numbers<[1], [0], [0], [1], [0, 0, 1, 1], [], []>, transpose_lhs_hint = false} : vector<200x10000xf32>, vector<10000x128xf32>, vector<200x128xf32> -> vector<200x128xf32>
    %reduce_sum3A = arith.constant dense<0.000000e+00> : vector<200xf32>
    %reduce_sum3A_6 = vector.multi_reduction <add>, %get3A_1, %reduce_sum3A [1] : vector<200x10000xf32> to vector<200xf32>
    %broadcast_in_dim3A = vector.shape_cast %reduce_sum3A_6 : vector<200xf32> to vector<200x1xf32>
    %jit3A = arith.constant 9.99999993E-9 : f32
    %max3A = vector.broadcast %jit3A : f32 to vector<200x1xf32>
    %max3A_7 = arith.maximumf %max3A, %broadcast_in_dim3A : vector<200x1xf32>
    %div3A = vector.broadcast %max3A_7 : vector<200x1xf32> to vector<200x128xf32>
    %div3A_8 = arith.divf %dot_general3A_5, %div3A : vector<200x128xf32>
    %get3A_9 = arith.constant 0 : index
    %get3A_10 = arith.constant 0 : index
    %get3A_11 = vector.load %arg3[%get3A_9, %get3A_10] : memref<200x1xf32, #tpu.memory_space<vmem>>, vector<200x1xf32>
    %mul3A = vector.broadcast %get3A_11 : vector<200x1xf32> to vector<200x128xf32>
    %mul3A_12 = arith.mulf %div3A_8, %mul3A : vector<200x128xf32>
    %swap3A = arith.constant 0 : index
    %swap3A_13 = arith.constant 0 : index
    %swap3A_14 = arith.constant 0 : index
    %swap3A_15 = vector.load %arg5[%swap3A, %swap3A_13, %swap3A_14] : memref<2x200x128xf32, #tpu.memory_space<vmem>>, vector<1x200x128xf32>
    %swap3A_16 = vector.shape_cast %swap3A_15 : vector<1x200x128xf32> to vector<200x128xf32>
    %swap3A_17 = vector.shape_cast %mul3A_12 : vector<200x128xf32> to vector<1x200x128xf32>
    tpu.vector_store %arg5[%swap3A, %swap3A_13, %swap3A_14], %swap3A_17 {strides = array<i32>} : memref<2x200x128xf32, #tpu.memory_space<vmem>>, vector<1x200x128xf32>,
    %get3A_18 = arith.constant 0 : index
    %get3A_19 = arith.constant 0 : index
    %get3A_20 = vector.load %arg4[%get3A_18, %get3A_19] : memref<200x1xf32, #tpu.memory_space<vmem>>, vector<200x1xf32>
    %mul3A_21 = vector.broadcast %get3A_20 : vector<200x1xf32> to vector<200x128xf32>
    %mul3A_22 = arith.mulf %div3A_8, %mul3A_21 : vector<200x128xf32>
    %swap3A_23 = arith.constant 1 : index
    %swap3A_24 = arith.constant 0 : index
    %swap3A_25 = arith.constant 0 : index
    %swap3A_26 = vector.load %arg5[%swap3A_23, %swap3A_24, %swap3A_25] : memref<2x200x128xf32, #tpu.memory_space<vmem>>, vector<1x200x128xf32>
    %swap3A_27 = vector.shape_cast %swap3A_26 : vector<1x200x128xf32> to vector<200x128xf32>
    %swap3A_28 = vector.shape_cast %mul3A_22 : vector<200x128xf32> to vector<1x200x128xf32>
    tpu.vector_store %arg5[%swap3A_23, %swap3A_24, %swap3A_25], %swap3A_28 {strides = array<i32>} : memref<2x200x128xf32, #tpu.memory_space<vmem>>, vector<1x200x128xf32>,
    return
  }
  func.func @transform_0(%arg0: i32) -> (i32, i32) {
    %c0_i32 = arith.constant 0 : i32
    %c0_i32_0 = arith.constant 0 : i32
    return %arg0, %c0_i32 : i32, i32
  }
  func.func @transform_1(%arg0: i32) -> (i32, i32) {
    %c0_i32 = arith.constant 0 : i32
    %c0_i32_0 = arith.constant 0 : i32
    %c0_i32_1 = arith.constant 0 : i32
    return %c0_i32, %c0_i32_0 : i32, i32
  }
  func.func @transform_2(%arg0: i32) -> (i32, i32) {
    %c0_i32 = arith.constant 0 : i32
    %c0_i32_0 = arith.constant 0 : i32
    return %arg0, %c0_i32 : i32, i32
  }
  func.func @transform_3(%arg0: i32) -> (i32, i32) {
    %c0_i32 = arith.constant 0 : i32
    %c0_i32_0 = arith.constant 0 : i32
    return %arg0, %c0_i32 : i32, i32
  }
  func.func @transform_4(%arg0: i32) -> (i32, i32, i32) {
    %c0_i32 = arith.constant 0 : i32
    %c0_i32_0 = arith.constant 0 : i32
    %c0_i32_1 = arith.constant 0 : i32
    return %c0_i32, %arg0, %c0_i32_0 : i32, i32, i32
  }
}

module attributes {stable_mosaic.version = 14 : i64} {
  func.func @_gcn_mid_body(%arg0: memref<2x2x2000x128xf32, #tpu.memory_space<vmem>>, %arg1: memref<2000x1xf32, #tpu.memory_space<vmem>>, %arg2: memref<2000x1xf32, #tpu.memory_space<vmem>>, %arg3: memref<128x128xf32, #tpu.memory_space<vmem>>, %arg4: memref<2x2000x128xf32, #tpu.memory_space<vmem>>) attributes {dimension_semantics = [], scalar_prefetch = 0 : i64, scratch_operands = 0 : i64, tpu.core_type = #tpu.core_type<tc>} {
    %get3A = arith.constant 0 : index
    %get3A_0 = arith.constant 0 : index
    %get3A_1 = vector.load %arg3[%get3A, %get3A_0] : memref<128x128xf32, #tpu.memory_space<vmem>>, vector<128x128xf32>
    %get3A_2 = arith.constant 0 : index
    %get3A_3 = arith.constant 0 : index
    %get3A_4 = vector.load %arg1[%get3A_2, %get3A_3] : memref<2000x1xf32, #tpu.memory_space<vmem>>, vector<2000x1xf32>
    %get3A_5 = arith.constant 0 : index
    %get3A_6 = arith.constant 0 : index
    %get3A_7 = vector.load %arg2[%get3A_5, %get3A_6] : memref<2000x1xf32, #tpu.memory_space<vmem>>, vector<2000x1xf32>
    %get3A_8 = arith.constant 0 : index
    %get3A_9 = arith.constant 0 : index
    %get3A_10 = arith.constant 0 : index
    %get3A_11 = arith.constant 0 : index
    %get3A_12 = vector.load %arg0[%get3A_8, %get3A_9, %get3A_10, %get3A_11] : memref<2x2x2000x128xf32, #tpu.memory_space<vmem>>, vector<1x1x2000x128xf32>
    %get3A_13 = vector.shape_cast %get3A_12 : vector<1x1x2000x128xf32> to vector<2000x128xf32>
    %get3A_14 = arith.constant 1 : index
    %get3A_15 = arith.constant 0 : index
    %get3A_16 = arith.constant 0 : index
    %get3A_17 = arith.constant 0 : index
    %get3A_18 = vector.load %arg0[%get3A_14, %get3A_15, %get3A_16, %get3A_17] : memref<2x2x2000x128xf32, #tpu.memory_space<vmem>>, vector<1x1x2000x128xf32>
    %get3A_19 = vector.shape_cast %get3A_18 : vector<1x1x2000x128xf32> to vector<2000x128xf32>
    %add3A = arith.addf %get3A_13, %get3A_19 : vector<2000x128xf32>
    %get3A_20 = arith.constant 0 : index
    %get3A_21 = arith.constant 1 : index
    %get3A_22 = arith.constant 0 : index
    %get3A_23 = arith.constant 0 : index
    %get3A_24 = vector.load %arg0[%get3A_20, %get3A_21, %get3A_22, %get3A_23] : memref<2x2x2000x128xf32, #tpu.memory_space<vmem>>, vector<1x1x2000x128xf32>
    %get3A_25 = vector.shape_cast %get3A_24 : vector<1x1x2000x128xf32> to vector<2000x128xf32>
    %get3A_26 = arith.constant 1 : index
    %get3A_27 = arith.constant 1 : index
    %get3A_28 = arith.constant 0 : index
    %get3A_29 = arith.constant 0 : index
    %get3A_30 = vector.load %arg0[%get3A_26, %get3A_27, %get3A_28, %get3A_29] : memref<2x2x2000x128xf32, #tpu.memory_space<vmem>>, vector<1x1x2000x128xf32>
    %get3A_31 = vector.shape_cast %get3A_30 : vector<1x1x2000x128xf32> to vector<2000x128xf32>
    %add3A_32 = arith.addf %get3A_25, %get3A_31 : vector<2000x128xf32>
    %mul3A = vector.broadcast %get3A_4 : vector<2000x1xf32> to vector<2000x128xf32>
    %mul3A_33 = arith.mulf %add3A, %mul3A : vector<2000x128xf32>
    %dot_general3A = arith.constant dense<0.000000e+00> : vector<2000x128xf32>
    %dot_general3A_34 = tpu.matmul %mul3A_33, %get3A_1, %dot_general3A {dimension_numbers = #tpu.dot_dimension_numbers<[1], [0], [0], [1], [0, 0, 1, 1], [], []>, transpose_lhs_hint = false} : vector<2000x128xf32>, vector<128x128xf32>, vector<2000x128xf32> -> vector<2000x128xf32>
    %max3A = arith.constant 0.000000e+00 : f32
    %max3A_35 = vector.broadcast %max3A : f32 to vector<2000x128xf32>
    %max3A_36 = arith.maximumf %dot_general3A_34, %max3A_35 : vector<2000x128xf32>
    %mul3A_37 = vector.broadcast %get3A_7 : vector<2000x1xf32> to vector<2000x128xf32>
    %mul3A_38 = arith.mulf %add3A_32, %mul3A_37 : vector<2000x128xf32>
    %dot_general3A_39 = arith.constant dense<0.000000e+00> : vector<2000x128xf32>
    %dot_general3A_40 = tpu.matmul %mul3A_38, %get3A_1, %dot_general3A_39 {dimension_numbers = #tpu.dot_dimension_numbers<[1], [0], [0], [1], [0, 0, 1, 1], [], []>, transpose_lhs_hint = false} : vector<2000x128xf32>, vector<128x128xf32>, vector<2000x128xf32> -> vector<2000x128xf32>
    %max3A_41 = arith.constant 0.000000e+00 : f32
    %max3A_42 = vector.broadcast %max3A_41 : f32 to vector<2000x128xf32>
    %max3A_43 = arith.maximumf %dot_general3A_40, %max3A_42 : vector<2000x128xf32>
    %mul3A_44 = vector.broadcast %get3A_4 : vector<2000x1xf32> to vector<2000x128xf32>
    %mul3A_45 = arith.mulf %max3A_36, %mul3A_44 : vector<2000x128xf32>
    %swap3A = arith.constant 0 : index
    %swap3A_46 = arith.constant 0 : index
    %swap3A_47 = arith.constant 0 : index
    %swap3A_48 = vector.load %arg4[%swap3A, %swap3A_46, %swap3A_47] : memref<2x2000x128xf32, #tpu.memory_space<vmem>>, vector<1x2000x128xf32>
    %swap3A_49 = vector.shape_cast %swap3A_48 : vector<1x2000x128xf32> to vector<2000x128xf32>
    %swap3A_50 = vector.shape_cast %mul3A_45 : vector<2000x128xf32> to vector<1x2000x128xf32>
    tpu.vector_store %arg4[%swap3A, %swap3A_46, %swap3A_47], %swap3A_50 {strides = array<i32>} : memref<2x2000x128xf32, #tpu.memory_space<vmem>>, vector<1x2000x128xf32>,
    %mul3A_51 = vector.broadcast %get3A_7 : vector<2000x1xf32> to vector<2000x128xf32>
    %mul3A_52 = arith.mulf %max3A_43, %mul3A_51 : vector<2000x128xf32>
    %swap3A_53 = arith.constant 1 : index
    %swap3A_54 = arith.constant 0 : index
    %swap3A_55 = arith.constant 0 : index
    %swap3A_56 = vector.load %arg4[%swap3A_53, %swap3A_54, %swap3A_55] : memref<2x2000x128xf32, #tpu.memory_space<vmem>>, vector<1x2000x128xf32>
    %swap3A_57 = vector.shape_cast %swap3A_56 : vector<1x2000x128xf32> to vector<2000x128xf32>
    %swap3A_58 = vector.shape_cast %mul3A_52 : vector<2000x128xf32> to vector<1x2000x128xf32>
    tpu.vector_store %arg4[%swap3A_53, %swap3A_54, %swap3A_55], %swap3A_58 {strides = array<i32>} : memref<2x2000x128xf32, #tpu.memory_space<vmem>>, vector<1x2000x128xf32>,
    return
  }
}

module attributes {stable_mosaic.version = 14 : i64} {
  func.func @_final_body(%arg0: memref<2x2x2000x128xf32, #tpu.memory_space<vmem>>, %arg1: memref<2000x1xf32, #tpu.memory_space<vmem>>, %arg2: memref<2000x1xf32, #tpu.memory_space<vmem>>, %arg3: memref<128x128xf32, #tpu.memory_space<vmem>>, %arg4: memref<512x2000xf32, #tpu.memory_space<vmem>>, %arg5: memref<512x512xf32, #tpu.memory_space<vmem>>, %arg6: memref<128x64xf32, #tpu.memory_space<vmem>>, %arg7: memref<1x64xf32, #tpu.memory_space<vmem>>, %arg8: memref<512x64xf32, #tpu.memory_space<vmem>>, %arg9: memref<1x64xf32, #tpu.memory_space<vmem>>, %arg10: memref<512x2xi32, #tpu.memory_space<vmem>>, %arg11: memref<512x1xi32, #tpu.memory_space<vmem>>, %arg12: memref<1x2xf32, #tpu.memory_space<vmem>>, %arg13: memref<512x64xf32, #tpu.memory_space<vmem>>, %arg14: memref<512x64xf32, #tpu.memory_space<vmem>>, %arg15: memref<512x512xf32, #tpu.memory_space<vmem>>, %arg16: memref<1x1xf32, #tpu.memory_space<vmem>>) attributes {dimension_semantics = [], scalar_prefetch = 0 : i64, scratch_operands = 0 : i64, tpu.core_type = #tpu.core_type<tc>} {
    %get3A = arith.constant 0 : index
    %get3A_0 = arith.constant 0 : index
    %get3A_1 = vector.load %arg3[%get3A, %get3A_0] : memref<128x128xf32, #tpu.memory_space<vmem>>, vector<128x128xf32>
    %get3A_2 = arith.constant 0 : index
    %get3A_3 = arith.constant 0 : index
    %get3A_4 = arith.constant 0 : index
    %get3A_5 = arith.constant 0 : index
    %get3A_6 = vector.load %arg0[%get3A_2, %get3A_3, %get3A_4, %get3A_5] : memref<2x2x2000x128xf32, #tpu.memory_space<vmem>>, vector<1x1x2000x128xf32>
    %get3A_7 = vector.shape_cast %get3A_6 : vector<1x1x2000x128xf32> to vector<2000x128xf32>
    %get3A_8 = arith.constant 1 : index
    %get3A_9 = arith.constant 0 : index
    %get3A_10 = arith.constant 0 : index
    %get3A_11 = arith.constant 0 : index
    %get3A_12 = vector.load %arg0[%get3A_8, %get3A_9, %get3A_10, %get3A_11] : memref<2x2x2000x128xf32, #tpu.memory_space<vmem>>, vector<1x1x2000x128xf32>
    %get3A_13 = vector.shape_cast %get3A_12 : vector<1x1x2000x128xf32> to vector<2000x128xf32>
    %add3A = arith.addf %get3A_7, %get3A_13 : vector<2000x128xf32>
    %get3A_14 = arith.constant 0 : index
    %get3A_15 = arith.constant 1 : index
    %get3A_16 = arith.constant 0 : index
    %get3A_17 = arith.constant 0 : index
    %get3A_18 = vector.load %arg0[%get3A_14, %get3A_15, %get3A_16, %get3A_17] : memref<2x2x2000x128xf32, #tpu.memory_space<vmem>>, vector<1x1x2000x128xf32>
    %get3A_19 = vector.shape_cast %get3A_18 : vector<1x1x2000x128xf32> to vector<2000x128xf32>
    %get3A_20 = arith.constant 1 : index
    %get3A_21 = arith.constant 1 : index
    %get3A_22 = arith.constant 0 : index
    %get3A_23 = arith.constant 0 : index
    %get3A_24 = vector.load %arg0[%get3A_20, %get3A_21, %get3A_22, %get3A_23] : memref<2x2x2000x128xf32, #tpu.memory_space<vmem>>, vector<1x1x2000x128xf32>
    %get3A_25 = vector.shape_cast %get3A_24 : vector<1x1x2000x128xf32> to vector<2000x128xf32>
    %add3A_26 = arith.addf %get3A_19, %get3A_25 : vector<2000x128xf32>
    %get3A_27 = arith.constant 0 : index
    %get3A_28 = arith.constant 0 : index
    %get3A_29 = vector.load %arg1[%get3A_27, %get3A_28] : memref<2000x1xf32, #tpu.memory_space<vmem>>, vector<2000x1xf32>
    %mul3A = vector.broadcast %get3A_29 : vector<2000x1xf32> to vector<2000x128xf32>
    %mul3A_30 = arith.mulf %add3A, %mul3A : vector<2000x128xf32>
    %dot_general3A = arith.constant dense<0.000000e+00> : vector<2000x128xf32>
    %dot_general3A_31 = tpu.matmul %mul3A_30, %get3A_1, %dot_general3A {dimension_numbers = #tpu.dot_dimension_numbers<[1], [0], [0], [1], [0, 0, 1, 1], [], []>, transpose_lhs_hint = false} : vector<2000x128xf32>, vector<128x128xf32>, vector<2000x128xf32> -> vector<2000x128xf32>
    %get3A_32 = arith.constant 0 : index
    %get3A_33 = arith.constant 0 : index
    %get3A_34 = vector.load %arg2[%get3A_32, %get3A_33] : memref<2000x1xf32, #tpu.memory_space<vmem>>, vector<2000x1xf32>
    %mul3A_35 = vector.broadcast %get3A_34 : vector<2000x1xf32> to vector<2000x128xf32>
    %mul3A_36 = arith.mulf %add3A_26, %mul3A_35 : vector<2000x128xf32>
    %dot_general3A_37 = arith.constant dense<0.000000e+00> : vector<2000x128xf32>
    %dot_general3A_38 = tpu.matmul %mul3A_36, %get3A_1, %dot_general3A_37 {dimension_numbers = #tpu.dot_dimension_numbers<[1], [0], [0], [1], [0, 0, 1, 1], [], []>, transpose_lhs_hint = false} : vector<2000x128xf32>, vector<128x128xf32>, vector<2000x128xf32> -> vector<2000x128xf32>
    %add3A_39 = arith.addf %dot_general3A_31, %dot_general3A_38 : vector<2000x128xf32>
    %mul3A_40 = arith.constant 5.000000e-01 : f32
    %mul3A_41 = vector.broadcast %mul3A_40 : f32 to vector<2000x128xf32>
    %mul3A_42 = arith.mulf %mul3A_41, %add3A_39 : vector<2000x128xf32>
    %get3A_43 = arith.constant 0 : index
    %get3A_44 = arith.constant 0 : index
    %get3A_45 = vector.load %arg4[%get3A_43, %get3A_44] : memref<512x2000xf32, #tpu.memory_space<vmem>>, vector<512x2000xf32>
    %reduce_sum3A = arith.constant dense<0.000000e+00> : vector<512xf32>
    %reduce_sum3A_46 = vector.multi_reduction <add>, %get3A_45, %reduce_sum3A [1] : vector<512x2000xf32> to vector<512xf32>
    %broadcast_in_dim3A = vector.shape_cast %reduce_sum3A_46 : vector<512xf32> to vector<512x1xf32>
    %jit3A = arith.constant 9.99999993E-9 : f32
    %max3A = vector.broadcast %jit3A : f32 to vector<512x1xf32>
    %max3A_47 = arith.maximumf %max3A, %broadcast_in_dim3A : vector<512x1xf32>
    %dot_general3A_48 = arith.constant dense<0.000000e+00> : vector<512x128xf32>
    %dot_general3A_49 = tpu.matmul %get3A_45, %mul3A_42, %dot_general3A_48 {dimension_numbers = #tpu.dot_dimension_numbers<[1], [0], [0], [1], [0, 0, 1, 1], [], []>, transpose_lhs_hint = false} : vector<512x2000xf32>, vector<2000x128xf32>, vector<512x128xf32> -> vector<512x128xf32>
    %div3A = vector.broadcast %max3A_47 : vector<512x1xf32> to vector<512x128xf32>
    %div3A_50 = arith.divf %dot_general3A_49, %div3A : vector<512x128xf32>
    %get3A_51 = arith.constant 0 : index
    %get3A_52 = arith.constant 0 : index
    %get3A_53 = vector.load %arg6[%get3A_51, %get3A_52] : memref<128x64xf32, #tpu.memory_space<vmem>>, vector<128x64xf32>
    %dot_general3A_54 = arith.constant dense<0.000000e+00> : vector<512x64xf32>
    %dot_general3A_55 = tpu.matmul %div3A_50, %get3A_53, %dot_general3A_54 {dimension_numbers = #tpu.dot_dimension_numbers<[1], [0], [0], [1], [0, 0, 1, 1], [], []>, transpose_lhs_hint = false} : vector<512x128xf32>, vector<128x64xf32>, vector<512x64xf32> -> vector<512x64xf32>
    %get3A_56 = arith.constant 0 : index
    %get3A_57 = arith.constant 0 : index
    %get3A_58 = vector.load %arg7[%get3A_56, %get3A_57] : memref<1x64xf32, #tpu.memory_space<vmem>>, vector<1x64xf32>
    %add3A_59 = vector.broadcast %get3A_58 : vector<1x64xf32> to vector<512x64xf32>
    %add3A_60 = arith.addf %dot_general3A_55, %add3A_59 : vector<512x64xf32>
    %get3A_61 = arith.constant 0 : index
    %get3A_62 = arith.constant 0 : index
    %get3A_63 = vector.load %arg5[%get3A_61, %get3A_62] : memref<512x512xf32, #tpu.memory_space<vmem>>, vector<512x512xf32>
    %get3A_64 = arith.constant 0 : index
    %get3A_65 = arith.constant 0 : index
    %get3A_66 = vector.load %arg8[%get3A_64, %get3A_65] : memref<512x64xf32, #tpu.memory_space<vmem>>, vector<512x64xf32>
    %dot_general3A_67 = arith.constant dense<0.000000e+00> : vector<512x64xf32>
    %dot_general3A_68 = tpu.matmul %get3A_63, %get3A_66, %dot_general3A_67 {dimension_numbers = #tpu.dot_dimension_numbers<[1], [0], [0], [1], [0, 0, 1, 1], [], []>, transpose_lhs_hint = false} : vector<512x512xf32>, vector<512x64xf32>, vector<512x64xf32> -> vector<512x64xf32>
    %get3A_69 = arith.constant 0 : index
    %get3A_70 = arith.constant 0 : index
    %get3A_71 = vector.load %arg9[%get3A_69, %get3A_70] : memref<1x64xf32, #tpu.memory_space<vmem>>, vector<1x64xf32>
    %add3A_72 = vector.broadcast %get3A_71 : vector<1x64xf32> to vector<512x64xf32>
    %add3A_73 = arith.addf %dot_general3A_68, %add3A_72 : vector<512x64xf32>
    %get3A_74 = arith.constant 0 : index
    %get3A_75 = arith.constant 0 : index
    %get3A_76 = vector.load %arg10[%get3A_74, %get3A_75] : memref<512x2xi32, #tpu.memory_space<vmem>>, vector<512x2xi32>
    %iota3A = tpu.iota {dimensions = array<i32: 1>} : vector<512x512xi32>
    %slice3A = vector.extract_strided_slice %get3A_76 {offsets = [0, 0], sizes = [512, 1], strides = [1, 1]} : vector<512x2xi32> to vector<512x1xi32>
    %eq3A = vector.broadcast %slice3A : vector<512x1xi32> to vector<512x512xi32>
    %eq3A_77 = arith.cmpi eq, %eq3A, %iota3A : vector<512x512xi32>
    %convert_element_type3A = arith.extui %eq3A_77 : vector<512x512xi1> to vector<512x512xi32>
    %convert_element_type3A_78 = arith.sitofp %convert_element_type3A : vector<512x512xi32> to vector<512x512xf32>
    %slice3A_79 = vector.extract_strided_slice %get3A_76 {offsets = [0, 1], sizes = [512, 1], strides = [1, 1]} : vector<512x2xi32> to vector<512x1xi32>
    %eq3A_80 = vector.broadcast %slice3A_79 : vector<512x1xi32> to vector<512x512xi32>
    %eq3A_81 = arith.cmpi eq, %eq3A_80, %iota3A : vector<512x512xi32>
    %convert_element_type3A_82 = arith.extui %eq3A_81 : vector<512x512xi1> to vector<512x512xi32>
    %convert_element_type3A_83 = arith.sitofp %convert_element_type3A_82 : vector<512x512xi32> to vector<512x512xf32>
    %dot_general3A_84 = arith.constant dense<0.000000e+00> : vector<512x64xf32>
    %dot_general3A_85 = tpu.matmul %convert_element_type3A_78, %add3A_60, %dot_general3A_84 {dimension_numbers = #tpu.dot_dimension_numbers<[1], [0], [0], [1], [0, 0, 1, 1], [], []>, transpose_lhs_hint = false} : vector<512x512xf32>, vector<512x64xf32>, vector<512x64xf32> -> vector<512x64xf32>
    %ge3A = arith.constant 0.000000e+00 : f32
    %ge3A_86 = vector.broadcast %ge3A : f32 to vector<512x64xf32>
    %ge3A_87 = arith.cmpf oge, %dot_general3A_85, %ge3A_86 : vector<512x64xf32>
    %mul3A_88 = arith.constant 0.00999999977 : f32
    %mul3A_89 = vector.broadcast %mul3A_88 : f32 to vector<512x64xf32>
    %mul3A_90 = arith.mulf %mul3A_89, %dot_general3A_85 : vector<512x64xf32>
    %select_n3A = arith.select %ge3A_87, %dot_general3A_85, %mul3A_90 : vector<512x64xi1>, vector<512x64xf32>
    %dot_general3A_91 = arith.constant dense<0.000000e+00> : vector<512x64xf32>
    %dot_general3A_92 = tpu.matmul %convert_element_type3A_83, %add3A_73, %dot_general3A_91 {dimension_numbers = #tpu.dot_dimension_numbers<[1], [0], [0], [1], [0, 0, 1, 1], [], []>, transpose_lhs_hint = false} : vector<512x512xf32>, vector<512x64xf32>, vector<512x64xf32> -> vector<512x64xf32>
    %ge3A_93 = arith.constant 0.000000e+00 : f32
    %ge3A_94 = vector.broadcast %ge3A_93 : f32 to vector<512x64xf32>
    %ge3A_95 = arith.cmpf oge, %dot_general3A_92, %ge3A_94 : vector<512x64xf32>
    %mul3A_96 = arith.constant 0.00999999977 : f32
    %mul3A_97 = vector.broadcast %mul3A_96 : f32 to vector<512x64xf32>
    %mul3A_98 = arith.mulf %mul3A_97, %dot_general3A_92 : vector<512x64xf32>
    %select_n3A_99 = arith.select %ge3A_95, %dot_general3A_92, %mul3A_98 : vector<512x64xi1>, vector<512x64xf32>
    %add3A_100 = arith.addf %select_n3A, %select_n3A_99 : vector<512x64xf32>
    %mul3A_101 = arith.constant 5.000000e-01 : f32
    %mul3A_102 = vector.broadcast %mul3A_101 : f32 to vector<512x64xf32>
    %mul3A_103 = arith.mulf %mul3A_102, %add3A_100 : vector<512x64xf32>
    %transpose3A = tpu.transpose %mul3A_103, [1, 0] : vector<512x64xf32> -> vector<64x512xf32>
    %dot_general3A_104 = arith.constant dense<0.000000e+00> : vector<512x512xf32>
    %dot_general3A_105 = tpu.matmul %mul3A_103, %transpose3A, %dot_general3A_104 {dimension_numbers = #tpu.dot_dimension_numbers<[1], [0], [0], [1], [0, 0, 1, 1], [], []>, transpose_lhs_hint = false} : vector<512x64xf32>, vector<64x512xf32>, vector<512x512xf32> -> vector<512x512xf32>
    %mul3A_106 = arith.mulf %dot_general3A_105, %dot_general3A_105 : vector<512x512xf32>
    %reduce_sum3A_107 = arith.constant dense<0.000000e+00> : vector<512xf32>
    %reduce_sum3A_108 = vector.multi_reduction <add>, %mul3A_106, %reduce_sum3A_107 [1] : vector<512x512xf32> to vector<512xf32>
    %broadcast_in_dim3A_109 = vector.shape_cast %reduce_sum3A_108 : vector<512xf32> to vector<512x1xf32>
    %sqrt3A = math.sqrt %broadcast_in_dim3A_109 : vector<512x1xf32>
    %max3A_110 = arith.constant 9.99999996E-13 : f32
    %max3A_111 = vector.broadcast %max3A_110 : f32 to vector<512x1xf32>
    %max3A_112 = arith.maximumf %sqrt3A, %max3A_111 : vector<512x1xf32>
    %div3A_113 = vector.broadcast %max3A_112 : vector<512x1xf32> to vector<512x512xf32>
    %div3A_114 = arith.divf %dot_general3A_105, %div3A_113 : vector<512x512xf32>
    %add3A_115 = arith.constant 9.99999993E-9 : f32
    %add3A_116 = vector.broadcast %add3A_115 : f32 to vector<512x512xf32>
    %add3A_117 = arith.addf %div3A_114, %add3A_116 : vector<512x512xf32>
    %reduce_max3A = arith.constant dense<0xFF800000> : vector<512xf32>
    %reduce_max3A_118 = vector.multi_reduction <maximumf>, %add3A_117, %reduce_max3A [1] : vector<512x512xf32> to vector<512xf32>
    %broadcast_in_dim3A_119 = vector.shape_cast %reduce_max3A_118 : vector<512xf32> to vector<512x1xf32>
    %sub3A = vector.broadcast %broadcast_in_dim3A_119 : vector<512x1xf32> to vector<512x512xf32>
    %sub3A_120 = arith.subf %add3A_117, %sub3A : vector<512x512xf32>
    %exp3A = math.exp %sub3A_120 : vector<512x512xf32>
    %reduce_sum3A_121 = arith.constant dense<0.000000e+00> : vector<512xf32>
    %reduce_sum3A_122 = vector.multi_reduction <add>, %exp3A, %reduce_sum3A_121 [1] : vector<512x512xf32> to vector<512xf32>
    %broadcast_in_dim3A_123 = vector.shape_cast %reduce_sum3A_122 : vector<512xf32> to vector<512x1xf32>
    %log3A = math.log %broadcast_in_dim3A_123 : vector<512x1xf32>
    %add3A_124 = arith.addf %broadcast_in_dim3A_119, %log3A : vector<512x1xf32>
    %sub3A_125 = vector.broadcast %add3A_124 : vector<512x1xf32> to vector<512x512xf32>
    %sub3A_126 = arith.subf %add3A_117, %sub3A_125 : vector<512x512xf32>
    %iota3A_127 = tpu.iota {dimensions = array<i32: 1>} : vector<512x512xi32>
    %get3A_128 = arith.constant 0 : index
    %get3A_129 = arith.constant 0 : index
    %get3A_130 = vector.load %arg11[%get3A_128, %get3A_129] : memref<512x1xi32, #tpu.memory_space<vmem>>, vector<512x1xi32>
    %eq3A_131 = vector.broadcast %get3A_130 : vector<512x1xi32> to vector<512x512xi32>
    %eq3A_132 = arith.cmpi eq, %eq3A_131, %iota3A_127 : vector<512x512xi32>
    %jit3A_133 = arith.constant 0.000000e+00 : f32
    %broadcast_in_dim3A_134 = vector.broadcast %jit3A_133 : f32 to vector<512x512xf32>
    %select_n3A_135 = arith.select %eq3A_132, %sub3A_126, %broadcast_in_dim3A_134 : vector<512x512xi1>, vector<512x512xf32>
    %reduce_sum3A_136 = arith.constant dense<0.000000e+00> : vector<512xf32>
    %reduce_sum3A_137 = vector.multi_reduction <add>, %select_n3A_135, %reduce_sum3A_136 [1] : vector<512x512xf32> to vector<512xf32>
    %reduce_sum3A_138 = vector.shape_cast %reduce_sum3A_137 : vector<512xf32> to vector<1x512xf32>
    %reduce_sum3A_139 = arith.constant dense<0.000000e+00> : vector<1xf32>
    %reduce_sum3A_140 = vector.multi_reduction <add>, %reduce_sum3A_138, %reduce_sum3A_139 [1] : vector<1x512xf32> to vector<1xf32>
    %reduce_sum3A_141 = vector.shape_cast %reduce_sum3A_140 : vector<1xf32> to vector<1x1xf32>
    %reduce_sum3A_142 = vector.extract %reduce_sum3A_141[0, 0] : f32 from vector<1x1xf32>
    %div3A_143 = arith.constant 5.120000e+02 : f32
    %div3A_144 = arith.divf %reduce_sum3A_142, %div3A_143 : f32
    %neg3A = arith.constant 0.000000e+00 : f32
    %neg3A_145 = arith.subf %neg3A, %div3A_144 : f32
    %mul3A_146 = arith.mulf %dot_general3A_31, %dot_general3A_31 : vector<2000x128xf32>
    %reduce_sum3A_147 = arith.constant dense<0.000000e+00> : vector<2000xf32>
    %reduce_sum3A_148 = vector.multi_reduction <add>, %mul3A_146, %reduce_sum3A_147 [1] : vector<2000x128xf32> to vector<2000xf32>
    %broadcast_in_dim3A_149 = vector.shape_cast %reduce_sum3A_148 : vector<2000xf32> to vector<2000x1xf32>
    %sqrt3A_150 = math.sqrt %broadcast_in_dim3A_149 : vector<2000x1xf32>
    %max3A_151 = arith.constant 9.99999996E-13 : f32
    %max3A_152 = vector.broadcast %max3A_151 : f32 to vector<2000x1xf32>
    %max3A_153 = arith.maximumf %sqrt3A_150, %max3A_152 : vector<2000x1xf32>
    %div3A_154 = vector.broadcast %max3A_153 : vector<2000x1xf32> to vector<2000x128xf32>
    %div3A_155 = arith.divf %dot_general3A_31, %div3A_154 : vector<2000x128xf32>
    %mul3A_156 = arith.mulf %dot_general3A_38, %dot_general3A_38 : vector<2000x128xf32>
    %reduce_sum3A_157 = arith.constant dense<0.000000e+00> : vector<2000xf32>
    %reduce_sum3A_158 = vector.multi_reduction <add>, %mul3A_156, %reduce_sum3A_157 [1] : vector<2000x128xf32> to vector<2000xf32>
    %broadcast_in_dim3A_159 = vector.shape_cast %reduce_sum3A_158 : vector<2000xf32> to vector<2000x1xf32>
    %sqrt3A_160 = math.sqrt %broadcast_in_dim3A_159 : vector<2000x1xf32>
    %max3A_161 = arith.constant 9.99999996E-13 : f32
    %max3A_162 = vector.broadcast %max3A_161 : f32 to vector<2000x1xf32>
    %max3A_163 = arith.maximumf %sqrt3A_160, %max3A_162 : vector<2000x1xf32>
    %div3A_164 = vector.broadcast %max3A_163 : vector<2000x1xf32> to vector<2000x128xf32>
    %div3A_165 = arith.divf %dot_general3A_38, %div3A_164 : vector<2000x128xf32>
    %transpose3A_166 = tpu.transpose %div3A_165, [1, 0] : vector<2000x128xf32> -> vector<128x2000xf32>
    %dot_general3A_167 = arith.constant dense<0.000000e+00> : vector<2000x2000xf32>
    %dot_general3A_168 = tpu.matmul %div3A_155, %transpose3A_166, %dot_general3A_167 {dimension_numbers = #tpu.dot_dimension_numbers<[1], [0], [0], [1], [0, 0, 1, 1], [], []>, transpose_lhs_hint = false} : vector<2000x128xf32>, vector<128x2000xf32>, vector<2000x2000xf32> -> vector<2000x2000xf32>
    %div3A_169 = arith.constant 5.000000e-01 : f32
    %div3A_170 = vector.broadcast %div3A_169 : f32 to vector<2000x2000xf32>
    %div3A_171 = arith.divf %dot_general3A_168, %div3A_170 : vector<2000x2000xf32>
    %exp3A_172 = math.exp %div3A_171 : vector<2000x2000xf32>
    %reduce_sum3A_173 = arith.constant dense<0.000000e+00> : vector<2000xf32>
    %reduce_sum3A_174 = vector.multi_reduction <add>, %exp3A_172, %reduce_sum3A_173 [1] : vector<2000x2000xf32> to vector<2000xf32>
    %iota3A_175 = tpu.iota {dimensions = array<i32: 0>} : vector<2000x2000xi32>
    %iota3A_176 = tpu.iota {dimensions = array<i32: 1>} : vector<2000x2000xi32>
    %eq3A_177 = arith.cmpi eq, %iota3A_175, %iota3A_176 : vector<2000x2000xi32>
    %jit3A_178 = arith.constant 0.000000e+00 : f32
    %broadcast_in_dim3A_179 = vector.broadcast %jit3A_178 : f32 to vector<2000x2000xf32>
    %select_n3A_180 = arith.select %eq3A_177, %exp3A_172, %broadcast_in_dim3A_179 : vector<2000x2000xi1>, vector<2000x2000xf32>
    %reduce_sum3A_181 = arith.constant dense<0.000000e+00> : vector<2000xf32>
    %reduce_sum3A_182 = vector.multi_reduction <add>, %select_n3A_180, %reduce_sum3A_181 [1] : vector<2000x2000xf32> to vector<2000xf32>
    %div3A_183 = arith.divf %reduce_sum3A_182, %reduce_sum3A_174 : vector<2000xf32>
    %add3A_184 = arith.constant 9.99999993E-9 : f32
    %add3A_185 = vector.broadcast %add3A_184 : f32 to vector<2000xf32>
    %add3A_186 = arith.addf %div3A_183, %add3A_185 : vector<2000xf32>
    %log3A_187 = math.log %add3A_186 : vector<2000xf32>
    %reduce_sum3A_188 = vector.shape_cast %log3A_187 : vector<2000xf32> to vector<1x2000xf32>
    %reduce_sum3A_189 = arith.constant dense<0.000000e+00> : vector<1xf32>
    %reduce_sum3A_190 = vector.multi_reduction <add>, %reduce_sum3A_188, %reduce_sum3A_189 [1] : vector<1x2000xf32> to vector<1xf32>
    %reduce_sum3A_191 = vector.shape_cast %reduce_sum3A_190 : vector<1xf32> to vector<1x1xf32>
    %reduce_sum3A_192 = vector.extract %reduce_sum3A_191[0, 0] : f32 from vector<1x1xf32>
    %div3A_193 = arith.constant 2.000000e+03 : f32
    %div3A_194 = arith.divf %reduce_sum3A_192, %div3A_193 : f32
    %neg3A_195 = arith.constant 0.000000e+00 : f32
    %neg3A_196 = arith.subf %neg3A_195, %div3A_194 : f32
    %mul3A_197 = arith.mulf %select_n3A, %select_n3A : vector<512x64xf32>
    %reduce_sum3A_198 = arith.constant dense<0.000000e+00> : vector<512xf32>
    %reduce_sum3A_199 = vector.multi_reduction <add>, %mul3A_197, %reduce_sum3A_198 [1] : vector<512x64xf32> to vector<512xf32>
    %broadcast_in_dim3A_200 = vector.shape_cast %reduce_sum3A_199 : vector<512xf32> to vector<512x1xf32>
    %sqrt3A_201 = math.sqrt %broadcast_in_dim3A_200 : vector<512x1xf32>
    %max3A_202 = arith.constant 9.99999996E-13 : f32
    %max3A_203 = vector.broadcast %max3A_202 : f32 to vector<512x1xf32>
    %max3A_204 = arith.maximumf %sqrt3A_201, %max3A_203 : vector<512x1xf32>
    %div3A_205 = vector.broadcast %max3A_204 : vector<512x1xf32> to vector<512x64xf32>
    %div3A_206 = arith.divf %select_n3A, %div3A_205 : vector<512x64xf32>
    %mul3A_207 = arith.mulf %select_n3A_99, %select_n3A_99 : vector<512x64xf32>
    %reduce_sum3A_208 = arith.constant dense<0.000000e+00> : vector<512xf32>
    %reduce_sum3A_209 = vector.multi_reduction <add>, %mul3A_207, %reduce_sum3A_208 [1] : vector<512x64xf32> to vector<512xf32>
    %broadcast_in_dim3A_210 = vector.shape_cast %reduce_sum3A_209 : vector<512xf32> to vector<512x1xf32>
    %sqrt3A_211 = math.sqrt %broadcast_in_dim3A_210 : vector<512x1xf32>
    %max3A_212 = arith.constant 9.99999996E-13 : f32
    %max3A_213 = vector.broadcast %max3A_212 : f32 to vector<512x1xf32>
    %max3A_214 = arith.maximumf %sqrt3A_211, %max3A_213 : vector<512x1xf32>
    %div3A_215 = vector.broadcast %max3A_214 : vector<512x1xf32> to vector<512x64xf32>
    %div3A_216 = arith.divf %select_n3A_99, %div3A_215 : vector<512x64xf32>
    %transpose3A_217 = tpu.transpose %div3A_216, [1, 0] : vector<512x64xf32> -> vector<64x512xf32>
    %dot_general3A_218 = arith.constant dense<0.000000e+00> : vector<512x512xf32>
    %dot_general3A_219 = tpu.matmul %div3A_206, %transpose3A_217, %dot_general3A_218 {dimension_numbers = #tpu.dot_dimension_numbers<[1], [0], [0], [1], [0, 0, 1, 1], [], []>, transpose_lhs_hint = false} : vector<512x64xf32>, vector<64x512xf32>, vector<512x512xf32> -> vector<512x512xf32>
    %div3A_220 = arith.constant 5.000000e-01 : f32
    %div3A_221 = vector.broadcast %div3A_220 : f32 to vector<512x512xf32>
    %div3A_222 = arith.divf %dot_general3A_219, %div3A_221 : vector<512x512xf32>
    %exp3A_223 = math.exp %div3A_222 : vector<512x512xf32>
    %reduce_sum3A_224 = arith.constant dense<0.000000e+00> : vector<512xf32>
    %reduce_sum3A_225 = vector.multi_reduction <add>, %exp3A_223, %reduce_sum3A_224 [1] : vector<512x512xf32> to vector<512xf32>
    %iota3A_226 = tpu.iota {dimensions = array<i32: 0>} : vector<512x512xi32>
    %iota3A_227 = tpu.iota {dimensions = array<i32: 1>} : vector<512x512xi32>
    %eq3A_228 = arith.cmpi eq, %iota3A_226, %iota3A_227 : vector<512x512xi32>
    %jit3A_229 = arith.constant 0.000000e+00 : f32
    %broadcast_in_dim3A_230 = vector.broadcast %jit3A_229 : f32 to vector<512x512xf32>
    %select_n3A_231 = arith.select %eq3A_228, %exp3A_223, %broadcast_in_dim3A_230 : vector<512x512xi1>, vector<512x512xf32>
    %reduce_sum3A_232 = arith.constant dense<0.000000e+00> : vector<512xf32>
    %reduce_sum3A_233 = vector.multi_reduction <add>, %select_n3A_231, %reduce_sum3A_232 [1] : vector<512x512xf32> to vector<512xf32>
    %div3A_234 = arith.divf %reduce_sum3A_233, %reduce_sum3A_225 : vector<512xf32>
    %add3A_235 = arith.constant 9.99999993E-9 : f32
    %add3A_236 = vector.broadcast %add3A_235 : f32 to vector<512xf32>
    %add3A_237 = arith.addf %div3A_234, %add3A_236 : vector<512xf32>
    %log3A_238 = math.log %add3A_237 : vector<512xf32>
    %reduce_sum3A_239 = vector.shape_cast %log3A_238 : vector<512xf32> to vector<1x512xf32>
    %reduce_sum3A_240 = arith.constant dense<0.000000e+00> : vector<1xf32>
    %reduce_sum3A_241 = vector.multi_reduction <add>, %reduce_sum3A_239, %reduce_sum3A_240 [1] : vector<1x512xf32> to vector<1xf32>
    %reduce_sum3A_242 = vector.shape_cast %reduce_sum3A_241 : vector<1xf32> to vector<1x1xf32>
    %reduce_sum3A_243 = vector.extract %reduce_sum3A_242[0, 0] : f32 from vector<1x1xf32>
    %div3A_244 = arith.constant 5.120000e+02 : f32
    %div3A_245 = arith.divf %reduce_sum3A_243, %div3A_244 : f32
    %neg3A_246 = arith.constant 0.000000e+00 : f32
    %neg3A_247 = arith.subf %neg3A_246, %div3A_245 : f32
    %get3A_248 = arith.constant 0 : index
    %get3A_249 = arith.constant 0 : index
    %get3A_250 = vector.load %arg12[%get3A_248, %get3A_249] : memref<1x2xf32, #tpu.memory_space<vmem>>, vector<1x2xf32>
    %slice3A_251 = vector.extract_strided_slice %get3A_250 {offsets = [0, 0], sizes = [1, 1], strides = [1, 1]} : vector<1x2xf32> to vector<1x1xf32>
    %squeeze3A = vector.extract %slice3A_251[0, 0] : f32 from vector<1x1xf32>
    %mul3A_252 = arith.mulf %squeeze3A, %neg3A_196 : f32
    %add3A_253 = arith.addf %neg3A_145, %mul3A_252 : f32
    %slice3A_254 = vector.extract_strided_slice %get3A_250 {offsets = [0, 1], sizes = [1, 1], strides = [1, 1]} : vector<1x2xf32> to vector<1x1xf32>
    %squeeze3A_255 = vector.extract %slice3A_254[0, 0] : f32 from vector<1x1xf32>
    %mul3A_256 = arith.mulf %squeeze3A_255, %neg3A_247 : f32
    %add3A_257 = arith.addf %add3A_253, %mul3A_256 : f32
    %swap3A = arith.constant 0 : index
    %swap3A_258 = arith.constant 0 : index
    %swap3A_259 = vector.load %arg13[%swap3A, %swap3A_258] : memref<512x64xf32, #tpu.memory_space<vmem>>, vector<512x64xf32>
    tpu.vector_store %arg13[%swap3A, %swap3A_258], %mul3A_103 {strides = array<i32>} : memref<512x64xf32, #tpu.memory_space<vmem>>, vector<512x64xf32>,
    %swap3A_260 = arith.constant 0 : index
    %swap3A_261 = arith.constant 0 : index
    %swap3A_262 = vector.load %arg14[%swap3A_260, %swap3A_261] : memref<512x64xf32, #tpu.memory_space<vmem>>, vector<512x64xf32>
    tpu.vector_store %arg14[%swap3A_260, %swap3A_261], %add3A_60 {strides = array<i32>} : memref<512x64xf32, #tpu.memory_space<vmem>>, vector<512x64xf32>,
    %swap3A_263 = arith.constant 0 : index
    %swap3A_264 = arith.constant 0 : index
    %swap3A_265 = vector.load %arg15[%swap3A_263, %swap3A_264] : memref<512x512xf32, #tpu.memory_space<vmem>>, vector<512x512xf32>
    tpu.vector_store %arg15[%swap3A_263, %swap3A_264], %div3A_114 {strides = array<i32>} : memref<512x512xf32, #tpu.memory_space<vmem>>, vector<512x512xf32>,
    %reshape3A = vector.broadcast %add3A_257 : f32 to vector<1x1xf32>
    %swap3A_266 = arith.constant 0 : index
    %swap3A_267 = arith.constant 0 : index
    %swap3A_268 = vector.load %arg16[%swap3A_266, %swap3A_267] : memref<1x1xf32, #tpu.memory_space<vmem>>, vector<1x1xf32>
    tpu.vector_store %arg16[%swap3A_266, %swap3A_267], %reshape3A {strides = array<i32>} : memref<1x1xf32, #tpu.memory_space<vmem>>, vector<1x1xf32>,
    return
  }
}

</mosaic_0001>

<sc_bundles>
// kernel: kernel.10.cloned.1.call-start
scs
__scs_entry_jumppad:
0x0: {  	(pc) =	sbr.rel $0x88, $3  }
0x1: {  	(tag) =	ssettag $0x0;
	lr =	simm.s32 $0x1  }
0x2: {  	[smem:$0x3F8C] =	sst lr;
	_ =	strace $0xD0000000  }
0x3: {  	_ = 	snop  }
0x4: {  	_ = 	snop  }
0x5: {  	_ = 	snop  }
0x6: {  	_ = 	snop  }
0x7: {  	_ = 	snop  }
__scs_overlays_trampoline_lowered:
0x8: {  	[smem:$0x3F9B] =	sst s0  }
0x9: {  	[smem:$0x3F9C] =	sst s1  }
0xa: {  	[smem:$0x3F9D] =	sst s2  }
0xb: {  	[smem:$0x3F9E] =	sst s3  }
0xc: {  	[smem:$0x3F9F] =	sst s4  }
0xd: {  	[smem:$0x3FA0] =	sst s5  }
0xe: {  	[smem:$0x3FA1] =	sst s6  }
0xf: {  	[smem:$0x3FA2] =	sst s7  }
0x10: {  	[smem:$0x3FA3] =	sst s8  }
0x11: {  	[smem:$0x3FA4] =	sst s9;
	s0 =	simm.s32 @!p0 $0x0  }
0x12: {  	s1 =	sld [smem:$0x3F8A];
	s0 =	simm.s32 @p0 $0x1  }
0x13: {  	[smem:$0x3FA5] =	sst s0;
	s0 =	simm.s32 @!p1 $0x0  }
0x14: {  	s2 =	sld [smem:$0x3F89];
	s0 =	simm.s32 @p1 $0x1  }
0x15: {  	[smem:$0x3FA6] =	sst s0;
	s0 =	simm.s32 @!p2 $0x0  }
0x16: {  	s3 =	sld [smem:$0x3FDB];
	s0 =	simm.s32 @p2 $0x1  }
0x17: {  	s4 =	simm.s32 $0x1BF5;
	[smem:$0x3FA8] =	sst s0  }
0x18: {  	s0 =	sld [smem:$0x3F8B];
	_ =	swait.ge [sflag:s4], $0x0  }
0x19: {  	s7 =	sld [smem:$0x3F8C]  }
0x1a: {  	s8 =	sadd.s32 $0xFFFFE003, lr  }
0x1b: {  	s9 =	sadd.s32 $0xFFFFFEF7, lr;
	s5 =	simm.s32 $0xFFFFFFFF;
	p2 =	slt.u32 s8, $0xFFFFF086  }
0x1c: {  	p1 =	slt.u32 s9, $0xF7A;
	s5 =	simm.s32 @!p2 $0x0  }
0x1d: {  	s5 =	simm.s32 @p1 $0x1;
	p0 =	seq.s32 s7, s2  }
0x1e: {  	s7 =	smul.u32 @!p0 $0xF7A, s2;
	p2 =	seq.s32 @!p0 s5, $0x0  }
0x1f: {  	s9 =	smul.u32 $0xF7A, s1;
	s8 =	simm.s32 @!p0 $0x1BF5;
	p2 =	por !p2, p0  }
0x20: {  	[sflag:s8] =	ssyncset.s32 @!p0 $0xFFFFF086;
	s6 =	sadd.s32 @!p0 s3, s7;
	s7 =	simm.s32 @!p0 $0x108  }
0x21: {  	s3 =	sadd.s32 s3, s9;
	s6 =	sadd.s32 @!p0 $0x88, s6;
	s7 =	simm.s32 @p2 $0x1082  }
0x22: {  	[simem:s7], [sflag:s8] =	dma.local @!p0 [hbm:s6], $0xF7A  }
0x23: {  	s9 =	sor.u32 $0xD0000000, s2;
	s6 =	simm.s32 $0x108;
	_ =	swait.ge @!p0 [sflag:s8], $0x0  }
0x24: {  	s3 =	sadd.s32 $0x88, s3;
	s6 =	simm.s32 @!p1 $0x1082;
	[sflag:s4] =	ssyncset.s32 $0xFFFFF086  }
0x25: {  	[simem:s6], [sflag:s4] =	dma.local [hbm:s3], $0xF7A  }
0x26: {  	[smem:$0x3F8C] =	sst s1;
	(tag) =	ssettag s2;
	_ =	strace s9  }
0x27: {  	s1 =	sld [smem:$0x3F9C]  }
0x28: {  	s2 =	sld [smem:$0x3F9D]  }
0x29: {  	s4 =	sld [smem:$0x3F9F]  }
0x2a: {  	p0 =	seq.s32 s5, $0x0;
	s5 =	sld [smem:$0x3FA0]  }
0x2b: {  	s6 =	sld [smem:$0x3FA1]  }
0x2c: {  	s7 =	sld [smem:$0x3FA2]  }
0x2d: {  	s3 =	simm.s32 $0x108;
	s8 =	sld [smem:$0x3FA3]  }
0x2e: {  	s3 =	simm.s32 @!p0 $0x1082;
	s9 =	sld [smem:$0x3FA4]  }
0x2f: {  	lr =	sadd.s32 s0, s3;
	s0 =	sld [smem:$0x3F9B]  }
0x30: {  	s3 =	sld [smem:$0x3F9E]  }
0x31: {  	[smem:$0x3FA7] =	sst s10  }
0x32: {  	s10 =	sld [smem:$0x3FA5];
	_ =	sdelay $0x3  }
0x33: {  	p0 =	seq.s32 s10, $0x1;
	s10 =	sld [smem:$0x3FA7];
	_ =	sdelay $0x3  }
0x34: {  	[smem:$0x3FA7] =	sst s10  }
0x35: {  	s10 =	sld [smem:$0x3FA6];
	_ =	sdelay $0x3  }
0x36: {  	p1 =	seq.s32 s10, $0x1;
	s10 =	sld [smem:$0x3FA7];
	_ =	sdelay $0x3  }
0x37: {  	[smem:$0x3FA7] =	sst s10  }
0x38: {  	s10 =	sld [smem:$0x3FA8]  }
0x39: {  	_ = 	snop;
	(pc) =	sbr.ind lr, $3  }
0x3a: {  	_ = 	snop  }
0x3b: {  	_ = 	snop  }
0x3c: {  	p2 =	seq.s32 s10, $0x1;
	s10 =	sld [smem:$0x3FA7]  }
0x3d: {  	_ =	shalt  }
0x3e: {  	_ =	shalt  }
0x3f: {  	_ =	shalt  }
0x40: {  	_ =	shalt  }
0x41: {  	_ =	shalt  }
0x42: {  	_ =	shalt  }
0x43: {  	_ =	shalt  }
0x44: {  	_ =	shalt  }
0x45: {  	_ =	shalt  }
0x46: {  	_ =	shalt  }
0x47: {  	_ =	shalt  }
0x48: {  	_ =	shalt  }
0x49: {  	_ =	shalt  }
0x4a: {  	_ =	shalt  }
0x4b: {  	_ =	shalt  }
0x4c: {  	_ =	shalt  }
0x4d: {  	_ =	shalt  }
0x4e: {  	_ =	shalt  }
0x4f: {  	_ =	shalt  }
0x50: {  	_ =	shalt  }
0x51: {  	_ =	shalt  }
0x52: {  	_ =	shalt  }
0x53: {  	_ =	shalt  }
0x54: {  	_ =	shalt  }
0x55: {  	_ =	shalt  }
0x56: {  	_ =	shalt  }
0x57: {  	_ =	shalt  }
0x58: {  	_ =	shalt  }
0x59: {  	_ =	shalt  }
0x5a: {  	_ =	shalt  }
0x5b: {  	_ =	shalt  }
0x5c: {  	_ =	shalt  }
0x5d: {  	_ =	shalt  }
0x5e: {  	_ =	shalt  }
0x5f: {  	_ =	shalt  }
0x60: {  	_ =	shalt  }
0x61: {  	_ =	shalt  }
0x62: {  	_ =	shalt  }
0x63: {  	_ =	shalt  }
0x64: {  	_ =	shalt  }
0x65: {  	_ =	shalt  }
0x66: {  	_ =	shalt  }
0x67: {  	_ =	shalt  }
0x68: {  	_ =	shalt  }
0x69: {  	_ =	shalt  }
0x6a: {  	_ =	shalt  }
0x6b: {  	_ =	shalt  }
0x6c: {  	_ =	shalt  }
0x6d: {  	_ =	shalt  }
0x6e: {  	_ =	shalt  }
0x6f: {  	_ =	shalt  }
0x70: {  	_ =	shalt  }
0x71: {  	_ =	shalt  }
0x72: {  	_ =	shalt  }
0x73: {  	_ =	shalt  }
0x74: {  	_ =	shalt  }
0x75: {  	_ =	shalt  }
0x76: {  	_ =	shalt  }
0x77: {  	_ =	shalt  }
0x78: {  	_ =	shalt  }
0x79: {  	_ =	shalt  }
0x7a: {  	_ =	shalt  }
0x7b: {  	_ =	shalt  }
0x7c: {  	_ =	shalt  }
0x7d: {  	_ =	shalt  }
0x7e: {  	_ =	shalt  }
0x7f: {  	_ =	shalt  }
0x80: {  	_ =	shalt  }
0x81: {  	_ =	shalt  }
0x82: {  	_ =	shalt  }
0x83: {  	_ =	shalt  }
0x84: {  	_ =	shalt  }
0x85: {  	_ =	shalt  }
0x86: {  	_ =	shalt  }
0x87: {  	_ =	shalt  }
.Lfunc_end0:
.L_simem_size_0:
called_computation_lowered:
.L_overlay_start_0:
0x88: {  	s2 =	sld [smem:$0x3FD9]  }
0x89: {  	s3 =	sld [smem:$0x3FFE];
	_ =	sdelay $0x1  }
0x8a: {  	s1 =	srdreg.scid  }
0x8b: {  	s0 =	sand.u32 $0x1, s1  }
0x8c: {  	s14 =	sshll.u32 s0, $0xA;
	s2 =	sadd.s32 s3, s2  }
0x8d: {  	s2 =	sadd.s32 s2, s14  }
0x8e: {  	[smem:$0x3FB3] =	sst s2  }
0x8f: {  	_ = 	snop  }
0x90: {  	s2 =	sld [smem:$0x3FD0];
	_ =	sdelay $0x1  }
0x91: {  	s15 =	sld [smem:$0x3FBE]  }
0x92: {  	s5 =	simm.s32 $0xA;
	s6 =	simm.s32 $0x10;
	s4 =	sld [smem:$0x3FBD]  }
0x93: {  	[smem:s6], [sflag:s5] =	dma.local [hbm:s2], $0x1  }
0x94: {  	_ =	swait.eq [sflag:s5], $0x1  }
0x95: {  	[sflag:s5] =	ssyncset.done $0x0  }
0x96: {  	[sflag:s5] =	ssyncadd.s32 $0xFFFFFFFF  }
0x97: {  	s16 =	sld [smem:$0x12];
	(tm) =	ssettm $0x1  }
0x98: {  	s17 =	sld [smem:$0x3FFB];
	_ =	sdelay $0x3  }
0x99: {  	_ =	strace s17  }
0x9a: {  	s5 =	sld [smem:$0x3FFC];
	_ =	sdelay $0x3  }
0x9b: {  	_ =	strace s5  }
0x9c: {  	s5 =	sld [smem:$0x3FFD];
	_ =	sdelay $0x3  }
0x9d: {  	_ =	strace s5  }
0x9e: {  	_ =	strace $0x8FFFFFFF  }
0x9f: {  	s18 =	sld [smem:$0x3FDB];
	_ =	sdelay $0x1  }
0xa0: {  	s19 =	simm.s32 $_scs_section_size  }
0xa1: {  	s7 =	simm.s32 $_size__tile_overlayer_lowered;
	s8 =	simm.s32 $_tile_overlayer_lowered  }
0xa2: {  	s22 =	simm.s32 $0x1BFF;
	s21 =	sshll.u32 s8, $0x1;
	s5 =	sadd.s32 s19, s18  }
0xa3: {  	s9 =	simm.s32 $0x0;
	s20 =	sshll.u32 s7, $0x1;
	s7 =	sadd.s32 s21, s5  }
0xa4: {  	[timem:s9], [sflag:s22] =	dma.local [hbm:s7], s20  }
0xa5: {  	_ =	swait.ge [sflag:s22], s20  }
0xa6: {  	s6 =	ssub.s32 $0x0, s20;
	[sflag:s22] =	ssyncset.done $0x0  }
0xa7: {  	[sflag:s22] =	ssyncadd.s32 s6;
	_ =	sdelay $0x1  }
0xa8: {  	s23 =	simm.s32 $0x1B8B  }
0xa9: {  	_ =	swait.ge [sflag:s23], $0x1  }
0xaa: {  	[sflag:s23] =	ssyncset.done $0x0  }
0xab: {  	s25 =	simm.s32 $0x1B8E;
	s24 =	sld [smem:$0x3FFE];
	[sflag:s23] =	ssyncadd.s32 $0xFFFFFFFF  }
0xac: {  	s26 =	simm.s32 $execute0_lowered;
	[smem:$0x3FD2] =	sst s25  }
0xad: {  	s7 =	sshll.u32 s26, $0x1;
	_ =	strace $0x80000046;
	[dreg:$0x1] =	wrdreg $0xFFFFFFFF  }
0xae: {  	s28 =	simm.s32 $_size_execute0_lowered;
	s5 =	sadd.s32 s5, s7;
	[dreg:$0x0] =	wrdreg $0x0  }
0xaf: {  	s7 =	sshll.u32 s28, $0x1;
	[dreg:$0x2] =	wrdreg s5  }
0xb0: {  	[dreg:$0x3] =	wrdreg s7  }
0xb1: {  	[dreg:$0x4] =	wrdreg $0xC0  }
0xb2: {  	_ =	task [dreg:s9], $0x5FFFF  }
0xb3: {  	[dreg:$0x1] =	wrdreg $0xFFFFFFFF  }
0xb4: {  	[dreg:$0x0] =	wrdreg $0x60  }
0xb5: {  	[dreg:$0x2] =	wrdreg s24  }
0xb6: {  	[dreg:$0x3] =	wrdreg s16  }
0xb7: {  	[dreg:$0x4] =	wrdreg s15  }
0xb8: {  	[dreg:$0x5] =	wrdreg s4  }
0xb9: {  	[dreg:$0x6] =	wrdreg $0xA8000  }
0xba: {  	[dreg:$0x7] =	wrdreg $0x9  }
0xbb: {  	_ =	task.clear_ibuf [dreg:s9], $0x8FFFF;
	_ =	strace $0x90000046  }
0xbc: {  	s29 =	simm.s32 $0x9;
	_ =	strace $0x80000048  }
0xbd: {  	_ =	swait.ge [sflag:s29], $0x1  }
0xbe: {  	[sflag:s29] =	ssyncadd.s32 $0xFFFFFFFF  }
0xbf: {  	_ =	strace $0x90000048  }
0xc0: {  	_ =	sfence  }
0xc1: {  	s30 =	sld [smem:$0x0];
	_ =	sdelay $0x2  }
0xc2: {  	s31 =	sshll.u32 s1, $0xD;
	s1 =	sshrl.u32 s1, $0x2  }
0xc3: {  	s3 =	sand.u32 $0x4000, s31;
	s1 =	sadd.s32 s1, s30  }
0xc4: {  	s0 =	sor.u32 s3, s0;
	s1 =	sshll.u32 s1, $0x11  }
0xc5: {  	s0 =	sor.u32 s1, s0  }
0xc6: {  	s0 =	sadd.s32 $0x8F2B, s0  }
0xc7: {  	[sflag:s0] =	ssyncadd.remote.s32 $0x1  }
0xc8: {  	_ =	sfence.sel $0xFFFF  }
0xc9: {  	[dreg:$0x0] =	wrdreg $0xFFFFFFFF;
	(pc) =	sbr.abs _section_cstart, $3  }
0xca: {  	[dreg:$0x1] =	wrdreg $0xFFFFFFFF  }
0xcb: {  	_ =	task.clear_ibuf [dreg:s9], $0x2FFFF;
	_ =	strace $0x9FFFFFFF  }
0xcc: {  	(tm) =	ssettm $0x7FFFFFFF  }
0xcd: {  	_ =	shalt  }
tec
execute0_lowered:
.L_overlay_start_1:
0x0: {  	(tag) =	ssettag $0x1  }
0x1: {  	s0 =	rddreg [dreg:$0x0]  }
0x2: {  	s5 =	rddreg [dreg:$0x1]  }
0x3: {  	s2 =	rddreg [dreg:$0x3]  }
0x4: {  	s3 =	rddreg [dreg:$0x4];
	s1 =	stileid.u32  }
0x5: {  	s6 =	srdreg.scid;
	s4 =	simm.s32 $0x0;
	s12 =	smul.u32 $0x4E000, s1  }
0x6: {  	s30 =	simm.s32 $0x3;
	s31 =	simm.s32 $0x5;
	s24 =	smul.u32 $0x2700, s1  }
0x7: {  	s8 =	sand.u32 $0x1, s6;
	[smem:$0x7FF] =	sst s4;
	s21 =	smul.u32 $0x3200, s1  }
0x8: {  	s6 =	sadd.s32 $0x27E00, s0;
	s7 =	sadd.s32 $0x2600, s0;
	s29 =	smul.u32 $0x1400, s1  }
0x9: {  	s14 =	sadd.s32 $0x1B600, s0;
	s18 =	sadd.s32 $0x59E00, s0;
	s10 =	smul.u32 $0x27100, s8  }
0xa: {  	s22 =	sshll.u32 s1, $0x6;
	p0 =	sne.s32 s1, $0xF;
	s11 =	smul.u32 $0x7D00, s8  }
0xb: {  	_ =	strace $0x80000047;
	s9 =	sshll.u32 s8, $0x4;
	s19 =	smul.u32 $0x32000, s8  }
0xc: {  	s16 =	ssub.s32 $0x2, s8;
	s8 =	smul.u32 $0x14000, s8;
	s22 =	sor.u32 $0x1C09, s22  }
0xd: {  	s13 =	sor.u32 s1, s9;
	s9 =	sadd.s32 $0x40E00, s0;
	s20 =	sshrl.u32 s16, $0x1  }
0xe: {  	s12 =	sshrl.u32 s12, $0x2;
	[dreg:$0x6] =	wrdreg s24;
	s17 =	smul.u32 $0x6400, s13  }
0xf: {  	[dreg:$0xc] =	wrdreg s22;
	s15 =	smul.u32 $0x3200, s13;
	s20 =	ssub.s32 s16, s20  }
0x10: {  	s12 =	sadd.s32 s12, s3;
	s16 =	sadd.s32 s21, s19;
	s19 =	smul.u32 $0xF80, s1  }
0x11: {  	s8 =	sadd.s32 s29, s8;
	s25 =	smul.u32 $0x1400, s13;
	[dreg:$0x7] =	wrdreg s12  }
0x12: {  	s21 =	sor.u32 $0x180, s16;
	s12 =	sor.u32 $0x100, s16;
	s26 =	sshrl.u32 s15, $0x3  }
0x13: {  	s29 =	sshrl.u32 s12, $0x3;
	s15 =	sor.u32 $0x180, s8;
	s16 =	sshrl.u32 s25, $0x3  }
0x14: {  	s8 =	sor.u32 $0x100, s8;
	s19 =	sadd.s32 s18, s19;
	s25 =	sadd.s32 s18, s24  }
0x15: {  	s24 =	smul.u32 $0x1F000, s1;
	s23 =	sadd.s32 s14, s26;
	s26 =	sshrl.u32 s21, $0x3  }
0x16: {  	s13 =	sadd.s32 s29, s14;
	s21 =	sadd.s32 s5, s16;
	[dreg:$0xa] =	wrdreg s19  }
0x17: {  	s8 =	sshrl.u32 s8, $0x3;
	[dreg:$0xb] =	wrdreg s25;
	s12 =	sadd.s32 s26, s14  }
0x18: {  	s14 =	sshrl.u32 s15, $0x3;
	s16 =	sadd.s32 s8, s5;
	[dreg:$0x8] =	wrdreg s23  }
0x19: {  	s8 =	sshrl.u32 s24, $0x2;
	s23 =	sadd.s32 $0x10, s23;
	[dreg:$0x9] =	wrdreg s21  }
0x1a: {  	s24 =	sadd.s32 $0x10, s21;
	s15 =	sadd.s32 s14, s5;
	[smem:$0x7FA] =	sst s23  }
0x1b: {  	s5 =	sshrl.u32 s17, $0x3;
	s8 =	sadd.s32 s8, s3;
	[smem:$0x7FB] =	sst s24  }
0x1c: {  	s10 =	sadd.s32 s10, s0;
	s26 =	sadd.s32 s6, s5;
	[dreg:$0x15] =	wrdreg s8  }
0x1d: {  	s11 =	sadd.s32 s11, s0;
	s29 =	sadd.s32 s7, s5;
	[dreg:$0xd] =	wrdreg s26  }
0x1e: {  	s14 =	sadd.s32 s9, s5;
	s5 =	sor.u32 $0x10, s5;
	[dreg:$0xe] =	wrdreg s29  }
0x1f: {  	s28 =	sor.u32 $0x180, s17;
	[dreg:$0xf] =	wrdreg s14;
	s18 =	sadd.s32 s6, s5  }
0x20: {  	s25 =	smul.u32 $0xF000, s1;
	s19 =	sadd.s32 s7, s5;
	[dreg:$0x10] =	wrdreg s18  }
0x21: {  	s21 =	simm.s32 $0x2000;
	s5 =	sadd.s32 s9, s5;
	[dreg:$0x11] =	wrdreg s19  }
0x22: {  	s23 =	simm.s32 $0x380;
	s29 =	sadd.s32 $0xA0400, s10;
	[dreg:$0x12] =	wrdreg s5  }
0x23: {  	s24 =	simm.s32 $0x7400;
	s10 =	sadd.s32 $0xEE600, s10;
	[dreg:$0x13] =	wrdreg s29  }
0x24: {  	s26 =	sor.u32 $0x100, s17;
	s17 =	sadd.s32 $0x81000, s11;
	[dreg:$0x14] =	wrdreg s10  }
0x25: {  	s8 =	simm.s32 $0x1;
	s10 =	sadd.s32 $0x80E00, s0;
	[dreg:$0x19] =	wrdreg s17  }
0x26: {  	s5 =	sshrl.u32 s25, $0x2;
	s0 =	sadd.s32 $0x69600, s0;
	[dreg:$0x16] =	wrdreg s10  }
0x27: {  	s18 =	sadd.s32 $0x90A00, s11;
	s19 =	smax.u32 s20, $0x1;
	[dreg:$0x17] =	wrdreg s0  }
0x28: {  	s20 =	sadd.s32 $0x138000, s3;
	s25 =	smul.u32 $0x780, s1;
	[dreg:$0x1a] =	wrdreg s18  }
0x29: {  	s17 =	simm.s32 $0x32;
	s11 =	simm.s32 $0x300;
	[dreg:$0x1b] =	wrdreg s19  }
0x2a: {  	s14 =	sadd.s32 s5, s3;
	s0 =	sadd.s32 $0x7C000, s3;
	[dreg:$0x1f] =	wrdreg s20  }
0x2b: {  	s5 =	sadd.s32 $0x3C000, s3;
	s10 =	simm.s32 $0x4;
	[smem:$0x7FC] =	sst s25  }
0x2c: {  	s18 =	simm.s32 $0x6;
	s0 =	sshrl.u32 @!p0 s0, $0x3;
	[dreg:$0x18] =	wrdreg s14  }
0x2d: {  	s19 =	simm.s32 $0x64;
	[dreg:$0x1c] =	wrdreg s0;
	s0 =	sshrl.u32 @!p0 s5, $0x3  }
0x2e: {  	s29 =	sadd.s32 $0x3E800, s14;
	[dreg:$0x1d] =	wrdreg s0;
	s0 =	sadd.s32 $0x7A800, s3  }
0x2f: {  	s25 =	simm.s32 $0x9;
	[smem:$0x7FD] =	sst s29;
	s0 =	sshrl.u32 @!p0 s0, $0x3  }
0x30: {  	v0 =	vimm.f32 $1.000000000e+00;
	s14 =	simm.s32 $0x0;
	[dreg:$0x1e] =	wrdreg s0;
	s0 =	simm.s32 $0x2  }
.LBB2_1:
0x31: {  	[smem:$0x7F7] =	sst s14  }
0x32: {  	s1 =	rddreg [dreg:$0x7]  }
0x33: {  	s20 =	rddreg [dreg:$0xb];
	s5 =	sshrl.u32 s1, $0x3  }
0x34: {  	[smem:$0x7F8] =	sst s5  }
0x35: {  	[spmem:s5], [sflag:s22] =	dma.local [hbm:s20], $0x2700  }
0x36: {  	_ =	swait.ge [sflag:s25], $0x2700  }
0x37: {  	s1 =	rddreg [dreg:$0x1f]  }
0x38: {  	[sflag:s25] =	ssyncset.done $0x0;
	s5 =	sshrl.u32 @!p0 s1, $0x3;
	s1 =	rddreg [dreg:$0x16]  }
0x39: {  	[sflag:s25] =	ssyncadd.s32 $0xFFFFD900;
	[smem:$0x7F9] =	sst s5  }
0x3a: {  	[spmem:s5], [sflag:s22] =	dma.local @!p0 [hbm:s1], $0x100  }
0x3b: {  	s29 =	sand.u32 $0xFE00, s4;
	s5 =	simm.s32 @!p0 $0x9  }
0x3c: {  	s14 =	sshrl.u32 s29, $0x2;
	s20 =	sand.u32 $0x70, s4;
	_ =	swait.ge @!p0 [sflag:s5], $0x100  }
0x3d: {  	s20 =	sor.u32 s20, s14;
	[sflag:s5] =	ssyncset.done @!p0 $0x0  }
0x3e: {  	s14 =	simm.s32 $0x0;
	[sflag:s5] =	ssyncadd.s32 @!p0 $0xFFFFFF00;
	s5 =	simm.s32 $0x40  }
.LBB2_2:
0x3f: {  	p1 =	sne.s32 s5, $0xC7C0  }
0x40: {  	[tilespmem:s20+$0x7400] =	vst v0;
	s14 =	sadd.s32 $0x10, s14;
	s20 =	smov.u32 s5;
	s5 =	sadd.s32 $0x40, s5  }
.Ltmp0:
0x41: {  	(pc) =	sbr.rel @p1 .LBB2_2-.Ltmp0, $4  }
0x42: {  	_ = 	snop  }
0x43: {  	s20 =	sand.u32 $0xFE00, s20  }
0x44: {  	s22 =	sand.u32 $0x70, s14;
	s20 =	sshrl.u32 s20, $0x2  }
0x45: {  	s20 =	sor.u32 s22, s20  }
0x46: {  	[tilespmem:s20+$0x7400] =	vst v0  }
0x47: {  	[bflag:$0x0] =	sbarrier.arrive $0xFFFF  }
0x48: {  	s14 =	simm.s32 $0x0;
	s1 =	rddreg [dreg:$0xd]  }
0x49: {  	[tilespmem:s14], [sflag:$0x1] =	stream.linear.gather [hbm4b:s1+s14], $0x80, $0x38;
	[tilespmem:$0x1E080] =	vst v63  }
0x4a: {  	s5 =	simm.s32 $0x100;
	s29 =	rddreg [dreg:$0xe]  }
0x4b: {  	[tilespmem:s5], [sflag:$0x1] =	stream.linear.gather [hbm4b:s29+s14], $0x80, $0x38;
	[tilespmem:$0x1E080] =	vst v63  }
0x4c: {  	s20 =	rddreg [dreg:$0xf];
	s5 =	simm.s32 $0x200  }
0x4d: {  	[tilespmem:s5], [sflag:$0x1] =	stream.linear.gather [hbm4b:s20+s14], $0x80, $0x38;
	[tilespmem:$0x1E080] =	vst v63  }
0x4e: {  	s22 =	rddreg [dreg:$0x10];
	s29 =	simm.s32 $0x80  }
0x4f: {  	[tilespmem:s29], [sflag:$0x2] =	stream.linear.gather [hbm4b:s22+s14], $0x80, $0x38;
	[tilespmem:$0x1E080] =	vst v63  }
0x50: {  	s22 =	rddreg [dreg:$0x11];
	s29 =	simm.s32 $0x180  }
0x51: {  	[tilespmem:s29], [sflag:$0x2] =	stream.linear.gather [hbm4b:s22+s14], $0x80, $0x38;
	[tilespmem:$0x1E080] =	vst v63  }
0x52: {  	s22 =	rddreg [dreg:$0x12];
	s29 =	simm.s32 $0x280  }
0x53: {  	[tilespmem:s29], [sflag:$0x2] =	stream.linear.gather [hbm4b:s22+s14], $0x80, $0x38;
	[tilespmem:$0x1E080] =	vst v63  }
0x54: {  	_ =	swait.ge [sflag:s8], $0x80  }
0x55: {  	[sflag:s8] =	ssyncset.done $0x0  }
0x56: {  	[sflag:s8] =	ssyncadd.s32 $0xFFFFFF80  }
0x57: {  	_ =	swait.ge [sflag:s8], $0x80  }
0x58: {  	[sflag:s8] =	ssyncset.done $0x0  }
0x59: {  	[sflag:s8] =	ssyncadd.s32 $0xFFFFFF80  }
0x5a: {  	_ =	swait.ge [sflag:s8], $0x80  }
0x5b: {  	[sflag:s8] =	ssyncset.done $0x0  }
0x5c: {  	[sflag:s8] =	ssyncadd.s32 $0xFFFFFF80  }
0x5d: {  	s22 =	simm.s32 $0x400;
	s20 =	rddreg [dreg:$0x2]  }
0x5e: {  	[tilespmem:s22], [sflag:$0x3] =	stream.indirect.gather [hbm4b:s20+s17], $0x80, s14, s17, $0xb8;
	[tilespmem:$0x1E080] =	vst v63  }
0x5f: {  	s29 =	simm.s32 $0x3C00  }
0x60: {  	[tilespmem:s29], [sflag:$0x5] =	stream.indirect.gather [hbm4b:s2+s17], $0x80, s5, s17, $0xb8;
	[tilespmem:$0x1E080] =	vst v63  }
.LBB2_4:
0x61: {  	_ =	swait.ge [sflag:s30], $0x1900  }
0x62: {  	p1 =	seq.s32 s14, $0x63;
	[sflag:s30] =	ssyncset.done $0x0  }
0x63: {  	s5 =	sshll.u32 @!p1 s14, $0x8;
	[sflag:s30] =	ssyncadd.s32 $0xFFFFE700  }
0x64: {  	s20 =	sadd.s32 @!p1 s5, s26;
	_ =	swait.ge [sflag:s31], $0x1900  }
0x65: {  	s20 =	sshrl.u32 @!p1 s20, $0x3;
	[sflag:s31] =	ssyncset.done $0x0  }
0x66: {  	s29 =	simm.s32 @!p1 $0x0;
	s22 =	sadd.s32 @!p1 s6, s20;
	[sflag:s31] =	ssyncadd.s32 $0xFFFFE700  }
0x67: {  	[tilespmem:s29], [sflag:$0x1] =	stream.linear.gather @!p1 [hbm4b:s22+s29], $0x80, $0x38;
	[tilespmem:$0x1E080] =	vst v63  }
0x68: {  	s1 =	simm.s32 @!p1 $0x100;
	s22 =	sadd.s32 @!p1 s7, s20  }
0x69: {  	[tilespmem:s1], [sflag:$0x1] =	stream.linear.gather @!p1 [hbm4b:s22+s29], $0x80, $0x38;
	[tilespmem:$0x1E080] =	vst v63  }
0x6a: {  	s1 =	sadd.s32 @!p1 s9, s20;
	s20 =	simm.s32 @!p1 $0x200  }
0x6b: {  	[tilespmem:s20], [sflag:$0x1] =	stream.linear.gather @!p1 [hbm4b:s1+s29], $0x80, $0x38;
	[tilespmem:$0x1E080] =	vst v63  }
0x6c: {  	_ =	swait.ge [sflag:s0], $0x80  }
0x6d: {  	[sflag:s0] =	ssyncset.done $0x0  }
0x6e: {  	[sflag:s0] =	ssyncadd.s32 $0xFFFFFF80  }
0x6f: {  	_ =	swait.ge [sflag:s0], $0x80  }
0x70: {  	[sflag:s0] =	ssyncset.done $0x0  }
0x71: {  	[sflag:s0] =	ssyncadd.s32 $0xFFFFFF80  }
0x72: {  	_ =	swait.ge [sflag:s0], $0x80  }
0x73: {  	p2 =	seq.s32 s14, $0x0;
	[sflag:s0] =	ssyncset.done $0x0  }
0x74: {  	s1 =	simm.s32 @!p2 $0x8;
	[sflag:s0] =	ssyncadd.s32 $0xFFFFFF80  }
0x75: {  	_ =	swait.ge @!p2 [sflag:s1], $0x1900  }
0x76: {  	[sflag:s1] =	ssyncset.done @!p2 $0x0  }
0x77: {  	[sflag:s1] =	ssyncadd.s32 @!p2 $0xFFFFE700  }
0x78: {  	s29 =	simm.s32 $0x80;
	s1 =	rddreg [dreg:$0x2]  }
0x79: {  	[tilespmem:s21], [sflag:$0x4] =	stream.indirect.gather [hbm4b:s1+s17], $0x80, s29, s17, $0xb8;
	[tilespmem:$0x1E080] =	vst v63  }
0x7a: {  	s22 =	simm.s32 $0x280;
	s29 =	simm.s32 $0x5800  }
0x7b: {  	[tilespmem:s29], [sflag:$0x6] =	stream.indirect.gather [hbm4b:s2+s17], $0x80, s22, s17, $0xb8;
	[tilespmem:$0x1E080] =	vst v63  }
0x7c: {  	s22 =	simm.s32 $0xF0  }
0x7d: {  	v7 =	vld [tilespmem:s22+$0x3B10]  }
0x7e: {  	v8 =	vld [tilespmem:s22+$0x3B20]  }
0x7f: {  	v9 =	vld [tilespmem:s22+$0x3B30]  }
0x80: {  	v10 =	vld [tilespmem:s22+$0x3B40]  }
0x81: {  	v11 =	vld [tilespmem:s22+$0x3B50]  }
0x82: {  	v12 =	vld [tilespmem:s22+$0x3B60]  }
0x83: {  	v13 =	vld [tilespmem:s22+$0x3B70]  }
0x84: {  	v14 =	vld [tilespmem:s22+$0x3B80]  }
0x85: {  	v15 =	vld [tilespmem:s22+$0x3B90]  }
0x86: {  	v16 =	vld [tilespmem:s22+$0x3BA0]  }
0x87: {  	v6 =	vld [tilespmem:s22+$0x3BB0]  }
0x88: {  	v5 =	vld [tilespmem:s22+$0x3BC0]  }
0x89: {  	v4 =	vld [tilespmem:s22+$0x3BD0]  }
0x8a: {  	v3 =	vld [tilespmem:s22+$0x3BE0]  }
0x8b: {  	v2 =	vld [tilespmem:s22+$0x3BF0]  }
0x8c: {  	v1 =	vld [tilespmem:s22+$0x3C00]  }
0x8d: {  	v17 =	vld [tilespmem:s22+$0x310]  }
0x8e: {  	v18 =	vld [tilespmem:s22+$0x320]  }
0x8f: {  	v19 =	vld [tilespmem:s22+$0x330]  }
0x90: {  	v20 =	vld [tilespmem:s22+$0x340]  }
0x91: {  	v21 =	vld [tilespmem:s22+$0x350]  }
0x92: {  	v60 =	vld [tilespmem:s22+$0x360];
	v7 =	vmul.f32 v7, v17  }
0x93: {  	v22 =	vld [tilespmem:s22+$0x370];
	v8 =	vmul.f32 v8, v18  }
0x94: {  	v61 =	vld [tilespmem:s22+$0x380];
	[tilespmem:s22+$0x310] =	vst v7;
	v7 =	vmul.f32 v9, v19  }
0x95: {  	v62 =	vld [tilespmem:s22+$0x390];
	[tilespmem:s22+$0x320] =	vst v8;
	v8 =	vmul.f32 v10, v20  }
0x96: {  	v63 =	vld [tilespmem:s22+$0x3A0];
	[tilespmem:s22+$0x330] =	vst v7;
	v7 =	vmul.f32 v11, v21  }
0x97: {  	v9 =	vmul.f32 v12, v60;
	[tilespmem:s22+$0x340] =	vst v8;
	v8 =	vld [tilespmem:s22+$0x3B0]  }
0x98: {  	v10 =	vmul.f32 v13, v22;
	[tilespmem:s22+$0x350] =	vst v7;
	v7 =	vld [tilespmem:s22+$0x3C0]  }
0x99: {  	[tilespmem:s22+$0x360] =	vst v9;
	v9 =	vld [tilespmem:s22+$0x3D0];
	v11 =	vmul.f32 v14, v61  }
0x9a: {  	v13 =	vmul.f32 v15, v62;
	[tilespmem:s22+$0x370] =	vst v10;
	v10 =	vld [tilespmem:s22+$0x3E0]  }
0x9b: {  	s20 =	simm.s32 $0x7C0;
	v12 =	vmul.f32 v16, v63;
	[tilespmem:s22+$0x380] =	vst v11;
	v11 =	vld [tilespmem:s22+$0x3F0]  }
.LBB2_5:
0x9c: {  	s1 =	sshra.s32 s20, $0x2;
	p2 =	sne.s32 s20, $0x63C0;
	[tilespmem:s22+$0x390] =	vst v13;
	v6 =	vmul.f32 v6, v8;
	v8 =	vld [tilespmem:s22+$0x400]  }
0x9d: {  	v13 =	vld [tilespmem:s1+$0x3B10];
	[tilespmem:s22+$0x3A0] =	vst v12;
	v5 =	vmul.f32 v5, v7  }
0x9e: {  	v7 =	vld [tilespmem:s1+$0x3B20];
	[tilespmem:s22+$0x3B0] =	vst v6;
	v4 =	vmul.f32 v4, v9  }
0x9f: {  	v9 =	vld [tilespmem:s1+$0x3B30];
	[tilespmem:s22+$0x3C0] =	vst v5;
	v3 =	vmul.f32 v3, v10  }
0xa0: {  	v10 =	vld [tilespmem:s1+$0x3B40];
	[tilespmem:s22+$0x3D0] =	vst v4;
	v2 =	vmul.f32 v2, v11  }
0xa1: {  	v11 =	vld [tilespmem:s1+$0x3B50];
	[tilespmem:s22+$0x3E0] =	vst v3;
	v1 =	vmul.f32 v1, v8  }
0xa2: {  	v8 =	vld [tilespmem:s1+$0x3B60];
	[tilespmem:s22+$0x3F0] =	vst v2  }
0xa3: {  	v12 =	vld [tilespmem:s1+$0x3B70];
	[tilespmem:s22+$0x400] =	vst v1;
	s22 =	smov.u32 s1  }
0xa4: {  	v14 =	vld [tilespmem:s22+$0x3B80]  }
0xa5: {  	v15 =	vld [tilespmem:s22+$0x3B90]  }
0xa6: {  	v16 =	vld [tilespmem:s22+$0x3BA0]  }
0xa7: {  	v6 =	vld [tilespmem:s22+$0x3BB0]  }
0xa8: {  	v5 =	vld [tilespmem:s22+$0x3BC0]  }
0xa9: {  	v4 =	vld [tilespmem:s22+$0x3BD0]  }
0xaa: {  	v3 =	vld [tilespmem:s22+$0x3BE0]  }
0xab: {  	v2 =	vld [tilespmem:s22+$0x3BF0]  }
0xac: {  	v1 =	vld [tilespmem:s22+$0x3C00]  }
0xad: {  	v17 =	vld [tilespmem:s22+$0x310]  }
0xae: {  	v18 =	vld [tilespmem:s22+$0x320]  }
0xaf: {  	v19 =	vld [tilespmem:s22+$0x330]  }
0xb0: {  	v20 =	vld [tilespmem:s22+$0x340]  }
0xb1: {  	v21 =	vld [tilespmem:s22+$0x350]  }
0xb2: {  	v13 =	vmul.f32 v13, v17;
	v17 =	vld [tilespmem:s22+$0x360]  }
0xb3: {  	v7 =	vmul.f32 v7, v18;
	v18 =	vld [tilespmem:s22+$0x370]  }
0xb4: {  	[tilespmem:s22+$0x310] =	vst v13;
	v9 =	vmul.f32 v9, v19;
	v13 =	vld [tilespmem:s22+$0x380]  }
0xb5: {  	[tilespmem:s22+$0x320] =	vst v7;
	v7 =	vmul.f32 v10, v20;
	v10 =	vld [tilespmem:s22+$0x390]  }
0xb6: {  	[tilespmem:s22+$0x330] =	vst v9;
	v9 =	vmul.f32 v11, v21;
	v11 =	vld [tilespmem:s22+$0x3A0]  }
.Ltmp1:
0xb7: {  	[tilespmem:s22+$0x340] =	vst v7;
	v17 =	vmul.f32 v8, v17;
	v8 =	vld [tilespmem:s22+$0x3B0];
	(pc) =	sbr.rel @p2 .LBB2_5-.Ltmp1, $4  }
0xb8: {  	[tilespmem:s22+$0x350] =	vst v9;
	v12 =	vmul.f32 v12, v18;
	v7 =	vld [tilespmem:s22+$0x3C0]  }
0xb9: {  	[tilespmem:s22+$0x360] =	vst v17;
	v14 =	vmul.f32 v14, v13;
	v9 =	vld [tilespmem:s22+$0x3D0]  }
0xba: {  	[tilespmem:s22+$0x370] =	vst v12;
	v13 =	vmul.f32 v15, v10;
	v10 =	vld [tilespmem:s22+$0x3E0]  }
0xbb: {  	s20 =	sadd.s32 $0x400, s20;
	[tilespmem:s22+$0x380] =	vst v14;
	v12 =	vmul.f32 v16, v11;
	v11 =	vld [tilespmem:s22+$0x3F0]  }
0xbc: {  	[tilespmem:s22+$0x390] =	vst v13;
	v6 =	vmul.f32 v6, v8;
	v8 =	vld [tilespmem:s22+$0x400]  }
0xbd: {  	[tilespmem:s22+$0x3A0] =	vst v12;
	v5 =	vmul.f32 v5, v7  }
0xbe: {  	[tilespmem:s22+$0x3B0] =	vst v6;
	v4 =	vmul.f32 v4, v9  }
0xbf: {  	[tilespmem:s22+$0x3C0] =	vst v5;
	v3 =	vmul.f32 v3, v10  }
0xc0: {  	[tilespmem:s22+$0x3D0] =	vst v4;
	v2 =	vmul.f32 v2, v11  }
0xc1: {  	[tilespmem:s22+$0x3E0] =	vst v3;
	v1 =	vmul.f32 v1, v8  }
0xc2: {  	[tilespmem:s22+$0x3F0] =	vst v2  }
0xc3: {  	s1 =	simm.s32 $0x100;
	s20 =	simm.s32 $0x400;
	[tilespmem:s22+$0x400] =	vst v1  }
0xc4: {  	[spmem:s3] =	stream.indirect.scatter.add.f32 [tilespmem:s20], [sflag:$0x7], $0x80, s1, s17, $0xb8;
	[tilespmem:$0x1E080] =	vst v63  }
0xc5: {  	_ =	swait.ge [sflag:s10], $0x1900  }
0xc6: {  	[sflag:s10] =	ssyncset.done $0x0  }
0xc7: {  	[sflag:s10] =	ssyncadd.s32 $0xFFFFE700  }
0xc8: {  	s1 =	sadd.s32 @!p1 s5, s28;
	_ =	swait.ge [sflag:s18], $0x1900  }
0xc9: {  	s22 =	simm.s32 @!p1 $0x80;
	s1 =	sshrl.u32 @!p1 s1, $0x3;
	[sflag:s18] =	ssyncset.done $0x0  }
0xca: {  	s20 =	simm.s32 @!p1 $0x0;
	s5 =	sadd.s32 @!p1 s6, s1;
	[sflag:s18] =	ssyncadd.s32 $0xFFFFE700  }
0xcb: {  	[tilespmem:s22], [sflag:$0x2] =	stream.linear.gather @!p1 [hbm4b:s5+s20], $0x80, $0x38;
	[tilespmem:$0x1E080] =	vst v63  }
0xcc: {  	s5 =	sadd.s32 @!p1 s7, s1;
	s22 =	simm.s32 @!p1 $0x180  }
0xcd: {  	[tilespmem:s22], [sflag:$0x2] =	stream.linear.gather @!p1 [hbm4b:s5+s20], $0x80, $0x38;
	[tilespmem:$0x1E080] =	vst v63  }
0xce: {  	s1 =	sadd.s32 @!p1 s9, s1;
	s5 =	simm.s32 @!p1 $0x280  }
0xcf: {  	[tilespmem:s5], [sflag:$0x2] =	stream.linear.gather @!p1 [hbm4b:s1+s20], $0x80, $0x38;
	[tilespmem:$0x1E080] =	vst v63  }
0xd0: {  	s1 =	simm.s32 @!p1 $0x1  }
0xd1: {  	_ =	swait.ge @!p1 [sflag:s1], $0x80  }
0xd2: {  	[sflag:s1] =	ssyncset.done @!p1 $0x0  }
0xd3: {  	[sflag:s1] =	ssyncadd.s32 @!p1 $0xFFFFFF80  }
0xd4: {  	_ =	swait.ge @!p1 [sflag:s1], $0x80  }
0xd5: {  	[sflag:s1] =	ssyncset.done @!p1 $0x0  }
0xd6: {  	[sflag:s1] =	ssyncadd.s32 @!p1 $0xFFFFFF80  }
0xd7: {  	_ =	swait.ge @!p1 [sflag:s1], $0x80  }
0xd8: {  	[sflag:s1] =	ssyncset.done @!p1 $0x0  }
0xd9: {  	[sflag:s1] =	ssyncadd.s32 @!p1 $0xFFFFFF80;
	s1 =	simm.s32 @!p1 $0x7  }
0xda: {  	_ =	swait.ge @!p1 [sflag:s1], $0x1900  }
0xdb: {  	[sflag:s1] =	ssyncset.done @!p1 $0x0  }
0xdc: {  	[sflag:s1] =	ssyncadd.s32 @!p1 $0xFFFFE700  }
0xdd: {  	s5 =	simm.s32 @!p1 $0x400;
	s1 =	simm.s32 @!p1 $0x32;
	s22 =	rddreg [dreg:$0x2]  }
0xde: {  	[tilespmem:s5], [sflag:$0x3] =	stream.indirect.gather @!p1 [hbm4b:s22+s1], $0x80, s20, s1, $0xb8;
	[tilespmem:$0x1E080] =	vst v63  }
0xdf: {  	s5 =	simm.s32 @!p1 $0x200;
	s20 =	simm.s32 @!p1 $0x3C00  }
0xe0: {  	[tilespmem:s20], [sflag:$0x5] =	stream.indirect.gather @!p1 [hbm4b:s2+s1], $0x80, s5, s1, $0xb8;
	[tilespmem:$0x1E080] =	vst v63  }
0xe1: {  	s5 =	simm.s32 $0xF0  }
0xe2: {  	v7 =	vld [tilespmem:s5+$0x5710]  }
0xe3: {  	v8 =	vld [tilespmem:s5+$0x5720]  }
0xe4: {  	v9 =	vld [tilespmem:s5+$0x5730]  }
0xe5: {  	v10 =	vld [tilespmem:s5+$0x5740]  }
0xe6: {  	v11 =	vld [tilespmem:s5+$0x5750]  }
0xe7: {  	v12 =	vld [tilespmem:s5+$0x5760]  }
0xe8: {  	v13 =	vld [tilespmem:s5+$0x5770]  }
0xe9: {  	v14 =	vld [tilespmem:s5+$0x5780]  }
0xea: {  	v15 =	vld [tilespmem:s5+$0x5790]  }
0xeb: {  	v16 =	vld [tilespmem:s5+$0x57A0]  }
0xec: {  	v6 =	vld [tilespmem:s5+$0x57B0]  }
0xed: {  	v5 =	vld [tilespmem:s5+$0x57C0]  }
0xee: {  	v4 =	vld [tilespmem:s5+$0x57D0]  }
0xef: {  	v3 =	vld [tilespmem:s5+$0x57E0]  }
0xf0: {  	v2 =	vld [tilespmem:s5+$0x57F0]  }
0xf1: {  	v1 =	vld [tilespmem:s5+$0x5800]  }
0xf2: {  	v17 =	vld [tilespmem:s5+$0x1F10]  }
0xf3: {  	v18 =	vld [tilespmem:s5+$0x1F20]  }
0xf4: {  	v19 =	vld [tilespmem:s5+$0x1F30]  }
0xf5: {  	v20 =	vld [tilespmem:s5+$0x1F40]  }
0xf6: {  	v21 =	vld [tilespmem:s5+$0x1F50]  }
0xf7: {  	v60 =	vld [tilespmem:s5+$0x1F60];
	v7 =	vmul.f32 v7, v17  }
0xf8: {  	v22 =	vld [tilespmem:s5+$0x1F70];
	v8 =	vmul.f32 v8, v18  }
0xf9: {  	v61 =	vld [tilespmem:s5+$0x1F80];
	[tilespmem:s5+$0x1F10] =	vst v7;
	v7 =	vmul.f32 v9, v19  }
0xfa: {  	v62 =	vld [tilespmem:s5+$0x1F90];
	[tilespmem:s5+$0x1F20] =	vst v8;
	v8 =	vmul.f32 v10, v20  }
0xfb: {  	v63 =	vld [tilespmem:s5+$0x1FA0];
	[tilespmem:s5+$0x1F30] =	vst v7;
	v7 =	vmul.f32 v11, v21  }
0xfc: {  	v9 =	vmul.f32 v12, v60;
	[tilespmem:s5+$0x1F40] =	vst v8;
	v8 =	vld [tilespmem:s5+$0x1FB0]  }
0xfd: {  	v10 =	vmul.f32 v13, v22;
	[tilespmem:s5+$0x1F50] =	vst v7;
	v7 =	vld [tilespmem:s5+$0x1FC0]  }
0xfe: {  	[tilespmem:s5+$0x1F60] =	vst v9;
	v9 =	vld [tilespmem:s5+$0x1FD0];
	v11 =	vmul.f32 v14, v61  }
0xff: {  	v13 =	vmul.f32 v15, v62;
	[tilespmem:s5+$0x1F70] =	vst v10;
	v10 =	vld [tilespmem:s5+$0x1FE0]  }
0x100: {  	s20 =	simm.s32 $0x7C0;
	v12 =	vmul.f32 v16, v63;
	[tilespmem:s5+$0x1F80] =	vst v11;
	v11 =	vld [tilespmem:s5+$0x1FF0]  }
.LBB2_7:
0x101: {  	s1 =	sshra.s32 s20, $0x2;
	p1 =	sne.s32 s20, $0x63C0;
	[tilespmem:s5+$0x1F90] =	vst v13;
	v6 =	vmul.f32 v6, v8;
	v8 =	vld [tilespmem:s5+$0x2000]  }
0x102: {  	v13 =	vld [tilespmem:s1+$0x5710];
	[tilespmem:s5+$0x1FA0] =	vst v12;
	v5 =	vmul.f32 v5, v7  }
0x103: {  	v7 =	vld [tilespmem:s1+$0x5720];
	[tilespmem:s5+$0x1FB0] =	vst v6;
	v4 =	vmul.f32 v4, v9  }
0x104: {  	v9 =	vld [tilespmem:s1+$0x5730];
	[tilespmem:s5+$0x1FC0] =	vst v5;
	v3 =	vmul.f32 v3, v10  }
0x105: {  	v10 =	vld [tilespmem:s1+$0x5740];
	[tilespmem:s5+$0x1FD0] =	vst v4;
	v2 =	vmul.f32 v2, v11  }
0x106: {  	v11 =	vld [tilespmem:s1+$0x5750];
	[tilespmem:s5+$0x1FE0] =	vst v3;
	v1 =	vmul.f32 v1, v8  }
0x107: {  	v8 =	vld [tilespmem:s1+$0x5760];
	[tilespmem:s5+$0x1FF0] =	vst v2  }
0x108: {  	v12 =	vld [tilespmem:s1+$0x5770];
	[tilespmem:s5+$0x2000] =	vst v1;
	s5 =	smov.u32 s1  }
0x109: {  	v14 =	vld [tilespmem:s5+$0x5780]  }
0x10a: {  	v15 =	vld [tilespmem:s5+$0x5790]  }
0x10b: {  	v16 =	vld [tilespmem:s5+$0x57A0]  }
0x10c: {  	v6 =	vld [tilespmem:s5+$0x57B0]  }
0x10d: {  	v5 =	vld [tilespmem:s5+$0x57C0]  }
0x10e: {  	v4 =	vld [tilespmem:s5+$0x57D0]  }
0x10f: {  	v3 =	vld [tilespmem:s5+$0x57E0]  }
0x110: {  	v2 =	vld [tilespmem:s5+$0x57F0]  }
0x111: {  	v1 =	vld [tilespmem:s5+$0x5800]  }
0x112: {  	v17 =	vld [tilespmem:s5+$0x1F10]  }
0x113: {  	v18 =	vld [tilespmem:s5+$0x1F20]  }
0x114: {  	v19 =	vld [tilespmem:s5+$0x1F30]  }
0x115: {  	v20 =	vld [tilespmem:s5+$0x1F40]  }
0x116: {  	v21 =	vld [tilespmem:s5+$0x1F50]  }
0x117: {  	v13 =	vmul.f32 v13, v17;
	v17 =	vld [tilespmem:s5+$0x1F60]  }
0x118: {  	v7 =	vmul.f32 v7, v18;
	v18 =	vld [tilespmem:s5+$0x1F70]  }
0x119: {  	[tilespmem:s5+$0x1F10] =	vst v13;
	v9 =	vmul.f32 v9, v19;
	v13 =	vld [tilespmem:s5+$0x1F80]  }
0x11a: {  	[tilespmem:s5+$0x1F20] =	vst v7;
	v7 =	vmul.f32 v10, v20;
	v10 =	vld [tilespmem:s5+$0x1F90]  }
0x11b: {  	[tilespmem:s5+$0x1F30] =	vst v9;
	v9 =	vmul.f32 v11, v21;
	v11 =	vld [tilespmem:s5+$0x1FA0]  }
.Ltmp2:
0x11c: {  	[tilespmem:s5+$0x1F40] =	vst v7;
	v17 =	vmul.f32 v8, v17;
	v8 =	vld [tilespmem:s5+$0x1FB0];
	(pc) =	sbr.rel @p1 .LBB2_7-.Ltmp2, $4  }
0x11d: {  	[tilespmem:s5+$0x1F50] =	vst v9;
	v12 =	vmul.f32 v12, v18;
	v7 =	vld [tilespmem:s5+$0x1FC0]  }
0x11e: {  	[tilespmem:s5+$0x1F60] =	vst v17;
	v14 =	vmul.f32 v14, v13;
	v9 =	vld [tilespmem:s5+$0x1FD0]  }
0x11f: {  	[tilespmem:s5+$0x1F70] =	vst v12;
	v13 =	vmul.f32 v15, v10;
	v10 =	vld [tilespmem:s5+$0x1FE0]  }
0x120: {  	s20 =	sadd.s32 $0x400, s20;
	[tilespmem:s5+$0x1F80] =	vst v14;
	v12 =	vmul.f32 v16, v11;
	v11 =	vld [tilespmem:s5+$0x1FF0]  }
0x121: {  	[tilespmem:s5+$0x1F90] =	vst v13;
	v6 =	vmul.f32 v6, v8;
	v63 =	vld [tilespmem:s5+$0x2000]  }
0x122: {  	[tilespmem:s5+$0x1FA0] =	vst v12;
	v5 =	vmul.f32 v5, v7  }
0x123: {  	s14 =	sadd.s32 $0x1, s14;
	[tilespmem:s5+$0x1FB0] =	vst v6;
	v4 =	vmul.f32 v4, v9  }
0x124: {  	p1 =	sne.s32 s14, $0x64;
	[tilespmem:s5+$0x1FC0] =	vst v5;
	v3 =	vmul.f32 v3, v10  }
.Ltmp3:
0x125: {  	[tilespmem:s5+$0x1FD0] =	vst v4;
	v2 =	vmul.f32 v2, v11;
	(pc) =	sbr.rel @p1 .LBB2_4-.Ltmp3, $4  }
0x126: {  	[tilespmem:s5+$0x1FE0] =	vst v3;
	v1 =	vmul.f32 v1, v63  }
0x127: {  	[tilespmem:s5+$0x1FF0] =	vst v2  }
0x128: {  	s1 =	simm.s32 $0x180;
	[tilespmem:s5+$0x2000] =	vst v1  }
0x129: {  	[spmem:s3] =	stream.indirect.scatter.add.f32 [tilespmem:s21], [sflag:$0x8], $0x80, s1, s17, $0xb8;
	[tilespmem:$0x1E080] =	vst v63  }
0x12a: {  	s1 =	simm.s32 $0x7  }
0x12b: {  	_ =	swait.ge [sflag:s1], $0x1900  }
0x12c: {  	[sflag:s1] =	ssyncset.done $0x0  }
0x12d: {  	s5 =	simm.s32 $0x8;
	[sflag:s1] =	ssyncadd.s32 $0xFFFFE700  }
0x12e: {  	_ =	swait.ge [sflag:s5], $0x1900  }
0x12f: {  	[sflag:s5] =	ssyncset.done $0x0  }
0x130: {  	[sflag:s5] =	ssyncadd.s32 $0xFFFFE700  }
0x131: {  	[bflag:$0x0] =	sbarrier.arrive $0xFFFF  }
0x132: {  	s14 =	rddreg [dreg:$0x6]  }
0x133: {  	s29 =	sld [smem:$0x7F8]  }
0x134: {  	s20 =	rddreg [dreg:$0x13]  }
0x135: {  	s22 =	rddreg [dreg:$0xc];
	s1 =	sadd.s32 s14, s20  }
0x136: {  	[hbm:s1], [sflag:s22] =	dma.local [spmem:s29], $0x2700  }
0x137: {  	_ =	swait.ge [sflag:s25], $0x2700  }
0x138: {  	[sflag:s25] =	ssyncset.done $0x0;
	s5 =	rddreg [dreg:$0x7]  }
0x139: {  	s14 =	rddreg [dreg:$0xb];
	[sflag:s25] =	ssyncadd.s32 $0xFFFFD900;
	s1 =	sshrl.u32 @p0 s5, $0x3  }
0x13a: {  	[spmem:s1], [sflag:s22] =	dma.local @p0 [hbm:s14], $0x2700  }
0x13b: {  	s1 =	simm.s32 @p0 $0x9  }
0x13c: {  	_ =	swait.ge @p0 [sflag:s1], $0x2700  }
0x13d: {  	s2 =	sld [smem:$0x7F9]  }
0x13e: {  	[sflag:s1] =	ssyncset.done @p0 $0x0  }
0x13f: {  	[sflag:s1] =	ssyncadd.s32 @p0 $0xFFFFD900;
	s1 =	sadd.s32 @!p0 $0x27000, s20  }
0x140: {  	[hbm:s1], [sflag:s22] =	dma.local @!p0 [spmem:s2], $0x100  }
0x141: {  	s1 =	simm.s32 @!p0 $0x9  }
0x142: {  	_ =	swait.ge @!p0 [sflag:s1], $0x100  }
0x143: {  	[sflag:s1] =	ssyncset.done @!p0 $0x0  }
0x144: {  	s5 =	sshrl.u32 @!p0 s5, $0x3;
	[sflag:s1] =	ssyncadd.s32 @!p0 $0xFFFFFF00  }
0x145: {  	[spmem:s5], [sflag:s22] =	dma.local @!p0 [hbm:s14], $0x2700  }
0x146: {  	_ =	swait.ge @!p0 [sflag:s1], $0x2700  }
0x147: {  	[sflag:s1] =	ssyncset.done @!p0 $0x0  }
0x148: {  	s5 =	rddreg [dreg:$0x16];
	[sflag:s1] =	ssyncadd.s32 @!p0 $0xFFFFD900  }
0x149: {  	[spmem:s2], [sflag:s22] =	dma.local @!p0 [hbm:s5], $0x100  }
0x14a: {  	_ =	swait.ge @!p0 [sflag:s1], $0x100  }
0x14b: {  	[sflag:s1] =	ssyncset.done @!p0 $0x0  }
0x14c: {  	[sflag:s1] =	ssyncadd.s32 @!p0 $0xFFFFFF00  }
0x14d: {  	[bflag:$0x0] =	sbarrier.arrive $0xFFFF  }
0x14e: {  	s20 =	rddreg [dreg:$0x8]  }
0x14f: {  	s1 =	simm.s32 $0x0;
	s14 =	sld [smem:$0x7FA]  }
0x150: {  	[tilespmem:s11], [sflag:$0x1] =	stream.linear.gather [hbm4b:s20+s1], $0x80, $0x38;
	[tilespmem:$0x1E080] =	vst v63  }
0x151: {  	_ = 	snop  }
0x152: {  	[tilespmem:s23], [sflag:$0x2] =	stream.linear.gather [hbm4b:s14+s1], $0x80, $0x38;
	[tilespmem:$0x1E080] =	vst v63  }
0x153: {  	_ =	swait.ge [sflag:s8], $0x80  }
0x154: {  	[sflag:s8] =	ssyncset.done $0x0  }
0x155: {  	[sflag:s8] =	ssyncadd.s32 $0xFFFFFF80  }
0x156: {  	[spmem:s3] =	stream.indirect.scatter.add.f32 [tilespmem:s24], [sflag:$0x9], $0x80, s11, s19, $0xb8;
	[tilespmem:$0x1E080] =	vst v63  }
0x157: {  	_ =	swait.ge [sflag:s25], $0x3200  }
0x158: {  	[sflag:s25] =	ssyncset.done $0x0  }
0x159: {  	s20 =	sadd.s32 $0x0, s13;
	[sflag:s25] =	ssyncadd.s32 $0xFFFFCE00  }
0x15a: {  	[tilespmem:s11], [sflag:$0x1] =	stream.linear.gather [hbm4b:s20+s4], $0x80, $0x38;
	[tilespmem:$0x1E080] =	vst v63  }
0x15b: {  	_ =	swait.ge [sflag:s0], $0x80  }
0x15c: {  	[sflag:s0] =	ssyncset.done $0x0  }
0x15d: {  	[sflag:s0] =	ssyncadd.s32 $0xFFFFFF80  }
0x15e: {  	[spmem:s3] =	stream.indirect.scatter.add.f32 [tilespmem:s24], [sflag:$0x9], $0x80, s23, s19, $0xb8;
	[tilespmem:$0x1E080] =	vst v63  }
0x15f: {  	_ =	swait.ge [sflag:s25], $0x3200  }
0x160: {  	[sflag:s25] =	ssyncset.done $0x0  }
0x161: {  	s5 =	simm.s32 $0x20;
	s14 =	sadd.s32 $0x0, s12;
	[sflag:s25] =	ssyncadd.s32 $0xFFFFCE00  }
.LBB2_10:
0x162: {  	[tilespmem:s23], [sflag:$0x2] =	stream.linear.gather [hbm4b:s14+s4], $0x80, $0x38;
	[tilespmem:$0x1E080] =	vst v63  }
0x163: {  	s1 =	smov.u32 s5  }
0x164: {  	p1 =	sne.s32 s5, $0x600;
	s5 =	sadd.s32 $0x20, s5;
	_ =	swait.ge [sflag:s8], $0x80  }
0x165: {  	[sflag:s8] =	ssyncset.done $0x0  }
0x166: {  	[sflag:s8] =	ssyncadd.s32 $0xFFFFFF80  }
0x167: {  	[spmem:s3] =	stream.indirect.scatter.add.f32 [tilespmem:s24], [sflag:$0x9], $0x80, s11, s19, $0xb8;
	[tilespmem:$0x1E080] =	vst v63  }
0x168: {  	_ =	swait.ge [sflag:s25], $0x3200  }
0x169: {  	[sflag:s25] =	ssyncset.done $0x0  }
0x16a: {  	s14 =	sadd.s32 s1, s13;
	[sflag:s25] =	ssyncadd.s32 $0xFFFFCE00  }
0x16b: {  	[tilespmem:s11], [sflag:$0x1] =	stream.linear.gather [hbm4b:s14+s4], $0x80, $0x38;
	[tilespmem:$0x1E080] =	vst v63  }
0x16c: {  	_ =	swait.ge [sflag:s0], $0x80  }
0x16d: {  	[sflag:s0] =	ssyncset.done $0x0  }
.Ltmp4:
0x16e: {  	[sflag:s0] =	ssyncadd.s32 $0xFFFFFF80;
	(pc) =	sbr.rel @p1 .LBB2_10-.Ltmp4, $4  }
0x16f: {  	[spmem:s3] =	stream.indirect.scatter.add.f32 [tilespmem:s24], [sflag:$0x9], $0x80, s23, s19, $0xb8;
	[tilespmem:$0x1E080] =	vst v63  }
0x170: {  	_ =	swait.ge [sflag:s25], $0x3200  }
0x171: {  	[sflag:s25] =	ssyncset.done $0x0  }
0x172: {  	s14 =	sadd.s32 s1, s12;
	[sflag:s25] =	ssyncadd.s32 $0xFFFFCE00  }
0x173: {  	[tilespmem:s23], [sflag:$0x2] =	stream.linear.gather [hbm4b:s14+s4], $0x80, $0x38;
	[tilespmem:$0x1E080] =	vst v63  }
0x174: {  	_ =	swait.ge [sflag:s8], $0x80  }
0x175: {  	[sflag:s8] =	ssyncset.done $0x0  }
0x176: {  	[sflag:s8] =	ssyncadd.s32 $0xFFFFFF80  }
0x177: {  	[spmem:s3] =	stream.indirect.scatter.add.f32 [tilespmem:s24], [sflag:$0x9], $0x80, s11, s19, $0xb8;
	[tilespmem:$0x1E080] =	vst v63  }
0x178: {  	_ =	swait.ge [sflag:s25], $0x3200  }
0x179: {  	[sflag:s25] =	ssyncset.done $0x0  }
0x17a: {  	[sflag:s25] =	ssyncadd.s32 $0xFFFFCE00  }
0x17b: {  	_ =	swait.ge [sflag:s0], $0x80  }
0x17c: {  	[sflag:s0] =	ssyncset.done $0x0  }
0x17d: {  	[sflag:s0] =	ssyncadd.s32 $0xFFFFFF80  }
0x17e: {  	[spmem:s3] =	stream.indirect.scatter.add.f32 [tilespmem:s24], [sflag:$0x9], $0x80, s23, s19, $0xb8;
	[tilespmem:$0x1E080] =	vst v63  }
0x17f: {  	_ =	swait.ge [sflag:s25], $0x3200  }
0x180: {  	[sflag:s25] =	ssyncset.done $0x0  }
0x181: {  	[sflag:s25] =	ssyncadd.s32 $0xFFFFCE00  }
0x182: {  	[bflag:$0x0] =	sbarrier.arrive $0xFFFF  }
0x183: {  	s5 =	rddreg [dreg:$0x14]  }
0x184: {  	s1 =	rddreg [dreg:$0x6]  }
0x185: {  	s1 =	sadd.s32 s1, s5  }
0x186: {  	[hbm:s1], [sflag:s22] =	dma.local [spmem:s29], $0x2700  }
0x187: {  	_ =	swait.ge [sflag:s25], $0x2700  }
0x188: {  	[sflag:s25] =	ssyncset.done $0x0;
	s20 =	rddreg [dreg:$0x15]  }
0x189: {  	s14 =	rddreg [dreg:$0xa];
	[sflag:s25] =	ssyncadd.s32 $0xFFFFD900;
	s1 =	sshrl.u32 @p0 s20, $0x3  }
0x18a: {  	[spmem:s1], [sflag:s22] =	dma.local @p0 [hbm:s14], $0xF80  }
0x18b: {  	s1 =	simm.s32 @p0 $0x9  }
0x18c: {  	_ =	swait.ge @p0 [sflag:s1], $0xF80  }
0x18d: {  	[sflag:s1] =	ssyncset.done @p0 $0x0  }
0x18e: {  	[sflag:s1] =	ssyncadd.s32 @p0 $0xFFFFF080;
	s1 =	sadd.s32 @!p0 $0x27000, s5  }
0x18f: {  	[hbm:s1], [sflag:s22] =	dma.local @!p0 [spmem:s2], $0x100  }
0x190: {  	s1 =	simm.s32 @!p0 $0x9  }
0x191: {  	_ =	swait.ge @!p0 [sflag:s1], $0x100  }
0x192: {  	[sflag:s1] =	ssyncset.done @!p0 $0x0  }
0x193: {  	s5 =	sshrl.u32 @!p0 s20, $0x3;
	[sflag:s1] =	ssyncadd.s32 @!p0 $0xFFFFFF00  }
0x194: {  	[spmem:s5], [sflag:s22] =	dma.local @!p0 [hbm:s14], $0xF80  }
0x195: {  	_ =	swait.ge @!p0 [sflag:s1], $0xF80  }
0x196: {  	[sflag:s1] =	ssyncset.done @!p0 $0x0;
	s5 =	rddreg [dreg:$0x17]  }
0x197: {  	s14 =	rddreg [dreg:$0x1c];
	[sflag:s1] =	ssyncadd.s32 @!p0 $0xFFFFF080  }
0x198: {  	[spmem:s14], [sflag:s22] =	dma.local @!p0 [hbm:s5], $0x200  }
0x199: {  	_ =	swait.ge @!p0 [sflag:s1], $0x200  }
0x19a: {  	[sflag:s1] =	ssyncset.done @!p0 $0x0  }
0x19b: {  	[sflag:s1] =	ssyncadd.s32 @!p0 $0xFFFFFE00  }
0x19c: {  	[bflag:$0x0] =	sbarrier.arrive $0xFFFF  }
0x19d: {  	s14 =	rddreg [dreg:$0x9]  }
0x19e: {  	s2 =	simm.s32 $0x0;
	s20 =	sld [smem:$0x7FB]  }
0x19f: {  	[tilespmem:s11], [sflag:$0x1] =	stream.linear.gather [hbm4b:s14+s2], $0x80, $0x38;
	[tilespmem:$0x1E080] =	vst v63  }
0x1a0: {  	_ = 	snop  }
0x1a1: {  	[tilespmem:s23], [sflag:$0x2] =	stream.linear.gather [hbm4b:s20+s2], $0x80, $0x38;
	[tilespmem:$0x1E080] =	vst v63  }
0x1a2: {  	_ =	swait.ge [sflag:s8], $0x80  }
0x1a3: {  	[sflag:s8] =	ssyncset.done $0x0  }
0x1a4: {  	[sflag:s8] =	ssyncadd.s32 $0xFFFFFF80  }
0x1a5: {  	[spmem:s3] =	stream.indirect.scatter.add.f32 [tilespmem:s24], [sflag:$0x9], $0x80, s11, s19, $0xb8;
	[tilespmem:$0x1E080] =	vst v63  }
0x1a6: {  	_ =	swait.ge [sflag:s25], $0x3200  }
0x1a7: {  	[sflag:s25] =	ssyncset.done $0x0  }
0x1a8: {  	s29 =	sadd.s32 $0x0, s16;
	[sflag:s25] =	ssyncadd.s32 $0xFFFFCE00  }
0x1a9: {  	[tilespmem:s11], [sflag:$0x1] =	stream.linear.gather [hbm4b:s29+s4], $0x80, $0x38;
	[tilespmem:$0x1E080] =	vst v63  }
0x1aa: {  	_ =	swait.ge [sflag:s0], $0x80  }
0x1ab: {  	[sflag:s0] =	ssyncset.done $0x0  }
0x1ac: {  	[sflag:s0] =	ssyncadd.s32 $0xFFFFFF80  }
0x1ad: {  	[spmem:s3] =	stream.indirect.scatter.add.f32 [tilespmem:s24], [sflag:$0x9], $0x80, s23, s19, $0xb8;
	[tilespmem:$0x1E080] =	vst v63  }
0x1ae: {  	_ =	swait.ge [sflag:s25], $0x3200  }
0x1af: {  	[sflag:s25] =	ssyncset.done $0x0  }
0x1b0: {  	s5 =	simm.s32 $0x20;
	s14 =	sadd.s32 $0x0, s15;
	[sflag:s25] =	ssyncadd.s32 $0xFFFFCE00  }
.LBB2_12:
0x1b1: {  	[tilespmem:s23], [sflag:$0x2] =	stream.linear.gather [hbm4b:s14+s4], $0x80, $0x38;
	[tilespmem:$0x1E080] =	vst v63  }
0x1b2: {  	s1 =	smov.u32 s5  }
0x1b3: {  	p1 =	sne.s32 s5, $0x240;
	s5 =	sadd.s32 $0x20, s5;
	_ =	swait.ge [sflag:s8], $0x80  }
0x1b4: {  	[sflag:s8] =	ssyncset.done $0x0  }
0x1b5: {  	[sflag:s8] =	ssyncadd.s32 $0xFFFFFF80  }
0x1b6: {  	[spmem:s3] =	stream.indirect.scatter.add.f32 [tilespmem:s24], [sflag:$0x9], $0x80, s11, s19, $0xb8;
	[tilespmem:$0x1E080] =	vst v63  }
0x1b7: {  	_ =	swait.ge [sflag:s25], $0x3200  }
0x1b8: {  	[sflag:s25] =	ssyncset.done $0x0  }
0x1b9: {  	s14 =	sadd.s32 s1, s16;
	[sflag:s25] =	ssyncadd.s32 $0xFFFFCE00  }
0x1ba: {  	[tilespmem:s11], [sflag:$0x1] =	stream.linear.gather [hbm4b:s14+s4], $0x80, $0x38;
	[tilespmem:$0x1E080] =	vst v63  }
0x1bb: {  	_ =	swait.ge [sflag:s0], $0x80  }
0x1bc: {  	[sflag:s0] =	ssyncset.done $0x0  }
.Ltmp5:
0x1bd: {  	[sflag:s0] =	ssyncadd.s32 $0xFFFFFF80;
	(pc) =	sbr.rel @p1 .LBB2_12-.Ltmp5, $4  }
0x1be: {  	[spmem:s3] =	stream.indirect.scatter.add.f32 [tilespmem:s24], [sflag:$0x9], $0x80, s23, s19, $0xb8;
	[tilespmem:$0x1E080] =	vst v63  }
0x1bf: {  	_ =	swait.ge [sflag:s25], $0x3200  }
0x1c0: {  	[sflag:s25] =	ssyncset.done $0x0  }
0x1c1: {  	s14 =	sadd.s32 s1, s15;
	[sflag:s25] =	ssyncadd.s32 $0xFFFFCE00  }
0x1c2: {  	[tilespmem:s23], [sflag:$0x2] =	stream.linear.gather [hbm4b:s14+s4], $0x80, $0x38;
	[tilespmem:$0x1E080] =	vst v63  }
0x1c3: {  	_ =	swait.ge [sflag:s8], $0x80  }
0x1c4: {  	[sflag:s8] =	ssyncset.done $0x0  }
0x1c5: {  	[sflag:s8] =	ssyncadd.s32 $0xFFFFFF80  }
0x1c6: {  	[spmem:s3] =	stream.indirect.scatter.add.f32 [tilespmem:s24], [sflag:$0x9], $0x80, s11, s19, $0xb8;
	[tilespmem:$0x1E080] =	vst v63  }
0x1c7: {  	_ =	swait.ge [sflag:s25], $0x3200  }
0x1c8: {  	[sflag:s25] =	ssyncset.done $0x0  }
0x1c9: {  	[sflag:s25] =	ssyncadd.s32 $0xFFFFCE00  }
0x1ca: {  	_ =	swait.ge [sflag:s0], $0x80  }
0x1cb: {  	[sflag:s0] =	ssyncset.done $0x0  }
0x1cc: {  	[sflag:s0] =	ssyncadd.s32 $0xFFFFFF80  }
0x1cd: {  	[spmem:s3] =	stream.indirect.scatter.add.f32 [tilespmem:s24], [sflag:$0x9], $0x80, s23, s19, $0xb8;
	[tilespmem:$0x1E080] =	vst v63  }
0x1ce: {  	_ =	swait.ge [sflag:s25], $0x3200  }
0x1cf: {  	[sflag:s25] =	ssyncset.done $0x0  }
0x1d0: {  	[sflag:s25] =	ssyncadd.s32 $0xFFFFCE00  }
0x1d1: {  	[bflag:$0x0] =	sbarrier.arrive $0xFFFF  }
0x1d2: {  	s29 =	sld [smem:$0x7FC]  }
0x1d3: {  	s14 =	rddreg [dreg:$0x19]  }
0x1d4: {  	s5 =	rddreg [dreg:$0x18]  }
0x1d5: {  	s5 =	sshrl.u32 s5, $0x3;
	s1 =	sadd.s32 s29, s14  }
0x1d6: {  	[hbm:s1], [sflag:s22] =	dma.local [spmem:s5], $0x780  }
0x1d7: {  	_ =	swait.ge [sflag:s25], $0x780  }
0x1d8: {  	s2 =	sld [smem:$0x7FD];
	_ =	sdelay $0x1  }
0x1d9: {  	[sflag:s25] =	ssyncset.done $0x0;
	s20 =	rddreg [dreg:$0x1a]  }
0x1da: {  	[sflag:s25] =	ssyncadd.s32 $0xFFFFF880;
	s1 =	sadd.s32 @p0 s29, s20;
	s5 =	sshrl.u32 @p0 s2, $0x3  }
0x1db: {  	[hbm:s1], [sflag:s22] =	dma.local @p0 [spmem:s5], $0x780  }
0x1dc: {  	s1 =	simm.s32 @p0 $0x9  }
0x1dd: {  	_ =	swait.ge @p0 [sflag:s1], $0x780  }
0x1de: {  	[sflag:s1] =	ssyncset.done @p0 $0x0  }
0x1df: {  	s5 =	rddreg [dreg:$0x1d];
	[sflag:s1] =	ssyncadd.s32 @p0 $0xFFFFF880;
	s1 =	sadd.s32 @!p0 $0x7800, s14  }
0x1e0: {  	[hbm:s1], [sflag:s22] =	dma.local @!p0 [spmem:s5], $0x500  }
0x1e1: {  	s1 =	simm.s32 @!p0 $0x9  }
0x1e2: {  	_ =	swait.ge @!p0 [sflag:s1], $0x500  }
0x1e3: {  	[sflag:s1] =	ssyncset.done @!p0 $0x0  }
0x1e4: {  	s14 =	sshrl.u32 @!p0 s2, $0x3;
	s5 =	sadd.s32 @!p0 s29, s20;
	[sflag:s1] =	ssyncadd.s32 @!p0 $0xFFFFFB00  }
0x1e5: {  	[hbm:s5], [sflag:s22] =	dma.local @!p0 [spmem:s14], $0x780  }
0x1e6: {  	_ =	swait.ge @!p0 [sflag:s1], $0x780  }
0x1e7: {  	[sflag:s1] =	ssyncset.done @!p0 $0x0  }
0x1e8: {  	s5 =	sadd.s32 @!p0 $0x7800, s20;
	s14 =	rddreg [dreg:$0x1e];
	[sflag:s1] =	ssyncadd.s32 @!p0 $0xFFFFF880  }
0x1e9: {  	[hbm:s5], [sflag:s22] =	dma.local @!p0 [spmem:s14], $0x500  }
0x1ea: {  	_ =	swait.ge @!p0 [sflag:s1], $0x500  }
0x1eb: {  	s20 =	sld [smem:$0x7F7];
	_ =	sdelay $0x2  }
0x1ec: {  	s29 =	rddreg [dreg:$0x1b];
	s14 =	sadd.s32 $0x1, s20  }
0x1ed: {  	p1 =	sne.s32 s14, s29  }
.Ltmp6:
0x1ee: {  	_ = 	snop;
	(pc) =	sbr.rel @p1 .LBB2_1-.Ltmp6, $4  }
0x1ef: {  	_ = 	snop  }
0x1f0: {  	[sflag:s1] =	ssyncset.done @!p0 $0x0  }
0x1f1: {  	[sflag:s1] =	ssyncadd.s32 @!p0 $0xFFFFFB00  }
0x1f2: {  	s2 =	rddreg [dreg:$0x3]  }
0x1f3: {  	_ =	sfence.sel $0x180000  }
0x1f4: {  	[bflag:$0x0] =	sbarrier.arrive $0xFFFF  }
0x1f5: {  	_ =	strace $0x90000047  }
0x1f6: {  	s0 =	stileid.u32;
	[bflag:$0x2] =	sbarrier.arrive $0xFFFF  }
0x1f7: {  	p0 =	sne.s32 s0, $0x0;
	s0 =	rddreg [dreg:$0x5]  }
0x1f8: {  	s0 =	sadd.s32 @!p0 $0x100000, s0  }
0x1f9: {  	[sflag:s0] =	ssyncadd.tile.s32 @!p0 $0x1;
	_ =	shalt  }
.Lfunc_end2:
_tile_overlayer_lowered:
.L_overlay_start_2:
0x1fa: {  	(tag) =	ssettag $0x2  }
0x1fb: {  	s0 =	rddreg [dreg:$0x0];
	s2 =	stileid.u32  }
0x1fc: {  	s1 =	rddreg [dreg:$0x1];
	p0 =	sne.s32 s2, $0x0  }
0x1fd: {  	s3 =	rddreg [dreg:$0x2];
	[bflag:$0x3] =	sbarrier.arrive $0xFFFF;
	s2 =	simm.s32 @!p0 $0x1C09  }
0x1fe: {  	[timem:s3], [sflag:s2] =	dma.local @!p0 [hbm:s0], s1  }
0x1ff: {  	s0 =	simm.s32 @!p0 $0x9  }
0x200: {  	_ =	swait.ge @!p0 [sflag:s0], s1  }
0x201: {  	s1 =	ssub.s32 @!p0 $0x0, s1;
	[sflag:s0] =	ssyncset.done @!p0 $0x0  }
0x202: {  	[sflag:s0] =	ssyncadd.s32 @!p0 s1  }
0x203: {  	[bflag:$0x3] =	sbarrier.arrive $0xFFFF  }
0x204: {  	_ =	shalt  }

// kernel: kernel.13.cloned.1.call-start
scs
__scs_entry_jumppad:
0x0: {  	(pc) =	sbr.rel $0x88, $3  }
0x1: {  	(tag) =	ssettag $0x0;
	lr =	simm.s32 $0x1  }
0x2: {  	[smem:$0x3F8C] =	sst lr;
	_ =	strace $0xD0000000  }
0x3: {  	_ = 	snop  }
0x4: {  	_ = 	snop  }
0x5: {  	_ = 	snop  }
0x6: {  	_ = 	snop  }
0x7: {  	_ = 	snop  }
__scs_overlays_trampoline_lowered:
0x8: {  	[smem:$0x3F9B] =	sst s0  }
0x9: {  	[smem:$0x3F9C] =	sst s1  }
0xa: {  	[smem:$0x3F9D] =	sst s2  }
0xb: {  	[smem:$0x3F9E] =	sst s3  }
0xc: {  	[smem:$0x3F9F] =	sst s4  }
0xd: {  	[smem:$0x3FA0] =	sst s5  }
0xe: {  	[smem:$0x3FA1] =	sst s6  }
0xf: {  	[smem:$0x3FA2] =	sst s7  }
0x10: {  	[smem:$0x3FA3] =	sst s8  }
0x11: {  	[smem:$0x3FA4] =	sst s9;
	s0 =	simm.s32 @!p0 $0x0  }
0x12: {  	s1 =	sld [smem:$0x3F8A];
	s0 =	simm.s32 @p0 $0x1  }
0x13: {  	[smem:$0x3FA5] =	sst s0;
	s0 =	simm.s32 @!p1 $0x0  }
0x14: {  	s2 =	sld [smem:$0x3F89];
	s0 =	simm.s32 @p1 $0x1  }
0x15: {  	[smem:$0x3FA6] =	sst s0;
	s0 =	simm.s32 @!p2 $0x0  }
0x16: {  	s3 =	sld [smem:$0x3FDB];
	s0 =	simm.s32 @p2 $0x1  }
0x17: {  	s4 =	simm.s32 $0x1BF5;
	[smem:$0x3FA8] =	sst s0  }
0x18: {  	s0 =	sld [smem:$0x3F8B];
	_ =	swait.ge [sflag:s4], $0x0  }
0x19: {  	s7 =	sld [smem:$0x3F8C]  }
0x1a: {  	s8 =	sadd.s32 $0xFFFFE003, lr  }
0x1b: {  	s9 =	sadd.s32 $0xFFFFFEF7, lr;
	s5 =	simm.s32 $0xFFFFFFFF;
	p2 =	slt.u32 s8, $0xFFFFF086  }
0x1c: {  	p1 =	slt.u32 s9, $0xF7A;
	s5 =	simm.s32 @!p2 $0x0  }
0x1d: {  	s5 =	simm.s32 @p1 $0x1;
	p0 =	seq.s32 s7, s2  }
0x1e: {  	s7 =	smul.u32 @!p0 $0xF7A, s2;
	p2 =	seq.s32 @!p0 s5, $0x0  }
0x1f: {  	s9 =	smul.u32 $0xF7A, s1;
	s8 =	simm.s32 @!p0 $0x1BF5;
	p2 =	por !p2, p0  }
0x20: {  	[sflag:s8] =	ssyncset.s32 @!p0 $0xFFFFF086;
	s6 =	sadd.s32 @!p0 s3, s7;
	s7 =	simm.s32 @!p0 $0x108  }
0x21: {  	s3 =	sadd.s32 s3, s9;
	s6 =	sadd.s32 @!p0 $0x88, s6;
	s7 =	simm.s32 @p2 $0x1082  }
0x22: {  	[simem:s7], [sflag:s8] =	dma.local @!p0 [hbm:s6], $0xF7A  }
0x23: {  	s9 =	sor.u32 $0xD0000000, s2;
	s6 =	simm.s32 $0x108;
	_ =	swait.ge @!p0 [sflag:s8], $0x0  }
0x24: {  	s3 =	sadd.s32 $0x88, s3;
	s6 =	simm.s32 @!p1 $0x1082;
	[sflag:s4] =	ssyncset.s32 $0xFFFFF086  }
0x25: {  	[simem:s6], [sflag:s4] =	dma.local [hbm:s3], $0xF7A  }
0x26: {  	[smem:$0x3F8C] =	sst s1;
	(tag) =	ssettag s2;
	_ =	strace s9  }
0x27: {  	s1 =	sld [smem:$0x3F9C]  }
0x28: {  	s2 =	sld [smem:$0x3F9D]  }
0x29: {  	s4 =	sld [smem:$0x3F9F]  }
0x2a: {  	p0 =	seq.s32 s5, $0x0;
	s5 =	sld [smem:$0x3FA0]  }
0x2b: {  	s6 =	sld [smem:$0x3FA1]  }
0x2c: {  	s7 =	sld [smem:$0x3FA2]  }
0x2d: {  	s3 =	simm.s32 $0x108;
	s8 =	sld [smem:$0x3FA3]  }
0x2e: {  	s3 =	simm.s32 @!p0 $0x1082;
	s9 =	sld [smem:$0x3FA4]  }
0x2f: {  	lr =	sadd.s32 s0, s3;
	s0 =	sld [smem:$0x3F9B]  }
0x30: {  	s3 =	sld [smem:$0x3F9E]  }
0x31: {  	[smem:$0x3FA7] =	sst s10  }
0x32: {  	s10 =	sld [smem:$0x3FA5];
	_ =	sdelay $0x3  }
0x33: {  	p0 =	seq.s32 s10, $0x1;
	s10 =	sld [smem:$0x3FA7];
	_ =	sdelay $0x3  }
0x34: {  	[smem:$0x3FA7] =	sst s10  }
0x35: {  	s10 =	sld [smem:$0x3FA6];
	_ =	sdelay $0x3  }
0x36: {  	p1 =	seq.s32 s10, $0x1;
	s10 =	sld [smem:$0x3FA7];
	_ =	sdelay $0x3  }
0x37: {  	[smem:$0x3FA7] =	sst s10  }
0x38: {  	s10 =	sld [smem:$0x3FA8]  }
0x39: {  	_ = 	snop;
	(pc) =	sbr.ind lr, $3  }
0x3a: {  	_ = 	snop  }
0x3b: {  	_ = 	snop  }
0x3c: {  	p2 =	seq.s32 s10, $0x1;
	s10 =	sld [smem:$0x3FA7]  }
0x3d: {  	_ =	shalt  }
0x3e: {  	_ =	shalt  }
0x3f: {  	_ =	shalt  }
0x40: {  	_ =	shalt  }
0x41: {  	_ =	shalt  }
0x42: {  	_ =	shalt  }
0x43: {  	_ =	shalt  }
0x44: {  	_ =	shalt  }
0x45: {  	_ =	shalt  }
0x46: {  	_ =	shalt  }
0x47: {  	_ =	shalt  }
0x48: {  	_ =	shalt  }
0x49: {  	_ =	shalt  }
0x4a: {  	_ =	shalt  }
0x4b: {  	_ =	shalt  }
0x4c: {  	_ =	shalt  }
0x4d: {  	_ =	shalt  }
0x4e: {  	_ =	shalt  }
0x4f: {  	_ =	shalt  }
0x50: {  	_ =	shalt  }
0x51: {  	_ =	shalt  }
0x52: {  	_ =	shalt  }
0x53: {  	_ =	shalt  }
0x54: {  	_ =	shalt  }
0x55: {  	_ =	shalt  }
0x56: {  	_ =	shalt  }
0x57: {  	_ =	shalt  }
0x58: {  	_ =	shalt  }
0x59: {  	_ =	shalt  }
0x5a: {  	_ =	shalt  }
0x5b: {  	_ =	shalt  }
0x5c: {  	_ =	shalt  }
0x5d: {  	_ =	shalt  }
0x5e: {  	_ =	shalt  }
0x5f: {  	_ =	shalt  }
0x60: {  	_ =	shalt  }
0x61: {  	_ =	shalt  }
0x62: {  	_ =	shalt  }
0x63: {  	_ =	shalt  }
0x64: {  	_ =	shalt  }
0x65: {  	_ =	shalt  }
0x66: {  	_ =	shalt  }
0x67: {  	_ =	shalt  }
0x68: {  	_ =	shalt  }
0x69: {  	_ =	shalt  }
0x6a: {  	_ =	shalt  }
0x6b: {  	_ =	shalt  }
0x6c: {  	_ =	shalt  }
0x6d: {  	_ =	shalt  }
0x6e: {  	_ =	shalt  }
0x6f: {  	_ =	shalt  }
0x70: {  	_ =	shalt  }
0x71: {  	_ =	shalt  }
0x72: {  	_ =	shalt  }
0x73: {  	_ =	shalt  }
0x74: {  	_ =	shalt  }
0x75: {  	_ =	shalt  }
0x76: {  	_ =	shalt  }
0x77: {  	_ =	shalt  }
0x78: {  	_ =	shalt  }
0x79: {  	_ =	shalt  }
0x7a: {  	_ =	shalt  }
0x7b: {  	_ =	shalt  }
0x7c: {  	_ =	shalt  }
0x7d: {  	_ =	shalt  }
0x7e: {  	_ =	shalt  }
0x7f: {  	_ =	shalt  }
0x80: {  	_ =	shalt  }
0x81: {  	_ =	shalt  }
0x82: {  	_ =	shalt  }
0x83: {  	_ =	shalt  }
0x84: {  	_ =	shalt  }
0x85: {  	_ =	shalt  }
0x86: {  	_ =	shalt  }
0x87: {  	_ =	shalt  }
.Lfunc_end0:
.L_simem_size_0:
called_computation.1_lowered:
.L_overlay_start_0:
0x88: {  	s2 =	sld [smem:$0x3FD9]  }
0x89: {  	s3 =	sld [smem:$0x3FFE];
	_ =	sdelay $0x1  }
0x8a: {  	s1 =	srdreg.scid  }
0x8b: {  	s0 =	sand.u32 $0x1, s1  }
0x8c: {  	s14 =	sshll.u32 s0, $0xA;
	s2 =	sadd.s32 s3, s2  }
0x8d: {  	s2 =	sadd.s32 s2, s14  }
0x8e: {  	[smem:$0x3FB3] =	sst s2  }
0x8f: {  	_ = 	snop  }
0x90: {  	s2 =	sld [smem:$0x3FD0];
	_ =	sdelay $0x2  }
0x91: {  	s15 =	simm.s32 $0xA;
	s4 =	simm.s32 $0x10  }
0x92: {  	[smem:s4], [sflag:s15] =	dma.local [hbm:s2], $0x1  }
0x93: {  	_ =	swait.eq [sflag:s15], $0x1  }
0x94: {  	[sflag:s15] =	ssyncset.done $0x0  }
0x95: {  	[sflag:s15] =	ssyncadd.s32 $0xFFFFFFFF  }
0x96: {  	s16 =	sld [smem:$0x12];
	(tm) =	ssettm $0x1  }
0x97: {  	s17 =	sld [smem:$0x3FFB];
	_ =	sdelay $0x3  }
0x98: {  	_ =	strace s17  }
0x99: {  	s3 =	sld [smem:$0x3FFC];
	_ =	sdelay $0x3  }
0x9a: {  	_ =	strace s3  }
0x9b: {  	s3 =	sld [smem:$0x3FFD];
	_ =	sdelay $0x3  }
0x9c: {  	_ =	strace s3  }
0x9d: {  	_ =	strace $0x8FFFFFFF  }
0x9e: {  	s18 =	sld [smem:$0x3FDB];
	_ =	sdelay $0x1  }
0x9f: {  	s19 =	simm.s32 $_scs_section_size  }
0xa0: {  	s5 =	simm.s32 $_size__tile_overlayer_lowered;
	s6 =	simm.s32 $_tile_overlayer_lowered  }
0xa1: {  	s22 =	simm.s32 $0x1BFF;
	s21 =	sshll.u32 s6, $0x1;
	s3 =	sadd.s32 s19, s18  }
0xa2: {  	s7 =	simm.s32 $0x0;
	s20 =	sshll.u32 s5, $0x1;
	s5 =	sadd.s32 s21, s3  }
0xa3: {  	[timem:s7], [sflag:s22] =	dma.local [hbm:s5], s20  }
0xa4: {  	_ =	swait.ge [sflag:s22], s20  }
0xa5: {  	s4 =	ssub.s32 $0x0, s20;
	[sflag:s22] =	ssyncset.done $0x0  }
0xa6: {  	[sflag:s22] =	ssyncadd.s32 s4;
	_ =	sdelay $0x1  }
0xa7: {  	s23 =	simm.s32 $0x1B8B  }
0xa8: {  	_ =	swait.ge [sflag:s23], $0x1  }
0xa9: {  	[sflag:s23] =	ssyncset.done $0x0  }
0xaa: {  	s25 =	simm.s32 $0x1B8E;
	s24 =	sld [smem:$0x3FFE];
	[sflag:s23] =	ssyncadd.s32 $0xFFFFFFFF  }
0xab: {  	s26 =	simm.s32 $execute0_lowered;
	[smem:$0x3FD2] =	sst s25  }
0xac: {  	s5 =	sshll.u32 s26, $0x1;
	_ =	strace $0x80000049;
	[dreg:$0x1] =	wrdreg $0xFFFFFFFF  }
0xad: {  	s28 =	simm.s32 $_size_execute0_lowered;
	s3 =	sadd.s32 s3, s5;
	[dreg:$0x0] =	wrdreg $0x0  }
0xae: {  	s5 =	sshll.u32 s28, $0x1;
	[dreg:$0x2] =	wrdreg s3  }
0xaf: {  	[dreg:$0x3] =	wrdreg s5  }
0xb0: {  	[dreg:$0x4] =	wrdreg $0xC0  }
0xb1: {  	_ =	task [dreg:s7], $0x5FFFF  }
0xb2: {  	[dreg:$0x1] =	wrdreg $0xFFFFFFFF  }
0xb3: {  	[dreg:$0x0] =	wrdreg $0x60  }
0xb4: {  	[dreg:$0x2] =	wrdreg s24  }
0xb5: {  	[dreg:$0x3] =	wrdreg s16  }
0xb6: {  	[dreg:$0x4] =	wrdreg $0x3A000  }
0xb7: {  	[dreg:$0x5] =	wrdreg $0x78800  }
0xb8: {  	[dreg:$0x6] =	wrdreg $0x9  }
0xb9: {  	_ =	task.clear_ibuf [dreg:s7], $0x7FFFF;
	_ =	strace $0x90000049  }
0xba: {  	s29 =	simm.s32 $0x9;
	_ =	strace $0x8000004B  }
0xbb: {  	_ =	swait.ge [sflag:s29], $0x1  }
0xbc: {  	[sflag:s29] =	ssyncadd.s32 $0xFFFFFFFF  }
0xbd: {  	_ =	strace $0x9000004B  }
0xbe: {  	_ =	sfence  }
0xbf: {  	s30 =	sld [smem:$0x0];
	_ =	sdelay $0x2  }
0xc0: {  	s31 =	sshll.u32 s1, $0xD;
	s1 =	sshrl.u32 s1, $0x2  }
0xc1: {  	s3 =	sand.u32 $0x4000, s31;
	s1 =	sadd.s32 s1, s30  }
0xc2: {  	s0 =	sor.u32 s3, s0;
	s1 =	sshll.u32 s1, $0x11  }
0xc3: {  	s0 =	sor.u32 s1, s0  }
0xc4: {  	s0 =	sadd.s32 $0x8F2B, s0  }
0xc5: {  	[sflag:s0] =	ssyncadd.remote.s32 $0x1  }
0xc6: {  	_ =	sfence.sel $0xFFFF  }
0xc7: {  	[dreg:$0x0] =	wrdreg $0xFFFFFFFF;
	(pc) =	sbr.abs _section_cstart, $3  }
0xc8: {  	[dreg:$0x1] =	wrdreg $0xFFFFFFFF  }
0xc9: {  	_ =	task.clear_ibuf [dreg:s7], $0x2FFFF;
	_ =	strace $0x9FFFFFFF  }
0xca: {  	(tm) =	ssettm $0x7FFFFFFF  }
0xcb: {  	_ =	shalt  }
tec
execute0_lowered:
.L_overlay_start_1:
0x0: {  	(tag) =	ssettag $0x1  }
0x1: {  	s0 =	srdreg.scid  }
0x2: {  	s13 =	stileid.u32;
	s0 =	sand.u32 $0x1, s0  }
0x3: {  	s3 =	rddreg [dreg:$0x0];
	s1 =	simm.s32 $0x0;
	s2 =	sshll.u32 s0, $0x4  }
0x4: {  	s4 =	sadd.s32 $0x14B800, s3;
	s5 =	sadd.s32 $0x13C800, s3;
	s2 =	sor.u32 s13, s2  }
0x5: {  	s28 =	rddreg [dreg:$0x3];
	s6 =	sadd.s32 $0x141800, s3;
	s2 =	smul.u32 $0x1400, s2  }
0x6: {  	[smem:$0x7FF] =	sst s1;
	s8 =	sadd.s32 $0x146800, s3;
	s21 =	smul.u32 $0x1400, s13  }
0x7: {  	p0 =	sne.s32 s13, $0xF;
	s11 =	smul.u32 $0x7D000, s0;
	s10 =	sshrl.u32 s2, $0x3  }
0x8: {  	s7 =	ssub.s32 $0x2, s0;
	s0 =	smul.u32 $0x14000, s0;
	s12 =	sadd.s32 s4, s10  }
0x9: {  	s30 =	sor.u32 $0x10, s10;
	s14 =	sadd.s32 s5, s10;
	[dreg:$0x5] =	wrdreg s12  }
0xa: {  	s9 =	sshrl.u32 s7, $0x1;
	[dreg:$0x6] =	wrdreg s14;
	s15 =	sadd.s32 s4, s30  }
0xb: {  	s7 =	ssub.s32 s7, s9;
	s16 =	sadd.s32 s5, s30;
	[dreg:$0x7] =	wrdreg s15  }
0xc: {  	s0 =	sadd.s32 s21, s0;
	s14 =	sadd.s32 s6, s10;
	[dreg:$0x8] =	wrdreg s16  }
0xd: {  	s25 =	sor.u32 $0x280, s0;
	s10 =	sadd.s32 s8, s10;
	[dreg:$0x9] =	wrdreg s14  }
0xe: {  	s17 =	sor.u32 $0x100, s2;
	s18 =	sadd.s32 s6, s30;
	[dreg:$0xa] =	wrdreg s10  }
0xf: {  	s19 =	sshrl.u32 s17, $0x3;
	s9 =	sadd.s32 s8, s30;
	[dreg:$0xb] =	wrdreg s18  }
0x10: {  	s2 =	sor.u32 $0x180, s2;
	s20 =	sadd.s32 s4, s19;
	[dreg:$0xc] =	wrdreg s9  }
0x11: {  	s2 =	sshrl.u32 s2, $0x3;
	s12 =	sadd.s32 s5, s19;
	[dreg:$0xd] =	wrdreg s20  }
0x12: {  	s0 =	sor.u32 $0x200, s0;
	s22 =	sadd.s32 s4, s2;
	[dreg:$0xe] =	wrdreg s12  }
0x13: {  	s0 =	sshrl.u32 s0, $0x3;
	s23 =	sadd.s32 s5, s2;
	[dreg:$0xf] =	wrdreg s22  }
0x14: {  	s29 =	sadd.s32 s0, s8;
	s24 =	sadd.s32 s6, s19;
	[dreg:$0x10] =	wrdreg s23  }
0x15: {  	s31 =	sadd.s32 s0, s6;
	s26 =	sadd.s32 s6, s2;
	[dreg:$0x11] =	wrdreg s24  }
0x16: {  	s17 =	smax.u32 s7, $0x1;
	s2 =	sadd.s32 s8, s2;
	[dreg:$0x13] =	wrdreg s26  }
0x17: {  	s30 =	sshrl.u32 s25, $0x3;
	s9 =	sadd.s32 s8, s19;
	[dreg:$0x14] =	wrdreg s2  }
0x18: {  	s18 =	sadd.s32 s30, s5;
	s19 =	sadd.s32 s0, s5;
	s20 =	rddreg [dreg:$0x1]  }
0x19: {  	s21 =	sadd.s32 s30, s4;
	s23 =	sadd.s32 s0, s4;
	s24 =	rddreg [dreg:$0x2]  }
0x1a: {  	s25 =	sadd.s32 s30, s8;
	s26 =	sadd.s32 s30, s6;
	s5 =	smul.u32 $0x780, s13  }
0x1b: {  	s6 =	sshrl.u32 s11, $0x3;
	s8 =	smul.u32 $0x3C00, s13;
	s30 =	sadd.s32 $0x3C000, s28  }
0x1c: {  	s4 =	simm.s32 $0x3;
	[dreg:$0x12] =	wrdreg s9;
	s9 =	sshll.u32 s13, $0x6  }
0x1d: {  	s10 =	sadd.s32 s6, s3;
	s22 =	sadd.s32 $0x3C000, s24;
	s13 =	simm.s32 $0x80  }
0x1e: {  	s6 =	simm.s32 $0x0;
	_ =	strace $0x8000004A;
	[dreg:$0x15] =	wrdreg s5  }
0x1f: {  	s2 =	sadd.s32 s5, s3;
	s0 =	sor.u32 $0x1C07, s9;
	[dreg:$0x1c] =	wrdreg s17  }
0x20: {  	s12 =	sadd.s32 s8, s24;
	s14 =	sadd.s32 s8, s28;
	[dreg:$0x1d] =	wrdreg s22  }
0x21: {  	s15 =	sadd.s32 $0x12200, s10;
	s16 =	sadd.s32 $0x19F00, s10;
	[dreg:$0x1e] =	wrdreg s30  }
0x22: {  	s22 =	simm.s32 $0x7;
	s17 =	simm.s32 $0x200;
	s8 =	simm.s32 $0x2  }
0x23: {  	s9 =	simm.s32 $0x1E00;
	s10 =	simm.s32 $0x4;
	[dreg:$0x18] =	wrdreg s12  }
.Ltmp0:
0x24: {  	s5 =	simm.s32 $0x6;
	[dreg:$0x19] =	wrdreg s14;
	(pc) =	sbr.rel .LBB2_1-.Ltmp0, $4  }
0x25: {  	s11 =	sadd.s32 $0xA400, s2;
	s2 =	sadd.s32 $0x2600, s3;
	[dreg:$0x1a] =	wrdreg s15  }
0x26: {  	s3 =	sadd.s32 $0x11C00, s3;
	[dreg:$0x1b] =	wrdreg s16;
	s12 =	simm.s32 $0x100  }
0x27: {  	s14 =	simm.s32 $0x180;
	s15 =	simm.s32 $0x1;
	[dreg:$0x16] =	wrdreg s11  }
0x28: {  	s16 =	simm.s32 $0x32;
	[dreg:$0x17] =	wrdreg s3;
	s3 =	simm.s32 $0x5  }
.LBB2_7:
0x29: {  	[spmem:s28] =	stream.indirect.scatter.add.f32 [tilespmem:s9], [sflag:$0x6], $0x80, s14, s16, $0xb8;
	[tilespmem:$0xB700] =	vst v63  }
0x2a: {  	_ =	swait.ge [sflag:s3], $0x1900  }
0x2b: {  	[sflag:s3] =	ssyncset.done $0x0  }
0x2c: {  	[sflag:s3] =	ssyncadd.s32 $0xFFFFE700  }
0x2d: {  	_ =	swait.ge [sflag:s5], $0x1900  }
0x2e: {  	[sflag:s5] =	ssyncset.done $0x0  }
0x2f: {  	[sflag:s5] =	ssyncadd.s32 $0xFFFFE700  }
0x30: {  	[bflag:$0x0] =	sbarrier.arrive $0xFFFF  }
0x31: {  	s11 =	rddreg [dreg:$0x15]  }
0x32: {  	s22 =	rddreg [dreg:$0x1a]  }
0x33: {  	s6 =	simm.s32 $0x7;
	s30 =	rddreg [dreg:$0x1f];
	s7 =	sadd.s32 s11, s22  }
0x34: {  	[hbm:s7], [sflag:s0] =	dma.local [spmem:s30], $0x780  }
0x35: {  	_ =	swait.ge [sflag:s6], $0x780  }
0x36: {  	[sflag:s6] =	ssyncset.done $0x0  }
0x37: {  	[sflag:s6] =	ssyncadd.s32 $0xFFFFF880;
	s6 =	sld [smem:$0x7FA]  }
0x38: {  	s30 =	rddreg [dreg:$0x1b]  }
0x39: {  	s7 =	sadd.s32 @p0 s11, s30  }
0x3a: {  	[hbm:s7], [sflag:s0] =	dma.local @p0 [spmem:s6], $0x780  }
0x3b: {  	s7 =	simm.s32 @p0 $0x7  }
0x3c: {  	_ =	swait.ge @p0 [sflag:s7], $0x780  }
0x3d: {  	s6 =	sld [smem:$0x7FB]  }
0x3e: {  	[sflag:s7] =	ssyncset.done @p0 $0x0  }
0x3f: {  	[sflag:s7] =	ssyncadd.s32 @p0 $0xFFFFF880;
	s7 =	sadd.s32 @!p0 $0x7800, s22  }
0x40: {  	[hbm:s7], [sflag:s0] =	dma.local @!p0 [spmem:s6], $0x500  }
0x41: {  	s7 =	simm.s32 @!p0 $0x7  }
0x42: {  	_ =	swait.ge @!p0 [sflag:s7], $0x500  }
0x43: {  	s6 =	sld [smem:$0x7FC]  }
0x44: {  	[sflag:s7] =	ssyncset.done @!p0 $0x0  }
0x45: {  	s11 =	sadd.s32 @!p0 s11, s30;
	[sflag:s7] =	ssyncadd.s32 @!p0 $0xFFFFFB00  }
0x46: {  	[hbm:s11], [sflag:s0] =	dma.local @!p0 [spmem:s6], $0x780  }
0x47: {  	_ =	swait.ge @!p0 [sflag:s7], $0x780  }
0x48: {  	s6 =	sld [smem:$0x7FD]  }
0x49: {  	[sflag:s7] =	ssyncset.done @!p0 $0x0  }
0x4a: {  	s11 =	sadd.s32 @!p0 $0x7800, s30;
	[sflag:s7] =	ssyncadd.s32 @!p0 $0xFFFFF880  }
0x4b: {  	[hbm:s11], [sflag:s0] =	dma.local @!p0 [spmem:s6], $0x500  }
0x4c: {  	_ =	swait.ge @!p0 [sflag:s7], $0x500  }
0x4d: {  	s11 =	sld [smem:$0x7F9];
	_ =	sdelay $0x2  }
0x4e: {  	s30 =	rddreg [dreg:$0x1c];
	s6 =	sadd.s32 $0x1, s11  }
0x4f: {  	p1 =	sne.s32 s6, s30  }
.Ltmp1:
0x50: {  	_ = 	snop;
	(pc) =	sbr.rel @!p1 .LBB2_8-.Ltmp1, $3  }
0x51: {  	_ =	sdelay $0x1  }
0x52: {  	[sflag:s7] =	ssyncset.done @!p0 $0x0  }
0x53: {  	s22 =	simm.s32 $0x7;
	[sflag:s7] =	ssyncadd.s32 @!p0 $0xFFFFFB00  }
.LBB2_1:
0x54: {  	[smem:$0x7F9] =	sst s6  }
0x55: {  	s7 =	rddreg [dreg:$0x18]  }
0x56: {  	s11 =	rddreg [dreg:$0x16];
	s7 =	sshrl.u32 s7, $0x3  }
0x57: {  	[dreg:$0x1f] =	wrdreg s7  }
0x58: {  	[spmem:s7], [sflag:s0] =	dma.local [hbm:s11], $0x780  }
0x59: {  	_ =	swait.ge [sflag:s22], $0x780  }
0x5a: {  	s30 =	rddreg [dreg:$0x19]  }
0x5b: {  	[sflag:s22] =	ssyncset.done $0x0;
	s6 =	sshrl.u32 @p0 s30, $0x3  }
0x5c: {  	s7 =	simm.s32 @p0 $0x7;
	[sflag:s22] =	ssyncadd.s32 $0xFFFFF880;
	[smem:$0x7FA] =	sst s6  }
0x5d: {  	[spmem:s6], [sflag:s0] =	dma.local @p0 [hbm:s11], $0x780  }
0x5e: {  	_ =	swait.ge @p0 [sflag:s7], $0x780  }
0x5f: {  	[sflag:s7] =	ssyncset.done @p0 $0x0  }
0x60: {  	[sflag:s7] =	ssyncadd.s32 @p0 $0xFFFFF880;
	s7 =	rddreg [dreg:$0x1d]  }
0x61: {  	s22 =	rddreg [dreg:$0x17];
	s6 =	sshrl.u32 @!p0 s7, $0x3  }
0x62: {  	s7 =	simm.s32 @!p0 $0x7;
	[smem:$0x7FB] =	sst s6  }
0x63: {  	[spmem:s6], [sflag:s0] =	dma.local @!p0 [hbm:s22], $0x500  }
0x64: {  	_ =	swait.ge @!p0 [sflag:s7], $0x500  }
0x65: {  	s6 =	sshrl.u32 @!p0 s30, $0x3;
	[sflag:s7] =	ssyncset.done @!p0 $0x0  }
0x66: {  	[smem:$0x7FC] =	sst s6;
	[sflag:s7] =	ssyncadd.s32 @!p0 $0xFFFFFB00  }
0x67: {  	[spmem:s6], [sflag:s0] =	dma.local @!p0 [hbm:s11], $0x780  }
0x68: {  	_ =	swait.ge @!p0 [sflag:s7], $0x780  }
0x69: {  	s11 =	rddreg [dreg:$0x1e]  }
0x6a: {  	[sflag:s7] =	ssyncset.done @!p0 $0x0;
	s6 =	sshrl.u32 @!p0 s11, $0x3  }
0x6b: {  	[sflag:s7] =	ssyncadd.s32 @!p0 $0xFFFFF880;
	[smem:$0x7FD] =	sst s6  }
0x6c: {  	[spmem:s6], [sflag:s0] =	dma.local @!p0 [hbm:s22], $0x500  }
0x6d: {  	_ =	swait.ge @!p0 [sflag:s7], $0x500  }
0x6e: {  	[sflag:s7] =	ssyncset.done @!p0 $0x0  }
0x6f: {  	[sflag:s7] =	ssyncadd.s32 @!p0 $0xFFFFFB00  }
0x70: {  	[bflag:$0x0] =	sbarrier.arrive $0xFFFF  }
0x71: {  	s6 =	rddreg [dreg:$0x5]  }
0x72: {  	[tilespmem:s1], [sflag:$0x1] =	stream.linear.gather [hbm4b:s6+s1], $0x80, $0x38;
	[tilespmem:$0xB700] =	vst v63  }
0x73: {  	s11 =	rddreg [dreg:$0x6]  }
0x74: {  	[tilespmem:s12], [sflag:$0x1] =	stream.linear.gather [hbm4b:s11+s1], $0x80, $0x38;
	[tilespmem:$0xB700] =	vst v63  }
0x75: {  	s22 =	rddreg [dreg:$0x7]  }
0x76: {  	[tilespmem:s13], [sflag:$0x2] =	stream.linear.gather [hbm4b:s22+s1], $0x80, $0x38;
	[tilespmem:$0xB700] =	vst v63  }
0x77: {  	s30 =	rddreg [dreg:$0x8]  }
0x78: {  	[tilespmem:s14], [sflag:$0x2] =	stream.linear.gather [hbm4b:s30+s1], $0x80, $0x38;
	[tilespmem:$0xB700] =	vst v63  }
0x79: {  	_ =	swait.ge [sflag:s15], $0x80  }
0x7a: {  	[sflag:s15] =	ssyncset.done $0x0  }
0x7b: {  	[sflag:s15] =	ssyncadd.s32 $0xFFFFFF80  }
0x7c: {  	_ =	swait.ge [sflag:s15], $0x80  }
0x7d: {  	[sflag:s15] =	ssyncset.done $0x0  }
0x7e: {  	[sflag:s15] =	ssyncadd.s32 $0xFFFFFF80  }
0x7f: {  	[tilespmem:s17], [sflag:$0x3] =	stream.indirect.gather [hbm4b:s2+s16], $0x80, s1, s16, $0xb8;
	[tilespmem:$0xB700] =	vst v63  }
0x80: {  	_ =	swait.ge [sflag:s4], $0x1900  }
0x81: {  	[sflag:s4] =	ssyncset.done $0x0  }
0x82: {  	s6 =	rddreg [dreg:$0xd];
	[sflag:s4] =	ssyncadd.s32 $0xFFFFE700  }
0x83: {  	[tilespmem:s1], [sflag:$0x1] =	stream.linear.gather [hbm4b:s6+s1], $0x80, $0x38;
	[tilespmem:$0xB700] =	vst v63  }
0x84: {  	s11 =	rddreg [dreg:$0xe]  }
0x85: {  	[tilespmem:s12], [sflag:$0x1] =	stream.linear.gather [hbm4b:s11+s1], $0x80, $0x38;
	[tilespmem:$0xB700] =	vst v63  }
0x86: {  	_ =	swait.ge [sflag:s8], $0x80  }
0x87: {  	[sflag:s8] =	ssyncset.done $0x0  }
0x88: {  	[sflag:s8] =	ssyncadd.s32 $0xFFFFFF80  }
0x89: {  	_ =	swait.ge [sflag:s8], $0x80  }
0x8a: {  	[sflag:s8] =	ssyncset.done $0x0  }
0x8b: {  	[sflag:s8] =	ssyncadd.s32 $0xFFFFFF80  }
0x8c: {  	[tilespmem:s9], [sflag:$0x4] =	stream.indirect.gather [hbm4b:s2+s16], $0x80, s13, s16, $0xb8;
	[tilespmem:$0xB700] =	vst v63  }
0x8d: {  	_ = 	snop  }
0x8e: {  	[spmem:s24] =	stream.indirect.scatter.add.f32 [tilespmem:s17], [sflag:$0x5], $0x80, s12, s16, $0xb8;
	[tilespmem:$0xB700] =	vst v63  }
0x8f: {  	_ =	swait.ge [sflag:s10], $0x1900  }
0x90: {  	[sflag:s10] =	ssyncset.done $0x0  }
0x91: {  	s22 =	rddreg [dreg:$0xf];
	[sflag:s10] =	ssyncadd.s32 $0xFFFFE700  }
0x92: {  	[tilespmem:s13], [sflag:$0x2] =	stream.linear.gather [hbm4b:s22+s1], $0x80, $0x38;
	[tilespmem:$0xB700] =	vst v63  }
0x93: {  	s30 =	rddreg [dreg:$0x10]  }
0x94: {  	[tilespmem:s14], [sflag:$0x2] =	stream.linear.gather [hbm4b:s30+s1], $0x80, $0x38;
	[tilespmem:$0xB700] =	vst v63  }
0x95: {  	_ =	swait.ge [sflag:s15], $0x80  }
0x96: {  	[sflag:s15] =	ssyncset.done $0x0  }
0x97: {  	[sflag:s15] =	ssyncadd.s32 $0xFFFFFF80  }
0x98: {  	_ =	swait.ge [sflag:s15], $0x80  }
0x99: {  	[sflag:s15] =	ssyncset.done $0x0  }
0x9a: {  	[sflag:s15] =	ssyncadd.s32 $0xFFFFFF80  }
0x9b: {  	_ =	swait.ge [sflag:s3], $0x1900  }
0x9c: {  	[sflag:s3] =	ssyncset.done $0x0  }
0x9d: {  	[sflag:s3] =	ssyncadd.s32 $0xFFFFE700  }
0x9e: {  	[tilespmem:s17], [sflag:$0x3] =	stream.indirect.gather [hbm4b:s2+s16], $0x80, s1, s16, $0xb8;
	[tilespmem:$0xB700] =	vst v63  }
0x9f: {  	s7 =	simm.s32 $0x0  }
0xa0: {  	[spmem:s24] =	stream.indirect.scatter.add.f32 [tilespmem:s9], [sflag:$0x6], $0x80, s14, s16, $0xb8;
	[tilespmem:$0xB700] =	vst v63  }
.LBB2_2:
0xa1: {  	_ =	swait.ge [sflag:s4], $0x1900  }
0xa2: {  	p1 =	seq.s32 s7, $0x240;
	[sflag:s4] =	ssyncset.done $0x0  }
0xa3: {  	s11 =	sadd.s32 @!p1 s7, s23;
	s22 =	simm.s32 @!p1 $0x0;
	[sflag:s4] =	ssyncadd.s32 $0xFFFFE700  }
0xa4: {  	[tilespmem:s22], [sflag:$0x1] =	stream.linear.gather @!p1 [hbm4b:s11+s22], $0x80, $0x38;
	[tilespmem:$0xB700] =	vst v63  }
0xa5: {  	s30 =	simm.s32 @!p1 $0x100;
	s11 =	sadd.s32 @!p1 s7, s19  }
0xa6: {  	[tilespmem:s30], [sflag:$0x1] =	stream.linear.gather @!p1 [hbm4b:s11+s22], $0x80, $0x38;
	[tilespmem:$0xB700] =	vst v63  }
0xa7: {  	_ =	swait.ge [sflag:s8], $0x80  }
0xa8: {  	[sflag:s8] =	ssyncset.done $0x0  }
0xa9: {  	[sflag:s8] =	ssyncadd.s32 $0xFFFFFF80  }
0xaa: {  	_ =	swait.ge [sflag:s8], $0x80  }
0xab: {  	[sflag:s8] =	ssyncset.done $0x0  }
0xac: {  	[sflag:s8] =	ssyncadd.s32 $0xFFFFFF80  }
0xad: {  	_ =	swait.ge [sflag:s5], $0x1900  }
0xae: {  	[sflag:s5] =	ssyncset.done $0x0  }
0xaf: {  	[sflag:s5] =	ssyncadd.s32 $0xFFFFE700  }
0xb0: {  	[tilespmem:s9], [sflag:$0x4] =	stream.indirect.gather [hbm4b:s2+s16], $0x80, s13, s16, $0xb8;
	[tilespmem:$0xB700] =	vst v63  }
.Ltmp2:
0xb1: {  	_ = 	snop;
	(pc) =	sbr.rel @p1 .LBB2_4-.Ltmp2, $4  }
0xb2: {  	[spmem:s24] =	stream.indirect.scatter.add.f32 [tilespmem:s17], [sflag:$0x5], $0x80, s12, s16, $0xb8;
	[tilespmem:$0xB700] =	vst v63  }
0xb3: {  	_ =	swait.ge [sflag:s10], $0x1900  }
0xb4: {  	[sflag:s10] =	ssyncset.done $0x0  }
0xb5: {  	[sflag:s10] =	ssyncadd.s32 $0xFFFFE700  }
0xb6: {  	s11 =	sadd.s32 s7, s21  }
0xb7: {  	[tilespmem:s13], [sflag:$0x2] =	stream.linear.gather [hbm4b:s11+s1], $0x80, $0x38;
	[tilespmem:$0xB700] =	vst v63  }
0xb8: {  	s30 =	sadd.s32 s7, s18  }
0xb9: {  	[tilespmem:s14], [sflag:$0x2] =	stream.linear.gather [hbm4b:s30+s1], $0x80, $0x38;
	[tilespmem:$0xB700] =	vst v63  }
0xba: {  	_ =	swait.ge [sflag:s15], $0x80  }
0xbb: {  	[sflag:s15] =	ssyncset.done $0x0  }
0xbc: {  	[sflag:s15] =	ssyncadd.s32 $0xFFFFFF80  }
0xbd: {  	_ =	swait.ge [sflag:s15], $0x80  }
0xbe: {  	[sflag:s15] =	ssyncset.done $0x0  }
0xbf: {  	[sflag:s15] =	ssyncadd.s32 $0xFFFFFF80  }
0xc0: {  	_ =	swait.ge [sflag:s3], $0x1900  }
.Ltmp3:
0xc1: {  	[sflag:s3] =	ssyncset.done $0x0;
	(pc) =	sbr.rel .LBB2_2-.Ltmp3, $4  }
0xc2: {  	[sflag:s3] =	ssyncadd.s32 $0xFFFFE700  }
0xc3: {  	[tilespmem:s17], [sflag:$0x3] =	stream.indirect.gather [hbm4b:s2+s16], $0x80, s1, s16, $0xb8;
	[tilespmem:$0xB700] =	vst v63  }
0xc4: {  	s7 =	sadd.s32 $0x20, s7  }
0xc5: {  	[spmem:s24] =	stream.indirect.scatter.add.f32 [tilespmem:s9], [sflag:$0x6], $0x80, s14, s16, $0xb8;
	[tilespmem:$0xB700] =	vst v63  }
.LBB2_4:
0xc6: {  	[spmem:s24] =	stream.indirect.scatter.add.f32 [tilespmem:s9], [sflag:$0x6], $0x80, s14, s16, $0xb8;
	[tilespmem:$0xB700] =	vst v63  }
0xc7: {  	_ =	swait.ge [sflag:s3], $0x1900  }
0xc8: {  	[sflag:s3] =	ssyncset.done $0x0  }
0xc9: {  	[sflag:s3] =	ssyncadd.s32 $0xFFFFE700  }
0xca: {  	_ =	swait.ge [sflag:s5], $0x1900  }
0xcb: {  	[sflag:s5] =	ssyncset.done $0x0  }
0xcc: {  	s7 =	simm.s32 $0x0;
	s11 =	rddreg [dreg:$0x9];
	[sflag:s5] =	ssyncadd.s32 $0xFFFFE700  }
0xcd: {  	[tilespmem:s7], [sflag:$0x1] =	stream.linear.gather [hbm4b:s11+s7], $0x80, $0x38;
	[tilespmem:$0xB700] =	vst v63  }
0xce: {  	s30 =	rddreg [dreg:$0xa]  }
0xcf: {  	[tilespmem:s12], [sflag:$0x1] =	stream.linear.gather [hbm4b:s30+s7], $0x80, $0x38;
	[tilespmem:$0xB700] =	vst v63  }
0xd0: {  	s6 =	rddreg [dreg:$0xb]  }
0xd1: {  	[tilespmem:s13], [sflag:$0x2] =	stream.linear.gather [hbm4b:s6+s7], $0x80, $0x38;
	[tilespmem:$0xB700] =	vst v63  }
0xd2: {  	s22 =	rddreg [dreg:$0xc]  }
0xd3: {  	[tilespmem:s14], [sflag:$0x2] =	stream.linear.gather [hbm4b:s22+s7], $0x80, $0x38;
	[tilespmem:$0xB700] =	vst v63  }
0xd4: {  	_ =	swait.ge [sflag:s15], $0x80  }
0xd5: {  	[sflag:s15] =	ssyncset.done $0x0  }
0xd6: {  	[sflag:s15] =	ssyncadd.s32 $0xFFFFFF80  }
0xd7: {  	_ =	swait.ge [sflag:s15], $0x80  }
0xd8: {  	[sflag:s15] =	ssyncset.done $0x0  }
0xd9: {  	[sflag:s15] =	ssyncadd.s32 $0xFFFFFF80  }
0xda: {  	[tilespmem:s17], [sflag:$0x3] =	stream.indirect.gather [hbm4b:s20+s16], $0x80, s7, s16, $0xb8;
	[tilespmem:$0xB700] =	vst v63  }
0xdb: {  	_ =	swait.ge [sflag:s4], $0x1900  }
0xdc: {  	[sflag:s4] =	ssyncset.done $0x0  }
0xdd: {  	s30 =	rddreg [dreg:$0x11];
	[sflag:s4] =	ssyncadd.s32 $0xFFFFE700  }
0xde: {  	[tilespmem:s7], [sflag:$0x1] =	stream.linear.gather [hbm4b:s30+s7], $0x80, $0x38;
	[tilespmem:$0xB700] =	vst v63  }
0xdf: {  	s6 =	rddreg [dreg:$0x12]  }
0xe0: {  	[tilespmem:s12], [sflag:$0x1] =	stream.linear.gather [hbm4b:s6+s7], $0x80, $0x38;
	[tilespmem:$0xB700] =	vst v63  }
0xe1: {  	_ =	swait.ge [sflag:s8], $0x80  }
0xe2: {  	[sflag:s8] =	ssyncset.done $0x0  }
0xe3: {  	[sflag:s8] =	ssyncadd.s32 $0xFFFFFF80  }
0xe4: {  	_ =	swait.ge [sflag:s8], $0x80  }
0xe5: {  	[sflag:s8] =	ssyncset.done $0x0  }
0xe6: {  	[sflag:s8] =	ssyncadd.s32 $0xFFFFFF80  }
0xe7: {  	[tilespmem:s9], [sflag:$0x4] =	stream.indirect.gather [hbm4b:s20+s16], $0x80, s13, s16, $0xb8;
	[tilespmem:$0xB700] =	vst v63  }
0xe8: {  	_ = 	snop  }
0xe9: {  	[spmem:s28] =	stream.indirect.scatter.add.f32 [tilespmem:s17], [sflag:$0x5], $0x80, s12, s16, $0xb8;
	[tilespmem:$0xB700] =	vst v63  }
0xea: {  	_ =	swait.ge [sflag:s10], $0x1900  }
0xeb: {  	[sflag:s10] =	ssyncset.done $0x0  }
0xec: {  	s22 =	rddreg [dreg:$0x13];
	[sflag:s10] =	ssyncadd.s32 $0xFFFFE700  }
0xed: {  	[tilespmem:s13], [sflag:$0x2] =	stream.linear.gather [hbm4b:s22+s7], $0x80, $0x38;
	[tilespmem:$0xB700] =	vst v63  }
0xee: {  	s30 =	rddreg [dreg:$0x14]  }
0xef: {  	[tilespmem:s14], [sflag:$0x2] =	stream.linear.gather [hbm4b:s30+s7], $0x80, $0x38;
	[tilespmem:$0xB700] =	vst v63  }
0xf0: {  	_ =	swait.ge [sflag:s15], $0x80  }
0xf1: {  	[sflag:s15] =	ssyncset.done $0x0  }
0xf2: {  	[sflag:s15] =	ssyncadd.s32 $0xFFFFFF80  }
0xf3: {  	_ =	swait.ge [sflag:s15], $0x80  }
0xf4: {  	[sflag:s15] =	ssyncset.done $0x0  }
0xf5: {  	[sflag:s15] =	ssyncadd.s32 $0xFFFFFF80  }
0xf6: {  	_ =	swait.ge [sflag:s3], $0x1900  }
0xf7: {  	[sflag:s3] =	ssyncset.done $0x0  }
0xf8: {  	[sflag:s3] =	ssyncadd.s32 $0xFFFFE700  }
0xf9: {  	[tilespmem:s17], [sflag:$0x3] =	stream.indirect.gather [hbm4b:s20+s16], $0x80, s7, s16, $0xb8;
	[tilespmem:$0xB700] =	vst v63  }
0xfa: {  	_ = 	snop  }
0xfb: {  	[spmem:s28] =	stream.indirect.scatter.add.f32 [tilespmem:s9], [sflag:$0x6], $0x80, s14, s16, $0xb8;
	[tilespmem:$0xB700] =	vst v63  }
.LBB2_5:
0xfc: {  	_ =	swait.ge [sflag:s4], $0x1900  }
0xfd: {  	p1 =	seq.s32 s7, $0x240;
	[sflag:s4] =	ssyncset.done $0x0  }
0xfe: {  	s11 =	sadd.s32 @!p1 s7, s31;
	s22 =	simm.s32 @!p1 $0x0;
	[sflag:s4] =	ssyncadd.s32 $0xFFFFE700  }
0xff: {  	[tilespmem:s22], [sflag:$0x1] =	stream.linear.gather @!p1 [hbm4b:s11+s22], $0x80, $0x38;
	[tilespmem:$0xB700] =	vst v63  }
0x100: {  	s30 =	simm.s32 @!p1 $0x100;
	s11 =	sadd.s32 @!p1 s7, s29  }
0x101: {  	[tilespmem:s30], [sflag:$0x1] =	stream.linear.gather @!p1 [hbm4b:s11+s22], $0x80, $0x38;
	[tilespmem:$0xB700] =	vst v63  }
0x102: {  	_ =	swait.ge [sflag:s8], $0x80  }
0x103: {  	[sflag:s8] =	ssyncset.done $0x0  }
0x104: {  	[sflag:s8] =	ssyncadd.s32 $0xFFFFFF80  }
0x105: {  	_ =	swait.ge [sflag:s8], $0x80  }
0x106: {  	[sflag:s8] =	ssyncset.done $0x0  }
0x107: {  	[sflag:s8] =	ssyncadd.s32 $0xFFFFFF80  }
0x108: {  	_ =	swait.ge [sflag:s5], $0x1900  }
0x109: {  	[sflag:s5] =	ssyncset.done $0x0  }
0x10a: {  	[sflag:s5] =	ssyncadd.s32 $0xFFFFE700  }
0x10b: {  	[tilespmem:s9], [sflag:$0x4] =	stream.indirect.gather [hbm4b:s20+s16], $0x80, s13, s16, $0xb8;
	[tilespmem:$0xB700] =	vst v63  }
.Ltmp4:
0x10c: {  	_ = 	snop;
	(pc) =	sbr.rel @p1 .LBB2_7-.Ltmp4, $4  }
0x10d: {  	[spmem:s28] =	stream.indirect.scatter.add.f32 [tilespmem:s17], [sflag:$0x5], $0x80, s12, s16, $0xb8;
	[tilespmem:$0xB700] =	vst v63  }
0x10e: {  	_ =	swait.ge [sflag:s10], $0x1900  }
0x10f: {  	[sflag:s10] =	ssyncset.done $0x0  }
0x110: {  	[sflag:s10] =	ssyncadd.s32 $0xFFFFE700  }
0x111: {  	s11 =	sadd.s32 s7, s26  }
0x112: {  	[tilespmem:s13], [sflag:$0x2] =	stream.linear.gather [hbm4b:s11+s1], $0x80, $0x38;
	[tilespmem:$0xB700] =	vst v63  }
0x113: {  	s30 =	sadd.s32 s7, s25  }
0x114: {  	[tilespmem:s14], [sflag:$0x2] =	stream.linear.gather [hbm4b:s30+s1], $0x80, $0x38;
	[tilespmem:$0xB700] =	vst v63  }
0x115: {  	_ =	swait.ge [sflag:s15], $0x80  }
0x116: {  	[sflag:s15] =	ssyncset.done $0x0  }
0x117: {  	[sflag:s15] =	ssyncadd.s32 $0xFFFFFF80  }
0x118: {  	_ =	swait.ge [sflag:s15], $0x80  }
0x119: {  	[sflag:s15] =	ssyncset.done $0x0  }
0x11a: {  	[sflag:s15] =	ssyncadd.s32 $0xFFFFFF80  }
0x11b: {  	_ =	swait.ge [sflag:s3], $0x1900  }
.Ltmp5:
0x11c: {  	[sflag:s3] =	ssyncset.done $0x0;
	(pc) =	sbr.rel .LBB2_5-.Ltmp5, $4  }
0x11d: {  	[sflag:s3] =	ssyncadd.s32 $0xFFFFE700  }
0x11e: {  	[tilespmem:s17], [sflag:$0x3] =	stream.indirect.gather [hbm4b:s20+s16], $0x80, s1, s16, $0xb8;
	[tilespmem:$0xB700] =	vst v63  }
0x11f: {  	s7 =	sadd.s32 $0x20, s7  }
0x120: {  	[spmem:s28] =	stream.indirect.scatter.add.f32 [tilespmem:s9], [sflag:$0x6], $0x80, s14, s16, $0xb8;
	[tilespmem:$0xB700] =	vst v63  }
.LBB2_8:
0x121: {  	_ =	sfence.sel $0x180000  }
0x122: {  	[bflag:$0x0] =	sbarrier.arrive $0xFFFF  }
0x123: {  	_ =	strace $0x9000004A  }
0x124: {  	s0 =	stileid.u32;
	[bflag:$0x2] =	sbarrier.arrive $0xFFFF  }
0x125: {  	p0 =	sne.s32 s0, $0x0;
	s0 =	rddreg [dreg:$0x4]  }
0x126: {  	s0 =	sadd.s32 @!p0 $0x100000, s0  }
0x127: {  	[sflag:s0] =	ssyncadd.tile.s32 @!p0 $0x1;
	_ =	shalt  }
.Lfunc_end2:
_tile_overlayer_lowered:
.L_overlay_start_2:
0x128: {  	(tag) =	ssettag $0x2  }
0x129: {  	s0 =	rddreg [dreg:$0x0];
	s2 =	stileid.u32  }
0x12a: {  	s1 =	rddreg [dreg:$0x1];
	p0 =	sne.s32 s2, $0x0  }
0x12b: {  	s3 =	rddreg [dreg:$0x2];
	[bflag:$0x3] =	sbarrier.arrive $0xFFFF;
	s2 =	simm.s32 @!p0 $0x1C07  }
0x12c: {  	[timem:s3], [sflag:s2] =	dma.local @!p0 [hbm:s0], s1  }
0x12d: {  	s0 =	simm.s32 @!p0 $0x7  }
0x12e: {  	_ =	swait.ge @!p0 [sflag:s0], s1  }
0x12f: {  	s1 =	ssub.s32 @!p0 $0x0, s1;
	[sflag:s0] =	ssyncset.done @!p0 $0x0  }
0x130: {  	[sflag:s0] =	ssyncadd.s32 @!p0 s1  }
0x131: {  	[bflag:$0x3] =	sbarrier.arrive $0xFFFF  }
0x132: {  	_ =	shalt  }

// kernel: kernel.16.cloned.1.call-start
scs
__scs_entry_jumppad:
0x0: {  	(pc) =	sbr.rel $0x88, $3  }
0x1: {  	(tag) =	ssettag $0x0;
	lr =	simm.s32 $0x1  }
0x2: {  	[smem:$0x3F8C] =	sst lr;
	_ =	strace $0xD0000000  }
0x3: {  	_ = 	snop  }
0x4: {  	_ = 	snop  }
0x5: {  	_ = 	snop  }
0x6: {  	_ = 	snop  }
0x7: {  	_ = 	snop  }
__scs_overlays_trampoline_lowered:
0x8: {  	[smem:$0x3F9B] =	sst s0  }
0x9: {  	[smem:$0x3F9C] =	sst s1  }
0xa: {  	[smem:$0x3F9D] =	sst s2  }
0xb: {  	[smem:$0x3F9E] =	sst s3  }
0xc: {  	[smem:$0x3F9F] =	sst s4  }
0xd: {  	[smem:$0x3FA0] =	sst s5  }
0xe: {  	[smem:$0x3FA1] =	sst s6  }
0xf: {  	[smem:$0x3FA2] =	sst s7  }
0x10: {  	[smem:$0x3FA3] =	sst s8  }
0x11: {  	[smem:$0x3FA4] =	sst s9;
	s0 =	simm.s32 @!p0 $0x0  }
0x12: {  	s1 =	sld [smem:$0x3F8A];
	s0 =	simm.s32 @p0 $0x1  }
0x13: {  	[smem:$0x3FA5] =	sst s0;
	s0 =	simm.s32 @!p1 $0x0  }
0x14: {  	s2 =	sld [smem:$0x3F89];
	s0 =	simm.s32 @p1 $0x1  }
0x15: {  	[smem:$0x3FA6] =	sst s0;
	s0 =	simm.s32 @!p2 $0x0  }
0x16: {  	s3 =	sld [smem:$0x3FDB];
	s0 =	simm.s32 @p2 $0x1  }
0x17: {  	s4 =	simm.s32 $0x1BF5;
	[smem:$0x3FA8] =	sst s0  }
0x18: {  	s0 =	sld [smem:$0x3F8B];
	_ =	swait.ge [sflag:s4], $0x0  }
0x19: {  	s7 =	sld [smem:$0x3F8C]  }
0x1a: {  	s8 =	sadd.s32 $0xFFFFE003, lr  }
0x1b: {  	s9 =	sadd.s32 $0xFFFFFEF7, lr;
	s5 =	simm.s32 $0xFFFFFFFF;
	p2 =	slt.u32 s8, $0xFFFFF086  }
0x1c: {  	p1 =	slt.u32 s9, $0xF7A;
	s5 =	simm.s32 @!p2 $0x0  }
0x1d: {  	s5 =	simm.s32 @p1 $0x1;
	p0 =	seq.s32 s7, s2  }
0x1e: {  	s7 =	smul.u32 @!p0 $0xF7A, s2;
	p2 =	seq.s32 @!p0 s5, $0x0  }
0x1f: {  	s9 =	smul.u32 $0xF7A, s1;
	s8 =	simm.s32 @!p0 $0x1BF5;
	p2 =	por !p2, p0  }
0x20: {  	[sflag:s8] =	ssyncset.s32 @!p0 $0xFFFFF086;
	s6 =	sadd.s32 @!p0 s3, s7;
	s7 =	simm.s32 @!p0 $0x108  }
0x21: {  	s3 =	sadd.s32 s3, s9;
	s6 =	sadd.s32 @!p0 $0x88, s6;
	s7 =	simm.s32 @p2 $0x1082  }
0x22: {  	[simem:s7], [sflag:s8] =	dma.local @!p0 [hbm:s6], $0xF7A  }
0x23: {  	s9 =	sor.u32 $0xD0000000, s2;
	s6 =	simm.s32 $0x108;
	_ =	swait.ge @!p0 [sflag:s8], $0x0  }
0x24: {  	s3 =	sadd.s32 $0x88, s3;
	s6 =	simm.s32 @!p1 $0x1082;
	[sflag:s4] =	ssyncset.s32 $0xFFFFF086  }
0x25: {  	[simem:s6], [sflag:s4] =	dma.local [hbm:s3], $0xF7A  }
0x26: {  	[smem:$0x3F8C] =	sst s1;
	(tag) =	ssettag s2;
	_ =	strace s9  }
0x27: {  	s1 =	sld [smem:$0x3F9C]  }
0x28: {  	s2 =	sld [smem:$0x3F9D]  }
0x29: {  	s4 =	sld [smem:$0x3F9F]  }
0x2a: {  	p0 =	seq.s32 s5, $0x0;
	s5 =	sld [smem:$0x3FA0]  }
0x2b: {  	s6 =	sld [smem:$0x3FA1]  }
0x2c: {  	s7 =	sld [smem:$0x3FA2]  }
0x2d: {  	s3 =	simm.s32 $0x108;
	s8 =	sld [smem:$0x3FA3]  }
0x2e: {  	s3 =	simm.s32 @!p0 $0x1082;
	s9 =	sld [smem:$0x3FA4]  }
0x2f: {  	lr =	sadd.s32 s0, s3;
	s0 =	sld [smem:$0x3F9B]  }
0x30: {  	s3 =	sld [smem:$0x3F9E]  }
0x31: {  	[smem:$0x3FA7] =	sst s10  }
0x32: {  	s10 =	sld [smem:$0x3FA5];
	_ =	sdelay $0x3  }
0x33: {  	p0 =	seq.s32 s10, $0x1;
	s10 =	sld [smem:$0x3FA7];
	_ =	sdelay $0x3  }
0x34: {  	[smem:$0x3FA7] =	sst s10  }
0x35: {  	s10 =	sld [smem:$0x3FA6];
	_ =	sdelay $0x3  }
0x36: {  	p1 =	seq.s32 s10, $0x1;
	s10 =	sld [smem:$0x3FA7];
	_ =	sdelay $0x3  }
0x37: {  	[smem:$0x3FA7] =	sst s10  }
0x38: {  	s10 =	sld [smem:$0x3FA8]  }
0x39: {  	_ = 	snop;
	(pc) =	sbr.ind lr, $3  }
0x3a: {  	_ = 	snop  }
0x3b: {  	_ = 	snop  }
0x3c: {  	p2 =	seq.s32 s10, $0x1;
	s10 =	sld [smem:$0x3FA7]  }
0x3d: {  	_ =	shalt  }
0x3e: {  	_ =	shalt  }
0x3f: {  	_ =	shalt  }
0x40: {  	_ =	shalt  }
0x41: {  	_ =	shalt  }
0x42: {  	_ =	shalt  }
0x43: {  	_ =	shalt  }
0x44: {  	_ =	shalt  }
0x45: {  	_ =	shalt  }
0x46: {  	_ =	shalt  }
0x47: {  	_ =	shalt  }
0x48: {  	_ =	shalt  }
0x49: {  	_ =	shalt  }
0x4a: {  	_ =	shalt  }
0x4b: {  	_ =	shalt  }
0x4c: {  	_ =	shalt  }
0x4d: {  	_ =	shalt  }
0x4e: {  	_ =	shalt  }
0x4f: {  	_ =	shalt  }
0x50: {  	_ =	shalt  }
0x51: {  	_ =	shalt  }
0x52: {  	_ =	shalt  }
0x53: {  	_ =	shalt  }
0x54: {  	_ =	shalt  }
0x55: {  	_ =	shalt  }
0x56: {  	_ =	shalt  }
0x57: {  	_ =	shalt  }
0x58: {  	_ =	shalt  }
0x59: {  	_ =	shalt  }
0x5a: {  	_ =	shalt  }
0x5b: {  	_ =	shalt  }
0x5c: {  	_ =	shalt  }
0x5d: {  	_ =	shalt  }
0x5e: {  	_ =	shalt  }
0x5f: {  	_ =	shalt  }
0x60: {  	_ =	shalt  }
0x61: {  	_ =	shalt  }
0x62: {  	_ =	shalt  }
0x63: {  	_ =	shalt  }
0x64: {  	_ =	shalt  }
0x65: {  	_ =	shalt  }
0x66: {  	_ =	shalt  }
0x67: {  	_ =	shalt  }
0x68: {  	_ =	shalt  }
0x69: {  	_ =	shalt  }
0x6a: {  	_ =	shalt  }
0x6b: {  	_ =	shalt  }
0x6c: {  	_ =	shalt  }
0x6d: {  	_ =	shalt  }
0x6e: {  	_ =	shalt  }
0x6f: {  	_ =	shalt  }
0x70: {  	_ =	shalt  }
0x71: {  	_ =	shalt  }
0x72: {  	_ =	shalt  }
0x73: {  	_ =	shalt  }
0x74: {  	_ =	shalt  }
0x75: {  	_ =	shalt  }
0x76: {  	_ =	shalt  }
0x77: {  	_ =	shalt  }
0x78: {  	_ =	shalt  }
0x79: {  	_ =	shalt  }
0x7a: {  	_ =	shalt  }
0x7b: {  	_ =	shalt  }
0x7c: {  	_ =	shalt  }
0x7d: {  	_ =	shalt  }
0x7e: {  	_ =	shalt  }
0x7f: {  	_ =	shalt  }
0x80: {  	_ =	shalt  }
0x81: {  	_ =	shalt  }
0x82: {  	_ =	shalt  }
0x83: {  	_ =	shalt  }
0x84: {  	_ =	shalt  }
0x85: {  	_ =	shalt  }
0x86: {  	_ =	shalt  }
0x87: {  	_ =	shalt  }
.Lfunc_end0:
.L_simem_size_0:
called_computation.2_lowered:
.L_overlay_start_0:
0x88: {  	s2 =	sld [smem:$0x3FD9]  }
0x89: {  	s3 =	sld [smem:$0x3FFE];
	_ =	sdelay $0x1  }
0x8a: {  	s1 =	srdreg.scid  }
0x8b: {  	s0 =	sand.u32 $0x1, s1  }
0x8c: {  	s14 =	sshll.u32 s0, $0xA;
	s2 =	sadd.s32 s3, s2  }
0x8d: {  	s2 =	sadd.s32 s2, s14  }
0x8e: {  	[smem:$0x3FB3] =	sst s2  }
0x8f: {  	_ = 	snop  }
0x90: {  	s2 =	sld [smem:$0x3FD0];
	_ =	sdelay $0x2  }
0x91: {  	s15 =	simm.s32 $0xA;
	s4 =	simm.s32 $0x10  }
0x92: {  	[smem:s4], [sflag:s15] =	dma.local [hbm:s2], $0x1  }
0x93: {  	_ =	swait.eq [sflag:s15], $0x1  }
0x94: {  	[sflag:s15] =	ssyncset.done $0x0  }
0x95: {  	[sflag:s15] =	ssyncadd.s32 $0xFFFFFFFF  }
0x96: {  	s16 =	sld [smem:$0x12];
	(tm) =	ssettm $0x1  }
0x97: {  	s17 =	sld [smem:$0x3FFB];
	_ =	sdelay $0x3  }
0x98: {  	_ =	strace s17  }
0x99: {  	s3 =	sld [smem:$0x3FFC];
	_ =	sdelay $0x3  }
0x9a: {  	_ =	strace s3  }
0x9b: {  	s3 =	sld [smem:$0x3FFD];
	_ =	sdelay $0x3  }
0x9c: {  	_ =	strace s3  }
0x9d: {  	_ =	strace $0x8FFFFFFF  }
0x9e: {  	s18 =	sld [smem:$0x3FDB];
	_ =	sdelay $0x1  }
0x9f: {  	s19 =	simm.s32 $_scs_section_size  }
0xa0: {  	s5 =	simm.s32 $_size__tile_overlayer_lowered;
	s6 =	simm.s32 $_tile_overlayer_lowered  }
0xa1: {  	s22 =	simm.s32 $0x1BFF;
	s21 =	sshll.u32 s6, $0x1;
	s3 =	sadd.s32 s19, s18  }
0xa2: {  	s7 =	simm.s32 $0x0;
	s20 =	sshll.u32 s5, $0x1;
	s5 =	sadd.s32 s21, s3  }
0xa3: {  	[timem:s7], [sflag:s22] =	dma.local [hbm:s5], s20  }
0xa4: {  	_ =	swait.ge [sflag:s22], s20  }
0xa5: {  	s4 =	ssub.s32 $0x0, s20;
	[sflag:s22] =	ssyncset.done $0x0  }
0xa6: {  	[sflag:s22] =	ssyncadd.s32 s4;
	_ =	sdelay $0x1  }
0xa7: {  	s23 =	simm.s32 $0x1B8B  }
0xa8: {  	_ =	swait.ge [sflag:s23], $0x1  }
0xa9: {  	[sflag:s23] =	ssyncset.done $0x0  }
0xaa: {  	s25 =	simm.s32 $0x1B8E;
	s24 =	sld [smem:$0x3FFE];
	[sflag:s23] =	ssyncadd.s32 $0xFFFFFFFF  }
0xab: {  	s26 =	simm.s32 $execute0_lowered;
	[smem:$0x3FD2] =	sst s25  }
0xac: {  	s5 =	sshll.u32 s26, $0x1;
	_ =	strace $0x8000004C;
	[dreg:$0x1] =	wrdreg $0xFFFFFFFF  }
0xad: {  	s28 =	simm.s32 $_size_execute0_lowered;
	s3 =	sadd.s32 s3, s5;
	[dreg:$0x0] =	wrdreg $0x0  }
0xae: {  	s5 =	sshll.u32 s28, $0x1;
	[dreg:$0x2] =	wrdreg s3  }
0xaf: {  	[dreg:$0x3] =	wrdreg s5  }
0xb0: {  	[dreg:$0x4] =	wrdreg $0xC0  }
0xb1: {  	_ =	task [dreg:s7], $0x5FFFF  }
0xb2: {  	[dreg:$0x1] =	wrdreg $0xFFFFFFFF  }
0xb3: {  	[dreg:$0x0] =	wrdreg $0x60  }
0xb4: {  	[dreg:$0x2] =	wrdreg s24  }
0xb5: {  	[dreg:$0x3] =	wrdreg s16  }
0xb6: {  	[dreg:$0x4] =	wrdreg $0x3A000  }
0xb7: {  	[dreg:$0x5] =	wrdreg $0x78800  }
0xb8: {  	[dreg:$0x6] =	wrdreg $0x9  }
0xb9: {  	_ =	task.clear_ibuf [dreg:s7], $0x7FFFF;
	_ =	strace $0x9000004C  }
0xba: {  	s29 =	simm.s32 $0x9;
	_ =	strace $0x8000004E  }
0xbb: {  	_ =	swait.ge [sflag:s29], $0x1  }
0xbc: {  	[sflag:s29] =	ssyncadd.s32 $0xFFFFFFFF  }
0xbd: {  	_ =	strace $0x9000004E  }
0xbe: {  	_ =	sfence  }
0xbf: {  	s30 =	sld [smem:$0x0];
	_ =	sdelay $0x2  }
0xc0: {  	s31 =	sshll.u32 s1, $0xD;
	s1 =	sshrl.u32 s1, $0x2  }
0xc1: {  	s3 =	sand.u32 $0x4000, s31;
	s1 =	sadd.s32 s1, s30  }
0xc2: {  	s0 =	sor.u32 s3, s0;
	s1 =	sshll.u32 s1, $0x11  }
0xc3: {  	s0 =	sor.u32 s1, s0  }
0xc4: {  	s0 =	sadd.s32 $0x8F2B, s0  }
0xc5: {  	[sflag:s0] =	ssyncadd.remote.s32 $0x1  }
0xc6: {  	_ =	sfence.sel $0xFFFF  }
0xc7: {  	[dreg:$0x0] =	wrdreg $0xFFFFFFFF;
	(pc) =	sbr.abs _section_cstart, $3  }
0xc8: {  	[dreg:$0x1] =	wrdreg $0xFFFFFFFF  }
0xc9: {  	_ =	task.clear_ibuf [dreg:s7], $0x2FFFF;
	_ =	strace $0x9FFFFFFF  }
0xca: {  	(tm) =	ssettm $0x7FFFFFFF  }
0xcb: {  	_ =	shalt  }
tec
execute0_lowered:
.L_overlay_start_1:
0x0: {  	(tag) =	ssettag $0x1  }
0x1: {  	s0 =	srdreg.scid  }
0x2: {  	s13 =	stileid.u32;
	s0 =	sand.u32 $0x1, s0  }
0x3: {  	s3 =	rddreg [dreg:$0x0];
	s1 =	simm.s32 $0x0;
	s2 =	sshll.u32 s0, $0x4  }
0x4: {  	s4 =	sadd.s32 $0x14B800, s3;
	s5 =	sadd.s32 $0x13C800, s3;
	s2 =	sor.u32 s13, s2  }
0x5: {  	s28 =	rddreg [dreg:$0x3];
	s6 =	sadd.s32 $0x141800, s3;
	s2 =	smul.u32 $0x1400, s2  }
0x6: {  	[smem:$0x7FF] =	sst s1;
	s8 =	sadd.s32 $0x146800, s3;
	s21 =	smul.u32 $0x1400, s13  }
0x7: {  	p0 =	sne.s32 s13, $0xF;
	s11 =	smul.u32 $0x7D000, s0;
	s10 =	sshrl.u32 s2, $0x3  }
0x8: {  	s7 =	ssub.s32 $0x2, s0;
	s0 =	smul.u32 $0x14000, s0;
	s12 =	sadd.s32 s4, s10  }
0x9: {  	s30 =	sor.u32 $0x10, s10;
	s14 =	sadd.s32 s5, s10;
	[dreg:$0x5] =	wrdreg s12  }
0xa: {  	s9 =	sshrl.u32 s7, $0x1;
	[dreg:$0x6] =	wrdreg s14;
	s15 =	sadd.s32 s4, s30  }
0xb: {  	s7 =	ssub.s32 s7, s9;
	s16 =	sadd.s32 s5, s30;
	[dreg:$0x7] =	wrdreg s15  }
0xc: {  	s0 =	sadd.s32 s21, s0;
	s14 =	sadd.s32 s6, s10;
	[dreg:$0x8] =	wrdreg s16  }
0xd: {  	s25 =	sor.u32 $0x280, s0;
	s10 =	sadd.s32 s8, s10;
	[dreg:$0x9] =	wrdreg s14  }
0xe: {  	s17 =	sor.u32 $0x100, s2;
	s18 =	sadd.s32 s6, s30;
	[dreg:$0xa] =	wrdreg s10  }
0xf: {  	s19 =	sshrl.u32 s17, $0x3;
	s9 =	sadd.s32 s8, s30;
	[dreg:$0xb] =	wrdreg s18  }
0x10: {  	s2 =	sor.u32 $0x180, s2;
	s20 =	sadd.s32 s4, s19;
	[dreg:$0xc] =	wrdreg s9  }
0x11: {  	s2 =	sshrl.u32 s2, $0x3;
	s12 =	sadd.s32 s5, s19;
	[dreg:$0xd] =	wrdreg s20  }
0x12: {  	s0 =	sor.u32 $0x200, s0;
	s22 =	sadd.s32 s4, s2;
	[dreg:$0xe] =	wrdreg s12  }
0x13: {  	s0 =	sshrl.u32 s0, $0x3;
	s23 =	sadd.s32 s5, s2;
	[dreg:$0xf] =	wrdreg s22  }
0x14: {  	s29 =	sadd.s32 s0, s8;
	s24 =	sadd.s32 s6, s19;
	[dreg:$0x10] =	wrdreg s23  }
0x15: {  	s31 =	sadd.s32 s0, s6;
	s26 =	sadd.s32 s6, s2;
	[dreg:$0x11] =	wrdreg s24  }
0x16: {  	s17 =	smax.u32 s7, $0x1;
	s2 =	sadd.s32 s8, s2;
	[dreg:$0x13] =	wrdreg s26  }
0x17: {  	s30 =	sshrl.u32 s25, $0x3;
	s9 =	sadd.s32 s8, s19;
	[dreg:$0x14] =	wrdreg s2  }
0x18: {  	s18 =	sadd.s32 s30, s5;
	s19 =	sadd.s32 s0, s5;
	s20 =	rddreg [dreg:$0x1]  }
0x19: {  	s21 =	sadd.s32 s30, s4;
	s23 =	sadd.s32 s0, s4;
	s24 =	rddreg [dreg:$0x2]  }
0x1a: {  	s25 =	sadd.s32 s30, s8;
	s26 =	sadd.s32 s30, s6;
	s5 =	smul.u32 $0x780, s13  }
0x1b: {  	s6 =	sshrl.u32 s11, $0x3;
	s8 =	smul.u32 $0x3C00, s13;
	s30 =	sadd.s32 $0x3C000, s28  }
0x1c: {  	s4 =	simm.s32 $0x3;
	[dreg:$0x12] =	wrdreg s9;
	s9 =	sshll.u32 s13, $0x6  }
0x1d: {  	s10 =	sadd.s32 s6, s3;
	s22 =	sadd.s32 $0x3C000, s24;
	s13 =	simm.s32 $0x80  }
0x1e: {  	s6 =	simm.s32 $0x0;
	_ =	strace $0x8000004D;
	[dreg:$0x15] =	wrdreg s5  }
0x1f: {  	s2 =	sadd.s32 s5, s3;
	s0 =	sor.u32 $0x1C07, s9;
	[dreg:$0x1c] =	wrdreg s17  }
0x20: {  	s12 =	sadd.s32 s8, s24;
	s14 =	sadd.s32 s8, s28;
	[dreg:$0x1d] =	wrdreg s22  }
0x21: {  	s15 =	sadd.s32 $0x12200, s10;
	s16 =	sadd.s32 $0x19F00, s10;
	[dreg:$0x1e] =	wrdreg s30  }
0x22: {  	s22 =	simm.s32 $0x7;
	s17 =	simm.s32 $0x200;
	s8 =	simm.s32 $0x2  }
0x23: {  	s9 =	simm.s32 $0x1E00;
	s10 =	simm.s32 $0x4;
	[dreg:$0x18] =	wrdreg s12  }
.Ltmp0:
0x24: {  	s5 =	simm.s32 $0x6;
	[dreg:$0x19] =	wrdreg s14;
	(pc) =	sbr.rel .LBB2_1-.Ltmp0, $4  }
0x25: {  	s11 =	sadd.s32 $0xA400, s2;
	s2 =	sadd.s32 $0x2600, s3;
	[dreg:$0x1a] =	wrdreg s15  }
0x26: {  	s3 =	sadd.s32 $0x11C00, s3;
	[dreg:$0x1b] =	wrdreg s16;
	s12 =	simm.s32 $0x100  }
0x27: {  	s14 =	simm.s32 $0x180;
	s15 =	simm.s32 $0x1;
	[dreg:$0x16] =	wrdreg s11  }
0x28: {  	s16 =	simm.s32 $0x32;
	[dreg:$0x17] =	wrdreg s3;
	s3 =	simm.s32 $0x5  }
.LBB2_7:
0x29: {  	[spmem:s28] =	stream.indirect.scatter.add.f32 [tilespmem:s9], [sflag:$0x6], $0x80, s14, s16, $0xb8;
	[tilespmem:$0xB700] =	vst v63  }
0x2a: {  	_ =	swait.ge [sflag:s3], $0x1900  }
0x2b: {  	[sflag:s3] =	ssyncset.done $0x0  }
0x2c: {  	[sflag:s3] =	ssyncadd.s32 $0xFFFFE700  }
0x2d: {  	_ =	swait.ge [sflag:s5], $0x1900  }
0x2e: {  	[sflag:s5] =	ssyncset.done $0x0  }
0x2f: {  	[sflag:s5] =	ssyncadd.s32 $0xFFFFE700  }
0x30: {  	[bflag:$0x0] =	sbarrier.arrive $0xFFFF  }
0x31: {  	s11 =	rddreg [dreg:$0x15]  }
0x32: {  	s22 =	rddreg [dreg:$0x1a]  }
0x33: {  	s6 =	simm.s32 $0x7;
	s30 =	rddreg [dreg:$0x1f];
	s7 =	sadd.s32 s11, s22  }
0x34: {  	[hbm:s7], [sflag:s0] =	dma.local [spmem:s30], $0x780  }
0x35: {  	_ =	swait.ge [sflag:s6], $0x780  }
0x36: {  	[sflag:s6] =	ssyncset.done $0x0  }
0x37: {  	[sflag:s6] =	ssyncadd.s32 $0xFFFFF880;
	s6 =	sld [smem:$0x7FA]  }
0x38: {  	s30 =	rddreg [dreg:$0x1b]  }
0x39: {  	s7 =	sadd.s32 @p0 s11, s30  }
0x3a: {  	[hbm:s7], [sflag:s0] =	dma.local @p0 [spmem:s6], $0x780  }
0x3b: {  	s7 =	simm.s32 @p0 $0x7  }
0x3c: {  	_ =	swait.ge @p0 [sflag:s7], $0x780  }
0x3d: {  	s6 =	sld [smem:$0x7FB]  }
0x3e: {  	[sflag:s7] =	ssyncset.done @p0 $0x0  }
0x3f: {  	[sflag:s7] =	ssyncadd.s32 @p0 $0xFFFFF880;
	s7 =	sadd.s32 @!p0 $0x7800, s22  }
0x40: {  	[hbm:s7], [sflag:s0] =	dma.local @!p0 [spmem:s6], $0x500  }
0x41: {  	s7 =	simm.s32 @!p0 $0x7  }
0x42: {  	_ =	swait.ge @!p0 [sflag:s7], $0x500  }
0x43: {  	s6 =	sld [smem:$0x7FC]  }
0x44: {  	[sflag:s7] =	ssyncset.done @!p0 $0x0  }
0x45: {  	s11 =	sadd.s32 @!p0 s11, s30;
	[sflag:s7] =	ssyncadd.s32 @!p0 $0xFFFFFB00  }
0x46: {  	[hbm:s11], [sflag:s0] =	dma.local @!p0 [spmem:s6], $0x780  }
0x47: {  	_ =	swait.ge @!p0 [sflag:s7], $0x780  }
0x48: {  	s6 =	sld [smem:$0x7FD]  }
0x49: {  	[sflag:s7] =	ssyncset.done @!p0 $0x0  }
0x4a: {  	s11 =	sadd.s32 @!p0 $0x7800, s30;
	[sflag:s7] =	ssyncadd.s32 @!p0 $0xFFFFF880  }
0x4b: {  	[hbm:s11], [sflag:s0] =	dma.local @!p0 [spmem:s6], $0x500  }
0x4c: {  	_ =	swait.ge @!p0 [sflag:s7], $0x500  }
0x4d: {  	s11 =	sld [smem:$0x7F9];
	_ =	sdelay $0x2  }
0x4e: {  	s30 =	rddreg [dreg:$0x1c];
	s6 =	sadd.s32 $0x1, s11  }
0x4f: {  	p1 =	sne.s32 s6, s30  }
.Ltmp1:
0x50: {  	_ = 	snop;
	(pc) =	sbr.rel @!p1 .LBB2_8-.Ltmp1, $3  }
0x51: {  	_ =	sdelay $0x1  }
0x52: {  	[sflag:s7] =	ssyncset.done @!p0 $0x0  }
0x53: {  	s22 =	simm.s32 $0x7;
	[sflag:s7] =	ssyncadd.s32 @!p0 $0xFFFFFB00  }
.LBB2_1:
0x54: {  	[smem:$0x7F9] =	sst s6  }
0x55: {  	s7 =	rddreg [dreg:$0x18]  }
0x56: {  	s11 =	rddreg [dreg:$0x16];
	s7 =	sshrl.u32 s7, $0x3  }
0x57: {  	[dreg:$0x1f] =	wrdreg s7  }
0x58: {  	[spmem:s7], [sflag:s0] =	dma.local [hbm:s11], $0x780  }
0x59: {  	_ =	swait.ge [sflag:s22], $0x780  }
0x5a: {  	s30 =	rddreg [dreg:$0x19]  }
0x5b: {  	[sflag:s22] =	ssyncset.done $0x0;
	s6 =	sshrl.u32 @p0 s30, $0x3  }
0x5c: {  	s7 =	simm.s32 @p0 $0x7;
	[sflag:s22] =	ssyncadd.s32 $0xFFFFF880;
	[smem:$0x7FA] =	sst s6  }
0x5d: {  	[spmem:s6], [sflag:s0] =	dma.local @p0 [hbm:s11], $0x780  }
0x5e: {  	_ =	swait.ge @p0 [sflag:s7], $0x780  }
0x5f: {  	[sflag:s7] =	ssyncset.done @p0 $0x0  }
0x60: {  	[sflag:s7] =	ssyncadd.s32 @p0 $0xFFFFF880;
	s7 =	rddreg [dreg:$0x1d]  }
0x61: {  	s22 =	rddreg [dreg:$0x17];
	s6 =	sshrl.u32 @!p0 s7, $0x3  }
0x62: {  	s7 =	simm.s32 @!p0 $0x7;
	[smem:$0x7FB] =	sst s6  }
0x63: {  	[spmem:s6], [sflag:s0] =	dma.local @!p0 [hbm:s22], $0x500  }
0x64: {  	_ =	swait.ge @!p0 [sflag:s7], $0x500  }
0x65: {  	s6 =	sshrl.u32 @!p0 s30, $0x3;
	[sflag:s7] =	ssyncset.done @!p0 $0x0  }
0x66: {  	[smem:$0x7FC] =	sst s6;
	[sflag:s7] =	ssyncadd.s32 @!p0 $0xFFFFFB00  }
0x67: {  	[spmem:s6], [sflag:s0] =	dma.local @!p0 [hbm:s11], $0x780  }
0x68: {  	_ =	swait.ge @!p0 [sflag:s7], $0x780  }
0x69: {  	s11 =	rddreg [dreg:$0x1e]  }
0x6a: {  	[sflag:s7] =	ssyncset.done @!p0 $0x0;
	s6 =	sshrl.u32 @!p0 s11, $0x3  }
0x6b: {  	[sflag:s7] =	ssyncadd.s32 @!p0 $0xFFFFF880;
	[smem:$0x7FD] =	sst s6  }
0x6c: {  	[spmem:s6], [sflag:s0] =	dma.local @!p0 [hbm:s22], $0x500  }
0x6d: {  	_ =	swait.ge @!p0 [sflag:s7], $0x500  }
0x6e: {  	[sflag:s7] =	ssyncset.done @!p0 $0x0  }
0x6f: {  	[sflag:s7] =	ssyncadd.s32 @!p0 $0xFFFFFB00  }
0x70: {  	[bflag:$0x0] =	sbarrier.arrive $0xFFFF  }
0x71: {  	s6 =	rddreg [dreg:$0x5]  }
0x72: {  	[tilespmem:s1], [sflag:$0x1] =	stream.linear.gather [hbm4b:s6+s1], $0x80, $0x38;
	[tilespmem:$0xB700] =	vst v63  }
0x73: {  	s11 =	rddreg [dreg:$0x6]  }
0x74: {  	[tilespmem:s12], [sflag:$0x1] =	stream.linear.gather [hbm4b:s11+s1], $0x80, $0x38;
	[tilespmem:$0xB700] =	vst v63  }
0x75: {  	s22 =	rddreg [dreg:$0x7]  }
0x76: {  	[tilespmem:s13], [sflag:$0x2] =	stream.linear.gather [hbm4b:s22+s1], $0x80, $0x38;
	[tilespmem:$0xB700] =	vst v63  }
0x77: {  	s30 =	rddreg [dreg:$0x8]  }
0x78: {  	[tilespmem:s14], [sflag:$0x2] =	stream.linear.gather [hbm4b:s30+s1], $0x80, $0x38;
	[tilespmem:$0xB700] =	vst v63  }
0x79: {  	_ =	swait.ge [sflag:s15], $0x80  }
0x7a: {  	[sflag:s15] =	ssyncset.done $0x0  }
0x7b: {  	[sflag:s15] =	ssyncadd.s32 $0xFFFFFF80  }
0x7c: {  	_ =	swait.ge [sflag:s15], $0x80  }
0x7d: {  	[sflag:s15] =	ssyncset.done $0x0  }
0x7e: {  	[sflag:s15] =	ssyncadd.s32 $0xFFFFFF80  }
0x7f: {  	[tilespmem:s17], [sflag:$0x3] =	stream.indirect.gather [hbm4b:s2+s16], $0x80, s1, s16, $0xb8;
	[tilespmem:$0xB700] =	vst v63  }
0x80: {  	_ =	swait.ge [sflag:s4], $0x1900  }
0x81: {  	[sflag:s4] =	ssyncset.done $0x0  }
0x82: {  	s6 =	rddreg [dreg:$0xd];
	[sflag:s4] =	ssyncadd.s32 $0xFFFFE700  }
0x83: {  	[tilespmem:s1], [sflag:$0x1] =	stream.linear.gather [hbm4b:s6+s1], $0x80, $0x38;
	[tilespmem:$0xB700] =	vst v63  }
0x84: {  	s11 =	rddreg [dreg:$0xe]  }
0x85: {  	[tilespmem:s12], [sflag:$0x1] =	stream.linear.gather [hbm4b:s11+s1], $0x80, $0x38;
	[tilespmem:$0xB700] =	vst v63  }
0x86: {  	_ =	swait.ge [sflag:s8], $0x80  }
0x87: {  	[sflag:s8] =	ssyncset.done $0x0  }
0x88: {  	[sflag:s8] =	ssyncadd.s32 $0xFFFFFF80  }
0x89: {  	_ =	swait.ge [sflag:s8], $0x80  }
0x8a: {  	[sflag:s8] =	ssyncset.done $0x0  }
0x8b: {  	[sflag:s8] =	ssyncadd.s32 $0xFFFFFF80  }
0x8c: {  	[tilespmem:s9], [sflag:$0x4] =	stream.indirect.gather [hbm4b:s2+s16], $0x80, s13, s16, $0xb8;
	[tilespmem:$0xB700] =	vst v63  }
0x8d: {  	_ = 	snop  }
0x8e: {  	[spmem:s24] =	stream.indirect.scatter.add.f32 [tilespmem:s17], [sflag:$0x5], $0x80, s12, s16, $0xb8;
	[tilespmem:$0xB700] =	vst v63  }
0x8f: {  	_ =	swait.ge [sflag:s10], $0x1900  }
0x90: {  	[sflag:s10] =	ssyncset.done $0x0  }
0x91: {  	s22 =	rddreg [dreg:$0xf];
	[sflag:s10] =	ssyncadd.s32 $0xFFFFE700  }
0x92: {  	[tilespmem:s13], [sflag:$0x2] =	stream.linear.gather [hbm4b:s22+s1], $0x80, $0x38;
	[tilespmem:$0xB700] =	vst v63  }
0x93: {  	s30 =	rddreg [dreg:$0x10]  }
0x94: {  	[tilespmem:s14], [sflag:$0x2] =	stream.linear.gather [hbm4b:s30+s1], $0x80, $0x38;
	[tilespmem:$0xB700] =	vst v63  }
0x95: {  	_ =	swait.ge [sflag:s15], $0x80  }
0x96: {  	[sflag:s15] =	ssyncset.done $0x0  }
0x97: {  	[sflag:s15] =	ssyncadd.s32 $0xFFFFFF80  }
0x98: {  	_ =	swait.ge [sflag:s15], $0x80  }
0x99: {  	[sflag:s15] =	ssyncset.done $0x0  }
0x9a: {  	[sflag:s15] =	ssyncadd.s32 $0xFFFFFF80  }
0x9b: {  	_ =	swait.ge [sflag:s3], $0x1900  }
0x9c: {  	[sflag:s3] =	ssyncset.done $0x0  }
0x9d: {  	[sflag:s3] =	ssyncadd.s32 $0xFFFFE700  }
0x9e: {  	[tilespmem:s17], [sflag:$0x3] =	stream.indirect.gather [hbm4b:s2+s16], $0x80, s1, s16, $0xb8;
	[tilespmem:$0xB700] =	vst v63  }
0x9f: {  	s7 =	simm.s32 $0x0  }
0xa0: {  	[spmem:s24] =	stream.indirect.scatter.add.f32 [tilespmem:s9], [sflag:$0x6], $0x80, s14, s16, $0xb8;
	[tilespmem:$0xB700] =	vst v63  }
.LBB2_2:
0xa1: {  	_ =	swait.ge [sflag:s4], $0x1900  }
0xa2: {  	p1 =	seq.s32 s7, $0x240;
	[sflag:s4] =	ssyncset.done $0x0  }
0xa3: {  	s11 =	sadd.s32 @!p1 s7, s23;
	s22 =	simm.s32 @!p1 $0x0;
	[sflag:s4] =	ssyncadd.s32 $0xFFFFE700  }
0xa4: {  	[tilespmem:s22], [sflag:$0x1] =	stream.linear.gather @!p1 [hbm4b:s11+s22], $0x80, $0x38;
	[tilespmem:$0xB700] =	vst v63  }
0xa5: {  	s30 =	simm.s32 @!p1 $0x100;
	s11 =	sadd.s32 @!p1 s7, s19  }
0xa6: {  	[tilespmem:s30], [sflag:$0x1] =	stream.linear.gather @!p1 [hbm4b:s11+s22], $0x80, $0x38;
	[tilespmem:$0xB700] =	vst v63  }
0xa7: {  	_ =	swait.ge [sflag:s8], $0x80  }
0xa8: {  	[sflag:s8] =	ssyncset.done $0x0  }
0xa9: {  	[sflag:s8] =	ssyncadd.s32 $0xFFFFFF80  }
0xaa: {  	_ =	swait.ge [sflag:s8], $0x80  }
0xab: {  	[sflag:s8] =	ssyncset.done $0x0  }
0xac: {  	[sflag:s8] =	ssyncadd.s32 $0xFFFFFF80  }
0xad: {  	_ =	swait.ge [sflag:s5], $0x1900  }
0xae: {  	[sflag:s5] =	ssyncset.done $0x0  }
0xaf: {  	[sflag:s5] =	ssyncadd.s32 $0xFFFFE700  }
0xb0: {  	[tilespmem:s9], [sflag:$0x4] =	stream.indirect.gather [hbm4b:s2+s16], $0x80, s13, s16, $0xb8;
	[tilespmem:$0xB700] =	vst v63  }
.Ltmp2:
0xb1: {  	_ = 	snop;
	(pc) =	sbr.rel @p1 .LBB2_4-.Ltmp2, $4  }
0xb2: {  	[spmem:s24] =	stream.indirect.scatter.add.f32 [tilespmem:s17], [sflag:$0x5], $0x80, s12, s16, $0xb8;
	[tilespmem:$0xB700] =	vst v63  }
0xb3: {  	_ =	swait.ge [sflag:s10], $0x1900  }
0xb4: {  	[sflag:s10] =	ssyncset.done $0x0  }
0xb5: {  	[sflag:s10] =	ssyncadd.s32 $0xFFFFE700  }
0xb6: {  	s11 =	sadd.s32 s7, s21  }
0xb7: {  	[tilespmem:s13], [sflag:$0x2] =	stream.linear.gather [hbm4b:s11+s1], $0x80, $0x38;
	[tilespmem:$0xB700] =	vst v63  }
0xb8: {  	s30 =	sadd.s32 s7, s18  }
0xb9: {  	[tilespmem:s14], [sflag:$0x2] =	stream.linear.gather [hbm4b:s30+s1], $0x80, $0x38;
	[tilespmem:$0xB700] =	vst v63  }
0xba: {  	_ =	swait.ge [sflag:s15], $0x80  }
0xbb: {  	[sflag:s15] =	ssyncset.done $0x0  }
0xbc: {  	[sflag:s15] =	ssyncadd.s32 $0xFFFFFF80  }
0xbd: {  	_ =	swait.ge [sflag:s15], $0x80  }
0xbe: {  	[sflag:s15] =	ssyncset.done $0x0  }
0xbf: {  	[sflag:s15] =	ssyncadd.s32 $0xFFFFFF80  }
0xc0: {  	_ =	swait.ge [sflag:s3], $0x1900  }
.Ltmp3:
0xc1: {  	[sflag:s3] =	ssyncset.done $0x0;
	(pc) =	sbr.rel .LBB2_2-.Ltmp3, $4  }
0xc2: {  	[sflag:s3] =	ssyncadd.s32 $0xFFFFE700  }
0xc3: {  	[tilespmem:s17], [sflag:$0x3] =	stream.indirect.gather [hbm4b:s2+s16], $0x80, s1, s16, $0xb8;
	[tilespmem:$0xB700] =	vst v63  }
0xc4: {  	s7 =	sadd.s32 $0x20, s7  }
0xc5: {  	[spmem:s24] =	stream.indirect.scatter.add.f32 [tilespmem:s9], [sflag:$0x6], $0x80, s14, s16, $0xb8;
	[tilespmem:$0xB700] =	vst v63  }
.LBB2_4:
0xc6: {  	[spmem:s24] =	stream.indirect.scatter.add.f32 [tilespmem:s9], [sflag:$0x6], $0x80, s14, s16, $0xb8;
	[tilespmem:$0xB700] =	vst v63  }
0xc7: {  	_ =	swait.ge [sflag:s3], $0x1900  }
0xc8: {  	[sflag:s3] =	ssyncset.done $0x0  }
0xc9: {  	[sflag:s3] =	ssyncadd.s32 $0xFFFFE700  }
0xca: {  	_ =	swait.ge [sflag:s5], $0x1900  }
0xcb: {  	[sflag:s5] =	ssyncset.done $0x0  }
0xcc: {  	s7 =	simm.s32 $0x0;
	s11 =	rddreg [dreg:$0x9];
	[sflag:s5] =	ssyncadd.s32 $0xFFFFE700  }
0xcd: {  	[tilespmem:s7], [sflag:$0x1] =	stream.linear.gather [hbm4b:s11+s7], $0x80, $0x38;
	[tilespmem:$0xB700] =	vst v63  }
0xce: {  	s30 =	rddreg [dreg:$0xa]  }
0xcf: {  	[tilespmem:s12], [sflag:$0x1] =	stream.linear.gather [hbm4b:s30+s7], $0x80, $0x38;
	[tilespmem:$0xB700] =	vst v63  }
0xd0: {  	s6 =	rddreg [dreg:$0xb]  }
0xd1: {  	[tilespmem:s13], [sflag:$0x2] =	stream.linear.gather [hbm4b:s6+s7], $0x80, $0x38;
	[tilespmem:$0xB700] =	vst v63  }
0xd2: {  	s22 =	rddreg [dreg:$0xc]  }
0xd3: {  	[tilespmem:s14], [sflag:$0x2] =	stream.linear.gather [hbm4b:s22+s7], $0x80, $0x38;
	[tilespmem:$0xB700] =	vst v63  }
0xd4: {  	_ =	swait.ge [sflag:s15], $0x80  }
0xd5: {  	[sflag:s15] =	ssyncset.done $0x0  }
0xd6: {  	[sflag:s15] =	ssyncadd.s32 $0xFFFFFF80  }
0xd7: {  	_ =	swait.ge [sflag:s15], $0x80  }
0xd8: {  	[sflag:s15] =	ssyncset.done $0x0  }
0xd9: {  	[sflag:s15] =	ssyncadd.s32 $0xFFFFFF80  }
0xda: {  	[tilespmem:s17], [sflag:$0x3] =	stream.indirect.gather [hbm4b:s20+s16], $0x80, s7, s16, $0xb8;
	[tilespmem:$0xB700] =	vst v63  }
0xdb: {  	_ =	swait.ge [sflag:s4], $0x1900  }
0xdc: {  	[sflag:s4] =	ssyncset.done $0x0  }
0xdd: {  	s30 =	rddreg [dreg:$0x11];
	[sflag:s4] =	ssyncadd.s32 $0xFFFFE700  }
0xde: {  	[tilespmem:s7], [sflag:$0x1] =	stream.linear.gather [hbm4b:s30+s7], $0x80, $0x38;
	[tilespmem:$0xB700] =	vst v63  }
0xdf: {  	s6 =	rddreg [dreg:$0x12]  }
0xe0: {  	[tilespmem:s12], [sflag:$0x1] =	stream.linear.gather [hbm4b:s6+s7], $0x80, $0x38;
	[tilespmem:$0xB700] =	vst v63  }
0xe1: {  	_ =	swait.ge [sflag:s8], $0x80  }
0xe2: {  	[sflag:s8] =	ssyncset.done $0x0  }
0xe3: {  	[sflag:s8] =	ssyncadd.s32 $0xFFFFFF80  }
0xe4: {  	_ =	swait.ge [sflag:s8], $0x80  }
0xe5: {  	[sflag:s8] =	ssyncset.done $0x0  }
0xe6: {  	[sflag:s8] =	ssyncadd.s32 $0xFFFFFF80  }
0xe7: {  	[tilespmem:s9], [sflag:$0x4] =	stream.indirect.gather [hbm4b:s20+s16], $0x80, s13, s16, $0xb8;
	[tilespmem:$0xB700] =	vst v63  }
0xe8: {  	_ = 	snop  }
0xe9: {  	[spmem:s28] =	stream.indirect.scatter.add.f32 [tilespmem:s17], [sflag:$0x5], $0x80, s12, s16, $0xb8;
	[tilespmem:$0xB700] =	vst v63  }
0xea: {  	_ =	swait.ge [sflag:s10], $0x1900  }
0xeb: {  	[sflag:s10] =	ssyncset.done $0x0  }
0xec: {  	s22 =	rddreg [dreg:$0x13];
	[sflag:s10] =	ssyncadd.s32 $0xFFFFE700  }
0xed: {  	[tilespmem:s13], [sflag:$0x2] =	stream.linear.gather [hbm4b:s22+s7], $0x80, $0x38;
	[tilespmem:$0xB700] =	vst v63  }
0xee: {  	s30 =	rddreg [dreg:$0x14]  }
0xef: {  	[tilespmem:s14], [sflag:$0x2] =	stream.linear.gather [hbm4b:s30+s7], $0x80, $0x38;
	[tilespmem:$0xB700] =	vst v63  }
0xf0: {  	_ =	swait.ge [sflag:s15], $0x80  }
0xf1: {  	[sflag:s15] =	ssyncset.done $0x0  }
0xf2: {  	[sflag:s15] =	ssyncadd.s32 $0xFFFFFF80  }
0xf3: {  	_ =	swait.ge [sflag:s15], $0x80  }
0xf4: {  	[sflag:s15] =	ssyncset.done $0x0  }
0xf5: {  	[sflag:s15] =	ssyncadd.s32 $0xFFFFFF80  }
0xf6: {  	_ =	swait.ge [sflag:s3], $0x1900  }
0xf7: {  	[sflag:s3] =	ssyncset.done $0x0  }
0xf8: {  	[sflag:s3] =	ssyncadd.s32 $0xFFFFE700  }
0xf9: {  	[tilespmem:s17], [sflag:$0x3] =	stream.indirect.gather [hbm4b:s20+s16], $0x80, s7, s16, $0xb8;
	[tilespmem:$0xB700] =	vst v63  }
0xfa: {  	_ = 	snop  }
0xfb: {  	[spmem:s28] =	stream.indirect.scatter.add.f32 [tilespmem:s9], [sflag:$0x6], $0x80, s14, s16, $0xb8;
	[tilespmem:$0xB700] =	vst v63  }
.LBB2_5:
0xfc: {  	_ =	swait.ge [sflag:s4], $0x1900  }
0xfd: {  	p1 =	seq.s32 s7, $0x240;
	[sflag:s4] =	ssyncset.done $0x0  }
0xfe: {  	s11 =	sadd.s32 @!p1 s7, s31;
	s22 =	simm.s32 @!p1 $0x0;
	[sflag:s4] =	ssyncadd.s32 $0xFFFFE700  }
0xff: {  	[tilespmem:s22], [sflag:$0x1] =	stream.linear.gather @!p1 [hbm4b:s11+s22], $0x80, $0x38;
	[tilespmem:$0xB700] =	vst v63  }
0x100: {  	s30 =	simm.s32 @!p1 $0x100;
	s11 =	sadd.s32 @!p1 s7, s29  }
0x101: {  	[tilespmem:s30], [sflag:$0x1] =	stream.linear.gather @!p1 [hbm4b:s11+s22], $0x80, $0x38;
	[tilespmem:$0xB700] =	vst v63  }
0x102: {  	_ =	swait.ge [sflag:s8], $0x80  }
0x103: {  	[sflag:s8] =	ssyncset.done $0x0  }
0x104: {  	[sflag:s8] =	ssyncadd.s32 $0xFFFFFF80  }
0x105: {  	_ =	swait.ge [sflag:s8], $0x80  }
0x106: {  	[sflag:s8] =	ssyncset.done $0x0  }
0x107: {  	[sflag:s8] =	ssyncadd.s32 $0xFFFFFF80  }
0x108: {  	_ =	swait.ge [sflag:s5], $0x1900  }
0x109: {  	[sflag:s5] =	ssyncset.done $0x0  }
0x10a: {  	[sflag:s5] =	ssyncadd.s32 $0xFFFFE700  }
0x10b: {  	[tilespmem:s9], [sflag:$0x4] =	stream.indirect.gather [hbm4b:s20+s16], $0x80, s13, s16, $0xb8;
	[tilespmem:$0xB700] =	vst v63  }
.Ltmp4:
0x10c: {  	_ = 	snop;
	(pc) =	sbr.rel @p1 .LBB2_7-.Ltmp4, $4  }
0x10d: {  	[spmem:s28] =	stream.indirect.scatter.add.f32 [tilespmem:s17], [sflag:$0x5], $0x80, s12, s16, $0xb8;
	[tilespmem:$0xB700] =	vst v63  }
0x10e: {  	_ =	swait.ge [sflag:s10], $0x1900  }
0x10f: {  	[sflag:s10] =	ssyncset.done $0x0  }
0x110: {  	[sflag:s10] =	ssyncadd.s32 $0xFFFFE700  }
0x111: {  	s11 =	sadd.s32 s7, s26  }
0x112: {  	[tilespmem:s13], [sflag:$0x2] =	stream.linear.gather [hbm4b:s11+s1], $0x80, $0x38;
	[tilespmem:$0xB700] =	vst v63  }
0x113: {  	s30 =	sadd.s32 s7, s25  }
0x114: {  	[tilespmem:s14], [sflag:$0x2] =	stream.linear.gather [hbm4b:s30+s1], $0x80, $0x38;
	[tilespmem:$0xB700] =	vst v63  }
0x115: {  	_ =	swait.ge [sflag:s15], $0x80  }
0x116: {  	[sflag:s15] =	ssyncset.done $0x0  }
0x117: {  	[sflag:s15] =	ssyncadd.s32 $0xFFFFFF80  }
0x118: {  	_ =	swait.ge [sflag:s15], $0x80  }
0x119: {  	[sflag:s15] =	ssyncset.done $0x0  }
0x11a: {  	[sflag:s15] =	ssyncadd.s32 $0xFFFFFF80  }
0x11b: {  	_ =	swait.ge [sflag:s3], $0x1900  }
.Ltmp5:
0x11c: {  	[sflag:s3] =	ssyncset.done $0x0;
	(pc) =	sbr.rel .LBB2_5-.Ltmp5, $4  }
0x11d: {  	[sflag:s3] =	ssyncadd.s32 $0xFFFFE700  }
0x11e: {  	[tilespmem:s17], [sflag:$0x3] =	stream.indirect.gather [hbm4b:s20+s16], $0x80, s1, s16, $0xb8;
	[tilespmem:$0xB700] =	vst v63  }
0x11f: {  	s7 =	sadd.s32 $0x20, s7  }
0x120: {  	[spmem:s28] =	stream.indirect.scatter.add.f32 [tilespmem:s9], [sflag:$0x6], $0x80, s14, s16, $0xb8;
	[tilespmem:$0xB700] =	vst v63  }
.LBB2_8:
0x121: {  	_ =	sfence.sel $0x180000  }
0x122: {  	[bflag:$0x0] =	sbarrier.arrive $0xFFFF  }
0x123: {  	_ =	strace $0x9000004D  }
0x124: {  	s0 =	stileid.u32;
	[bflag:$0x2] =	sbarrier.arrive $0xFFFF  }
0x125: {  	p0 =	sne.s32 s0, $0x0;
	s0 =	rddreg [dreg:$0x4]  }
0x126: {  	s0 =	sadd.s32 @!p0 $0x100000, s0  }
0x127: {  	[sflag:s0] =	ssyncadd.tile.s32 @!p0 $0x1;
	_ =	shalt  }
.Lfunc_end2:
_tile_overlayer_lowered:
.L_overlay_start_2:
0x128: {  	(tag) =	ssettag $0x2  }
0x129: {  	s0 =	rddreg [dreg:$0x0];
	s2 =	stileid.u32  }
0x12a: {  	s1 =	rddreg [dreg:$0x1];
	p0 =	sne.s32 s2, $0x0  }
0x12b: {  	s3 =	rddreg [dreg:$0x2];
	[bflag:$0x3] =	sbarrier.arrive $0xFFFF;
	s2 =	simm.s32 @!p0 $0x1C07  }
0x12c: {  	[timem:s3], [sflag:s2] =	dma.local @!p0 [hbm:s0], s1  }
0x12d: {  	s0 =	simm.s32 @!p0 $0x7  }
0x12e: {  	_ =	swait.ge @!p0 [sflag:s0], s1  }
0x12f: {  	s1 =	ssub.s32 @!p0 $0x0, s1;
	[sflag:s0] =	ssyncset.done @!p0 $0x0  }
0x130: {  	[sflag:s0] =	ssyncadd.s32 @!p0 s1  }
0x131: {  	[bflag:$0x3] =	sbarrier.arrive $0xFFFF  }
0x132: {  	_ =	shalt  }

</sc_bundles>
